<compile_context>
chip_gen: v7x
topology: tpu7x:2x2x1
jax: 0.10.2.dev20260603
libtpu: 0.0.44.dev20260713+nightly
codegen_flags: <defaults>
</compile_context>

<pallas_src>
import dataclasses

import jax
import jax.numpy as jnp
from jax import lax
from jax.experimental import pallas as pl
from jax.experimental.pallas import tpu as pltpu
from jax.experimental.pallas import tpu_sc as plsc

_BINS = 64
_N = 16777216
_LANES = 128
_ROWS = _N // _LANES
_BLK_ROWS = 4096
_GRID = _ROWS // _BLK_ROWS

_G = 16
_FBINS = _BINS * _G
_NC, _NS, _L = 2, 16, 16
_NW = _NC * _NS

_TC_ROWS = 16384
_SC_ROWS = _ROWS - _TC_ROWS
_TC_BLOCKS = _TC_ROWS // _BLK_ROWS
_SC_BLOCKS = _SC_ROWS // _BLK_ROWS
_SC_N = _SC_ROWS * _LANES
_TILE_N = _SC_N // _NW
_CHUNK = 16384
_NCHUNK = _TILE_N // _CHUNK
_UNROLL = 8


def _minmax_body(o_ref, t_ref, ms_ref, mn_ref, mx_ref, mn_sm, mx_sm):
    i = pl.program_id(0)
    bmn = jnp.minimum(jnp.min(o_ref[...]), jnp.min(t_ref[...]))
    bmx = jnp.maximum(jnp.max(o_ref[...]), jnp.max(t_ref[...]))

    @pl.when(i == 0)
    def _():
        mn_sm[0] = bmn
        mx_sm[0] = bmx

    @pl.when(i != 0)
    def _():
        mn_sm[0] = jnp.minimum(mn_sm[0], bmn)
        mx_sm[0] = jnp.maximum(mx_sm[0], bmx)

    @pl.when(i == _GRID - 1)
    def _():
        mn = mn_sm[0]
        mx = mx_sm[0]
        fscale = _FBINS / (mx - mn)
        ms_ref[0:1, :] = jnp.full((1, _LANES), mn, jnp.float32)
        ms_ref[1:2, :] = jnp.full((1, _LANES), fscale, jnp.float32)
        mn_ref[0, 0] = mn
        mx_ref[0, 0] = mx


def _sc_hist_body(o_hbm, t_hbm, ms_hbm, out_hbm, mn_v, sc_v, ob0, ob1, tb0,
                  tb1, fo, ft, co, ct, sems):
    cid = lax.axis_index("c")
    sid = lax.axis_index("s")
    wid = sid * _NC + cid
    base = wid * _TILE_N

    pltpu.sync_copy(ms_hbm.at[0], mn_v)
    pltpu.sync_copy(ms_hbm.at[1], sc_v)
    mn = mn_v[pl.ds(0, _L)]
    sc = sc_v[pl.ds(0, _L)]

    zeros = jnp.zeros((_L,), jnp.float32)
    for h in (fo, ft):
        for k in range(_FBINS // _L):
            h[pl.ds(k * _L, _L)] = zeros

    obufs = (ob0, ob1)
    tbufs = (tb0, tb1)

    def start(slot, c):
        off = base + c * _CHUNK
        pltpu.async_copy(o_hbm.at[pl.ds(off, _CHUNK)], obufs[slot],
                         sems.at[0, slot])
        pltpu.async_copy(t_hbm.at[pl.ds(off, _CHUNK)], tbufs[slot],
                         sems.at[1, slot])

    def wait(slot):
        pltpu.make_async_copy(o_hbm.at[pl.ds(0, _CHUNK)], obufs[slot],
                              sems.at[0, slot]).wait()
        pltpu.make_async_copy(t_hbm.at[pl.ds(0, _CHUNK)], tbufs[slot],
                              sems.at[1, slot]).wait()

    start(0, 0)
    start(1, 1)

    ones = jnp.full((_L,), 1.0, jnp.float32)
    topf = jnp.full((_L,), float(_FBINS - 1), jnp.float32)

    def binvec(x):
        t = jnp.minimum((x - mn) * sc, topf)
        return t.astype(jnp.int32)

    def process(obuf, tbuf):
        @plsc.parallel_loop(0, _CHUNK, step=_L, unroll=_UNROLL)
        def _(j):
            plsc.addupdate_scatter(fo, [binvec(obuf[pl.ds(j, _L)])], ones)
            plsc.addupdate_scatter(ft, [binvec(tbuf[pl.ds(j, _L)])], ones)

    @pl.loop(0, _NCHUNK, step=2)
    def _(c):
        for b in range(2):
            wait(b)
            process(obufs[b], tbufs[b])

            @pl.when(c + (b + 2) < _NCHUNK)
            def _():
                start(b, c + (b + 2))

    glanes = lax.iota(jnp.int32, _L) * _G
    for k in range(_BINS // _L):
        acc_o = jnp.zeros((_L,), jnp.float32)
        acc_t = jnp.zeros((_L,), jnp.float32)
        for j in range(_G):
            gidx = glanes + (k * _L * _G + j)
            acc_o = acc_o + plsc.load_gather(fo, [gidx])
            acc_t = acc_t + plsc.load_gather(ft, [gidx])
        co[pl.ds(k * _L, _L)] = acc_o
        ct[pl.ds(k * _L, _L)] = acc_t

    pltpu.sync_copy(co, out_hbm.at[wid, pl.ds(0, _BINS)])
    pltpu.sync_copy(ct, out_hbm.at[wid, pl.ds(_BINS, _BINS)])


def _tc_hist_body(mn_ref, mx_ref, o_ref, t_ref, acc_ref):
    i = pl.program_id(0)

    @pl.when(i == 0)
    def _():
        acc_ref[...] = jnp.zeros_like(acc_ref)

    mn = mn_ref[0, 0]
    mx = mx_ref[0, 0]
    scale = _BINS / (mx - mn)
    idx_o = jnp.floor((o_ref[...] - mn) * scale).astype(jnp.int32)
    idx_o = jnp.clip(idx_o, 0, _BINS - 1)
    idx_t = jnp.floor((t_ref[...] - mn) * scale).astype(jnp.int32)
    idx_t = jnp.clip(idx_t, 0, _BINS - 1)

    for b in range(_BINS):
        so = jnp.sum((idx_o == b).astype(jnp.float32), axis=0, keepdims=True)
        st = jnp.sum((idx_t == b).astype(jnp.float32), axis=0, keepdims=True)
        acc_ref[b:b + 1, :] += so
        acc_ref[_BINS + b:_BINS + b + 1, :] += st


def _loss_body(ho_ref, ht_ref, ao_ref, at_ref, loss_ref):
    d = (jnp.sum(ho_ref[...], axis=0) + jnp.sum(ao_ref[...], axis=0)
         - jnp.sum(ht_ref[...], axis=0) - jnp.sum(at_ref[...], axis=0))
    loss_ref[0, 0] = jnp.mean(jnp.abs(d))


def kernel(output, target):
    o2 = output.reshape(_ROWS, _LANES)
    t2 = target.reshape(_ROWS, _LANES)

    ms, mn11, mx11 = pl.pallas_call(
        _minmax_body,
        grid=(_GRID,),
        in_specs=[
            pl.BlockSpec((_BLK_ROWS, _LANES), lambda i: (i, 0)),
            pl.BlockSpec((_BLK_ROWS, _LANES), lambda i: (i, 0)),
        ],
        out_specs=[
            pl.BlockSpec((2, _LANES), lambda i: (0, 0)),
            pl.BlockSpec((1, 1), lambda i: (0, 0), memory_space=pltpu.SMEM),
            pl.BlockSpec((1, 1), lambda i: (0, 0), memory_space=pltpu.SMEM),
        ],
        out_shape=[
            jax.ShapeDtypeStruct((2, _LANES), jnp.float32),
            jax.ShapeDtypeStruct((1, 1), jnp.float32),
            jax.ShapeDtypeStruct((1, 1), jnp.float32),
        ],
        scratch_shapes=[
            pltpu.SMEM((1,), jnp.float32),
            pltpu.SMEM((1,), jnp.float32),
        ],
        compiler_params=pltpu.CompilerParams(
            dimension_semantics=("arbitrary",),
        ),
    )(o2, t2)

    sc_params = pltpu.CompilerParams()
    if "needs_layout_passes" in pltpu.CompilerParams.__dataclass_fields__:
        sc_params = dataclasses.replace(sc_params, needs_layout_passes=False)

    sc_hist = pl.kernel(
        _sc_hist_body,
        compiler_params=sc_params,
        out_type=jax.ShapeDtypeStruct((_NW, 2 * _BINS), jnp.float32),
        mesh=plsc.VectorSubcoreMesh(core_axis_name="c", subcore_axis_name="s",
                                    num_cores=_NC, num_subcores=_NS),
        scratch_types=[
            pltpu.VMEM((_LANES,), jnp.float32),
            pltpu.VMEM((_LANES,), jnp.float32),
            pltpu.VMEM((_CHUNK,), jnp.float32),
            pltpu.VMEM((_CHUNK,), jnp.float32),
            pltpu.VMEM((_CHUNK,), jnp.float32),
            pltpu.VMEM((_CHUNK,), jnp.float32),
            pltpu.VMEM((_FBINS,), jnp.float32),
            pltpu.VMEM((_FBINS,), jnp.float32),
            pltpu.VMEM((_BINS,), jnp.float32),
            pltpu.VMEM((_BINS,), jnp.float32),
            pltpu.SemaphoreType.DMA((2, 2)),
        ],
    )
    hp = sc_hist(output, target, ms)

    tc_acc = pl.pallas_call(
        _tc_hist_body,
        grid=(_TC_BLOCKS,),
        in_specs=[
            pl.BlockSpec((1, 1), lambda i: (0, 0), memory_space=pltpu.SMEM),
            pl.BlockSpec((1, 1), lambda i: (0, 0), memory_space=pltpu.SMEM),
            pl.BlockSpec((_BLK_ROWS, _LANES), lambda i: (_SC_BLOCKS + i, 0)),
            pl.BlockSpec((_BLK_ROWS, _LANES), lambda i: (_SC_BLOCKS + i, 0)),
        ],
        out_specs=pl.BlockSpec((2 * _BINS, _LANES), lambda i: (0, 0)),
        out_shape=jax.ShapeDtypeStruct((2 * _BINS, _LANES), jnp.float32),
        compiler_params=pltpu.CompilerParams(
            dimension_semantics=("arbitrary",),
        ),
    )(mn11, mx11, o2, t2)

    acc_t = tc_acc.T

    loss = pl.pallas_call(
        _loss_body,
        out_specs=pl.BlockSpec(memory_space=pltpu.SMEM),
        out_shape=jax.ShapeDtypeStruct((1, 1), jnp.float32),
    )(hp[:, :_BINS], hp[:, _BINS:], acc_t[:, :_BINS], acc_t[:, _BINS:])

    return loss[0, 0]

# --- scband reference (transcript-rebuilt; emitter-appended) ---
"""Pipeline reference for scband-histogram-loss-70549132804802 (READ-ONLY COPY).

The authoritative reference and input builder live on the scoring server;
editing this copy changes nothing except your own understanding.
"""

import jax, jax.numpy as jnp
import numpy as np

NUM_BINS = 64
N = 16777216

def setup_inputs(seed: int = 0) -> dict:
    key = jax.random.key(seed)
    k1, k2 = jax.random.split(key)
    output = jax.random.normal(k1, (N,), dtype=jnp.float32)
    target = jax.random.normal(k2, (N,), dtype=jnp.float32)
    return {"output": output, "target": target}

def _histc(x, mn, mx, bins):
    # torch.histc: `bins` equal-width bins over [mn, mx]; values == mx fall in last bin
    scale = bins / (mx - mn)
    idx = jnp.floor((x - mn) * scale).astype(jnp.int32)
    idx = jnp.clip(idx, 0, bins - 1)
    return jnp.bincount(idx, length=bins).astype(jnp.float32)

def reference(output, target):
    min_val = jnp.minimum(jnp.min(output), jnp.min(target))
    max_val = jnp.maximum(jnp.max(output), jnp.max(target))
    hist_output = _histc(output, min_val, max_val, NUM_BINS)
    hist_target = _histc(target, min_val, max_val, NUM_BINS)
    diff = jnp.abs(hist_output - hist_target)
    loss = jnp.mean(diff)
    return loss

if __name__ == "__main__":
    import jax
    _d = setup_inputs()
    print(jax.jit(kernel)(*tuple(_d.values())))

</pallas_src>

<mosaic_0001>
#map = affine_map<(d0, d1) -> (0)>
#map1 = affine_map<(d0, d1) -> (0, 0)>
module attributes {stable_mosaic.version = 14 : i64} {
  func.func @_sc_hist_body(%arg0: i32, %arg1: i32, %arg2: memref<16777216xf32, #tpu.memory_space<hbm>>, %arg3: memref<16777216xf32, #tpu.memory_space<hbm>>, %arg4: memref<2x128xf32, #tpu.memory_space<hbm>>, %arg5: memref<32x128xf32, #tpu.memory_space<hbm>>, %arg6: memref<128xf32, #tpu.memory_space<vmem>>, %arg7: memref<128xf32, #tpu.memory_space<vmem>>, %arg8: memref<16384xf32, #tpu.memory_space<vmem>>, %arg9: memref<16384xf32, #tpu.memory_space<vmem>>, %arg10: memref<16384xf32, #tpu.memory_space<vmem>>, %arg11: memref<16384xf32, #tpu.memory_space<vmem>>, %arg12: memref<1024xf32, #tpu.memory_space<vmem>>, %arg13: memref<1024xf32, #tpu.memory_space<vmem>>, %arg14: memref<64xf32, #tpu.memory_space<vmem>>, %arg15: memref<64xf32, #tpu.memory_space<vmem>>, %arg16: memref<2x2x!tpu.dma_semaphore, #tpu.memory_space<semaphore_mem>>) attributes {dimension_semantics = [#tpu.dimension_semantics<core_parallel>, #tpu.dimension_semantics<subcore_parallel>], iteration_bounds = array<i64: 2, 16>, scalar_prefetch = 0 : i64, scratch_operands = 11 : i64, tpu.core_type = #tpu.core_type<sc_vector_subcore>, window_params = [{transform_indices = #map}, {transform_indices = #map}, {transform_indices = #map1}, {transform_indices = #map1}]} {
    %mul3A = arith.constant 2 : i32
    %mul3A_0 = arith.muli %arg1, %mul3A : i32
    %add3A = arith.addi %mul3A_0, %arg0 : i32
    %mul3A_1 = arith.constant 458752 : i32
    %mul3A_2 = arith.muli %add3A, %mul3A_1 : i32
    %run_scoped3A = arith.constant 0 : i32
    "tpu.region"() ({
      %run_scoped3A_780 = tpu.sem_alloc : memref<!tpu.dma_semaphore, #tpu.memory_space<semaphore_mem>>
      %dma_start3A_781 = arith.constant 0 : i32
      %dma_start3A_782 = tpu.memref_slice %arg4[%run_scoped3A, %dma_start3A_781] : memref<2x128xf32, #tpu.memory_space<hbm>> -> memref<1x128xf32, #tpu.memory_space<hbm>>
      %dma_start3A_783 = tpu.memref_squeeze %dma_start3A_782 : memref<1x128xf32, #tpu.memory_space<hbm>> -> memref<128xf32, #tpu.memory_space<hbm>>
      %dma_start3A_784 = arith.constant 0 : i32
      %dma_start3A_785 = tpu.memref_slice %arg4[%run_scoped3A, %dma_start3A_784] : memref<2x128xf32, #tpu.memory_space<hbm>> -> memref<1x128xf32, #tpu.memory_space<hbm>>
      %dma_start3A_786 = tpu.memref_squeeze %dma_start3A_785 : memref<1x128xf32, #tpu.memory_space<hbm>> -> memref<128xf32, #tpu.memory_space<hbm>>
      tpu.enqueue_dma source(%dma_start3A_786 : memref<128xf32, #tpu.memory_space<hbm>>) target(%arg6 : memref<128xf32, #tpu.memory_space<vmem>>) target_semaphore(%run_scoped3A_780 : memref<!tpu.dma_semaphore, #tpu.memory_space<semaphore_mem>>)
      %dma_wait3A = arith.constant 0 : i32
      %dma_wait3A_787 = tpu.memref_slice %arg4[%run_scoped3A, %dma_wait3A] : memref<2x128xf32, #tpu.memory_space<hbm>> -> memref<1x128xf32, #tpu.memory_space<hbm>>
      %dma_wait3A_788 = tpu.memref_squeeze %dma_wait3A_787 : memref<1x128xf32, #tpu.memory_space<hbm>> -> memref<128xf32, #tpu.memory_space<hbm>>
      %dma_wait3A_789 = arith.constant 0 : i32
      %dma_wait3A_790 = tpu.memref_slice %arg4[%run_scoped3A, %dma_wait3A_789] : memref<2x128xf32, #tpu.memory_space<hbm>> -> memref<1x128xf32, #tpu.memory_space<hbm>>
      %dma_wait3A_791 = tpu.memref_squeeze %dma_wait3A_790 : memref<1x128xf32, #tpu.memory_space<hbm>> -> memref<128xf32, #tpu.memory_space<hbm>>
      tpu.wait_dma2 semaphore(%run_scoped3A_780 : memref<!tpu.dma_semaphore, #tpu.memory_space<semaphore_mem>>) src(%dma_wait3A_791 : memref<128xf32, #tpu.memory_space<hbm>>) dst(%arg6 : memref<128xf32, #tpu.memory_space<vmem>>)
      tpu.yield
    }) : () -> ()
    %run_scoped3A_3 = arith.constant 1 : i32
    "tpu.region"() ({
      %run_scoped3A_780 = tpu.sem_alloc : memref<!tpu.dma_semaphore, #tpu.memory_space<semaphore_mem>>
      %dma_start3A_781 = arith.constant 0 : i32
      %dma_start3A_782 = tpu.memref_slice %arg4[%run_scoped3A_3, %dma_start3A_781] : memref<2x128xf32, #tpu.memory_space<hbm>> -> memref<1x128xf32, #tpu.memory_space<hbm>>
      %dma_start3A_783 = tpu.memref_squeeze %dma_start3A_782 : memref<1x128xf32, #tpu.memory_space<hbm>> -> memref<128xf32, #tpu.memory_space<hbm>>
      %dma_start3A_784 = arith.constant 0 : i32
      %dma_start3A_785 = tpu.memref_slice %arg4[%run_scoped3A_3, %dma_start3A_784] : memref<2x128xf32, #tpu.memory_space<hbm>> -> memref<1x128xf32, #tpu.memory_space<hbm>>
      %dma_start3A_786 = tpu.memref_squeeze %dma_start3A_785 : memref<1x128xf32, #tpu.memory_space<hbm>> -> memref<128xf32, #tpu.memory_space<hbm>>
      tpu.enqueue_dma source(%dma_start3A_786 : memref<128xf32, #tpu.memory_space<hbm>>) target(%arg7 : memref<128xf32, #tpu.memory_space<vmem>>) target_semaphore(%run_scoped3A_780 : memref<!tpu.dma_semaphore, #tpu.memory_space<semaphore_mem>>)
      %dma_wait3A = arith.constant 0 : i32
      %dma_wait3A_787 = tpu.memref_slice %arg4[%run_scoped3A_3, %dma_wait3A] : memref<2x128xf32, #tpu.memory_space<hbm>> -> memref<1x128xf32, #tpu.memory_space<hbm>>
      %dma_wait3A_788 = tpu.memref_squeeze %dma_wait3A_787 : memref<1x128xf32, #tpu.memory_space<hbm>> -> memref<128xf32, #tpu.memory_space<hbm>>
      %dma_wait3A_789 = arith.constant 0 : i32
      %dma_wait3A_790 = tpu.memref_slice %arg4[%run_scoped3A_3, %dma_wait3A_789] : memref<2x128xf32, #tpu.memory_space<hbm>> -> memref<1x128xf32, #tpu.memory_space<hbm>>
      %dma_wait3A_791 = tpu.memref_squeeze %dma_wait3A_790 : memref<1x128xf32, #tpu.memory_space<hbm>> -> memref<128xf32, #tpu.memory_space<hbm>>
      tpu.wait_dma2 semaphore(%run_scoped3A_780 : memref<!tpu.dma_semaphore, #tpu.memory_space<semaphore_mem>>) src(%dma_wait3A_791 : memref<128xf32, #tpu.memory_space<hbm>>) dst(%arg7 : memref<128xf32, #tpu.memory_space<vmem>>)
      tpu.yield
    }) : () -> ()
    %get3A = arith.constant 0 : index
    %get3A_4 = tpu.vector_load %arg6[%get3A] {strides = array<i32>} : memref<128xf32, #tpu.memory_space<vmem>>, vector<16xf32>,
    %get3A_5 = arith.constant 0 : index
    %get3A_6 = tpu.vector_load %arg7[%get3A_5] {strides = array<i32>} : memref<128xf32, #tpu.memory_space<vmem>>, vector<16xf32>,
    %broadcast_in_dim3A = arith.constant 0.000000e+00 : f32
    %broadcast_in_dim3A_7 = vector.broadcast %broadcast_in_dim3A : f32 to vector<16xf32>
    %swap3A = arith.constant 0 : index
    %swap3A_8 = tpu.vector_load %arg12[%swap3A] {strides = array<i32>} : memref<1024xf32, #tpu.memory_space<vmem>>, vector<16xf32>,
    tpu.vector_store %arg12[%swap3A], %broadcast_in_dim3A_7 {strides = array<i32>} : memref<1024xf32, #tpu.memory_space<vmem>>, vector<16xf32>,
    %swap3A_9 = arith.constant 16 : index
    %swap3A_10 = tpu.vector_load %arg12[%swap3A_9] {strides = array<i32>} : memref<1024xf32, #tpu.memory_space<vmem>>, vector<16xf32>,
    tpu.vector_store %arg12[%swap3A_9], %broadcast_in_dim3A_7 {strides = array<i32>} : memref<1024xf32, #tpu.memory_space<vmem>>, vector<16xf32>,
    %swap3A_11 = arith.constant 32 : index
    %swap3A_12 = tpu.vector_load %arg12[%swap3A_11] {strides = array<i32>} : memref<1024xf32, #tpu.memory_space<vmem>>, vector<16xf32>,
    tpu.vector_store %arg12[%swap3A_11], %broadcast_in_dim3A_7 {strides = array<i32>} : memref<1024xf32, #tpu.memory_space<vmem>>, vector<16xf32>,
    %swap3A_13 = arith.constant 48 : index
    %swap3A_14 = tpu.vector_load %arg12[%swap3A_13] {strides = array<i32>} : memref<1024xf32, #tpu.memory_space<vmem>>, vector<16xf32>,
    tpu.vector_store %arg12[%swap3A_13], %broadcast_in_dim3A_7 {strides = array<i32>} : memref<1024xf32, #tpu.memory_space<vmem>>, vector<16xf32>,
    %swap3A_15 = arith.constant 64 : index
    %swap3A_16 = tpu.vector_load %arg12[%swap3A_15] {strides = array<i32>} : memref<1024xf32, #tpu.memory_space<vmem>>, vector<16xf32>,
    tpu.vector_store %arg12[%swap3A_15], %broadcast_in_dim3A_7 {strides = array<i32>} : memref<1024xf32, #tpu.memory_space<vmem>>, vector<16xf32>,
    %swap3A_17 = arith.constant 80 : index
    %swap3A_18 = tpu.vector_load %arg12[%swap3A_17] {strides = array<i32>} : memref<1024xf32, #tpu.memory_space<vmem>>, vector<16xf32>,
    tpu.vector_store %arg12[%swap3A_17], %broadcast_in_dim3A_7 {strides = array<i32>} : memref<1024xf32, #tpu.memory_space<vmem>>, vector<16xf32>,
    %swap3A_19 = arith.constant 96 : index
    %swap3A_20 = tpu.vector_load %arg12[%swap3A_19] {strides = array<i32>} : memref<1024xf32, #tpu.memory_space<vmem>>, vector<16xf32>,
    tpu.vector_store %arg12[%swap3A_19], %broadcast_in_dim3A_7 {strides = array<i32>} : memref<1024xf32, #tpu.memory_space<vmem>>, vector<16xf32>,
    %swap3A_21 = arith.constant 112 : index
    %swap3A_22 = tpu.vector_load %arg12[%swap3A_21] {strides = array<i32>} : memref<1024xf32, #tpu.memory_space<vmem>>, vector<16xf32>,
    tpu.vector_store %arg12[%swap3A_21], %broadcast_in_dim3A_7 {strides = array<i32>} : memref<1024xf32, #tpu.memory_space<vmem>>, vector<16xf32>,
    %swap3A_23 = arith.constant 128 : index
    %swap3A_24 = tpu.vector_load %arg12[%swap3A_23] {strides = array<i32>} : memref<1024xf32, #tpu.memory_space<vmem>>, vector<16xf32>,
    tpu.vector_store %arg12[%swap3A_23], %broadcast_in_dim3A_7 {strides = array<i32>} : memref<1024xf32, #tpu.memory_space<vmem>>, vector<16xf32>,
    %swap3A_25 = arith.constant 144 : index
    %swap3A_26 = tpu.vector_load %arg12[%swap3A_25] {strides = array<i32>} : memref<1024xf32, #tpu.memory_space<vmem>>, vector<16xf32>,
    tpu.vector_store %arg12[%swap3A_25], %broadcast_in_dim3A_7 {strides = array<i32>} : memref<1024xf32, #tpu.memory_space<vmem>>, vector<16xf32>,
    %swap3A_27 = arith.constant 160 : index
    %swap3A_28 = tpu.vector_load %arg12[%swap3A_27] {strides = array<i32>} : memref<1024xf32, #tpu.memory_space<vmem>>, vector<16xf32>,
    tpu.vector_store %arg12[%swap3A_27], %broadcast_in_dim3A_7 {strides = array<i32>} : memref<1024xf32, #tpu.memory_space<vmem>>, vector<16xf32>,
    %swap3A_29 = arith.constant 176 : index
    %swap3A_30 = tpu.vector_load %arg12[%swap3A_29] {strides = array<i32>} : memref<1024xf32, #tpu.memory_space<vmem>>, vector<16xf32>,
    tpu.vector_store %arg12[%swap3A_29], %broadcast_in_dim3A_7 {strides = array<i32>} : memref<1024xf32, #tpu.memory_space<vmem>>, vector<16xf32>,
    %swap3A_31 = arith.constant 192 : index
    %swap3A_32 = tpu.vector_load %arg12[%swap3A_31] {strides = array<i32>} : memref<1024xf32, #tpu.memory_space<vmem>>, vector<16xf32>,
    tpu.vector_store %arg12[%swap3A_31], %broadcast_in_dim3A_7 {strides = array<i32>} : memref<1024xf32, #tpu.memory_space<vmem>>, vector<16xf32>,
    %swap3A_33 = arith.constant 208 : index
    %swap3A_34 = tpu.vector_load %arg12[%swap3A_33] {strides = array<i32>} : memref<1024xf32, #tpu.memory_space<vmem>>, vector<16xf32>,
    tpu.vector_store %arg12[%swap3A_33], %broadcast_in_dim3A_7 {strides = array<i32>} : memref<1024xf32, #tpu.memory_space<vmem>>, vector<16xf32>,
    %swap3A_35 = arith.constant 224 : index
    %swap3A_36 = tpu.vector_load %arg12[%swap3A_35] {strides = array<i32>} : memref<1024xf32, #tpu.memory_space<vmem>>, vector<16xf32>,
    tpu.vector_store %arg12[%swap3A_35], %broadcast_in_dim3A_7 {strides = array<i32>} : memref<1024xf32, #tpu.memory_space<vmem>>, vector<16xf32>,
    %swap3A_37 = arith.constant 240 : index
    %swap3A_38 = tpu.vector_load %arg12[%swap3A_37] {strides = array<i32>} : memref<1024xf32, #tpu.memory_space<vmem>>, vector<16xf32>,
    tpu.vector_store %arg12[%swap3A_37], %broadcast_in_dim3A_7 {strides = array<i32>} : memref<1024xf32, #tpu.memory_space<vmem>>, vector<16xf32>,
    %swap3A_39 = arith.constant 256 : index
    %swap3A_40 = tpu.vector_load %arg12[%swap3A_39] {strides = array<i32>} : memref<1024xf32, #tpu.memory_space<vmem>>, vector<16xf32>,
    tpu.vector_store %arg12[%swap3A_39], %broadcast_in_dim3A_7 {strides = array<i32>} : memref<1024xf32, #tpu.memory_space<vmem>>, vector<16xf32>,
    %swap3A_41 = arith.constant 272 : index
    %swap3A_42 = tpu.vector_load %arg12[%swap3A_41] {strides = array<i32>} : memref<1024xf32, #tpu.memory_space<vmem>>, vector<16xf32>,
    tpu.vector_store %arg12[%swap3A_41], %broadcast_in_dim3A_7 {strides = array<i32>} : memref<1024xf32, #tpu.memory_space<vmem>>, vector<16xf32>,
    %swap3A_43 = arith.constant 288 : index
    %swap3A_44 = tpu.vector_load %arg12[%swap3A_43] {strides = array<i32>} : memref<1024xf32, #tpu.memory_space<vmem>>, vector<16xf32>,
    tpu.vector_store %arg12[%swap3A_43], %broadcast_in_dim3A_7 {strides = array<i32>} : memref<1024xf32, #tpu.memory_space<vmem>>, vector<16xf32>,
    %swap3A_45 = arith.constant 304 : index
    %swap3A_46 = tpu.vector_load %arg12[%swap3A_45] {strides = array<i32>} : memref<1024xf32, #tpu.memory_space<vmem>>, vector<16xf32>,
    tpu.vector_store %arg12[%swap3A_45], %broadcast_in_dim3A_7 {strides = array<i32>} : memref<1024xf32, #tpu.memory_space<vmem>>, vector<16xf32>,
    %swap3A_47 = arith.constant 320 : index
    %swap3A_48 = tpu.vector_load %arg12[%swap3A_47] {strides = array<i32>} : memref<1024xf32, #tpu.memory_space<vmem>>, vector<16xf32>,
    tpu.vector_store %arg12[%swap3A_47], %broadcast_in_dim3A_7 {strides = array<i32>} : memref<1024xf32, #tpu.memory_space<vmem>>, vector<16xf32>,
    %swap3A_49 = arith.constant 336 : index
    %swap3A_50 = tpu.vector_load %arg12[%swap3A_49] {strides = array<i32>} : memref<1024xf32, #tpu.memory_space<vmem>>, vector<16xf32>,
    tpu.vector_store %arg12[%swap3A_49], %broadcast_in_dim3A_7 {strides = array<i32>} : memref<1024xf32, #tpu.memory_space<vmem>>, vector<16xf32>,
    %swap3A_51 = arith.constant 352 : index
    %swap3A_52 = tpu.vector_load %arg12[%swap3A_51] {strides = array<i32>} : memref<1024xf32, #tpu.memory_space<vmem>>, vector<16xf32>,
    tpu.vector_store %arg12[%swap3A_51], %broadcast_in_dim3A_7 {strides = array<i32>} : memref<1024xf32, #tpu.memory_space<vmem>>, vector<16xf32>,
    %swap3A_53 = arith.constant 368 : index
    %swap3A_54 = tpu.vector_load %arg12[%swap3A_53] {strides = array<i32>} : memref<1024xf32, #tpu.memory_space<vmem>>, vector<16xf32>,
    tpu.vector_store %arg12[%swap3A_53], %broadcast_in_dim3A_7 {strides = array<i32>} : memref<1024xf32, #tpu.memory_space<vmem>>, vector<16xf32>,
    %swap3A_55 = arith.constant 384 : index
    %swap3A_56 = tpu.vector_load %arg12[%swap3A_55] {strides = array<i32>} : memref<1024xf32, #tpu.memory_space<vmem>>, vector<16xf32>,
    tpu.vector_store %arg12[%swap3A_55], %broadcast_in_dim3A_7 {strides = array<i32>} : memref<1024xf32, #tpu.memory_space<vmem>>, vector<16xf32>,
    %swap3A_57 = arith.constant 400 : index
    %swap3A_58 = tpu.vector_load %arg12[%swap3A_57] {strides = array<i32>} : memref<1024xf32, #tpu.memory_space<vmem>>, vector<16xf32>,
    tpu.vector_store %arg12[%swap3A_57], %broadcast_in_dim3A_7 {strides = array<i32>} : memref<1024xf32, #tpu.memory_space<vmem>>, vector<16xf32>,
    %swap3A_59 = arith.constant 416 : index
    %swap3A_60 = tpu.vector_load %arg12[%swap3A_59] {strides = array<i32>} : memref<1024xf32, #tpu.memory_space<vmem>>, vector<16xf32>,
    tpu.vector_store %arg12[%swap3A_59], %broadcast_in_dim3A_7 {strides = array<i32>} : memref<1024xf32, #tpu.memory_space<vmem>>, vector<16xf32>,
    %swap3A_61 = arith.constant 432 : index
    %swap3A_62 = tpu.vector_load %arg12[%swap3A_61] {strides = array<i32>} : memref<1024xf32, #tpu.memory_space<vmem>>, vector<16xf32>,
    tpu.vector_store %arg12[%swap3A_61], %broadcast_in_dim3A_7 {strides = array<i32>} : memref<1024xf32, #tpu.memory_space<vmem>>, vector<16xf32>,
    %swap3A_63 = arith.constant 448 : index
    %swap3A_64 = tpu.vector_load %arg12[%swap3A_63] {strides = array<i32>} : memref<1024xf32, #tpu.memory_space<vmem>>, vector<16xf32>,
    tpu.vector_store %arg12[%swap3A_63], %broadcast_in_dim3A_7 {strides = array<i32>} : memref<1024xf32, #tpu.memory_space<vmem>>, vector<16xf32>,
    %swap3A_65 = arith.constant 464 : index
    %swap3A_66 = tpu.vector_load %arg12[%swap3A_65] {strides = array<i32>} : memref<1024xf32, #tpu.memory_space<vmem>>, vector<16xf32>,
    tpu.vector_store %arg12[%swap3A_65], %broadcast_in_dim3A_7 {strides = array<i32>} : memref<1024xf32, #tpu.memory_space<vmem>>, vector<16xf32>,
    %swap3A_67 = arith.constant 480 : index
    %swap3A_68 = tpu.vector_load %arg12[%swap3A_67] {strides = array<i32>} : memref<1024xf32, #tpu.memory_space<vmem>>, vector<16xf32>,
    tpu.vector_store %arg12[%swap3A_67], %broadcast_in_dim3A_7 {strides = array<i32>} : memref<1024xf32, #tpu.memory_space<vmem>>, vector<16xf32>,
    %swap3A_69 = arith.constant 496 : index
    %swap3A_70 = tpu.vector_load %arg12[%swap3A_69] {strides = array<i32>} : memref<1024xf32, #tpu.memory_space<vmem>>, vector<16xf32>,
    tpu.vector_store %arg12[%swap3A_69], %broadcast_in_dim3A_7 {strides = array<i32>} : memref<1024xf32, #tpu.memory_space<vmem>>, vector<16xf32>,
    %swap3A_71 = arith.constant 512 : index
    %swap3A_72 = tpu.vector_load %arg12[%swap3A_71] {strides = array<i32>} : memref<1024xf32, #tpu.memory_space<vmem>>, vector<16xf32>,
    tpu.vector_store %arg12[%swap3A_71], %broadcast_in_dim3A_7 {strides = array<i32>} : memref<1024xf32, #tpu.memory_space<vmem>>, vector<16xf32>,
    %swap3A_73 = arith.constant 528 : index
    %swap3A_74 = tpu.vector_load %arg12[%swap3A_73] {strides = array<i32>} : memref<1024xf32, #tpu.memory_space<vmem>>, vector<16xf32>,
    tpu.vector_store %arg12[%swap3A_73], %broadcast_in_dim3A_7 {strides = array<i32>} : memref<1024xf32, #tpu.memory_space<vmem>>, vector<16xf32>,
    %swap3A_75 = arith.constant 544 : index
    %swap3A_76 = tpu.vector_load %arg12[%swap3A_75] {strides = array<i32>} : memref<1024xf32, #tpu.memory_space<vmem>>, vector<16xf32>,
    tpu.vector_store %arg12[%swap3A_75], %broadcast_in_dim3A_7 {strides = array<i32>} : memref<1024xf32, #tpu.memory_space<vmem>>, vector<16xf32>,
    %swap3A_77 = arith.constant 560 : index
    %swap3A_78 = tpu.vector_load %arg12[%swap3A_77] {strides = array<i32>} : memref<1024xf32, #tpu.memory_space<vmem>>, vector<16xf32>,
    tpu.vector_store %arg12[%swap3A_77], %broadcast_in_dim3A_7 {strides = array<i32>} : memref<1024xf32, #tpu.memory_space<vmem>>, vector<16xf32>,
    %swap3A_79 = arith.constant 576 : index
    %swap3A_80 = tpu.vector_load %arg12[%swap3A_79] {strides = array<i32>} : memref<1024xf32, #tpu.memory_space<vmem>>, vector<16xf32>,
    tpu.vector_store %arg12[%swap3A_79], %broadcast_in_dim3A_7 {strides = array<i32>} : memref<1024xf32, #tpu.memory_space<vmem>>, vector<16xf32>,
    %swap3A_81 = arith.constant 592 : index
    %swap3A_82 = tpu.vector_load %arg12[%swap3A_81] {strides = array<i32>} : memref<1024xf32, #tpu.memory_space<vmem>>, vector<16xf32>,
    tpu.vector_store %arg12[%swap3A_81], %broadcast_in_dim3A_7 {strides = array<i32>} : memref<1024xf32, #tpu.memory_space<vmem>>, vector<16xf32>,
    %swap3A_83 = arith.constant 608 : index
    %swap3A_84 = tpu.vector_load %arg12[%swap3A_83] {strides = array<i32>} : memref<1024xf32, #tpu.memory_space<vmem>>, vector<16xf32>,
    tpu.vector_store %arg12[%swap3A_83], %broadcast_in_dim3A_7 {strides = array<i32>} : memref<1024xf32, #tpu.memory_space<vmem>>, vector<16xf32>,
    %swap3A_85 = arith.constant 624 : index
    %swap3A_86 = tpu.vector_load %arg12[%swap3A_85] {strides = array<i32>} : memref<1024xf32, #tpu.memory_space<vmem>>, vector<16xf32>,
    tpu.vector_store %arg12[%swap3A_85], %broadcast_in_dim3A_7 {strides = array<i32>} : memref<1024xf32, #tpu.memory_space<vmem>>, vector<16xf32>,
    %swap3A_87 = arith.constant 640 : index
    %swap3A_88 = tpu.vector_load %arg12[%swap3A_87] {strides = array<i32>} : memref<1024xf32, #tpu.memory_space<vmem>>, vector<16xf32>,
    tpu.vector_store %arg12[%swap3A_87], %broadcast_in_dim3A_7 {strides = array<i32>} : memref<1024xf32, #tpu.memory_space<vmem>>, vector<16xf32>,
    %swap3A_89 = arith.constant 656 : index
    %swap3A_90 = tpu.vector_load %arg12[%swap3A_89] {strides = array<i32>} : memref<1024xf32, #tpu.memory_space<vmem>>, vector<16xf32>,
    tpu.vector_store %arg12[%swap3A_89], %broadcast_in_dim3A_7 {strides = array<i32>} : memref<1024xf32, #tpu.memory_space<vmem>>, vector<16xf32>,
    %swap3A_91 = arith.constant 672 : index
    %swap3A_92 = tpu.vector_load %arg12[%swap3A_91] {strides = array<i32>} : memref<1024xf32, #tpu.memory_space<vmem>>, vector<16xf32>,
    tpu.vector_store %arg12[%swap3A_91], %broadcast_in_dim3A_7 {strides = array<i32>} : memref<1024xf32, #tpu.memory_space<vmem>>, vector<16xf32>,
    %swap3A_93 = arith.constant 688 : index
    %swap3A_94 = tpu.vector_load %arg12[%swap3A_93] {strides = array<i32>} : memref<1024xf32, #tpu.memory_space<vmem>>, vector<16xf32>,
    tpu.vector_store %arg12[%swap3A_93], %broadcast_in_dim3A_7 {strides = array<i32>} : memref<1024xf32, #tpu.memory_space<vmem>>, vector<16xf32>,
    %swap3A_95 = arith.constant 704 : index
    %swap3A_96 = tpu.vector_load %arg12[%swap3A_95] {strides = array<i32>} : memref<1024xf32, #tpu.memory_space<vmem>>, vector<16xf32>,
    tpu.vector_store %arg12[%swap3A_95], %broadcast_in_dim3A_7 {strides = array<i32>} : memref<1024xf32, #tpu.memory_space<vmem>>, vector<16xf32>,
    %swap3A_97 = arith.constant 720 : index
    %swap3A_98 = tpu.vector_load %arg12[%swap3A_97] {strides = array<i32>} : memref<1024xf32, #tpu.memory_space<vmem>>, vector<16xf32>,
    tpu.vector_store %arg12[%swap3A_97], %broadcast_in_dim3A_7 {strides = array<i32>} : memref<1024xf32, #tpu.memory_space<vmem>>, vector<16xf32>,
    %swap3A_99 = arith.constant 736 : index
    %swap3A_100 = tpu.vector_load %arg12[%swap3A_99] {strides = array<i32>} : memref<1024xf32, #tpu.memory_space<vmem>>, vector<16xf32>,
    tpu.vector_store %arg12[%swap3A_99], %broadcast_in_dim3A_7 {strides = array<i32>} : memref<1024xf32, #tpu.memory_space<vmem>>, vector<16xf32>,
    %swap3A_101 = arith.constant 752 : index
    %swap3A_102 = tpu.vector_load %arg12[%swap3A_101] {strides = array<i32>} : memref<1024xf32, #tpu.memory_space<vmem>>, vector<16xf32>,
    tpu.vector_store %arg12[%swap3A_101], %broadcast_in_dim3A_7 {strides = array<i32>} : memref<1024xf32, #tpu.memory_space<vmem>>, vector<16xf32>,
    %swap3A_103 = arith.constant 768 : index
    %swap3A_104 = tpu.vector_load %arg12[%swap3A_103] {strides = array<i32>} : memref<1024xf32, #tpu.memory_space<vmem>>, vector<16xf32>,
    tpu.vector_store %arg12[%swap3A_103], %broadcast_in_dim3A_7 {strides = array<i32>} : memref<1024xf32, #tpu.memory_space<vmem>>, vector<16xf32>,
    %swap3A_105 = arith.constant 784 : index
    %swap3A_106 = tpu.vector_load %arg12[%swap3A_105] {strides = array<i32>} : memref<1024xf32, #tpu.memory_space<vmem>>, vector<16xf32>,
    tpu.vector_store %arg12[%swap3A_105], %broadcast_in_dim3A_7 {strides = array<i32>} : memref<1024xf32, #tpu.memory_space<vmem>>, vector<16xf32>,
    %swap3A_107 = arith.constant 800 : index
    %swap3A_108 = tpu.vector_load %arg12[%swap3A_107] {strides = array<i32>} : memref<1024xf32, #tpu.memory_space<vmem>>, vector<16xf32>,
    tpu.vector_store %arg12[%swap3A_107], %broadcast_in_dim3A_7 {strides = array<i32>} : memref<1024xf32, #tpu.memory_space<vmem>>, vector<16xf32>,
    %swap3A_109 = arith.constant 816 : index
    %swap3A_110 = tpu.vector_load %arg12[%swap3A_109] {strides = array<i32>} : memref<1024xf32, #tpu.memory_space<vmem>>, vector<16xf32>,
    tpu.vector_store %arg12[%swap3A_109], %broadcast_in_dim3A_7 {strides = array<i32>} : memref<1024xf32, #tpu.memory_space<vmem>>, vector<16xf32>,
    %swap3A_111 = arith.constant 832 : index
    %swap3A_112 = tpu.vector_load %arg12[%swap3A_111] {strides = array<i32>} : memref<1024xf32, #tpu.memory_space<vmem>>, vector<16xf32>,
    tpu.vector_store %arg12[%swap3A_111], %broadcast_in_dim3A_7 {strides = array<i32>} : memref<1024xf32, #tpu.memory_space<vmem>>, vector<16xf32>,
    %swap3A_113 = arith.constant 848 : index
    %swap3A_114 = tpu.vector_load %arg12[%swap3A_113] {strides = array<i32>} : memref<1024xf32, #tpu.memory_space<vmem>>, vector<16xf32>,
    tpu.vector_store %arg12[%swap3A_113], %broadcast_in_dim3A_7 {strides = array<i32>} : memref<1024xf32, #tpu.memory_space<vmem>>, vector<16xf32>,
    %swap3A_115 = arith.constant 864 : index
    %swap3A_116 = tpu.vector_load %arg12[%swap3A_115] {strides = array<i32>} : memref<1024xf32, #tpu.memory_space<vmem>>, vector<16xf32>,
    tpu.vector_store %arg12[%swap3A_115], %broadcast_in_dim3A_7 {strides = array<i32>} : memref<1024xf32, #tpu.memory_space<vmem>>, vector<16xf32>,
    %swap3A_117 = arith.constant 880 : index
    %swap3A_118 = tpu.vector_load %arg12[%swap3A_117] {strides = array<i32>} : memref<1024xf32, #tpu.memory_space<vmem>>, vector<16xf32>,
    tpu.vector_store %arg12[%swap3A_117], %broadcast_in_dim3A_7 {strides = array<i32>} : memref<1024xf32, #tpu.memory_space<vmem>>, vector<16xf32>,
    %swap3A_119 = arith.constant 896 : index
    %swap3A_120 = tpu.vector_load %arg12[%swap3A_119] {strides = array<i32>} : memref<1024xf32, #tpu.memory_space<vmem>>, vector<16xf32>,
    tpu.vector_store %arg12[%swap3A_119], %broadcast_in_dim3A_7 {strides = array<i32>} : memref<1024xf32, #tpu.memory_space<vmem>>, vector<16xf32>,
    %swap3A_121 = arith.constant 912 : index
    %swap3A_122 = tpu.vector_load %arg12[%swap3A_121] {strides = array<i32>} : memref<1024xf32, #tpu.memory_space<vmem>>, vector<16xf32>,
    tpu.vector_store %arg12[%swap3A_121], %broadcast_in_dim3A_7 {strides = array<i32>} : memref<1024xf32, #tpu.memory_space<vmem>>, vector<16xf32>,
    %swap3A_123 = arith.constant 928 : index
    %swap3A_124 = tpu.vector_load %arg12[%swap3A_123] {strides = array<i32>} : memref<1024xf32, #tpu.memory_space<vmem>>, vector<16xf32>,
    tpu.vector_store %arg12[%swap3A_123], %broadcast_in_dim3A_7 {strides = array<i32>} : memref<1024xf32, #tpu.memory_space<vmem>>, vector<16xf32>,
    %swap3A_125 = arith.constant 944 : index
    %swap3A_126 = tpu.vector_load %arg12[%swap3A_125] {strides = array<i32>} : memref<1024xf32, #tpu.memory_space<vmem>>, vector<16xf32>,
    tpu.vector_store %arg12[%swap3A_125], %broadcast_in_dim3A_7 {strides = array<i32>} : memref<1024xf32, #tpu.memory_space<vmem>>, vector<16xf32>,
    %swap3A_127 = arith.constant 960 : index
    %swap3A_128 = tpu.vector_load %arg12[%swap3A_127] {strides = array<i32>} : memref<1024xf32, #tpu.memory_space<vmem>>, vector<16xf32>,
    tpu.vector_store %arg12[%swap3A_127], %broadcast_in_dim3A_7 {strides = array<i32>} : memref<1024xf32, #tpu.memory_space<vmem>>, vector<16xf32>,
    %swap3A_129 = arith.constant 976 : index
    %swap3A_130 = tpu.vector_load %arg12[%swap3A_129] {strides = array<i32>} : memref<1024xf32, #tpu.memory_space<vmem>>, vector<16xf32>,
    tpu.vector_store %arg12[%swap3A_129], %broadcast_in_dim3A_7 {strides = array<i32>} : memref<1024xf32, #tpu.memory_space<vmem>>, vector<16xf32>,
    %swap3A_131 = arith.constant 992 : index
    %swap3A_132 = tpu.vector_load %arg12[%swap3A_131] {strides = array<i32>} : memref<1024xf32, #tpu.memory_space<vmem>>, vector<16xf32>,
    tpu.vector_store %arg12[%swap3A_131], %broadcast_in_dim3A_7 {strides = array<i32>} : memref<1024xf32, #tpu.memory_space<vmem>>, vector<16xf32>,
    %swap3A_133 = arith.constant 1008 : index
    %swap3A_134 = tpu.vector_load %arg12[%swap3A_133] {strides = array<i32>} : memref<1024xf32, #tpu.memory_space<vmem>>, vector<16xf32>,
    tpu.vector_store %arg12[%swap3A_133], %broadcast_in_dim3A_7 {strides = array<i32>} : memref<1024xf32, #tpu.memory_space<vmem>>, vector<16xf32>,
    %swap3A_135 = arith.constant 0 : index
    %swap3A_136 = tpu.vector_load %arg13[%swap3A_135] {strides = array<i32>} : memref<1024xf32, #tpu.memory_space<vmem>>, vector<16xf32>,
    tpu.vector_store %arg13[%swap3A_135], %broadcast_in_dim3A_7 {strides = array<i32>} : memref<1024xf32, #tpu.memory_space<vmem>>, vector<16xf32>,
    %swap3A_137 = arith.constant 16 : index
    %swap3A_138 = tpu.vector_load %arg13[%swap3A_137] {strides = array<i32>} : memref<1024xf32, #tpu.memory_space<vmem>>, vector<16xf32>,
    tpu.vector_store %arg13[%swap3A_137], %broadcast_in_dim3A_7 {strides = array<i32>} : memref<1024xf32, #tpu.memory_space<vmem>>, vector<16xf32>,
    %swap3A_139 = arith.constant 32 : index
    %swap3A_140 = tpu.vector_load %arg13[%swap3A_139] {strides = array<i32>} : memref<1024xf32, #tpu.memory_space<vmem>>, vector<16xf32>,
    tpu.vector_store %arg13[%swap3A_139], %broadcast_in_dim3A_7 {strides = array<i32>} : memref<1024xf32, #tpu.memory_space<vmem>>, vector<16xf32>,
    %swap3A_141 = arith.constant 48 : index
    %swap3A_142 = tpu.vector_load %arg13[%swap3A_141] {strides = array<i32>} : memref<1024xf32, #tpu.memory_space<vmem>>, vector<16xf32>,
    tpu.vector_store %arg13[%swap3A_141], %broadcast_in_dim3A_7 {strides = array<i32>} : memref<1024xf32, #tpu.memory_space<vmem>>, vector<16xf32>,
    %swap3A_143 = arith.constant 64 : index
    %swap3A_144 = tpu.vector_load %arg13[%swap3A_143] {strides = array<i32>} : memref<1024xf32, #tpu.memory_space<vmem>>, vector<16xf32>,
    tpu.vector_store %arg13[%swap3A_143], %broadcast_in_dim3A_7 {strides = array<i32>} : memref<1024xf32, #tpu.memory_space<vmem>>, vector<16xf32>,
    %swap3A_145 = arith.constant 80 : index
    %swap3A_146 = tpu.vector_load %arg13[%swap3A_145] {strides = array<i32>} : memref<1024xf32, #tpu.memory_space<vmem>>, vector<16xf32>,
    tpu.vector_store %arg13[%swap3A_145], %broadcast_in_dim3A_7 {strides = array<i32>} : memref<1024xf32, #tpu.memory_space<vmem>>, vector<16xf32>,
    %swap3A_147 = arith.constant 96 : index
    %swap3A_148 = tpu.vector_load %arg13[%swap3A_147] {strides = array<i32>} : memref<1024xf32, #tpu.memory_space<vmem>>, vector<16xf32>,
    tpu.vector_store %arg13[%swap3A_147], %broadcast_in_dim3A_7 {strides = array<i32>} : memref<1024xf32, #tpu.memory_space<vmem>>, vector<16xf32>,
    %swap3A_149 = arith.constant 112 : index
    %swap3A_150 = tpu.vector_load %arg13[%swap3A_149] {strides = array<i32>} : memref<1024xf32, #tpu.memory_space<vmem>>, vector<16xf32>,
    tpu.vector_store %arg13[%swap3A_149], %broadcast_in_dim3A_7 {strides = array<i32>} : memref<1024xf32, #tpu.memory_space<vmem>>, vector<16xf32>,
    %swap3A_151 = arith.constant 128 : index
    %swap3A_152 = tpu.vector_load %arg13[%swap3A_151] {strides = array<i32>} : memref<1024xf32, #tpu.memory_space<vmem>>, vector<16xf32>,
    tpu.vector_store %arg13[%swap3A_151], %broadcast_in_dim3A_7 {strides = array<i32>} : memref<1024xf32, #tpu.memory_space<vmem>>, vector<16xf32>,
    %swap3A_153 = arith.constant 144 : index
    %swap3A_154 = tpu.vector_load %arg13[%swap3A_153] {strides = array<i32>} : memref<1024xf32, #tpu.memory_space<vmem>>, vector<16xf32>,
    tpu.vector_store %arg13[%swap3A_153], %broadcast_in_dim3A_7 {strides = array<i32>} : memref<1024xf32, #tpu.memory_space<vmem>>, vector<16xf32>,
    %swap3A_155 = arith.constant 160 : index
    %swap3A_156 = tpu.vector_load %arg13[%swap3A_155] {strides = array<i32>} : memref<1024xf32, #tpu.memory_space<vmem>>, vector<16xf32>,
    tpu.vector_store %arg13[%swap3A_155], %broadcast_in_dim3A_7 {strides = array<i32>} : memref<1024xf32, #tpu.memory_space<vmem>>, vector<16xf32>,
    %swap3A_157 = arith.constant 176 : index
    %swap3A_158 = tpu.vector_load %arg13[%swap3A_157] {strides = array<i32>} : memref<1024xf32, #tpu.memory_space<vmem>>, vector<16xf32>,
    tpu.vector_store %arg13[%swap3A_157], %broadcast_in_dim3A_7 {strides = array<i32>} : memref<1024xf32, #tpu.memory_space<vmem>>, vector<16xf32>,
    %swap3A_159 = arith.constant 192 : index
    %swap3A_160 = tpu.vector_load %arg13[%swap3A_159] {strides = array<i32>} : memref<1024xf32, #tpu.memory_space<vmem>>, vector<16xf32>,
    tpu.vector_store %arg13[%swap3A_159], %broadcast_in_dim3A_7 {strides = array<i32>} : memref<1024xf32, #tpu.memory_space<vmem>>, vector<16xf32>,
    %swap3A_161 = arith.constant 208 : index
    %swap3A_162 = tpu.vector_load %arg13[%swap3A_161] {strides = array<i32>} : memref<1024xf32, #tpu.memory_space<vmem>>, vector<16xf32>,
    tpu.vector_store %arg13[%swap3A_161], %broadcast_in_dim3A_7 {strides = array<i32>} : memref<1024xf32, #tpu.memory_space<vmem>>, vector<16xf32>,
    %swap3A_163 = arith.constant 224 : index
    %swap3A_164 = tpu.vector_load %arg13[%swap3A_163] {strides = array<i32>} : memref<1024xf32, #tpu.memory_space<vmem>>, vector<16xf32>,
    tpu.vector_store %arg13[%swap3A_163], %broadcast_in_dim3A_7 {strides = array<i32>} : memref<1024xf32, #tpu.memory_space<vmem>>, vector<16xf32>,
    %swap3A_165 = arith.constant 240 : index
    %swap3A_166 = tpu.vector_load %arg13[%swap3A_165] {strides = array<i32>} : memref<1024xf32, #tpu.memory_space<vmem>>, vector<16xf32>,
    tpu.vector_store %arg13[%swap3A_165], %broadcast_in_dim3A_7 {strides = array<i32>} : memref<1024xf32, #tpu.memory_space<vmem>>, vector<16xf32>,
    %swap3A_167 = arith.constant 256 : index
    %swap3A_168 = tpu.vector_load %arg13[%swap3A_167] {strides = array<i32>} : memref<1024xf32, #tpu.memory_space<vmem>>, vector<16xf32>,
    tpu.vector_store %arg13[%swap3A_167], %broadcast_in_dim3A_7 {strides = array<i32>} : memref<1024xf32, #tpu.memory_space<vmem>>, vector<16xf32>,
    %swap3A_169 = arith.constant 272 : index
    %swap3A_170 = tpu.vector_load %arg13[%swap3A_169] {strides = array<i32>} : memref<1024xf32, #tpu.memory_space<vmem>>, vector<16xf32>,
    tpu.vector_store %arg13[%swap3A_169], %broadcast_in_dim3A_7 {strides = array<i32>} : memref<1024xf32, #tpu.memory_space<vmem>>, vector<16xf32>,
    %swap3A_171 = arith.constant 288 : index
    %swap3A_172 = tpu.vector_load %arg13[%swap3A_171] {strides = array<i32>} : memref<1024xf32, #tpu.memory_space<vmem>>, vector<16xf32>,
    tpu.vector_store %arg13[%swap3A_171], %broadcast_in_dim3A_7 {strides = array<i32>} : memref<1024xf32, #tpu.memory_space<vmem>>, vector<16xf32>,
    %swap3A_173 = arith.constant 304 : index
    %swap3A_174 = tpu.vector_load %arg13[%swap3A_173] {strides = array<i32>} : memref<1024xf32, #tpu.memory_space<vmem>>, vector<16xf32>,
    tpu.vector_store %arg13[%swap3A_173], %broadcast_in_dim3A_7 {strides = array<i32>} : memref<1024xf32, #tpu.memory_space<vmem>>, vector<16xf32>,
    %swap3A_175 = arith.constant 320 : index
    %swap3A_176 = tpu.vector_load %arg13[%swap3A_175] {strides = array<i32>} : memref<1024xf32, #tpu.memory_space<vmem>>, vector<16xf32>,
    tpu.vector_store %arg13[%swap3A_175], %broadcast_in_dim3A_7 {strides = array<i32>} : memref<1024xf32, #tpu.memory_space<vmem>>, vector<16xf32>,
    %swap3A_177 = arith.constant 336 : index
    %swap3A_178 = tpu.vector_load %arg13[%swap3A_177] {strides = array<i32>} : memref<1024xf32, #tpu.memory_space<vmem>>, vector<16xf32>,
    tpu.vector_store %arg13[%swap3A_177], %broadcast_in_dim3A_7 {strides = array<i32>} : memref<1024xf32, #tpu.memory_space<vmem>>, vector<16xf32>,
    %swap3A_179 = arith.constant 352 : index
    %swap3A_180 = tpu.vector_load %arg13[%swap3A_179] {strides = array<i32>} : memref<1024xf32, #tpu.memory_space<vmem>>, vector<16xf32>,
    tpu.vector_store %arg13[%swap3A_179], %broadcast_in_dim3A_7 {strides = array<i32>} : memref<1024xf32, #tpu.memory_space<vmem>>, vector<16xf32>,
    %swap3A_181 = arith.constant 368 : index
    %swap3A_182 = tpu.vector_load %arg13[%swap3A_181] {strides = array<i32>} : memref<1024xf32, #tpu.memory_space<vmem>>, vector<16xf32>,
    tpu.vector_store %arg13[%swap3A_181], %broadcast_in_dim3A_7 {strides = array<i32>} : memref<1024xf32, #tpu.memory_space<vmem>>, vector<16xf32>,
    %swap3A_183 = arith.constant 384 : index
    %swap3A_184 = tpu.vector_load %arg13[%swap3A_183] {strides = array<i32>} : memref<1024xf32, #tpu.memory_space<vmem>>, vector<16xf32>,
    tpu.vector_store %arg13[%swap3A_183], %broadcast_in_dim3A_7 {strides = array<i32>} : memref<1024xf32, #tpu.memory_space<vmem>>, vector<16xf32>,
    %swap3A_185 = arith.constant 400 : index
    %swap3A_186 = tpu.vector_load %arg13[%swap3A_185] {strides = array<i32>} : memref<1024xf32, #tpu.memory_space<vmem>>, vector<16xf32>,
    tpu.vector_store %arg13[%swap3A_185], %broadcast_in_dim3A_7 {strides = array<i32>} : memref<1024xf32, #tpu.memory_space<vmem>>, vector<16xf32>,
    %swap3A_187 = arith.constant 416 : index
    %swap3A_188 = tpu.vector_load %arg13[%swap3A_187] {strides = array<i32>} : memref<1024xf32, #tpu.memory_space<vmem>>, vector<16xf32>,
    tpu.vector_store %arg13[%swap3A_187], %broadcast_in_dim3A_7 {strides = array<i32>} : memref<1024xf32, #tpu.memory_space<vmem>>, vector<16xf32>,
    %swap3A_189 = arith.constant 432 : index
    %swap3A_190 = tpu.vector_load %arg13[%swap3A_189] {strides = array<i32>} : memref<1024xf32, #tpu.memory_space<vmem>>, vector<16xf32>,
    tpu.vector_store %arg13[%swap3A_189], %broadcast_in_dim3A_7 {strides = array<i32>} : memref<1024xf32, #tpu.memory_space<vmem>>, vector<16xf32>,
    %swap3A_191 = arith.constant 448 : index
    %swap3A_192 = tpu.vector_load %arg13[%swap3A_191] {strides = array<i32>} : memref<1024xf32, #tpu.memory_space<vmem>>, vector<16xf32>,
    tpu.vector_store %arg13[%swap3A_191], %broadcast_in_dim3A_7 {strides = array<i32>} : memref<1024xf32, #tpu.memory_space<vmem>>, vector<16xf32>,
    %swap3A_193 = arith.constant 464 : index
    %swap3A_194 = tpu.vector_load %arg13[%swap3A_193] {strides = array<i32>} : memref<1024xf32, #tpu.memory_space<vmem>>, vector<16xf32>,
    tpu.vector_store %arg13[%swap3A_193], %broadcast_in_dim3A_7 {strides = array<i32>} : memref<1024xf32, #tpu.memory_space<vmem>>, vector<16xf32>,
    %swap3A_195 = arith.constant 480 : index
    %swap3A_196 = tpu.vector_load %arg13[%swap3A_195] {strides = array<i32>} : memref<1024xf32, #tpu.memory_space<vmem>>, vector<16xf32>,
    tpu.vector_store %arg13[%swap3A_195], %broadcast_in_dim3A_7 {strides = array<i32>} : memref<1024xf32, #tpu.memory_space<vmem>>, vector<16xf32>,
    %swap3A_197 = arith.constant 496 : index
    %swap3A_198 = tpu.vector_load %arg13[%swap3A_197] {strides = array<i32>} : memref<1024xf32, #tpu.memory_space<vmem>>, vector<16xf32>,
    tpu.vector_store %arg13[%swap3A_197], %broadcast_in_dim3A_7 {strides = array<i32>} : memref<1024xf32, #tpu.memory_space<vmem>>, vector<16xf32>,
    %swap3A_199 = arith.constant 512 : index
    %swap3A_200 = tpu.vector_load %arg13[%swap3A_199] {strides = array<i32>} : memref<1024xf32, #tpu.memory_space<vmem>>, vector<16xf32>,
    tpu.vector_store %arg13[%swap3A_199], %broadcast_in_dim3A_7 {strides = array<i32>} : memref<1024xf32, #tpu.memory_space<vmem>>, vector<16xf32>,
    %swap3A_201 = arith.constant 528 : index
    %swap3A_202 = tpu.vector_load %arg13[%swap3A_201] {strides = array<i32>} : memref<1024xf32, #tpu.memory_space<vmem>>, vector<16xf32>,
    tpu.vector_store %arg13[%swap3A_201], %broadcast_in_dim3A_7 {strides = array<i32>} : memref<1024xf32, #tpu.memory_space<vmem>>, vector<16xf32>,
    %swap3A_203 = arith.constant 544 : index
    %swap3A_204 = tpu.vector_load %arg13[%swap3A_203] {strides = array<i32>} : memref<1024xf32, #tpu.memory_space<vmem>>, vector<16xf32>,
    tpu.vector_store %arg13[%swap3A_203], %broadcast_in_dim3A_7 {strides = array<i32>} : memref<1024xf32, #tpu.memory_space<vmem>>, vector<16xf32>,
    %swap3A_205 = arith.constant 560 : index
    %swap3A_206 = tpu.vector_load %arg13[%swap3A_205] {strides = array<i32>} : memref<1024xf32, #tpu.memory_space<vmem>>, vector<16xf32>,
    tpu.vector_store %arg13[%swap3A_205], %broadcast_in_dim3A_7 {strides = array<i32>} : memref<1024xf32, #tpu.memory_space<vmem>>, vector<16xf32>,
    %swap3A_207 = arith.constant 576 : index
    %swap3A_208 = tpu.vector_load %arg13[%swap3A_207] {strides = array<i32>} : memref<1024xf32, #tpu.memory_space<vmem>>, vector<16xf32>,
    tpu.vector_store %arg13[%swap3A_207], %broadcast_in_dim3A_7 {strides = array<i32>} : memref<1024xf32, #tpu.memory_space<vmem>>, vector<16xf32>,
    %swap3A_209 = arith.constant 592 : index
    %swap3A_210 = tpu.vector_load %arg13[%swap3A_209] {strides = array<i32>} : memref<1024xf32, #tpu.memory_space<vmem>>, vector<16xf32>,
    tpu.vector_store %arg13[%swap3A_209], %broadcast_in_dim3A_7 {strides = array<i32>} : memref<1024xf32, #tpu.memory_space<vmem>>, vector<16xf32>,
    %swap3A_211 = arith.constant 608 : index
    %swap3A_212 = tpu.vector_load %arg13[%swap3A_211] {strides = array<i32>} : memref<1024xf32, #tpu.memory_space<vmem>>, vector<16xf32>,
    tpu.vector_store %arg13[%swap3A_211], %broadcast_in_dim3A_7 {strides = array<i32>} : memref<1024xf32, #tpu.memory_space<vmem>>, vector<16xf32>,
    %swap3A_213 = arith.constant 624 : index
    %swap3A_214 = tpu.vector_load %arg13[%swap3A_213] {strides = array<i32>} : memref<1024xf32, #tpu.memory_space<vmem>>, vector<16xf32>,
    tpu.vector_store %arg13[%swap3A_213], %broadcast_in_dim3A_7 {strides = array<i32>} : memref<1024xf32, #tpu.memory_space<vmem>>, vector<16xf32>,
    %swap3A_215 = arith.constant 640 : index
    %swap3A_216 = tpu.vector_load %arg13[%swap3A_215] {strides = array<i32>} : memref<1024xf32, #tpu.memory_space<vmem>>, vector<16xf32>,
    tpu.vector_store %arg13[%swap3A_215], %broadcast_in_dim3A_7 {strides = array<i32>} : memref<1024xf32, #tpu.memory_space<vmem>>, vector<16xf32>,
    %swap3A_217 = arith.constant 656 : index
    %swap3A_218 = tpu.vector_load %arg13[%swap3A_217] {strides = array<i32>} : memref<1024xf32, #tpu.memory_space<vmem>>, vector<16xf32>,
    tpu.vector_store %arg13[%swap3A_217], %broadcast_in_dim3A_7 {strides = array<i32>} : memref<1024xf32, #tpu.memory_space<vmem>>, vector<16xf32>,
    %swap3A_219 = arith.constant 672 : index
    %swap3A_220 = tpu.vector_load %arg13[%swap3A_219] {strides = array<i32>} : memref<1024xf32, #tpu.memory_space<vmem>>, vector<16xf32>,
    tpu.vector_store %arg13[%swap3A_219], %broadcast_in_dim3A_7 {strides = array<i32>} : memref<1024xf32, #tpu.memory_space<vmem>>, vector<16xf32>,
    %swap3A_221 = arith.constant 688 : index
    %swap3A_222 = tpu.vector_load %arg13[%swap3A_221] {strides = array<i32>} : memref<1024xf32, #tpu.memory_space<vmem>>, vector<16xf32>,
    tpu.vector_store %arg13[%swap3A_221], %broadcast_in_dim3A_7 {strides = array<i32>} : memref<1024xf32, #tpu.memory_space<vmem>>, vector<16xf32>,
    %swap3A_223 = arith.constant 704 : index
    %swap3A_224 = tpu.vector_load %arg13[%swap3A_223] {strides = array<i32>} : memref<1024xf32, #tpu.memory_space<vmem>>, vector<16xf32>,
    tpu.vector_store %arg13[%swap3A_223], %broadcast_in_dim3A_7 {strides = array<i32>} : memref<1024xf32, #tpu.memory_space<vmem>>, vector<16xf32>,
    %swap3A_225 = arith.constant 720 : index
    %swap3A_226 = tpu.vector_load %arg13[%swap3A_225] {strides = array<i32>} : memref<1024xf32, #tpu.memory_space<vmem>>, vector<16xf32>,
    tpu.vector_store %arg13[%swap3A_225], %broadcast_in_dim3A_7 {strides = array<i32>} : memref<1024xf32, #tpu.memory_space<vmem>>, vector<16xf32>,
    %swap3A_227 = arith.constant 736 : index
    %swap3A_228 = tpu.vector_load %arg13[%swap3A_227] {strides = array<i32>} : memref<1024xf32, #tpu.memory_space<vmem>>, vector<16xf32>,
    tpu.vector_store %arg13[%swap3A_227], %broadcast_in_dim3A_7 {strides = array<i32>} : memref<1024xf32, #tpu.memory_space<vmem>>, vector<16xf32>,
    %swap3A_229 = arith.constant 752 : index
    %swap3A_230 = tpu.vector_load %arg13[%swap3A_229] {strides = array<i32>} : memref<1024xf32, #tpu.memory_space<vmem>>, vector<16xf32>,
    tpu.vector_store %arg13[%swap3A_229], %broadcast_in_dim3A_7 {strides = array<i32>} : memref<1024xf32, #tpu.memory_space<vmem>>, vector<16xf32>,
    %swap3A_231 = arith.constant 768 : index
    %swap3A_232 = tpu.vector_load %arg13[%swap3A_231] {strides = array<i32>} : memref<1024xf32, #tpu.memory_space<vmem>>, vector<16xf32>,
    tpu.vector_store %arg13[%swap3A_231], %broadcast_in_dim3A_7 {strides = array<i32>} : memref<1024xf32, #tpu.memory_space<vmem>>, vector<16xf32>,
    %swap3A_233 = arith.constant 784 : index
    %swap3A_234 = tpu.vector_load %arg13[%swap3A_233] {strides = array<i32>} : memref<1024xf32, #tpu.memory_space<vmem>>, vector<16xf32>,
    tpu.vector_store %arg13[%swap3A_233], %broadcast_in_dim3A_7 {strides = array<i32>} : memref<1024xf32, #tpu.memory_space<vmem>>, vector<16xf32>,
    %swap3A_235 = arith.constant 800 : index
    %swap3A_236 = tpu.vector_load %arg13[%swap3A_235] {strides = array<i32>} : memref<1024xf32, #tpu.memory_space<vmem>>, vector<16xf32>,
    tpu.vector_store %arg13[%swap3A_235], %broadcast_in_dim3A_7 {strides = array<i32>} : memref<1024xf32, #tpu.memory_space<vmem>>, vector<16xf32>,
    %swap3A_237 = arith.constant 816 : index
    %swap3A_238 = tpu.vector_load %arg13[%swap3A_237] {strides = array<i32>} : memref<1024xf32, #tpu.memory_space<vmem>>, vector<16xf32>,
    tpu.vector_store %arg13[%swap3A_237], %broadcast_in_dim3A_7 {strides = array<i32>} : memref<1024xf32, #tpu.memory_space<vmem>>, vector<16xf32>,
    %swap3A_239 = arith.constant 832 : index
    %swap3A_240 = tpu.vector_load %arg13[%swap3A_239] {strides = array<i32>} : memref<1024xf32, #tpu.memory_space<vmem>>, vector<16xf32>,
    tpu.vector_store %arg13[%swap3A_239], %broadcast_in_dim3A_7 {strides = array<i32>} : memref<1024xf32, #tpu.memory_space<vmem>>, vector<16xf32>,
    %swap3A_241 = arith.constant 848 : index
    %swap3A_242 = tpu.vector_load %arg13[%swap3A_241] {strides = array<i32>} : memref<1024xf32, #tpu.memory_space<vmem>>, vector<16xf32>,
    tpu.vector_store %arg13[%swap3A_241], %broadcast_in_dim3A_7 {strides = array<i32>} : memref<1024xf32, #tpu.memory_space<vmem>>, vector<16xf32>,
    %swap3A_243 = arith.constant 864 : index
    %swap3A_244 = tpu.vector_load %arg13[%swap3A_243] {strides = array<i32>} : memref<1024xf32, #tpu.memory_space<vmem>>, vector<16xf32>,
    tpu.vector_store %arg13[%swap3A_243], %broadcast_in_dim3A_7 {strides = array<i32>} : memref<1024xf32, #tpu.memory_space<vmem>>, vector<16xf32>,
    %swap3A_245 = arith.constant 880 : index
    %swap3A_246 = tpu.vector_load %arg13[%swap3A_245] {strides = array<i32>} : memref<1024xf32, #tpu.memory_space<vmem>>, vector<16xf32>,
    tpu.vector_store %arg13[%swap3A_245], %broadcast_in_dim3A_7 {strides = array<i32>} : memref<1024xf32, #tpu.memory_space<vmem>>, vector<16xf32>,
    %swap3A_247 = arith.constant 896 : index
    %swap3A_248 = tpu.vector_load %arg13[%swap3A_247] {strides = array<i32>} : memref<1024xf32, #tpu.memory_space<vmem>>, vector<16xf32>,
    tpu.vector_store %arg13[%swap3A_247], %broadcast_in_dim3A_7 {strides = array<i32>} : memref<1024xf32, #tpu.memory_space<vmem>>, vector<16xf32>,
    %swap3A_249 = arith.constant 912 : index
    %swap3A_250 = tpu.vector_load %arg13[%swap3A_249] {strides = array<i32>} : memref<1024xf32, #tpu.memory_space<vmem>>, vector<16xf32>,
    tpu.vector_store %arg13[%swap3A_249], %broadcast_in_dim3A_7 {strides = array<i32>} : memref<1024xf32, #tpu.memory_space<vmem>>, vector<16xf32>,
    %swap3A_251 = arith.constant 928 : index
    %swap3A_252 = tpu.vector_load %arg13[%swap3A_251] {strides = array<i32>} : memref<1024xf32, #tpu.memory_space<vmem>>, vector<16xf32>,
    tpu.vector_store %arg13[%swap3A_251], %broadcast_in_dim3A_7 {strides = array<i32>} : memref<1024xf32, #tpu.memory_space<vmem>>, vector<16xf32>,
    %swap3A_253 = arith.constant 944 : index
    %swap3A_254 = tpu.vector_load %arg13[%swap3A_253] {strides = array<i32>} : memref<1024xf32, #tpu.memory_space<vmem>>, vector<16xf32>,
    tpu.vector_store %arg13[%swap3A_253], %broadcast_in_dim3A_7 {strides = array<i32>} : memref<1024xf32, #tpu.memory_space<vmem>>, vector<16xf32>,
    %swap3A_255 = arith.constant 960 : index
    %swap3A_256 = tpu.vector_load %arg13[%swap3A_255] {strides = array<i32>} : memref<1024xf32, #tpu.memory_space<vmem>>, vector<16xf32>,
    tpu.vector_store %arg13[%swap3A_255], %broadcast_in_dim3A_7 {strides = array<i32>} : memref<1024xf32, #tpu.memory_space<vmem>>, vector<16xf32>,
    %swap3A_257 = arith.constant 976 : index
    %swap3A_258 = tpu.vector_load %arg13[%swap3A_257] {strides = array<i32>} : memref<1024xf32, #tpu.memory_space<vmem>>, vector<16xf32>,
    tpu.vector_store %arg13[%swap3A_257], %broadcast_in_dim3A_7 {strides = array<i32>} : memref<1024xf32, #tpu.memory_space<vmem>>, vector<16xf32>,
    %swap3A_259 = arith.constant 992 : index
    %swap3A_260 = tpu.vector_load %arg13[%swap3A_259] {strides = array<i32>} : memref<1024xf32, #tpu.memory_space<vmem>>, vector<16xf32>,
    tpu.vector_store %arg13[%swap3A_259], %broadcast_in_dim3A_7 {strides = array<i32>} : memref<1024xf32, #tpu.memory_space<vmem>>, vector<16xf32>,
    %swap3A_261 = arith.constant 1008 : index
    %swap3A_262 = tpu.vector_load %arg13[%swap3A_261] {strides = array<i32>} : memref<1024xf32, #tpu.memory_space<vmem>>, vector<16xf32>,
    tpu.vector_store %arg13[%swap3A_261], %broadcast_in_dim3A_7 {strides = array<i32>} : memref<1024xf32, #tpu.memory_space<vmem>>, vector<16xf32>,
    %add3A_263 = arith.constant 0 : i32
    %add3A_264 = arith.addi %mul3A_2, %add3A_263 : i32
    %dma_start3A = arith.constant 0 : i32
    %dma_start3A_265 = arith.constant 0 : i32
    %dma_start3A_266 = tpu.memref_slice %arg2[%add3A_264] : memref<16777216xf32, #tpu.memory_space<hbm>> -> memref<16384xf32, #tpu.memory_space<hbm>>
    %dma_start3A_267 = tpu.memref_slice %arg16[%dma_start3A, %dma_start3A_265] : memref<2x2x!tpu.dma_semaphore, #tpu.memory_space<semaphore_mem>> -> memref<1x1x!tpu.dma_semaphore, #tpu.memory_space<semaphore_mem>>
    %dma_start3A_268 = tpu.memref_squeeze %dma_start3A_267 : memref<1x1x!tpu.dma_semaphore, #tpu.memory_space<semaphore_mem>> -> memref<!tpu.dma_semaphore, #tpu.memory_space<semaphore_mem>>
    %dma_start3A_269 = tpu.memref_slice %arg2[%add3A_264] : memref<16777216xf32, #tpu.memory_space<hbm>> -> memref<16384xf32, #tpu.memory_space<hbm>>
    tpu.enqueue_dma source(%dma_start3A_269 : memref<16384xf32, #tpu.memory_space<hbm>>) target(%arg8 : memref<16384xf32, #tpu.memory_space<vmem>>) target_semaphore(%dma_start3A_268 : memref<!tpu.dma_semaphore, #tpu.memory_space<semaphore_mem>>)
    %dma_start3A_270 = arith.constant 1 : i32
    %dma_start3A_271 = arith.constant 0 : i32
    %dma_start3A_272 = tpu.memref_slice %arg3[%add3A_264] : memref<16777216xf32, #tpu.memory_space<hbm>> -> memref<16384xf32, #tpu.memory_space<hbm>>
    %dma_start3A_273 = tpu.memref_slice %arg16[%dma_start3A_270, %dma_start3A_271] : memref<2x2x!tpu.dma_semaphore, #tpu.memory_space<semaphore_mem>> -> memref<1x1x!tpu.dma_semaphore, #tpu.memory_space<semaphore_mem>>
    %dma_start3A_274 = tpu.memref_squeeze %dma_start3A_273 : memref<1x1x!tpu.dma_semaphore, #tpu.memory_space<semaphore_mem>> -> memref<!tpu.dma_semaphore, #tpu.memory_space<semaphore_mem>>
    %dma_start3A_275 = tpu.memref_slice %arg3[%add3A_264] : memref<16777216xf32, #tpu.memory_space<hbm>> -> memref<16384xf32, #tpu.memory_space<hbm>>
    tpu.enqueue_dma source(%dma_start3A_275 : memref<16384xf32, #tpu.memory_space<hbm>>) target(%arg10 : memref<16384xf32, #tpu.memory_space<vmem>>) target_semaphore(%dma_start3A_274 : memref<!tpu.dma_semaphore, #tpu.memory_space<semaphore_mem>>)
    %add3A_276 = arith.constant 16384 : i32
    %add3A_277 = arith.addi %mul3A_2, %add3A_276 : i32
    %dma_start3A_278 = arith.constant 0 : i32
    %dma_start3A_279 = arith.constant 1 : i32
    %dma_start3A_280 = tpu.memref_slice %arg2[%add3A_277] : memref<16777216xf32, #tpu.memory_space<hbm>> -> memref<16384xf32, #tpu.memory_space<hbm>>
    %dma_start3A_281 = tpu.memref_slice %arg16[%dma_start3A_278, %dma_start3A_279] : memref<2x2x!tpu.dma_semaphore, #tpu.memory_space<semaphore_mem>> -> memref<1x1x!tpu.dma_semaphore, #tpu.memory_space<semaphore_mem>>
    %dma_start3A_282 = tpu.memref_squeeze %dma_start3A_281 : memref<1x1x!tpu.dma_semaphore, #tpu.memory_space<semaphore_mem>> -> memref<!tpu.dma_semaphore, #tpu.memory_space<semaphore_mem>>
    %dma_start3A_283 = tpu.memref_slice %arg2[%add3A_277] : memref<16777216xf32, #tpu.memory_space<hbm>> -> memref<16384xf32, #tpu.memory_space<hbm>>
    tpu.enqueue_dma source(%dma_start3A_283 : memref<16384xf32, #tpu.memory_space<hbm>>) target(%arg9 : memref<16384xf32, #tpu.memory_space<vmem>>) target_semaphore(%dma_start3A_282 : memref<!tpu.dma_semaphore, #tpu.memory_space<semaphore_mem>>)
    %dma_start3A_284 = arith.constant 1 : i32
    %dma_start3A_285 = arith.constant 1 : i32
    %dma_start3A_286 = tpu.memref_slice %arg3[%add3A_277] : memref<16777216xf32, #tpu.memory_space<hbm>> -> memref<16384xf32, #tpu.memory_space<hbm>>
    %dma_start3A_287 = tpu.memref_slice %arg16[%dma_start3A_284, %dma_start3A_285] : memref<2x2x!tpu.dma_semaphore, #tpu.memory_space<semaphore_mem>> -> memref<1x1x!tpu.dma_semaphore, #tpu.memory_space<semaphore_mem>>
    %dma_start3A_288 = tpu.memref_squeeze %dma_start3A_287 : memref<1x1x!tpu.dma_semaphore, #tpu.memory_space<semaphore_mem>> -> memref<!tpu.dma_semaphore, #tpu.memory_space<semaphore_mem>>
    %dma_start3A_289 = tpu.memref_slice %arg3[%add3A_277] : memref<16777216xf32, #tpu.memory_space<hbm>> -> memref<16384xf32, #tpu.memory_space<hbm>>
    tpu.enqueue_dma source(%dma_start3A_289 : memref<16384xf32, #tpu.memory_space<hbm>>) target(%arg11 : memref<16384xf32, #tpu.memory_space<vmem>>) target_semaphore(%dma_start3A_288 : memref<!tpu.dma_semaphore, #tpu.memory_space<semaphore_mem>>)
    %broadcast_in_dim3A_290 = arith.constant 1.000000e+00 : f32
    %broadcast_in_dim3A_291 = vector.broadcast %broadcast_in_dim3A_290 : f32 to vector<16xf32>
    %broadcast_in_dim3A_292 = arith.constant 1.023000e+03 : f32
    %broadcast_in_dim3A_293 = vector.broadcast %broadcast_in_dim3A_292 : f32 to vector<16xf32>
    %scan3A = arith.constant 0 : i32
    %scan3A_294 = arith.constant 14 : i32
    %scan3A_295 = arith.addi %scan3A, %scan3A_294 : i32
    %scan3A_296 = arith.constant 1 : i32
    scf.for %scan3A_780 = %scan3A to %scan3A_295 step %scan3A_296  : i32 {
      %mul3A_781 = arith.constant 2 : i32
      %mul3A_782 = arith.muli %scan3A_780, %mul3A_781 : i32
      %add3A_783 = arith.constant 0 : i32
      %add3A_784 = arith.addi %add3A_783, %mul3A_782 : i32
      %dma_wait3A = arith.constant 0 : i32
      %dma_wait3A_785 = arith.constant 0 : i32
      %dma_wait3A_786 = arith.constant 0 : i32
      %dma_wait3A_787 = tpu.memref_slice %arg2[%dma_wait3A_786] : memref<16777216xf32, #tpu.memory_space<hbm>> -> memref<16384xf32, #tpu.memory_space<hbm>>
      %dma_wait3A_788 = tpu.memref_slice %arg16[%dma_wait3A, %dma_wait3A_785] : memref<2x2x!tpu.dma_semaphore, #tpu.memory_space<semaphore_mem>> -> memref<1x1x!tpu.dma_semaphore, #tpu.memory_space<semaphore_mem>>
      %dma_wait3A_789 = tpu.memref_squeeze %dma_wait3A_788 : memref<1x1x!tpu.dma_semaphore, #tpu.memory_space<semaphore_mem>> -> memref<!tpu.dma_semaphore, #tpu.memory_space<semaphore_mem>>
      %dma_wait3A_790 = arith.constant 0 : i32
      %dma_wait3A_791 = tpu.memref_slice %arg2[%dma_wait3A_790] : memref<16777216xf32, #tpu.memory_space<hbm>> -> memref<16384xf32, #tpu.memory_space<hbm>>
      tpu.wait_dma2 semaphore(%dma_wait3A_789 : memref<!tpu.dma_semaphore, #tpu.memory_space<semaphore_mem>>) src(%dma_wait3A_791 : memref<16384xf32, #tpu.memory_space<hbm>>) dst(%arg8 : memref<16384xf32, #tpu.memory_space<vmem>>)
      %dma_wait3A_792 = arith.constant 1 : i32
      %dma_wait3A_793 = arith.constant 0 : i32
      %dma_wait3A_794 = arith.constant 0 : i32
      %dma_wait3A_795 = tpu.memref_slice %arg3[%dma_wait3A_794] : memref<16777216xf32, #tpu.memory_space<hbm>> -> memref<16384xf32, #tpu.memory_space<hbm>>
      %dma_wait3A_796 = tpu.memref_slice %arg16[%dma_wait3A_792, %dma_wait3A_793] : memref<2x2x!tpu.dma_semaphore, #tpu.memory_space<semaphore_mem>> -> memref<1x1x!tpu.dma_semaphore, #tpu.memory_space<semaphore_mem>>
      %dma_wait3A_797 = tpu.memref_squeeze %dma_wait3A_796 : memref<1x1x!tpu.dma_semaphore, #tpu.memory_space<semaphore_mem>> -> memref<!tpu.dma_semaphore, #tpu.memory_space<semaphore_mem>>
      %dma_wait3A_798 = arith.constant 0 : i32
      %dma_wait3A_799 = tpu.memref_slice %arg3[%dma_wait3A_798] : memref<16777216xf32, #tpu.memory_space<hbm>> -> memref<16384xf32, #tpu.memory_space<hbm>>
      tpu.wait_dma2 semaphore(%dma_wait3A_797 : memref<!tpu.dma_semaphore, #tpu.memory_space<semaphore_mem>>) src(%dma_wait3A_799 : memref<16384xf32, #tpu.memory_space<hbm>>) dst(%arg10 : memref<16384xf32, #tpu.memory_space<vmem>>)
      %parallel_loop3A = arith.constant 0 : i32
      %parallel_loop3A_800 = arith.constant 16384 : i32
      %parallel_loop3A_801 = arith.constant 16 : i32
      scf.for %parallel_loop3A_832 = %parallel_loop3A to %parallel_loop3A_800 step %parallel_loop3A_801  : i32 {
        %parallel_loop3A_833 = arith.index_cast %parallel_loop3A_832 : i32 to index
        %parallel_loop3A_834 = tpu.vector_load %arg8[%parallel_loop3A_833] {strides = array<i32>} : memref<16384xf32, #tpu.memory_space<vmem>>, vector<16xf32>,
        %parallel_loop3A_835 = arith.subf %parallel_loop3A_834, %get3A_4 : vector<16xf32>
        %parallel_loop3A_836 = arith.mulf %parallel_loop3A_835, %get3A_6 : vector<16xf32>
        %parallel_loop3A_837 = arith.minimumf %parallel_loop3A_836, %broadcast_in_dim3A_293 : vector<16xf32>
        %parallel_loop3A_838 = arith.fptosi %parallel_loop3A_837 : vector<16xf32> to vector<16xi32>
        tpu.vector_store_idx %arg12[%parallel_loop3A_838], %broadcast_in_dim3A_291 {add = true} : memref<1024xf32, #tpu.memory_space<vmem>>[vector<16xi32>], vector<16xf32>,
        %parallel_loop3A_839 = arith.index_cast %parallel_loop3A_832 : i32 to index
        %parallel_loop3A_840 = tpu.vector_load %arg10[%parallel_loop3A_839] {strides = array<i32>} : memref<16384xf32, #tpu.memory_space<vmem>>, vector<16xf32>,
        %parallel_loop3A_841 = arith.subf %parallel_loop3A_840, %get3A_4 : vector<16xf32>
        %parallel_loop3A_842 = arith.mulf %parallel_loop3A_841, %get3A_6 : vector<16xf32>
        %parallel_loop3A_843 = arith.minimumf %parallel_loop3A_842, %broadcast_in_dim3A_293 : vector<16xf32>
        %parallel_loop3A_844 = arith.fptosi %parallel_loop3A_843 : vector<16xf32> to vector<16xi32>
        tpu.vector_store_idx %arg13[%parallel_loop3A_844], %broadcast_in_dim3A_291 {add = true} : memref<1024xf32, #tpu.memory_space<vmem>>[vector<16xi32>], vector<16xf32>,
      } {sc.loop_unroll_factor = 8 : i64, sc.parallel_access}
      %add3A_802 = arith.constant 2 : i32
      %add3A_803 = arith.addi %add3A_784, %add3A_802 : i32
      %lt3A = arith.constant 28 : i32
      %lt3A_804 = arith.cmpi slt, %add3A_803, %lt3A : i32
      %convert_element_type3A = arith.extui %lt3A_804 : i1 to i32
      %cond3A = arith.constant 0 : i32
      %cond3A_805 = arith.cmpi ne, %convert_element_type3A, %cond3A : i32
      scf.if %cond3A_805 {
        %add3A_832 = arith.constant 2 : i32
        %add3A_833 = arith.addi %add3A_784, %add3A_832 : i32
        %mul3A_834 = arith.constant 16384 : i32
        %mul3A_835 = arith.muli %add3A_833, %mul3A_834 : i32
        %add3A_836 = arith.addi %mul3A_2, %mul3A_835 : i32
        %dma_start3A_837 = arith.constant 0 : i32
        %dma_start3A_838 = arith.constant 0 : i32
        %dma_start3A_839 = tpu.memref_slice %arg2[%add3A_836] : memref<16777216xf32, #tpu.memory_space<hbm>> -> memref<16384xf32, #tpu.memory_space<hbm>>
        %dma_start3A_840 = tpu.memref_slice %arg16[%dma_start3A_837, %dma_start3A_838] : memref<2x2x!tpu.dma_semaphore, #tpu.memory_space<semaphore_mem>> -> memref<1x1x!tpu.dma_semaphore, #tpu.memory_space<semaphore_mem>>
        %dma_start3A_841 = tpu.memref_squeeze %dma_start3A_840 : memref<1x1x!tpu.dma_semaphore, #tpu.memory_space<semaphore_mem>> -> memref<!tpu.dma_semaphore, #tpu.memory_space<semaphore_mem>>
        %dma_start3A_842 = tpu.memref_slice %arg2[%add3A_836] : memref<16777216xf32, #tpu.memory_space<hbm>> -> memref<16384xf32, #tpu.memory_space<hbm>>
        tpu.enqueue_dma source(%dma_start3A_842 : memref<16384xf32, #tpu.memory_space<hbm>>) target(%arg8 : memref<16384xf32, #tpu.memory_space<vmem>>) target_semaphore(%dma_start3A_841 : memref<!tpu.dma_semaphore, #tpu.memory_space<semaphore_mem>>)
        %dma_start3A_843 = arith.constant 1 : i32
        %dma_start3A_844 = arith.constant 0 : i32
        %dma_start3A_845 = tpu.memref_slice %arg3[%add3A_836] : memref<16777216xf32, #tpu.memory_space<hbm>> -> memref<16384xf32, #tpu.memory_space<hbm>>
        %dma_start3A_846 = tpu.memref_slice %arg16[%dma_start3A_843, %dma_start3A_844] : memref<2x2x!tpu.dma_semaphore, #tpu.memory_space<semaphore_mem>> -> memref<1x1x!tpu.dma_semaphore, #tpu.memory_space<semaphore_mem>>
        %dma_start3A_847 = tpu.memref_squeeze %dma_start3A_846 : memref<1x1x!tpu.dma_semaphore, #tpu.memory_space<semaphore_mem>> -> memref<!tpu.dma_semaphore, #tpu.memory_space<semaphore_mem>>
        %dma_start3A_848 = tpu.memref_slice %arg3[%add3A_836] : memref<16777216xf32, #tpu.memory_space<hbm>> -> memref<16384xf32, #tpu.memory_space<hbm>>
        tpu.enqueue_dma source(%dma_start3A_848 : memref<16384xf32, #tpu.memory_space<hbm>>) target(%arg10 : memref<16384xf32, #tpu.memory_space<vmem>>) target_semaphore(%dma_start3A_847 : memref<!tpu.dma_semaphore, #tpu.memory_space<semaphore_mem>>)
      } else {
      }
      %dma_wait3A_806 = arith.constant 0 : i32
      %dma_wait3A_807 = arith.constant 1 : i32
      %dma_wait3A_808 = arith.constant 0 : i32
      %dma_wait3A_809 = tpu.memref_slice %arg2[%dma_wait3A_808] : memref<16777216xf32, #tpu.memory_space<hbm>> -> memref<16384xf32, #tpu.memory_space<hbm>>
      %dma_wait3A_810 = tpu.memref_slice %arg16[%dma_wait3A_806, %dma_wait3A_807] : memref<2x2x!tpu.dma_semaphore, #tpu.memory_space<semaphore_mem>> -> memref<1x1x!tpu.dma_semaphore, #tpu.memory_space<semaphore_mem>>
      %dma_wait3A_811 = tpu.memref_squeeze %dma_wait3A_810 : memref<1x1x!tpu.dma_semaphore, #tpu.memory_space<semaphore_mem>> -> memref<!tpu.dma_semaphore, #tpu.memory_space<semaphore_mem>>
      %dma_wait3A_812 = arith.constant 0 : i32
      %dma_wait3A_813 = tpu.memref_slice %arg2[%dma_wait3A_812] : memref<16777216xf32, #tpu.memory_space<hbm>> -> memref<16384xf32, #tpu.memory_space<hbm>>
      tpu.wait_dma2 semaphore(%dma_wait3A_811 : memref<!tpu.dma_semaphore, #tpu.memory_space<semaphore_mem>>) src(%dma_wait3A_813 : memref<16384xf32, #tpu.memory_space<hbm>>) dst(%arg9 : memref<16384xf32, #tpu.memory_space<vmem>>)
      %dma_wait3A_814 = arith.constant 1 : i32
      %dma_wait3A_815 = arith.constant 1 : i32
      %dma_wait3A_816 = arith.constant 0 : i32
      %dma_wait3A_817 = tpu.memref_slice %arg3[%dma_wait3A_816] : memref<16777216xf32, #tpu.memory_space<hbm>> -> memref<16384xf32, #tpu.memory_space<hbm>>
      %dma_wait3A_818 = tpu.memref_slice %arg16[%dma_wait3A_814, %dma_wait3A_815] : memref<2x2x!tpu.dma_semaphore, #tpu.memory_space<semaphore_mem>> -> memref<1x1x!tpu.dma_semaphore, #tpu.memory_space<semaphore_mem>>
      %dma_wait3A_819 = tpu.memref_squeeze %dma_wait3A_818 : memref<1x1x!tpu.dma_semaphore, #tpu.memory_space<semaphore_mem>> -> memref<!tpu.dma_semaphore, #tpu.memory_space<semaphore_mem>>
      %dma_wait3A_820 = arith.constant 0 : i32
      %dma_wait3A_821 = tpu.memref_slice %arg3[%dma_wait3A_820] : memref<16777216xf32, #tpu.memory_space<hbm>> -> memref<16384xf32, #tpu.memory_space<hbm>>
      tpu.wait_dma2 semaphore(%dma_wait3A_819 : memref<!tpu.dma_semaphore, #tpu.memory_space<semaphore_mem>>) src(%dma_wait3A_821 : memref<16384xf32, #tpu.memory_space<hbm>>) dst(%arg11 : memref<16384xf32, #tpu.memory_space<vmem>>)
      %parallel_loop3A_822 = arith.constant 0 : i32
      %parallel_loop3A_823 = arith.constant 16384 : i32
      %parallel_loop3A_824 = arith.constant 16 : i32
      scf.for %parallel_loop3A_832 = %parallel_loop3A_822 to %parallel_loop3A_823 step %parallel_loop3A_824  : i32 {
        %parallel_loop3A_833 = arith.index_cast %parallel_loop3A_832 : i32 to index
        %parallel_loop3A_834 = tpu.vector_load %arg9[%parallel_loop3A_833] {strides = array<i32>} : memref<16384xf32, #tpu.memory_space<vmem>>, vector<16xf32>,
        %parallel_loop3A_835 = arith.subf %parallel_loop3A_834, %get3A_4 : vector<16xf32>
        %parallel_loop3A_836 = arith.mulf %parallel_loop3A_835, %get3A_6 : vector<16xf32>
        %parallel_loop3A_837 = arith.minimumf %parallel_loop3A_836, %broadcast_in_dim3A_293 : vector<16xf32>
        %parallel_loop3A_838 = arith.fptosi %parallel_loop3A_837 : vector<16xf32> to vector<16xi32>
        tpu.vector_store_idx %arg12[%parallel_loop3A_838], %broadcast_in_dim3A_291 {add = true} : memref<1024xf32, #tpu.memory_space<vmem>>[vector<16xi32>], vector<16xf32>,
        %parallel_loop3A_839 = arith.index_cast %parallel_loop3A_832 : i32 to index
        %parallel_loop3A_840 = tpu.vector_load %arg11[%parallel_loop3A_839] {strides = array<i32>} : memref<16384xf32, #tpu.memory_space<vmem>>, vector<16xf32>,
        %parallel_loop3A_841 = arith.subf %parallel_loop3A_840, %get3A_4 : vector<16xf32>
        %parallel_loop3A_842 = arith.mulf %parallel_loop3A_841, %get3A_6 : vector<16xf32>
        %parallel_loop3A_843 = arith.minimumf %parallel_loop3A_842, %broadcast_in_dim3A_293 : vector<16xf32>
        %parallel_loop3A_844 = arith.fptosi %parallel_loop3A_843 : vector<16xf32> to vector<16xi32>
        tpu.vector_store_idx %arg13[%parallel_loop3A_844], %broadcast_in_dim3A_291 {add = true} : memref<1024xf32, #tpu.memory_space<vmem>>[vector<16xi32>], vector<16xf32>,
      } {sc.loop_unroll_factor = 8 : i64, sc.parallel_access}
      %add3A_825 = arith.constant 3 : i32
      %add3A_826 = arith.addi %add3A_784, %add3A_825 : i32
      %lt3A_827 = arith.constant 28 : i32
      %lt3A_828 = arith.cmpi slt, %add3A_826, %lt3A_827 : i32
      %convert_element_type3A_829 = arith.extui %lt3A_828 : i1 to i32
      %cond3A_830 = arith.constant 0 : i32
      %cond3A_831 = arith.cmpi ne, %convert_element_type3A_829, %cond3A_830 : i32
      scf.if %cond3A_831 {
        %add3A_832 = arith.constant 3 : i32
        %add3A_833 = arith.addi %add3A_784, %add3A_832 : i32
        %mul3A_834 = arith.constant 16384 : i32
        %mul3A_835 = arith.muli %add3A_833, %mul3A_834 : i32
        %add3A_836 = arith.addi %mul3A_2, %mul3A_835 : i32
        %dma_start3A_837 = arith.constant 0 : i32
        %dma_start3A_838 = arith.constant 1 : i32
        %dma_start3A_839 = tpu.memref_slice %arg2[%add3A_836] : memref<16777216xf32, #tpu.memory_space<hbm>> -> memref<16384xf32, #tpu.memory_space<hbm>>
        %dma_start3A_840 = tpu.memref_slice %arg16[%dma_start3A_837, %dma_start3A_838] : memref<2x2x!tpu.dma_semaphore, #tpu.memory_space<semaphore_mem>> -> memref<1x1x!tpu.dma_semaphore, #tpu.memory_space<semaphore_mem>>
        %dma_start3A_841 = tpu.memref_squeeze %dma_start3A_840 : memref<1x1x!tpu.dma_semaphore, #tpu.memory_space<semaphore_mem>> -> memref<!tpu.dma_semaphore, #tpu.memory_space<semaphore_mem>>
        %dma_start3A_842 = tpu.memref_slice %arg2[%add3A_836] : memref<16777216xf32, #tpu.memory_space<hbm>> -> memref<16384xf32, #tpu.memory_space<hbm>>
        tpu.enqueue_dma source(%dma_start3A_842 : memref<16384xf32, #tpu.memory_space<hbm>>) target(%arg9 : memref<16384xf32, #tpu.memory_space<vmem>>) target_semaphore(%dma_start3A_841 : memref<!tpu.dma_semaphore, #tpu.memory_space<semaphore_mem>>)
        %dma_start3A_843 = arith.constant 1 : i32
        %dma_start3A_844 = arith.constant 1 : i32
        %dma_start3A_845 = tpu.memref_slice %arg3[%add3A_836] : memref<16777216xf32, #tpu.memory_space<hbm>> -> memref<16384xf32, #tpu.memory_space<hbm>>
        %dma_start3A_846 = tpu.memref_slice %arg16[%dma_start3A_843, %dma_start3A_844] : memref<2x2x!tpu.dma_semaphore, #tpu.memory_space<semaphore_mem>> -> memref<1x1x!tpu.dma_semaphore, #tpu.memory_space<semaphore_mem>>
        %dma_start3A_847 = tpu.memref_squeeze %dma_start3A_846 : memref<1x1x!tpu.dma_semaphore, #tpu.memory_space<semaphore_mem>> -> memref<!tpu.dma_semaphore, #tpu.memory_space<semaphore_mem>>
        %dma_start3A_848 = tpu.memref_slice %arg3[%add3A_836] : memref<16777216xf32, #tpu.memory_space<hbm>> -> memref<16384xf32, #tpu.memory_space<hbm>>
        tpu.enqueue_dma source(%dma_start3A_848 : memref<16384xf32, #tpu.memory_space<hbm>>) target(%arg11 : memref<16384xf32, #tpu.memory_space<vmem>>) target_semaphore(%dma_start3A_847 : memref<!tpu.dma_semaphore, #tpu.memory_space<semaphore_mem>>)
      } else {
      }
    }
    %scan3A_297 = arith.constant 14 : i32
    %iota3A = tpu.iota {dimensions = array<i32: 0>} : vector<16xi32>
    %mul3A_298 = arith.constant 16 : i32
    %mul3A_299 = vector.broadcast %mul3A_298 : i32 to vector<16xi32>
    %mul3A_300 = arith.muli %iota3A, %mul3A_299 : vector<16xi32>
    %broadcast_in_dim3A_301 = arith.constant 0.000000e+00 : f32
    %broadcast_in_dim3A_302 = vector.broadcast %broadcast_in_dim3A_301 : f32 to vector<16xf32>
    %broadcast_in_dim3A_303 = arith.constant 0.000000e+00 : f32
    %broadcast_in_dim3A_304 = vector.broadcast %broadcast_in_dim3A_303 : f32 to vector<16xf32>
    %add3A_305 = arith.constant 0 : i32
    %add3A_306 = vector.broadcast %add3A_305 : i32 to vector<16xi32>
    %add3A_307 = arith.addi %mul3A_300, %add3A_306 : vector<16xi32>
    %gather3A = tpu.vector_load_idx %arg12[%add3A_307] : memref<1024xf32, #tpu.memory_space<vmem>>[vector<16xi32>], vector<16xf32>,
    %add3A_308 = arith.addf %broadcast_in_dim3A_302, %gather3A : vector<16xf32>
    %gather3A_309 = tpu.vector_load_idx %arg13[%add3A_307] : memref<1024xf32, #tpu.memory_space<vmem>>[vector<16xi32>], vector<16xf32>,
    %add3A_310 = arith.addf %broadcast_in_dim3A_304, %gather3A_309 : vector<16xf32>
    %add3A_311 = arith.constant 1 : i32
    %add3A_312 = vector.broadcast %add3A_311 : i32 to vector<16xi32>
    %add3A_313 = arith.addi %mul3A_300, %add3A_312 : vector<16xi32>
    %gather3A_314 = tpu.vector_load_idx %arg12[%add3A_313] : memref<1024xf32, #tpu.memory_space<vmem>>[vector<16xi32>], vector<16xf32>,
    %add3A_315 = arith.addf %add3A_308, %gather3A_314 : vector<16xf32>
    %gather3A_316 = tpu.vector_load_idx %arg13[%add3A_313] : memref<1024xf32, #tpu.memory_space<vmem>>[vector<16xi32>], vector<16xf32>,
    %add3A_317 = arith.addf %add3A_310, %gather3A_316 : vector<16xf32>
    %add3A_318 = arith.constant 2 : i32
    %add3A_319 = vector.broadcast %add3A_318 : i32 to vector<16xi32>
    %add3A_320 = arith.addi %mul3A_300, %add3A_319 : vector<16xi32>
    %gather3A_321 = tpu.vector_load_idx %arg12[%add3A_320] : memref<1024xf32, #tpu.memory_space<vmem>>[vector<16xi32>], vector<16xf32>,
    %add3A_322 = arith.addf %add3A_315, %gather3A_321 : vector<16xf32>
    %gather3A_323 = tpu.vector_load_idx %arg13[%add3A_320] : memref<1024xf32, #tpu.memory_space<vmem>>[vector<16xi32>], vector<16xf32>,
    %add3A_324 = arith.addf %add3A_317, %gather3A_323 : vector<16xf32>
    %add3A_325 = arith.constant 3 : i32
    %add3A_326 = vector.broadcast %add3A_325 : i32 to vector<16xi32>
    %add3A_327 = arith.addi %mul3A_300, %add3A_326 : vector<16xi32>
    %gather3A_328 = tpu.vector_load_idx %arg12[%add3A_327] : memref<1024xf32, #tpu.memory_space<vmem>>[vector<16xi32>], vector<16xf32>,
    %add3A_329 = arith.addf %add3A_322, %gather3A_328 : vector<16xf32>
    %gather3A_330 = tpu.vector_load_idx %arg13[%add3A_327] : memref<1024xf32, #tpu.memory_space<vmem>>[vector<16xi32>], vector<16xf32>,
    %add3A_331 = arith.addf %add3A_324, %gather3A_330 : vector<16xf32>
    %add3A_332 = arith.constant 4 : i32
    %add3A_333 = vector.broadcast %add3A_332 : i32 to vector<16xi32>
    %add3A_334 = arith.addi %mul3A_300, %add3A_333 : vector<16xi32>
    %gather3A_335 = tpu.vector_load_idx %arg12[%add3A_334] : memref<1024xf32, #tpu.memory_space<vmem>>[vector<16xi32>], vector<16xf32>,
    %add3A_336 = arith.addf %add3A_329, %gather3A_335 : vector<16xf32>
    %gather3A_337 = tpu.vector_load_idx %arg13[%add3A_334] : memref<1024xf32, #tpu.memory_space<vmem>>[vector<16xi32>], vector<16xf32>,
    %add3A_338 = arith.addf %add3A_331, %gather3A_337 : vector<16xf32>
    %add3A_339 = arith.constant 5 : i32
    %add3A_340 = vector.broadcast %add3A_339 : i32 to vector<16xi32>
    %add3A_341 = arith.addi %mul3A_300, %add3A_340 : vector<16xi32>
    %gather3A_342 = tpu.vector_load_idx %arg12[%add3A_341] : memref<1024xf32, #tpu.memory_space<vmem>>[vector<16xi32>], vector<16xf32>,
    %add3A_343 = arith.addf %add3A_336, %gather3A_342 : vector<16xf32>
    %gather3A_344 = tpu.vector_load_idx %arg13[%add3A_341] : memref<1024xf32, #tpu.memory_space<vmem>>[vector<16xi32>], vector<16xf32>,
    %add3A_345 = arith.addf %add3A_338, %gather3A_344 : vector<16xf32>
    %add3A_346 = arith.constant 6 : i32
    %add3A_347 = vector.broadcast %add3A_346 : i32 to vector<16xi32>
    %add3A_348 = arith.addi %mul3A_300, %add3A_347 : vector<16xi32>
    %gather3A_349 = tpu.vector_load_idx %arg12[%add3A_348] : memref<1024xf32, #tpu.memory_space<vmem>>[vector<16xi32>], vector<16xf32>,
    %add3A_350 = arith.addf %add3A_343, %gather3A_349 : vector<16xf32>
    %gather3A_351 = tpu.vector_load_idx %arg13[%add3A_348] : memref<1024xf32, #tpu.memory_space<vmem>>[vector<16xi32>], vector<16xf32>,
    %add3A_352 = arith.addf %add3A_345, %gather3A_351 : vector<16xf32>
    %add3A_353 = arith.constant 7 : i32
    %add3A_354 = vector.broadcast %add3A_353 : i32 to vector<16xi32>
    %add3A_355 = arith.addi %mul3A_300, %add3A_354 : vector<16xi32>
    %gather3A_356 = tpu.vector_load_idx %arg12[%add3A_355] : memref<1024xf32, #tpu.memory_space<vmem>>[vector<16xi32>], vector<16xf32>,
    %add3A_357 = arith.addf %add3A_350, %gather3A_356 : vector<16xf32>
    %gather3A_358 = tpu.vector_load_idx %arg13[%add3A_355] : memref<1024xf32, #tpu.memory_space<vmem>>[vector<16xi32>], vector<16xf32>,
    %add3A_359 = arith.addf %add3A_352, %gather3A_358 : vector<16xf32>
    %add3A_360 = arith.constant 8 : i32
    %add3A_361 = vector.broadcast %add3A_360 : i32 to vector<16xi32>
    %add3A_362 = arith.addi %mul3A_300, %add3A_361 : vector<16xi32>
    %gather3A_363 = tpu.vector_load_idx %arg12[%add3A_362] : memref<1024xf32, #tpu.memory_space<vmem>>[vector<16xi32>], vector<16xf32>,
    %add3A_364 = arith.addf %add3A_357, %gather3A_363 : vector<16xf32>
    %gather3A_365 = tpu.vector_load_idx %arg13[%add3A_362] : memref<1024xf32, #tpu.memory_space<vmem>>[vector<16xi32>], vector<16xf32>,
    %add3A_366 = arith.addf %add3A_359, %gather3A_365 : vector<16xf32>
    %add3A_367 = arith.constant 9 : i32
    %add3A_368 = vector.broadcast %add3A_367 : i32 to vector<16xi32>
    %add3A_369 = arith.addi %mul3A_300, %add3A_368 : vector<16xi32>
    %gather3A_370 = tpu.vector_load_idx %arg12[%add3A_369] : memref<1024xf32, #tpu.memory_space<vmem>>[vector<16xi32>], vector<16xf32>,
    %add3A_371 = arith.addf %add3A_364, %gather3A_370 : vector<16xf32>
    %gather3A_372 = tpu.vector_load_idx %arg13[%add3A_369] : memref<1024xf32, #tpu.memory_space<vmem>>[vector<16xi32>], vector<16xf32>,
    %add3A_373 = arith.addf %add3A_366, %gather3A_372 : vector<16xf32>
    %add3A_374 = arith.constant 10 : i32
    %add3A_375 = vector.broadcast %add3A_374 : i32 to vector<16xi32>
    %add3A_376 = arith.addi %mul3A_300, %add3A_375 : vector<16xi32>
    %gather3A_377 = tpu.vector_load_idx %arg12[%add3A_376] : memref<1024xf32, #tpu.memory_space<vmem>>[vector<16xi32>], vector<16xf32>,
    %add3A_378 = arith.addf %add3A_371, %gather3A_377 : vector<16xf32>
    %gather3A_379 = tpu.vector_load_idx %arg13[%add3A_376] : memref<1024xf32, #tpu.memory_space<vmem>>[vector<16xi32>], vector<16xf32>,
    %add3A_380 = arith.addf %add3A_373, %gather3A_379 : vector<16xf32>
    %add3A_381 = arith.constant 11 : i32
    %add3A_382 = vector.broadcast %add3A_381 : i32 to vector<16xi32>
    %add3A_383 = arith.addi %mul3A_300, %add3A_382 : vector<16xi32>
    %gather3A_384 = tpu.vector_load_idx %arg12[%add3A_383] : memref<1024xf32, #tpu.memory_space<vmem>>[vector<16xi32>], vector<16xf32>,
    %add3A_385 = arith.addf %add3A_378, %gather3A_384 : vector<16xf32>
    %gather3A_386 = tpu.vector_load_idx %arg13[%add3A_383] : memref<1024xf32, #tpu.memory_space<vmem>>[vector<16xi32>], vector<16xf32>,
    %add3A_387 = arith.addf %add3A_380, %gather3A_386 : vector<16xf32>
    %add3A_388 = arith.constant 12 : i32
    %add3A_389 = vector.broadcast %add3A_388 : i32 to vector<16xi32>
    %add3A_390 = arith.addi %mul3A_300, %add3A_389 : vector<16xi32>
    %gather3A_391 = tpu.vector_load_idx %arg12[%add3A_390] : memref<1024xf32, #tpu.memory_space<vmem>>[vector<16xi32>], vector<16xf32>,
    %add3A_392 = arith.addf %add3A_385, %gather3A_391 : vector<16xf32>
    %gather3A_393 = tpu.vector_load_idx %arg13[%add3A_390] : memref<1024xf32, #tpu.memory_space<vmem>>[vector<16xi32>], vector<16xf32>,
    %add3A_394 = arith.addf %add3A_387, %gather3A_393 : vector<16xf32>
    %add3A_395 = arith.constant 13 : i32
    %add3A_396 = vector.broadcast %add3A_395 : i32 to vector<16xi32>
    %add3A_397 = arith.addi %mul3A_300, %add3A_396 : vector<16xi32>
    %gather3A_398 = tpu.vector_load_idx %arg12[%add3A_397] : memref<1024xf32, #tpu.memory_space<vmem>>[vector<16xi32>], vector<16xf32>,
    %add3A_399 = arith.addf %add3A_392, %gather3A_398 : vector<16xf32>
    %gather3A_400 = tpu.vector_load_idx %arg13[%add3A_397] : memref<1024xf32, #tpu.memory_space<vmem>>[vector<16xi32>], vector<16xf32>,
    %add3A_401 = arith.addf %add3A_394, %gather3A_400 : vector<16xf32>
    %add3A_402 = arith.constant 14 : i32
    %add3A_403 = vector.broadcast %add3A_402 : i32 to vector<16xi32>
    %add3A_404 = arith.addi %mul3A_300, %add3A_403 : vector<16xi32>
    %gather3A_405 = tpu.vector_load_idx %arg12[%add3A_404] : memref<1024xf32, #tpu.memory_space<vmem>>[vector<16xi32>], vector<16xf32>,
    %add3A_406 = arith.addf %add3A_399, %gather3A_405 : vector<16xf32>
    %gather3A_407 = tpu.vector_load_idx %arg13[%add3A_404] : memref<1024xf32, #tpu.memory_space<vmem>>[vector<16xi32>], vector<16xf32>,
    %add3A_408 = arith.addf %add3A_401, %gather3A_407 : vector<16xf32>
    %add3A_409 = arith.constant 15 : i32
    %add3A_410 = vector.broadcast %add3A_409 : i32 to vector<16xi32>
    %add3A_411 = arith.addi %mul3A_300, %add3A_410 : vector<16xi32>
    %gather3A_412 = tpu.vector_load_idx %arg12[%add3A_411] : memref<1024xf32, #tpu.memory_space<vmem>>[vector<16xi32>], vector<16xf32>,
    %add3A_413 = arith.addf %add3A_406, %gather3A_412 : vector<16xf32>
    %gather3A_414 = tpu.vector_load_idx %arg13[%add3A_411] : memref<1024xf32, #tpu.memory_space<vmem>>[vector<16xi32>], vector<16xf32>,
    %add3A_415 = arith.addf %add3A_408, %gather3A_414 : vector<16xf32>
    %swap3A_416 = arith.constant 0 : index
    %swap3A_417 = tpu.vector_load %arg14[%swap3A_416] {strides = array<i32>} : memref<64xf32, #tpu.memory_space<vmem>>, vector<16xf32>,
    tpu.vector_store %arg14[%swap3A_416], %add3A_413 {strides = array<i32>} : memref<64xf32, #tpu.memory_space<vmem>>, vector<16xf32>,
    %swap3A_418 = arith.constant 0 : index
    %swap3A_419 = tpu.vector_load %arg15[%swap3A_418] {strides = array<i32>} : memref<64xf32, #tpu.memory_space<vmem>>, vector<16xf32>,
    tpu.vector_store %arg15[%swap3A_418], %add3A_415 {strides = array<i32>} : memref<64xf32, #tpu.memory_space<vmem>>, vector<16xf32>,
    %broadcast_in_dim3A_420 = arith.constant 0.000000e+00 : f32
    %broadcast_in_dim3A_421 = vector.broadcast %broadcast_in_dim3A_420 : f32 to vector<16xf32>
    %broadcast_in_dim3A_422 = arith.constant 0.000000e+00 : f32
    %broadcast_in_dim3A_423 = vector.broadcast %broadcast_in_dim3A_422 : f32 to vector<16xf32>
    %add3A_424 = arith.constant 256 : i32
    %add3A_425 = vector.broadcast %add3A_424 : i32 to vector<16xi32>
    %add3A_426 = arith.addi %mul3A_300, %add3A_425 : vector<16xi32>
    %gather3A_427 = tpu.vector_load_idx %arg12[%add3A_426] : memref<1024xf32, #tpu.memory_space<vmem>>[vector<16xi32>], vector<16xf32>,
    %add3A_428 = arith.addf %broadcast_in_dim3A_421, %gather3A_427 : vector<16xf32>
    %gather3A_429 = tpu.vector_load_idx %arg13[%add3A_426] : memref<1024xf32, #tpu.memory_space<vmem>>[vector<16xi32>], vector<16xf32>,
    %add3A_430 = arith.addf %broadcast_in_dim3A_423, %gather3A_429 : vector<16xf32>
    %add3A_431 = arith.constant 257 : i32
    %add3A_432 = vector.broadcast %add3A_431 : i32 to vector<16xi32>
    %add3A_433 = arith.addi %mul3A_300, %add3A_432 : vector<16xi32>
    %gather3A_434 = tpu.vector_load_idx %arg12[%add3A_433] : memref<1024xf32, #tpu.memory_space<vmem>>[vector<16xi32>], vector<16xf32>,
    %add3A_435 = arith.addf %add3A_428, %gather3A_434 : vector<16xf32>
    %gather3A_436 = tpu.vector_load_idx %arg13[%add3A_433] : memref<1024xf32, #tpu.memory_space<vmem>>[vector<16xi32>], vector<16xf32>,
    %add3A_437 = arith.addf %add3A_430, %gather3A_436 : vector<16xf32>
    %add3A_438 = arith.constant 258 : i32
    %add3A_439 = vector.broadcast %add3A_438 : i32 to vector<16xi32>
    %add3A_440 = arith.addi %mul3A_300, %add3A_439 : vector<16xi32>
    %gather3A_441 = tpu.vector_load_idx %arg12[%add3A_440] : memref<1024xf32, #tpu.memory_space<vmem>>[vector<16xi32>], vector<16xf32>,
    %add3A_442 = arith.addf %add3A_435, %gather3A_441 : vector<16xf32>
    %gather3A_443 = tpu.vector_load_idx %arg13[%add3A_440] : memref<1024xf32, #tpu.memory_space<vmem>>[vector<16xi32>], vector<16xf32>,
    %add3A_444 = arith.addf %add3A_437, %gather3A_443 : vector<16xf32>
    %add3A_445 = arith.constant 259 : i32
    %add3A_446 = vector.broadcast %add3A_445 : i32 to vector<16xi32>
    %add3A_447 = arith.addi %mul3A_300, %add3A_446 : vector<16xi32>
    %gather3A_448 = tpu.vector_load_idx %arg12[%add3A_447] : memref<1024xf32, #tpu.memory_space<vmem>>[vector<16xi32>], vector<16xf32>,
    %add3A_449 = arith.addf %add3A_442, %gather3A_448 : vector<16xf32>
    %gather3A_450 = tpu.vector_load_idx %arg13[%add3A_447] : memref<1024xf32, #tpu.memory_space<vmem>>[vector<16xi32>], vector<16xf32>,
    %add3A_451 = arith.addf %add3A_444, %gather3A_450 : vector<16xf32>
    %add3A_452 = arith.constant 260 : i32
    %add3A_453 = vector.broadcast %add3A_452 : i32 to vector<16xi32>
    %add3A_454 = arith.addi %mul3A_300, %add3A_453 : vector<16xi32>
    %gather3A_455 = tpu.vector_load_idx %arg12[%add3A_454] : memref<1024xf32, #tpu.memory_space<vmem>>[vector<16xi32>], vector<16xf32>,
    %add3A_456 = arith.addf %add3A_449, %gather3A_455 : vector<16xf32>
    %gather3A_457 = tpu.vector_load_idx %arg13[%add3A_454] : memref<1024xf32, #tpu.memory_space<vmem>>[vector<16xi32>], vector<16xf32>,
    %add3A_458 = arith.addf %add3A_451, %gather3A_457 : vector<16xf32>
    %add3A_459 = arith.constant 261 : i32
    %add3A_460 = vector.broadcast %add3A_459 : i32 to vector<16xi32>
    %add3A_461 = arith.addi %mul3A_300, %add3A_460 : vector<16xi32>
    %gather3A_462 = tpu.vector_load_idx %arg12[%add3A_461] : memref<1024xf32, #tpu.memory_space<vmem>>[vector<16xi32>], vector<16xf32>,
    %add3A_463 = arith.addf %add3A_456, %gather3A_462 : vector<16xf32>
    %gather3A_464 = tpu.vector_load_idx %arg13[%add3A_461] : memref<1024xf32, #tpu.memory_space<vmem>>[vector<16xi32>], vector<16xf32>,
    %add3A_465 = arith.addf %add3A_458, %gather3A_464 : vector<16xf32>
    %add3A_466 = arith.constant 262 : i32
    %add3A_467 = vector.broadcast %add3A_466 : i32 to vector<16xi32>
    %add3A_468 = arith.addi %mul3A_300, %add3A_467 : vector<16xi32>
    %gather3A_469 = tpu.vector_load_idx %arg12[%add3A_468] : memref<1024xf32, #tpu.memory_space<vmem>>[vector<16xi32>], vector<16xf32>,
    %add3A_470 = arith.addf %add3A_463, %gather3A_469 : vector<16xf32>
    %gather3A_471 = tpu.vector_load_idx %arg13[%add3A_468] : memref<1024xf32, #tpu.memory_space<vmem>>[vector<16xi32>], vector<16xf32>,
    %add3A_472 = arith.addf %add3A_465, %gather3A_471 : vector<16xf32>
    %add3A_473 = arith.constant 263 : i32
    %add3A_474 = vector.broadcast %add3A_473 : i32 to vector<16xi32>
    %add3A_475 = arith.addi %mul3A_300, %add3A_474 : vector<16xi32>
    %gather3A_476 = tpu.vector_load_idx %arg12[%add3A_475] : memref<1024xf32, #tpu.memory_space<vmem>>[vector<16xi32>], vector<16xf32>,
    %add3A_477 = arith.addf %add3A_470, %gather3A_476 : vector<16xf32>
    %gather3A_478 = tpu.vector_load_idx %arg13[%add3A_475] : memref<1024xf32, #tpu.memory_space<vmem>>[vector<16xi32>], vector<16xf32>,
    %add3A_479 = arith.addf %add3A_472, %gather3A_478 : vector<16xf32>
    %add3A_480 = arith.constant 264 : i32
    %add3A_481 = vector.broadcast %add3A_480 : i32 to vector<16xi32>
    %add3A_482 = arith.addi %mul3A_300, %add3A_481 : vector<16xi32>
    %gather3A_483 = tpu.vector_load_idx %arg12[%add3A_482] : memref<1024xf32, #tpu.memory_space<vmem>>[vector<16xi32>], vector<16xf32>,
    %add3A_484 = arith.addf %add3A_477, %gather3A_483 : vector<16xf32>
    %gather3A_485 = tpu.vector_load_idx %arg13[%add3A_482] : memref<1024xf32, #tpu.memory_space<vmem>>[vector<16xi32>], vector<16xf32>,
    %add3A_486 = arith.addf %add3A_479, %gather3A_485 : vector<16xf32>
    %add3A_487 = arith.constant 265 : i32
    %add3A_488 = vector.broadcast %add3A_487 : i32 to vector<16xi32>
    %add3A_489 = arith.addi %mul3A_300, %add3A_488 : vector<16xi32>
    %gather3A_490 = tpu.vector_load_idx %arg12[%add3A_489] : memref<1024xf32, #tpu.memory_space<vmem>>[vector<16xi32>], vector<16xf32>,
    %add3A_491 = arith.addf %add3A_484, %gather3A_490 : vector<16xf32>
    %gather3A_492 = tpu.vector_load_idx %arg13[%add3A_489] : memref<1024xf32, #tpu.memory_space<vmem>>[vector<16xi32>], vector<16xf32>,
    %add3A_493 = arith.addf %add3A_486, %gather3A_492 : vector<16xf32>
    %add3A_494 = arith.constant 266 : i32
    %add3A_495 = vector.broadcast %add3A_494 : i32 to vector<16xi32>
    %add3A_496 = arith.addi %mul3A_300, %add3A_495 : vector<16xi32>
    %gather3A_497 = tpu.vector_load_idx %arg12[%add3A_496] : memref<1024xf32, #tpu.memory_space<vmem>>[vector<16xi32>], vector<16xf32>,
    %add3A_498 = arith.addf %add3A_491, %gather3A_497 : vector<16xf32>
    %gather3A_499 = tpu.vector_load_idx %arg13[%add3A_496] : memref<1024xf32, #tpu.memory_space<vmem>>[vector<16xi32>], vector<16xf32>,
    %add3A_500 = arith.addf %add3A_493, %gather3A_499 : vector<16xf32>
    %add3A_501 = arith.constant 267 : i32
    %add3A_502 = vector.broadcast %add3A_501 : i32 to vector<16xi32>
    %add3A_503 = arith.addi %mul3A_300, %add3A_502 : vector<16xi32>
    %gather3A_504 = tpu.vector_load_idx %arg12[%add3A_503] : memref<1024xf32, #tpu.memory_space<vmem>>[vector<16xi32>], vector<16xf32>,
    %add3A_505 = arith.addf %add3A_498, %gather3A_504 : vector<16xf32>
    %gather3A_506 = tpu.vector_load_idx %arg13[%add3A_503] : memref<1024xf32, #tpu.memory_space<vmem>>[vector<16xi32>], vector<16xf32>,
    %add3A_507 = arith.addf %add3A_500, %gather3A_506 : vector<16xf32>
    %add3A_508 = arith.constant 268 : i32
    %add3A_509 = vector.broadcast %add3A_508 : i32 to vector<16xi32>
    %add3A_510 = arith.addi %mul3A_300, %add3A_509 : vector<16xi32>
    %gather3A_511 = tpu.vector_load_idx %arg12[%add3A_510] : memref<1024xf32, #tpu.memory_space<vmem>>[vector<16xi32>], vector<16xf32>,
    %add3A_512 = arith.addf %add3A_505, %gather3A_511 : vector<16xf32>
    %gather3A_513 = tpu.vector_load_idx %arg13[%add3A_510] : memref<1024xf32, #tpu.memory_space<vmem>>[vector<16xi32>], vector<16xf32>,
    %add3A_514 = arith.addf %add3A_507, %gather3A_513 : vector<16xf32>
    %add3A_515 = arith.constant 269 : i32
    %add3A_516 = vector.broadcast %add3A_515 : i32 to vector<16xi32>
    %add3A_517 = arith.addi %mul3A_300, %add3A_516 : vector<16xi32>
    %gather3A_518 = tpu.vector_load_idx %arg12[%add3A_517] : memref<1024xf32, #tpu.memory_space<vmem>>[vector<16xi32>], vector<16xf32>,
    %add3A_519 = arith.addf %add3A_512, %gather3A_518 : vector<16xf32>
    %gather3A_520 = tpu.vector_load_idx %arg13[%add3A_517] : memref<1024xf32, #tpu.memory_space<vmem>>[vector<16xi32>], vector<16xf32>,
    %add3A_521 = arith.addf %add3A_514, %gather3A_520 : vector<16xf32>
    %add3A_522 = arith.constant 270 : i32
    %add3A_523 = vector.broadcast %add3A_522 : i32 to vector<16xi32>
    %add3A_524 = arith.addi %mul3A_300, %add3A_523 : vector<16xi32>
    %gather3A_525 = tpu.vector_load_idx %arg12[%add3A_524] : memref<1024xf32, #tpu.memory_space<vmem>>[vector<16xi32>], vector<16xf32>,
    %add3A_526 = arith.addf %add3A_519, %gather3A_525 : vector<16xf32>
    %gather3A_527 = tpu.vector_load_idx %arg13[%add3A_524] : memref<1024xf32, #tpu.memory_space<vmem>>[vector<16xi32>], vector<16xf32>,
    %add3A_528 = arith.addf %add3A_521, %gather3A_527 : vector<16xf32>
    %add3A_529 = arith.constant 271 : i32
    %add3A_530 = vector.broadcast %add3A_529 : i32 to vector<16xi32>
    %add3A_531 = arith.addi %mul3A_300, %add3A_530 : vector<16xi32>
    %gather3A_532 = tpu.vector_load_idx %arg12[%add3A_531] : memref<1024xf32, #tpu.memory_space<vmem>>[vector<16xi32>], vector<16xf32>,
    %add3A_533 = arith.addf %add3A_526, %gather3A_532 : vector<16xf32>
    %gather3A_534 = tpu.vector_load_idx %arg13[%add3A_531] : memref<1024xf32, #tpu.memory_space<vmem>>[vector<16xi32>], vector<16xf32>,
    %add3A_535 = arith.addf %add3A_528, %gather3A_534 : vector<16xf32>
    %swap3A_536 = arith.constant 16 : index
    %swap3A_537 = tpu.vector_load %arg14[%swap3A_536] {strides = array<i32>} : memref<64xf32, #tpu.memory_space<vmem>>, vector<16xf32>,
    tpu.vector_store %arg14[%swap3A_536], %add3A_533 {strides = array<i32>} : memref<64xf32, #tpu.memory_space<vmem>>, vector<16xf32>,
    %swap3A_538 = arith.constant 16 : index
    %swap3A_539 = tpu.vector_load %arg15[%swap3A_538] {strides = array<i32>} : memref<64xf32, #tpu.memory_space<vmem>>, vector<16xf32>,
    tpu.vector_store %arg15[%swap3A_538], %add3A_535 {strides = array<i32>} : memref<64xf32, #tpu.memory_space<vmem>>, vector<16xf32>,
    %broadcast_in_dim3A_540 = arith.constant 0.000000e+00 : f32
    %broadcast_in_dim3A_541 = vector.broadcast %broadcast_in_dim3A_540 : f32 to vector<16xf32>
    %broadcast_in_dim3A_542 = arith.constant 0.000000e+00 : f32
    %broadcast_in_dim3A_543 = vector.broadcast %broadcast_in_dim3A_542 : f32 to vector<16xf32>
    %add3A_544 = arith.constant 512 : i32
    %add3A_545 = vector.broadcast %add3A_544 : i32 to vector<16xi32>
    %add3A_546 = arith.addi %mul3A_300, %add3A_545 : vector<16xi32>
    %gather3A_547 = tpu.vector_load_idx %arg12[%add3A_546] : memref<1024xf32, #tpu.memory_space<vmem>>[vector<16xi32>], vector<16xf32>,
    %add3A_548 = arith.addf %broadcast_in_dim3A_541, %gather3A_547 : vector<16xf32>
    %gather3A_549 = tpu.vector_load_idx %arg13[%add3A_546] : memref<1024xf32, #tpu.memory_space<vmem>>[vector<16xi32>], vector<16xf32>,
    %add3A_550 = arith.addf %broadcast_in_dim3A_543, %gather3A_549 : vector<16xf32>
    %add3A_551 = arith.constant 513 : i32
    %add3A_552 = vector.broadcast %add3A_551 : i32 to vector<16xi32>
    %add3A_553 = arith.addi %mul3A_300, %add3A_552 : vector<16xi32>
    %gather3A_554 = tpu.vector_load_idx %arg12[%add3A_553] : memref<1024xf32, #tpu.memory_space<vmem>>[vector<16xi32>], vector<16xf32>,
    %add3A_555 = arith.addf %add3A_548, %gather3A_554 : vector<16xf32>
    %gather3A_556 = tpu.vector_load_idx %arg13[%add3A_553] : memref<1024xf32, #tpu.memory_space<vmem>>[vector<16xi32>], vector<16xf32>,
    %add3A_557 = arith.addf %add3A_550, %gather3A_556 : vector<16xf32>
    %add3A_558 = arith.constant 514 : i32
    %add3A_559 = vector.broadcast %add3A_558 : i32 to vector<16xi32>
    %add3A_560 = arith.addi %mul3A_300, %add3A_559 : vector<16xi32>
    %gather3A_561 = tpu.vector_load_idx %arg12[%add3A_560] : memref<1024xf32, #tpu.memory_space<vmem>>[vector<16xi32>], vector<16xf32>,
    %add3A_562 = arith.addf %add3A_555, %gather3A_561 : vector<16xf32>
    %gather3A_563 = tpu.vector_load_idx %arg13[%add3A_560] : memref<1024xf32, #tpu.memory_space<vmem>>[vector<16xi32>], vector<16xf32>,
    %add3A_564 = arith.addf %add3A_557, %gather3A_563 : vector<16xf32>
    %add3A_565 = arith.constant 515 : i32
    %add3A_566 = vector.broadcast %add3A_565 : i32 to vector<16xi32>
    %add3A_567 = arith.addi %mul3A_300, %add3A_566 : vector<16xi32>
    %gather3A_568 = tpu.vector_load_idx %arg12[%add3A_567] : memref<1024xf32, #tpu.memory_space<vmem>>[vector<16xi32>], vector<16xf32>,
    %add3A_569 = arith.addf %add3A_562, %gather3A_568 : vector<16xf32>
    %gather3A_570 = tpu.vector_load_idx %arg13[%add3A_567] : memref<1024xf32, #tpu.memory_space<vmem>>[vector<16xi32>], vector<16xf32>,
    %add3A_571 = arith.addf %add3A_564, %gather3A_570 : vector<16xf32>
    %add3A_572 = arith.constant 516 : i32
    %add3A_573 = vector.broadcast %add3A_572 : i32 to vector<16xi32>
    %add3A_574 = arith.addi %mul3A_300, %add3A_573 : vector<16xi32>
    %gather3A_575 = tpu.vector_load_idx %arg12[%add3A_574] : memref<1024xf32, #tpu.memory_space<vmem>>[vector<16xi32>], vector<16xf32>,
    %add3A_576 = arith.addf %add3A_569, %gather3A_575 : vector<16xf32>
    %gather3A_577 = tpu.vector_load_idx %arg13[%add3A_574] : memref<1024xf32, #tpu.memory_space<vmem>>[vector<16xi32>], vector<16xf32>,
    %add3A_578 = arith.addf %add3A_571, %gather3A_577 : vector<16xf32>
    %add3A_579 = arith.constant 517 : i32
    %add3A_580 = vector.broadcast %add3A_579 : i32 to vector<16xi32>
    %add3A_581 = arith.addi %mul3A_300, %add3A_580 : vector<16xi32>
    %gather3A_582 = tpu.vector_load_idx %arg12[%add3A_581] : memref<1024xf32, #tpu.memory_space<vmem>>[vector<16xi32>], vector<16xf32>,
    %add3A_583 = arith.addf %add3A_576, %gather3A_582 : vector<16xf32>
    %gather3A_584 = tpu.vector_load_idx %arg13[%add3A_581] : memref<1024xf32, #tpu.memory_space<vmem>>[vector<16xi32>], vector<16xf32>,
    %add3A_585 = arith.addf %add3A_578, %gather3A_584 : vector<16xf32>
    %add3A_586 = arith.constant 518 : i32
    %add3A_587 = vector.broadcast %add3A_586 : i32 to vector<16xi32>
    %add3A_588 = arith.addi %mul3A_300, %add3A_587 : vector<16xi32>
    %gather3A_589 = tpu.vector_load_idx %arg12[%add3A_588] : memref<1024xf32, #tpu.memory_space<vmem>>[vector<16xi32>], vector<16xf32>,
    %add3A_590 = arith.addf %add3A_583, %gather3A_589 : vector<16xf32>
    %gather3A_591 = tpu.vector_load_idx %arg13[%add3A_588] : memref<1024xf32, #tpu.memory_space<vmem>>[vector<16xi32>], vector<16xf32>,
    %add3A_592 = arith.addf %add3A_585, %gather3A_591 : vector<16xf32>
    %add3A_593 = arith.constant 519 : i32
    %add3A_594 = vector.broadcast %add3A_593 : i32 to vector<16xi32>
    %add3A_595 = arith.addi %mul3A_300, %add3A_594 : vector<16xi32>
    %gather3A_596 = tpu.vector_load_idx %arg12[%add3A_595] : memref<1024xf32, #tpu.memory_space<vmem>>[vector<16xi32>], vector<16xf32>,
    %add3A_597 = arith.addf %add3A_590, %gather3A_596 : vector<16xf32>
    %gather3A_598 = tpu.vector_load_idx %arg13[%add3A_595] : memref<1024xf32, #tpu.memory_space<vmem>>[vector<16xi32>], vector<16xf32>,
    %add3A_599 = arith.addf %add3A_592, %gather3A_598 : vector<16xf32>
    %add3A_600 = arith.constant 520 : i32
    %add3A_601 = vector.broadcast %add3A_600 : i32 to vector<16xi32>
    %add3A_602 = arith.addi %mul3A_300, %add3A_601 : vector<16xi32>
    %gather3A_603 = tpu.vector_load_idx %arg12[%add3A_602] : memref<1024xf32, #tpu.memory_space<vmem>>[vector<16xi32>], vector<16xf32>,
    %add3A_604 = arith.addf %add3A_597, %gather3A_603 : vector<16xf32>
    %gather3A_605 = tpu.vector_load_idx %arg13[%add3A_602] : memref<1024xf32, #tpu.memory_space<vmem>>[vector<16xi32>], vector<16xf32>,
    %add3A_606 = arith.addf %add3A_599, %gather3A_605 : vector<16xf32>
    %add3A_607 = arith.constant 521 : i32
    %add3A_608 = vector.broadcast %add3A_607 : i32 to vector<16xi32>
    %add3A_609 = arith.addi %mul3A_300, %add3A_608 : vector<16xi32>
    %gather3A_610 = tpu.vector_load_idx %arg12[%add3A_609] : memref<1024xf32, #tpu.memory_space<vmem>>[vector<16xi32>], vector<16xf32>,
    %add3A_611 = arith.addf %add3A_604, %gather3A_610 : vector<16xf32>
    %gather3A_612 = tpu.vector_load_idx %arg13[%add3A_609] : memref<1024xf32, #tpu.memory_space<vmem>>[vector<16xi32>], vector<16xf32>,
    %add3A_613 = arith.addf %add3A_606, %gather3A_612 : vector<16xf32>
    %add3A_614 = arith.constant 522 : i32
    %add3A_615 = vector.broadcast %add3A_614 : i32 to vector<16xi32>
    %add3A_616 = arith.addi %mul3A_300, %add3A_615 : vector<16xi32>
    %gather3A_617 = tpu.vector_load_idx %arg12[%add3A_616] : memref<1024xf32, #tpu.memory_space<vmem>>[vector<16xi32>], vector<16xf32>,
    %add3A_618 = arith.addf %add3A_611, %gather3A_617 : vector<16xf32>
    %gather3A_619 = tpu.vector_load_idx %arg13[%add3A_616] : memref<1024xf32, #tpu.memory_space<vmem>>[vector<16xi32>], vector<16xf32>,
    %add3A_620 = arith.addf %add3A_613, %gather3A_619 : vector<16xf32>
    %add3A_621 = arith.constant 523 : i32
    %add3A_622 = vector.broadcast %add3A_621 : i32 to vector<16xi32>
    %add3A_623 = arith.addi %mul3A_300, %add3A_622 : vector<16xi32>
    %gather3A_624 = tpu.vector_load_idx %arg12[%add3A_623] : memref<1024xf32, #tpu.memory_space<vmem>>[vector<16xi32>], vector<16xf32>,
    %add3A_625 = arith.addf %add3A_618, %gather3A_624 : vector<16xf32>
    %gather3A_626 = tpu.vector_load_idx %arg13[%add3A_623] : memref<1024xf32, #tpu.memory_space<vmem>>[vector<16xi32>], vector<16xf32>,
    %add3A_627 = arith.addf %add3A_620, %gather3A_626 : vector<16xf32>
    %add3A_628 = arith.constant 524 : i32
    %add3A_629 = vector.broadcast %add3A_628 : i32 to vector<16xi32>
    %add3A_630 = arith.addi %mul3A_300, %add3A_629 : vector<16xi32>
    %gather3A_631 = tpu.vector_load_idx %arg12[%add3A_630] : memref<1024xf32, #tpu.memory_space<vmem>>[vector<16xi32>], vector<16xf32>,
    %add3A_632 = arith.addf %add3A_625, %gather3A_631 : vector<16xf32>
    %gather3A_633 = tpu.vector_load_idx %arg13[%add3A_630] : memref<1024xf32, #tpu.memory_space<vmem>>[vector<16xi32>], vector<16xf32>,
    %add3A_634 = arith.addf %add3A_627, %gather3A_633 : vector<16xf32>
    %add3A_635 = arith.constant 525 : i32
    %add3A_636 = vector.broadcast %add3A_635 : i32 to vector<16xi32>
    %add3A_637 = arith.addi %mul3A_300, %add3A_636 : vector<16xi32>
    %gather3A_638 = tpu.vector_load_idx %arg12[%add3A_637] : memref<1024xf32, #tpu.memory_space<vmem>>[vector<16xi32>], vector<16xf32>,
    %add3A_639 = arith.addf %add3A_632, %gather3A_638 : vector<16xf32>
    %gather3A_640 = tpu.vector_load_idx %arg13[%add3A_637] : memref<1024xf32, #tpu.memory_space<vmem>>[vector<16xi32>], vector<16xf32>,
    %add3A_641 = arith.addf %add3A_634, %gather3A_640 : vector<16xf32>
    %add3A_642 = arith.constant 526 : i32
    %add3A_643 = vector.broadcast %add3A_642 : i32 to vector<16xi32>
    %add3A_644 = arith.addi %mul3A_300, %add3A_643 : vector<16xi32>
    %gather3A_645 = tpu.vector_load_idx %arg12[%add3A_644] : memref<1024xf32, #tpu.memory_space<vmem>>[vector<16xi32>], vector<16xf32>,
    %add3A_646 = arith.addf %add3A_639, %gather3A_645 : vector<16xf32>
    %gather3A_647 = tpu.vector_load_idx %arg13[%add3A_644] : memref<1024xf32, #tpu.memory_space<vmem>>[vector<16xi32>], vector<16xf32>,
    %add3A_648 = arith.addf %add3A_641, %gather3A_647 : vector<16xf32>
    %add3A_649 = arith.constant 527 : i32
    %add3A_650 = vector.broadcast %add3A_649 : i32 to vector<16xi32>
    %add3A_651 = arith.addi %mul3A_300, %add3A_650 : vector<16xi32>
    %gather3A_652 = tpu.vector_load_idx %arg12[%add3A_651] : memref<1024xf32, #tpu.memory_space<vmem>>[vector<16xi32>], vector<16xf32>,
    %add3A_653 = arith.addf %add3A_646, %gather3A_652 : vector<16xf32>
    %gather3A_654 = tpu.vector_load_idx %arg13[%add3A_651] : memref<1024xf32, #tpu.memory_space<vmem>>[vector<16xi32>], vector<16xf32>,
    %add3A_655 = arith.addf %add3A_648, %gather3A_654 : vector<16xf32>
    %swap3A_656 = arith.constant 32 : index
    %swap3A_657 = tpu.vector_load %arg14[%swap3A_656] {strides = array<i32>} : memref<64xf32, #tpu.memory_space<vmem>>, vector<16xf32>,
    tpu.vector_store %arg14[%swap3A_656], %add3A_653 {strides = array<i32>} : memref<64xf32, #tpu.memory_space<vmem>>, vector<16xf32>,
    %swap3A_658 = arith.constant 32 : index
    %swap3A_659 = tpu.vector_load %arg15[%swap3A_658] {strides = array<i32>} : memref<64xf32, #tpu.memory_space<vmem>>, vector<16xf32>,
    tpu.vector_store %arg15[%swap3A_658], %add3A_655 {strides = array<i32>} : memref<64xf32, #tpu.memory_space<vmem>>, vector<16xf32>,
    %broadcast_in_dim3A_660 = arith.constant 0.000000e+00 : f32
    %broadcast_in_dim3A_661 = vector.broadcast %broadcast_in_dim3A_660 : f32 to vector<16xf32>
    %broadcast_in_dim3A_662 = arith.constant 0.000000e+00 : f32
    %broadcast_in_dim3A_663 = vector.broadcast %broadcast_in_dim3A_662 : f32 to vector<16xf32>
    %add3A_664 = arith.constant 768 : i32
    %add3A_665 = vector.broadcast %add3A_664 : i32 to vector<16xi32>
    %add3A_666 = arith.addi %mul3A_300, %add3A_665 : vector<16xi32>
    %gather3A_667 = tpu.vector_load_idx %arg12[%add3A_666] : memref<1024xf32, #tpu.memory_space<vmem>>[vector<16xi32>], vector<16xf32>,
    %add3A_668 = arith.addf %broadcast_in_dim3A_661, %gather3A_667 : vector<16xf32>
    %gather3A_669 = tpu.vector_load_idx %arg13[%add3A_666] : memref<1024xf32, #tpu.memory_space<vmem>>[vector<16xi32>], vector<16xf32>,
    %add3A_670 = arith.addf %broadcast_in_dim3A_663, %gather3A_669 : vector<16xf32>
    %add3A_671 = arith.constant 769 : i32
    %add3A_672 = vector.broadcast %add3A_671 : i32 to vector<16xi32>
    %add3A_673 = arith.addi %mul3A_300, %add3A_672 : vector<16xi32>
    %gather3A_674 = tpu.vector_load_idx %arg12[%add3A_673] : memref<1024xf32, #tpu.memory_space<vmem>>[vector<16xi32>], vector<16xf32>,
    %add3A_675 = arith.addf %add3A_668, %gather3A_674 : vector<16xf32>
    %gather3A_676 = tpu.vector_load_idx %arg13[%add3A_673] : memref<1024xf32, #tpu.memory_space<vmem>>[vector<16xi32>], vector<16xf32>,
    %add3A_677 = arith.addf %add3A_670, %gather3A_676 : vector<16xf32>
    %add3A_678 = arith.constant 770 : i32
    %add3A_679 = vector.broadcast %add3A_678 : i32 to vector<16xi32>
    %add3A_680 = arith.addi %mul3A_300, %add3A_679 : vector<16xi32>
    %gather3A_681 = tpu.vector_load_idx %arg12[%add3A_680] : memref<1024xf32, #tpu.memory_space<vmem>>[vector<16xi32>], vector<16xf32>,
    %add3A_682 = arith.addf %add3A_675, %gather3A_681 : vector<16xf32>
    %gather3A_683 = tpu.vector_load_idx %arg13[%add3A_680] : memref<1024xf32, #tpu.memory_space<vmem>>[vector<16xi32>], vector<16xf32>,
    %add3A_684 = arith.addf %add3A_677, %gather3A_683 : vector<16xf32>
    %add3A_685 = arith.constant 771 : i32
    %add3A_686 = vector.broadcast %add3A_685 : i32 to vector<16xi32>
    %add3A_687 = arith.addi %mul3A_300, %add3A_686 : vector<16xi32>
    %gather3A_688 = tpu.vector_load_idx %arg12[%add3A_687] : memref<1024xf32, #tpu.memory_space<vmem>>[vector<16xi32>], vector<16xf32>,
    %add3A_689 = arith.addf %add3A_682, %gather3A_688 : vector<16xf32>
    %gather3A_690 = tpu.vector_load_idx %arg13[%add3A_687] : memref<1024xf32, #tpu.memory_space<vmem>>[vector<16xi32>], vector<16xf32>,
    %add3A_691 = arith.addf %add3A_684, %gather3A_690 : vector<16xf32>
    %add3A_692 = arith.constant 772 : i32
    %add3A_693 = vector.broadcast %add3A_692 : i32 to vector<16xi32>
    %add3A_694 = arith.addi %mul3A_300, %add3A_693 : vector<16xi32>
    %gather3A_695 = tpu.vector_load_idx %arg12[%add3A_694] : memref<1024xf32, #tpu.memory_space<vmem>>[vector<16xi32>], vector<16xf32>,
    %add3A_696 = arith.addf %add3A_689, %gather3A_695 : vector<16xf32>
    %gather3A_697 = tpu.vector_load_idx %arg13[%add3A_694] : memref<1024xf32, #tpu.memory_space<vmem>>[vector<16xi32>], vector<16xf32>,
    %add3A_698 = arith.addf %add3A_691, %gather3A_697 : vector<16xf32>
    %add3A_699 = arith.constant 773 : i32
    %add3A_700 = vector.broadcast %add3A_699 : i32 to vector<16xi32>
    %add3A_701 = arith.addi %mul3A_300, %add3A_700 : vector<16xi32>
    %gather3A_702 = tpu.vector_load_idx %arg12[%add3A_701] : memref<1024xf32, #tpu.memory_space<vmem>>[vector<16xi32>], vector<16xf32>,
    %add3A_703 = arith.addf %add3A_696, %gather3A_702 : vector<16xf32>
    %gather3A_704 = tpu.vector_load_idx %arg13[%add3A_701] : memref<1024xf32, #tpu.memory_space<vmem>>[vector<16xi32>], vector<16xf32>,
    %add3A_705 = arith.addf %add3A_698, %gather3A_704 : vector<16xf32>
    %add3A_706 = arith.constant 774 : i32
    %add3A_707 = vector.broadcast %add3A_706 : i32 to vector<16xi32>
    %add3A_708 = arith.addi %mul3A_300, %add3A_707 : vector<16xi32>
    %gather3A_709 = tpu.vector_load_idx %arg12[%add3A_708] : memref<1024xf32, #tpu.memory_space<vmem>>[vector<16xi32>], vector<16xf32>,
    %add3A_710 = arith.addf %add3A_703, %gather3A_709 : vector<16xf32>
    %gather3A_711 = tpu.vector_load_idx %arg13[%add3A_708] : memref<1024xf32, #tpu.memory_space<vmem>>[vector<16xi32>], vector<16xf32>,
    %add3A_712 = arith.addf %add3A_705, %gather3A_711 : vector<16xf32>
    %add3A_713 = arith.constant 775 : i32
    %add3A_714 = vector.broadcast %add3A_713 : i32 to vector<16xi32>
    %add3A_715 = arith.addi %mul3A_300, %add3A_714 : vector<16xi32>
    %gather3A_716 = tpu.vector_load_idx %arg12[%add3A_715] : memref<1024xf32, #tpu.memory_space<vmem>>[vector<16xi32>], vector<16xf32>,
    %add3A_717 = arith.addf %add3A_710, %gather3A_716 : vector<16xf32>
    %gather3A_718 = tpu.vector_load_idx %arg13[%add3A_715] : memref<1024xf32, #tpu.memory_space<vmem>>[vector<16xi32>], vector<16xf32>,
    %add3A_719 = arith.addf %add3A_712, %gather3A_718 : vector<16xf32>
    %add3A_720 = arith.constant 776 : i32
    %add3A_721 = vector.broadcast %add3A_720 : i32 to vector<16xi32>
    %add3A_722 = arith.addi %mul3A_300, %add3A_721 : vector<16xi32>
    %gather3A_723 = tpu.vector_load_idx %arg12[%add3A_722] : memref<1024xf32, #tpu.memory_space<vmem>>[vector<16xi32>], vector<16xf32>,
    %add3A_724 = arith.addf %add3A_717, %gather3A_723 : vector<16xf32>
    %gather3A_725 = tpu.vector_load_idx %arg13[%add3A_722] : memref<1024xf32, #tpu.memory_space<vmem>>[vector<16xi32>], vector<16xf32>,
    %add3A_726 = arith.addf %add3A_719, %gather3A_725 : vector<16xf32>
    %add3A_727 = arith.constant 777 : i32
    %add3A_728 = vector.broadcast %add3A_727 : i32 to vector<16xi32>
    %add3A_729 = arith.addi %mul3A_300, %add3A_728 : vector<16xi32>
    %gather3A_730 = tpu.vector_load_idx %arg12[%add3A_729] : memref<1024xf32, #tpu.memory_space<vmem>>[vector<16xi32>], vector<16xf32>,
    %add3A_731 = arith.addf %add3A_724, %gather3A_730 : vector<16xf32>
    %gather3A_732 = tpu.vector_load_idx %arg13[%add3A_729] : memref<1024xf32, #tpu.memory_space<vmem>>[vector<16xi32>], vector<16xf32>,
    %add3A_733 = arith.addf %add3A_726, %gather3A_732 : vector<16xf32>
    %add3A_734 = arith.constant 778 : i32
    %add3A_735 = vector.broadcast %add3A_734 : i32 to vector<16xi32>
    %add3A_736 = arith.addi %mul3A_300, %add3A_735 : vector<16xi32>
    %gather3A_737 = tpu.vector_load_idx %arg12[%add3A_736] : memref<1024xf32, #tpu.memory_space<vmem>>[vector<16xi32>], vector<16xf32>,
    %add3A_738 = arith.addf %add3A_731, %gather3A_737 : vector<16xf32>
    %gather3A_739 = tpu.vector_load_idx %arg13[%add3A_736] : memref<1024xf32, #tpu.memory_space<vmem>>[vector<16xi32>], vector<16xf32>,
    %add3A_740 = arith.addf %add3A_733, %gather3A_739 : vector<16xf32>
    %add3A_741 = arith.constant 779 : i32
    %add3A_742 = vector.broadcast %add3A_741 : i32 to vector<16xi32>
    %add3A_743 = arith.addi %mul3A_300, %add3A_742 : vector<16xi32>
    %gather3A_744 = tpu.vector_load_idx %arg12[%add3A_743] : memref<1024xf32, #tpu.memory_space<vmem>>[vector<16xi32>], vector<16xf32>,
    %add3A_745 = arith.addf %add3A_738, %gather3A_744 : vector<16xf32>
    %gather3A_746 = tpu.vector_load_idx %arg13[%add3A_743] : memref<1024xf32, #tpu.memory_space<vmem>>[vector<16xi32>], vector<16xf32>,
    %add3A_747 = arith.addf %add3A_740, %gather3A_746 : vector<16xf32>
    %add3A_748 = arith.constant 780 : i32
    %add3A_749 = vector.broadcast %add3A_748 : i32 to vector<16xi32>
    %add3A_750 = arith.addi %mul3A_300, %add3A_749 : vector<16xi32>
    %gather3A_751 = tpu.vector_load_idx %arg12[%add3A_750] : memref<1024xf32, #tpu.memory_space<vmem>>[vector<16xi32>], vector<16xf32>,
    %add3A_752 = arith.addf %add3A_745, %gather3A_751 : vector<16xf32>
    %gather3A_753 = tpu.vector_load_idx %arg13[%add3A_750] : memref<1024xf32, #tpu.memory_space<vmem>>[vector<16xi32>], vector<16xf32>,
    %add3A_754 = arith.addf %add3A_747, %gather3A_753 : vector<16xf32>
    %add3A_755 = arith.constant 781 : i32
    %add3A_756 = vector.broadcast %add3A_755 : i32 to vector<16xi32>
    %add3A_757 = arith.addi %mul3A_300, %add3A_756 : vector<16xi32>
    %gather3A_758 = tpu.vector_load_idx %arg12[%add3A_757] : memref<1024xf32, #tpu.memory_space<vmem>>[vector<16xi32>], vector<16xf32>,
    %add3A_759 = arith.addf %add3A_752, %gather3A_758 : vector<16xf32>
    %gather3A_760 = tpu.vector_load_idx %arg13[%add3A_757] : memref<1024xf32, #tpu.memory_space<vmem>>[vector<16xi32>], vector<16xf32>,
    %add3A_761 = arith.addf %add3A_754, %gather3A_760 : vector<16xf32>
    %add3A_762 = arith.constant 782 : i32
    %add3A_763 = vector.broadcast %add3A_762 : i32 to vector<16xi32>
    %add3A_764 = arith.addi %mul3A_300, %add3A_763 : vector<16xi32>
    %gather3A_765 = tpu.vector_load_idx %arg12[%add3A_764] : memref<1024xf32, #tpu.memory_space<vmem>>[vector<16xi32>], vector<16xf32>,
    %add3A_766 = arith.addf %add3A_759, %gather3A_765 : vector<16xf32>
    %gather3A_767 = tpu.vector_load_idx %arg13[%add3A_764] : memref<1024xf32, #tpu.memory_space<vmem>>[vector<16xi32>], vector<16xf32>,
    %add3A_768 = arith.addf %add3A_761, %gather3A_767 : vector<16xf32>
    %add3A_769 = arith.constant 783 : i32
    %add3A_770 = vector.broadcast %add3A_769 : i32 to vector<16xi32>
    %add3A_771 = arith.addi %mul3A_300, %add3A_770 : vector<16xi32>
    %gather3A_772 = tpu.vector_load_idx %arg12[%add3A_771] : memref<1024xf32, #tpu.memory_space<vmem>>[vector<16xi32>], vector<16xf32>,
    %add3A_773 = arith.addf %add3A_766, %gather3A_772 : vector<16xf32>
    %gather3A_774 = tpu.vector_load_idx %arg13[%add3A_771] : memref<1024xf32, #tpu.memory_space<vmem>>[vector<16xi32>], vector<16xf32>,
    %add3A_775 = arith.addf %add3A_768, %gather3A_774 : vector<16xf32>
    %swap3A_776 = arith.constant 48 : index
    %swap3A_777 = tpu.vector_load %arg14[%swap3A_776] {strides = array<i32>} : memref<64xf32, #tpu.memory_space<vmem>>, vector<16xf32>,
    tpu.vector_store %arg14[%swap3A_776], %add3A_773 {strides = array<i32>} : memref<64xf32, #tpu.memory_space<vmem>>, vector<16xf32>,
    %swap3A_778 = arith.constant 48 : index
    %swap3A_779 = tpu.vector_load %arg15[%swap3A_778] {strides = array<i32>} : memref<64xf32, #tpu.memory_space<vmem>>, vector<16xf32>,
    tpu.vector_store %arg15[%swap3A_778], %add3A_775 {strides = array<i32>} : memref<64xf32, #tpu.memory_space<vmem>>, vector<16xf32>,
    "tpu.region"() ({
      %run_scoped3A_780 = tpu.sem_alloc : memref<!tpu.dma_semaphore, #tpu.memory_space<semaphore_mem>>
      %dma_start3A_781 = arith.constant 0 : i32
      %dma_start3A_782 = tpu.memref_slice %arg5[%add3A, %dma_start3A_781] : memref<32x128xf32, #tpu.memory_space<hbm>> -> memref<1x64xf32, #tpu.memory_space<hbm>>
      %dma_start3A_783 = tpu.memref_squeeze %dma_start3A_782 : memref<1x64xf32, #tpu.memory_space<hbm>> -> memref<64xf32, #tpu.memory_space<hbm>>
      %dma_start3A_784 = arith.constant 0 : i32
      %dma_start3A_785 = tpu.memref_slice %arg5[%add3A, %dma_start3A_784] : memref<32x128xf32, #tpu.memory_space<hbm>> -> memref<1x64xf32, #tpu.memory_space<hbm>>
      %dma_start3A_786 = tpu.memref_squeeze %dma_start3A_785 : memref<1x64xf32, #tpu.memory_space<hbm>> -> memref<64xf32, #tpu.memory_space<hbm>>
      tpu.enqueue_dma source(%arg14 : memref<64xf32, #tpu.memory_space<vmem>>) target(%dma_start3A_786 : memref<64xf32, #tpu.memory_space<hbm>>) target_semaphore(%run_scoped3A_780 : memref<!tpu.dma_semaphore, #tpu.memory_space<semaphore_mem>>)
      %dma_wait3A = arith.constant 0 : i32
      %dma_wait3A_787 = tpu.memref_slice %arg5[%add3A, %dma_wait3A] : memref<32x128xf32, #tpu.memory_space<hbm>> -> memref<1x64xf32, #tpu.memory_space<hbm>>
      %dma_wait3A_788 = tpu.memref_squeeze %dma_wait3A_787 : memref<1x64xf32, #tpu.memory_space<hbm>> -> memref<64xf32, #tpu.memory_space<hbm>>
      %dma_wait3A_789 = arith.constant 0 : i32
      %dma_wait3A_790 = tpu.memref_slice %arg5[%add3A, %dma_wait3A_789] : memref<32x128xf32, #tpu.memory_space<hbm>> -> memref<1x64xf32, #tpu.memory_space<hbm>>
      %dma_wait3A_791 = tpu.memref_squeeze %dma_wait3A_790 : memref<1x64xf32, #tpu.memory_space<hbm>> -> memref<64xf32, #tpu.memory_space<hbm>>
      tpu.wait_dma2 semaphore(%run_scoped3A_780 : memref<!tpu.dma_semaphore, #tpu.memory_space<semaphore_mem>>) src(%arg14 : memref<64xf32, #tpu.memory_space<vmem>>) dst(%dma_wait3A_791 : memref<64xf32, #tpu.memory_space<hbm>>)
      tpu.yield
    }) : () -> ()
    "tpu.region"() ({
      %run_scoped3A_780 = tpu.sem_alloc : memref<!tpu.dma_semaphore, #tpu.memory_space<semaphore_mem>>
      %dma_start3A_781 = arith.constant 64 : i32
      %dma_start3A_782 = tpu.memref_slice %arg5[%add3A, %dma_start3A_781] : memref<32x128xf32, #tpu.memory_space<hbm>> -> memref<1x64xf32, #tpu.memory_space<hbm>>
      %dma_start3A_783 = tpu.memref_squeeze %dma_start3A_782 : memref<1x64xf32, #tpu.memory_space<hbm>> -> memref<64xf32, #tpu.memory_space<hbm>>
      %dma_start3A_784 = arith.constant 64 : i32
      %dma_start3A_785 = tpu.memref_slice %arg5[%add3A, %dma_start3A_784] : memref<32x128xf32, #tpu.memory_space<hbm>> -> memref<1x64xf32, #tpu.memory_space<hbm>>
      %dma_start3A_786 = tpu.memref_squeeze %dma_start3A_785 : memref<1x64xf32, #tpu.memory_space<hbm>> -> memref<64xf32, #tpu.memory_space<hbm>>
      tpu.enqueue_dma source(%arg15 : memref<64xf32, #tpu.memory_space<vmem>>) target(%dma_start3A_786 : memref<64xf32, #tpu.memory_space<hbm>>) target_semaphore(%run_scoped3A_780 : memref<!tpu.dma_semaphore, #tpu.memory_space<semaphore_mem>>)
      %dma_wait3A = arith.constant 64 : i32
      %dma_wait3A_787 = tpu.memref_slice %arg5[%add3A, %dma_wait3A] : memref<32x128xf32, #tpu.memory_space<hbm>> -> memref<1x64xf32, #tpu.memory_space<hbm>>
      %dma_wait3A_788 = tpu.memref_squeeze %dma_wait3A_787 : memref<1x64xf32, #tpu.memory_space<hbm>> -> memref<64xf32, #tpu.memory_space<hbm>>
      %dma_wait3A_789 = arith.constant 64 : i32
      %dma_wait3A_790 = tpu.memref_slice %arg5[%add3A, %dma_wait3A_789] : memref<32x128xf32, #tpu.memory_space<hbm>> -> memref<1x64xf32, #tpu.memory_space<hbm>>
      %dma_wait3A_791 = tpu.memref_squeeze %dma_wait3A_790 : memref<1x64xf32, #tpu.memory_space<hbm>> -> memref<64xf32, #tpu.memory_space<hbm>>
      tpu.wait_dma2 semaphore(%run_scoped3A_780 : memref<!tpu.dma_semaphore, #tpu.memory_space<semaphore_mem>>) src(%arg15 : memref<64xf32, #tpu.memory_space<vmem>>) dst(%dma_wait3A_791 : memref<64xf32, #tpu.memory_space<hbm>>)
      tpu.yield
    }) : () -> ()
    return
  }
}

module attributes {stable_mosaic.version = 14 : i64} {
  func.func @_loss_body(%arg0: memref<32x64xf32, #tpu.memory_space<vmem>>, %arg1: memref<32x64xf32, #tpu.memory_space<vmem>>, %arg2: memref<128x64xf32, #tpu.memory_space<vmem>>, %arg3: memref<128x64xf32, #tpu.memory_space<vmem>>, %arg4: memref<1x1xf32, #tpu.memory_space<smem>>) attributes {dimension_semantics = [], scalar_prefetch = 0 : i64, scratch_operands = 0 : i64, tpu.core_type = #tpu.core_type<tc>} {
    %get3A = arith.constant 0 : index
    %get3A_0 = arith.constant 0 : index
    %get3A_1 = vector.load %arg0[%get3A, %get3A_0] : memref<32x64xf32, #tpu.memory_space<vmem>>, vector<32x64xf32>
    %reduce_sum3A = arith.constant dense<0.000000e+00> : vector<64xf32>
    %reduce_sum3A_2 = vector.multi_reduction <add>, %get3A_1, %reduce_sum3A [0] : vector<32x64xf32> to vector<64xf32>
    %get3A_3 = arith.constant 0 : index
    %get3A_4 = arith.constant 0 : index
    %get3A_5 = vector.load %arg2[%get3A_3, %get3A_4] : memref<128x64xf32, #tpu.memory_space<vmem>>, vector<128x64xf32>
    %reduce_sum3A_6 = arith.constant dense<0.000000e+00> : vector<64xf32>
    %reduce_sum3A_7 = vector.multi_reduction <add>, %get3A_5, %reduce_sum3A_6 [0] : vector<128x64xf32> to vector<64xf32>
    %add3A = arith.addf %reduce_sum3A_2, %reduce_sum3A_7 : vector<64xf32>
    %get3A_8 = arith.constant 0 : index
    %get3A_9 = arith.constant 0 : index
    %get3A_10 = vector.load %arg1[%get3A_8, %get3A_9] : memref<32x64xf32, #tpu.memory_space<vmem>>, vector<32x64xf32>
    %reduce_sum3A_11 = arith.constant dense<0.000000e+00> : vector<64xf32>
    %reduce_sum3A_12 = vector.multi_reduction <add>, %get3A_10, %reduce_sum3A_11 [0] : vector<32x64xf32> to vector<64xf32>
    %sub3A = arith.subf %add3A, %reduce_sum3A_12 : vector<64xf32>
    %get3A_13 = arith.constant 0 : index
    %get3A_14 = arith.constant 0 : index
    %get3A_15 = vector.load %arg3[%get3A_13, %get3A_14] : memref<128x64xf32, #tpu.memory_space<vmem>>, vector<128x64xf32>
    %reduce_sum3A_16 = arith.constant dense<0.000000e+00> : vector<64xf32>
    %reduce_sum3A_17 = vector.multi_reduction <add>, %get3A_15, %reduce_sum3A_16 [0] : vector<128x64xf32> to vector<64xf32>
    %sub3A_18 = arith.subf %sub3A, %reduce_sum3A_17 : vector<64xf32>
    %abs3A = math.absf %sub3A_18 : vector<64xf32>
    %reduce_sum3A_19 = vector.shape_cast %abs3A : vector<64xf32> to vector<1x64xf32>
    %reduce_sum3A_20 = arith.constant dense<0.000000e+00> : vector<1xf32>
    %reduce_sum3A_21 = vector.multi_reduction <add>, %reduce_sum3A_19, %reduce_sum3A_20 [1] : vector<1x64xf32> to vector<1xf32>
    %reduce_sum3A_22 = vector.shape_cast %reduce_sum3A_21 : vector<1xf32> to vector<1x1xf32>
    %reduce_sum3A_23 = vector.extract %reduce_sum3A_22[0, 0] : f32 from vector<1x1xf32>
    %div3A = arith.constant 6.400000e+01 : f32
    %div3A_24 = arith.divf %reduce_sum3A_23, %div3A : f32
    %swap3A = arith.constant 0 : index
    %swap3A_25 = arith.constant 0 : index
    %swap3A_26 = memref.load %arg4[%swap3A, %swap3A_25] : memref<1x1xf32, #tpu.memory_space<smem>>
    memref.store %div3A_24, %arg4[%swap3A, %swap3A_25] : memref<1x1xf32, #tpu.memory_space<smem>>
    return
  }
}

module attributes {stable_mosaic.version = 14 : i64} {
  func.func @_minmax_body(%arg0: i32, %arg1: memref<4096x128xf32, #tpu.memory_space<vmem>>, %arg2: memref<4096x128xf32, #tpu.memory_space<vmem>>, %arg3: memref<2x128xf32, #tpu.memory_space<vmem>>, %arg4: memref<1x1xf32, #tpu.memory_space<smem>>, %arg5: memref<1x1xf32, #tpu.memory_space<smem>>, %arg6: memref<1xf32, #tpu.memory_space<smem>>, %arg7: memref<1xf32, #tpu.memory_space<smem>>) attributes {dimension_semantics = [#tpu.dimension_semantics<arbitrary>], iteration_bounds = array<i64: 32>, scalar_prefetch = 0 : i64, scratch_operands = 2 : i64, tpu.core_type = #tpu.core_type<tc>, window_params = [{transform_indices = @transform_0, window_bounds = array<i64: 4096, 128>}, {transform_indices = @transform_1, window_bounds = array<i64: 4096, 128>}, {pipeline_mode = #tpu.pipeline_mode<synchronous>, transform_indices = @transform_2, window_bounds = array<i64: 2, 128>}, {transform_indices = @transform_3, window_bounds = array<i64: 1, 1>}, {transform_indices = @transform_4, window_bounds = array<i64: 1, 1>}]} {
    %get3A = arith.constant 0 : index
    %get3A_0 = arith.constant 0 : index
    %get3A_1 = vector.load %arg1[%get3A, %get3A_0] : memref<4096x128xf32, #tpu.memory_space<vmem>>, vector<4096x128xf32>
    %reduce_min3A = vector.shape_cast %get3A_1 : vector<4096x128xf32> to vector<1x4096x128xf32>
    %reduce_min3A_2 = arith.constant dense<0x7F800000> : vector<1xf32>
    %reduce_min3A_3 = vector.multi_reduction <minimumf>, %reduce_min3A, %reduce_min3A_2 [1, 2] : vector<1x4096x128xf32> to vector<1xf32>
    %reduce_min3A_4 = vector.shape_cast %reduce_min3A_3 : vector<1xf32> to vector<1x1x1xf32>
    %reduce_min3A_5 = vector.extract %reduce_min3A_4[0, 0, 0] : f32 from vector<1x1x1xf32>
    %get3A_6 = arith.constant 0 : index
    %get3A_7 = arith.constant 0 : index
    %get3A_8 = vector.load %arg2[%get3A_6, %get3A_7] : memref<4096x128xf32, #tpu.memory_space<vmem>>, vector<4096x128xf32>
    %reduce_min3A_9 = vector.shape_cast %get3A_8 : vector<4096x128xf32> to vector<1x4096x128xf32>
    %reduce_min3A_10 = arith.constant dense<0x7F800000> : vector<1xf32>
    %reduce_min3A_11 = vector.multi_reduction <minimumf>, %reduce_min3A_9, %reduce_min3A_10 [1, 2] : vector<1x4096x128xf32> to vector<1xf32>
    %reduce_min3A_12 = vector.shape_cast %reduce_min3A_11 : vector<1xf32> to vector<1x1x1xf32>
    %reduce_min3A_13 = vector.extract %reduce_min3A_12[0, 0, 0] : f32 from vector<1x1x1xf32>
    %min3A = arith.minimumf %reduce_min3A_5, %reduce_min3A_13 : f32
    %get3A_14 = arith.constant 0 : index
    %get3A_15 = arith.constant 0 : index
    %get3A_16 = vector.load %arg1[%get3A_14, %get3A_15] : memref<4096x128xf32, #tpu.memory_space<vmem>>, vector<4096x128xf32>
    %reduce_max3A = vector.shape_cast %get3A_16 : vector<4096x128xf32> to vector<1x4096x128xf32>
    %reduce_max3A_17 = arith.constant dense<0xFF800000> : vector<1xf32>
    %reduce_max3A_18 = vector.multi_reduction <maximumf>, %reduce_max3A, %reduce_max3A_17 [1, 2] : vector<1x4096x128xf32> to vector<1xf32>
    %reduce_max3A_19 = vector.shape_cast %reduce_max3A_18 : vector<1xf32> to vector<1x1x1xf32>
    %reduce_max3A_20 = vector.extract %reduce_max3A_19[0, 0, 0] : f32 from vector<1x1x1xf32>
    %get3A_21 = arith.constant 0 : index
    %get3A_22 = arith.constant 0 : index
    %get3A_23 = vector.load %arg2[%get3A_21, %get3A_22] : memref<4096x128xf32, #tpu.memory_space<vmem>>, vector<4096x128xf32>
    %reduce_max3A_24 = vector.shape_cast %get3A_23 : vector<4096x128xf32> to vector<1x4096x128xf32>
    %reduce_max3A_25 = arith.constant dense<0xFF800000> : vector<1xf32>
    %reduce_max3A_26 = vector.multi_reduction <maximumf>, %reduce_max3A_24, %reduce_max3A_25 [1, 2] : vector<1x4096x128xf32> to vector<1xf32>
    %reduce_max3A_27 = vector.shape_cast %reduce_max3A_26 : vector<1xf32> to vector<1x1x1xf32>
    %reduce_max3A_28 = vector.extract %reduce_max3A_27[0, 0, 0] : f32 from vector<1x1x1xf32>
    %max3A = arith.maximumf %reduce_max3A_20, %reduce_max3A_28 : f32
    %eq3A = arith.constant 0 : i32
    %eq3A_29 = arith.cmpi eq, %arg0, %eq3A : i32
    %convert_element_type3A = arith.extui %eq3A_29 : i1 to i32
    %cond3A = arith.constant 0 : i32
    %cond3A_30 = arith.cmpi ne, %convert_element_type3A, %cond3A : i32
    scf.if %cond3A_30 {
      %swap3A = arith.constant 0 : index
      %swap3A_40 = memref.load %arg6[%swap3A] : memref<1xf32, #tpu.memory_space<smem>>
      memref.store %min3A, %arg6[%swap3A] : memref<1xf32, #tpu.memory_space<smem>>
      %swap3A_41 = arith.constant 0 : index
      %swap3A_42 = memref.load %arg7[%swap3A_41] : memref<1xf32, #tpu.memory_space<smem>>
      memref.store %max3A, %arg7[%swap3A_41] : memref<1xf32, #tpu.memory_space<smem>>
    } else {
    }
    %ne3A = arith.constant 0 : i32
    %ne3A_31 = arith.cmpi ne, %arg0, %ne3A : i32
    %convert_element_type3A_32 = arith.extui %ne3A_31 : i1 to i32
    %cond3A_33 = arith.constant 0 : i32
    %cond3A_34 = arith.cmpi ne, %convert_element_type3A_32, %cond3A_33 : i32
    scf.if %cond3A_34 {
      %get3A_40 = arith.constant 0 : index
      %get3A_41 = memref.load %arg6[%get3A_40] : memref<1xf32, #tpu.memory_space<smem>>
      %min3A_42 = arith.minimumf %get3A_41, %min3A : f32
      %swap3A = arith.constant 0 : index
      %swap3A_43 = memref.load %arg6[%swap3A] : memref<1xf32, #tpu.memory_space<smem>>
      memref.store %min3A_42, %arg6[%swap3A] : memref<1xf32, #tpu.memory_space<smem>>
      %get3A_44 = arith.constant 0 : index
      %get3A_45 = memref.load %arg7[%get3A_44] : memref<1xf32, #tpu.memory_space<smem>>
      %max3A_46 = arith.maximumf %get3A_45, %max3A : f32
      %swap3A_47 = arith.constant 0 : index
      %swap3A_48 = memref.load %arg7[%swap3A_47] : memref<1xf32, #tpu.memory_space<smem>>
      memref.store %max3A_46, %arg7[%swap3A_47] : memref<1xf32, #tpu.memory_space<smem>>
    } else {
    }
    %eq3A_35 = arith.constant 31 : i32
    %eq3A_36 = arith.cmpi eq, %arg0, %eq3A_35 : i32
    %convert_element_type3A_37 = arith.extui %eq3A_36 : i1 to i32
    %cond3A_38 = arith.constant 0 : i32
    %cond3A_39 = arith.cmpi ne, %convert_element_type3A_37, %cond3A_38 : i32
    scf.if %cond3A_39 {
      %get3A_40 = arith.constant 0 : index
      %get3A_41 = memref.load %arg6[%get3A_40] : memref<1xf32, #tpu.memory_space<smem>>
      %get3A_42 = arith.constant 0 : index
      %get3A_43 = memref.load %arg7[%get3A_42] : memref<1xf32, #tpu.memory_space<smem>>
      %sub3A = arith.subf %get3A_43, %get3A_41 : f32
      %div3A = arith.constant 1.024000e+03 : f32
      %div3A_44 = arith.divf %div3A, %sub3A : f32
      %broadcast_in_dim3A = vector.broadcast %get3A_41 : f32 to vector<1x128xf32>
      %swap3A = arith.constant 0 : index
      %swap3A_45 = arith.constant 0 : index
      %swap3A_46 = vector.load %arg3[%swap3A, %swap3A_45] : memref<2x128xf32, #tpu.memory_space<vmem>>, vector<1x128xf32>
      tpu.vector_store %arg3[%swap3A, %swap3A_45], %broadcast_in_dim3A {strides = array<i32>} : memref<2x128xf32, #tpu.memory_space<vmem>>, vector<1x128xf32>,
      %broadcast_in_dim3A_47 = vector.broadcast %div3A_44 : f32 to vector<1x128xf32>
      %swap3A_48 = arith.constant 1 : index
      %swap3A_49 = arith.constant 0 : index
      %swap3A_50 = vector.load %arg3[%swap3A_48, %swap3A_49] : memref<2x128xf32, #tpu.memory_space<vmem>>, vector<1x128xf32>
      tpu.vector_store %arg3[%swap3A_48, %swap3A_49], %broadcast_in_dim3A_47 {strides = array<i32>} : memref<2x128xf32, #tpu.memory_space<vmem>>, vector<1x128xf32>,
      %swap3A_51 = arith.constant 0 : index
      %swap3A_52 = arith.constant 0 : index
      %swap3A_53 = memref.load %arg4[%swap3A_51, %swap3A_52] : memref<1x1xf32, #tpu.memory_space<smem>>
      memref.store %get3A_41, %arg4[%swap3A_51, %swap3A_52] : memref<1x1xf32, #tpu.memory_space<smem>>
      %swap3A_54 = arith.constant 0 : index
      %swap3A_55 = arith.constant 0 : index
      %swap3A_56 = memref.load %arg5[%swap3A_54, %swap3A_55] : memref<1x1xf32, #tpu.memory_space<smem>>
      memref.store %get3A_43, %arg5[%swap3A_54, %swap3A_55] : memref<1x1xf32, #tpu.memory_space<smem>>
    } else {
    }
    return
  }
  func.func @transform_0(%arg0: i32) -> (i32, i32) {
    %c0_i32 = arith.constant 0 : i32
    %c0_i32_0 = arith.constant 0 : i32
    return %arg0, %c0_i32 : i32, i32
  }
  func.func @transform_1(%arg0: i32) -> (i32, i32) {
    %c0_i32 = arith.constant 0 : i32
    %c0_i32_0 = arith.constant 0 : i32
    return %arg0, %c0_i32 : i32, i32
  }
  func.func @transform_2(%arg0: i32) -> (i32, i32) {
    %c0_i32 = arith.constant 0 : i32
    %c0_i32_0 = arith.constant 0 : i32
    %c0_i32_1 = arith.constant 0 : i32
    return %c0_i32, %c0_i32_0 : i32, i32
  }
  func.func @transform_3(%arg0: i32) -> (i32, i32) {
    %c0_i32 = arith.constant 0 : i32
    %c0_i32_0 = arith.constant 0 : i32
    %c0_i32_1 = arith.constant 0 : i32
    return %c0_i32, %c0_i32_0 : i32, i32
  }
  func.func @transform_4(%arg0: i32) -> (i32, i32) {
    %c0_i32 = arith.constant 0 : i32
    %c0_i32_0 = arith.constant 0 : i32
    %c0_i32_1 = arith.constant 0 : i32
    return %c0_i32, %c0_i32_0 : i32, i32
  }
}

module attributes {stable_mosaic.version = 14 : i64} {
  func.func @_tc_hist_body(%arg0: i32, %arg1: memref<1x1xf32, #tpu.memory_space<smem>>, %arg2: memref<1x1xf32, #tpu.memory_space<smem>>, %arg3: memref<4096x128xf32, #tpu.memory_space<vmem>>, %arg4: memref<4096x128xf32, #tpu.memory_space<vmem>>, %arg5: memref<128x128xf32, #tpu.memory_space<vmem>>) attributes {dimension_semantics = [#tpu.dimension_semantics<arbitrary>], iteration_bounds = array<i64: 4>, scalar_prefetch = 0 : i64, scratch_operands = 0 : i64, tpu.core_type = #tpu.core_type<tc>, window_params = [{transform_indices = @transform_0, window_bounds = array<i64: 1, 1>}, {transform_indices = @transform_1, window_bounds = array<i64: 1, 1>}, {transform_indices = @transform_2, window_bounds = array<i64: 4096, 128>}, {transform_indices = @transform_3, window_bounds = array<i64: 4096, 128>}, {pipeline_mode = #tpu.pipeline_mode<synchronous>, transform_indices = @transform_4, window_bounds = array<i64: 128, 128>}]} {
    %eq3A = arith.constant 0 : i32
    %eq3A_0 = arith.cmpi eq, %arg0, %eq3A : i32
    %convert_element_type3A = arith.extui %eq3A_0 : i1 to i32
    %cond3A = arith.constant 0 : i32
    %cond3A_1 = arith.cmpi ne, %convert_element_type3A, %cond3A : i32
    scf.if %cond3A_1 {
      %broadcast_in_dim3A_1949 = arith.constant 0.000000e+00 : f32
      %broadcast_in_dim3A_1950 = vector.broadcast %broadcast_in_dim3A_1949 : f32 to vector<128x128xf32>
      %swap3A_1951 = arith.constant 0 : index
      %swap3A_1952 = arith.constant 0 : index
      %swap3A_1953 = vector.load %arg5[%swap3A_1951, %swap3A_1952] : memref<128x128xf32, #tpu.memory_space<vmem>>, vector<128x128xf32>
      tpu.vector_store %arg5[%swap3A_1951, %swap3A_1952], %broadcast_in_dim3A_1950 {strides = array<i32>} : memref<128x128xf32, #tpu.memory_space<vmem>>, vector<128x128xf32>,
    } else {
    }
    %get3A = arith.constant 0 : index
    %get3A_2 = arith.constant 0 : index
    %get3A_3 = memref.load %arg1[%get3A, %get3A_2] : memref<1x1xf32, #tpu.memory_space<smem>>
    %get3A_4 = arith.constant 0 : index
    %get3A_5 = arith.constant 0 : index
    %get3A_6 = memref.load %arg2[%get3A_4, %get3A_5] : memref<1x1xf32, #tpu.memory_space<smem>>
    %sub3A = arith.subf %get3A_6, %get3A_3 : f32
    %div3A = arith.constant 6.400000e+01 : f32
    %div3A_7 = arith.divf %div3A, %sub3A : f32
    %get3A_8 = arith.constant 0 : index
    %get3A_9 = arith.constant 0 : index
    %get3A_10 = vector.load %arg3[%get3A_8, %get3A_9] : memref<4096x128xf32, #tpu.memory_space<vmem>>, vector<4096x128xf32>
    %sub3A_11 = vector.broadcast %get3A_3 : f32 to vector<4096x128xf32>
    %sub3A_12 = arith.subf %get3A_10, %sub3A_11 : vector<4096x128xf32>
    %mul3A = vector.broadcast %div3A_7 : f32 to vector<4096x128xf32>
    %mul3A_13 = arith.mulf %sub3A_12, %mul3A : vector<4096x128xf32>
    %floor3A = math.floor %mul3A_13 : vector<4096x128xf32>
    %convert_element_type3A_14 = arith.fptosi %floor3A : vector<4096x128xf32> to vector<4096x128xi32>
    %jit3A = arith.constant 0 : i32
    %jit3A_15 = arith.constant 63 : i32
    %max3A = vector.broadcast %jit3A : i32 to vector<4096x128xi32>
    %max3A_16 = arith.maxsi %max3A, %convert_element_type3A_14 : vector<4096x128xi32>
    %min3A = vector.broadcast %jit3A_15 : i32 to vector<4096x128xi32>
    %min3A_17 = arith.minsi %min3A, %max3A_16 : vector<4096x128xi32>
    %get3A_18 = arith.constant 0 : index
    %get3A_19 = arith.constant 0 : index
    %get3A_20 = vector.load %arg4[%get3A_18, %get3A_19] : memref<4096x128xf32, #tpu.memory_space<vmem>>, vector<4096x128xf32>
    %sub3A_21 = vector.broadcast %get3A_3 : f32 to vector<4096x128xf32>
    %sub3A_22 = arith.subf %get3A_20, %sub3A_21 : vector<4096x128xf32>
    %mul3A_23 = vector.broadcast %div3A_7 : f32 to vector<4096x128xf32>
    %mul3A_24 = arith.mulf %sub3A_22, %mul3A_23 : vector<4096x128xf32>
    %floor3A_25 = math.floor %mul3A_24 : vector<4096x128xf32>
    %convert_element_type3A_26 = arith.fptosi %floor3A_25 : vector<4096x128xf32> to vector<4096x128xi32>
    %jit3A_27 = arith.constant 0 : i32
    %jit3A_28 = arith.constant 63 : i32
    %max3A_29 = vector.broadcast %jit3A_27 : i32 to vector<4096x128xi32>
    %max3A_30 = arith.maxsi %max3A_29, %convert_element_type3A_26 : vector<4096x128xi32>
    %min3A_31 = vector.broadcast %jit3A_28 : i32 to vector<4096x128xi32>
    %min3A_32 = arith.minsi %min3A_31, %max3A_30 : vector<4096x128xi32>
    %eq3A_33 = arith.constant 0 : i32
    %eq3A_34 = vector.broadcast %eq3A_33 : i32 to vector<4096x128xi32>
    %eq3A_35 = arith.cmpi eq, %min3A_17, %eq3A_34 : vector<4096x128xi32>
    %convert_element_type3A_36 = arith.extui %eq3A_35 : vector<4096x128xi1> to vector<4096x128xi32>
    %convert_element_type3A_37 = arith.sitofp %convert_element_type3A_36 : vector<4096x128xi32> to vector<4096x128xf32>
    %reduce_sum3A = arith.constant dense<0.000000e+00> : vector<128xf32>
    %reduce_sum3A_38 = vector.multi_reduction <add>, %convert_element_type3A_37, %reduce_sum3A [0] : vector<4096x128xf32> to vector<128xf32>
    %broadcast_in_dim3A = vector.shape_cast %reduce_sum3A_38 : vector<128xf32> to vector<1x128xf32>
    %eq3A_39 = arith.constant 0 : i32
    %eq3A_40 = vector.broadcast %eq3A_39 : i32 to vector<4096x128xi32>
    %eq3A_41 = arith.cmpi eq, %min3A_32, %eq3A_40 : vector<4096x128xi32>
    %convert_element_type3A_42 = arith.extui %eq3A_41 : vector<4096x128xi1> to vector<4096x128xi32>
    %convert_element_type3A_43 = arith.sitofp %convert_element_type3A_42 : vector<4096x128xi32> to vector<4096x128xf32>
    %reduce_sum3A_44 = arith.constant dense<0.000000e+00> : vector<128xf32>
    %reduce_sum3A_45 = vector.multi_reduction <add>, %convert_element_type3A_43, %reduce_sum3A_44 [0] : vector<4096x128xf32> to vector<128xf32>
    %broadcast_in_dim3A_46 = vector.shape_cast %reduce_sum3A_45 : vector<128xf32> to vector<1x128xf32>
    %get3A_47 = arith.constant 0 : index
    %get3A_48 = arith.constant 0 : index
    %get3A_49 = vector.load %arg5[%get3A_47, %get3A_48] : memref<128x128xf32, #tpu.memory_space<vmem>>, vector<1x128xf32>
    %add3A = arith.addf %get3A_49, %broadcast_in_dim3A : vector<1x128xf32>
    %swap3A = arith.constant 0 : index
    %swap3A_50 = arith.constant 0 : index
    %swap3A_51 = vector.load %arg5[%swap3A, %swap3A_50] : memref<128x128xf32, #tpu.memory_space<vmem>>, vector<1x128xf32>
    tpu.vector_store %arg5[%swap3A, %swap3A_50], %add3A {strides = array<i32>} : memref<128x128xf32, #tpu.memory_space<vmem>>, vector<1x128xf32>,
    %get3A_52 = arith.constant 64 : index
    %get3A_53 = arith.constant 0 : index
    %get3A_54 = vector.load %arg5[%get3A_52, %get3A_53] : memref<128x128xf32, #tpu.memory_space<vmem>>, vector<1x128xf32>
    %add3A_55 = arith.addf %get3A_54, %broadcast_in_dim3A_46 : vector<1x128xf32>
    %swap3A_56 = arith.constant 64 : index
    %swap3A_57 = arith.constant 0 : index
    %swap3A_58 = vector.load %arg5[%swap3A_56, %swap3A_57] : memref<128x128xf32, #tpu.memory_space<vmem>>, vector<1x128xf32>
    tpu.vector_store %arg5[%swap3A_56, %swap3A_57], %add3A_55 {strides = array<i32>} : memref<128x128xf32, #tpu.memory_space<vmem>>, vector<1x128xf32>,
    %eq3A_59 = arith.constant 1 : i32
    %eq3A_60 = vector.broadcast %eq3A_59 : i32 to vector<4096x128xi32>
    %eq3A_61 = arith.cmpi eq, %min3A_17, %eq3A_60 : vector<4096x128xi32>
    %convert_element_type3A_62 = arith.extui %eq3A_61 : vector<4096x128xi1> to vector<4096x128xi32>
    %convert_element_type3A_63 = arith.sitofp %convert_element_type3A_62 : vector<4096x128xi32> to vector<4096x128xf32>
    %reduce_sum3A_64 = arith.constant dense<0.000000e+00> : vector<128xf32>
    %reduce_sum3A_65 = vector.multi_reduction <add>, %convert_element_type3A_63, %reduce_sum3A_64 [0] : vector<4096x128xf32> to vector<128xf32>
    %broadcast_in_dim3A_66 = vector.shape_cast %reduce_sum3A_65 : vector<128xf32> to vector<1x128xf32>
    %eq3A_67 = arith.constant 1 : i32
    %eq3A_68 = vector.broadcast %eq3A_67 : i32 to vector<4096x128xi32>
    %eq3A_69 = arith.cmpi eq, %min3A_32, %eq3A_68 : vector<4096x128xi32>
    %convert_element_type3A_70 = arith.extui %eq3A_69 : vector<4096x128xi1> to vector<4096x128xi32>
    %convert_element_type3A_71 = arith.sitofp %convert_element_type3A_70 : vector<4096x128xi32> to vector<4096x128xf32>
    %reduce_sum3A_72 = arith.constant dense<0.000000e+00> : vector<128xf32>
    %reduce_sum3A_73 = vector.multi_reduction <add>, %convert_element_type3A_71, %reduce_sum3A_72 [0] : vector<4096x128xf32> to vector<128xf32>
    %broadcast_in_dim3A_74 = vector.shape_cast %reduce_sum3A_73 : vector<128xf32> to vector<1x128xf32>
    %get3A_75 = arith.constant 1 : index
    %get3A_76 = arith.constant 0 : index
    %get3A_77 = vector.load %arg5[%get3A_75, %get3A_76] : memref<128x128xf32, #tpu.memory_space<vmem>>, vector<1x128xf32>
    %add3A_78 = arith.addf %get3A_77, %broadcast_in_dim3A_66 : vector<1x128xf32>
    %swap3A_79 = arith.constant 1 : index
    %swap3A_80 = arith.constant 0 : index
    %swap3A_81 = vector.load %arg5[%swap3A_79, %swap3A_80] : memref<128x128xf32, #tpu.memory_space<vmem>>, vector<1x128xf32>
    tpu.vector_store %arg5[%swap3A_79, %swap3A_80], %add3A_78 {strides = array<i32>} : memref<128x128xf32, #tpu.memory_space<vmem>>, vector<1x128xf32>,
    %get3A_82 = arith.constant 65 : index
    %get3A_83 = arith.constant 0 : index
    %get3A_84 = vector.load %arg5[%get3A_82, %get3A_83] : memref<128x128xf32, #tpu.memory_space<vmem>>, vector<1x128xf32>
    %add3A_85 = arith.addf %get3A_84, %broadcast_in_dim3A_74 : vector<1x128xf32>
    %swap3A_86 = arith.constant 65 : index
    %swap3A_87 = arith.constant 0 : index
    %swap3A_88 = vector.load %arg5[%swap3A_86, %swap3A_87] : memref<128x128xf32, #tpu.memory_space<vmem>>, vector<1x128xf32>
    tpu.vector_store %arg5[%swap3A_86, %swap3A_87], %add3A_85 {strides = array<i32>} : memref<128x128xf32, #tpu.memory_space<vmem>>, vector<1x128xf32>,
    %eq3A_89 = arith.constant 2 : i32
    %eq3A_90 = vector.broadcast %eq3A_89 : i32 to vector<4096x128xi32>
    %eq3A_91 = arith.cmpi eq, %min3A_17, %eq3A_90 : vector<4096x128xi32>
    %convert_element_type3A_92 = arith.extui %eq3A_91 : vector<4096x128xi1> to vector<4096x128xi32>
    %convert_element_type3A_93 = arith.sitofp %convert_element_type3A_92 : vector<4096x128xi32> to vector<4096x128xf32>
    %reduce_sum3A_94 = arith.constant dense<0.000000e+00> : vector<128xf32>
    %reduce_sum3A_95 = vector.multi_reduction <add>, %convert_element_type3A_93, %reduce_sum3A_94 [0] : vector<4096x128xf32> to vector<128xf32>
    %broadcast_in_dim3A_96 = vector.shape_cast %reduce_sum3A_95 : vector<128xf32> to vector<1x128xf32>
    %eq3A_97 = arith.constant 2 : i32
    %eq3A_98 = vector.broadcast %eq3A_97 : i32 to vector<4096x128xi32>
    %eq3A_99 = arith.cmpi eq, %min3A_32, %eq3A_98 : vector<4096x128xi32>
    %convert_element_type3A_100 = arith.extui %eq3A_99 : vector<4096x128xi1> to vector<4096x128xi32>
    %convert_element_type3A_101 = arith.sitofp %convert_element_type3A_100 : vector<4096x128xi32> to vector<4096x128xf32>
    %reduce_sum3A_102 = arith.constant dense<0.000000e+00> : vector<128xf32>
    %reduce_sum3A_103 = vector.multi_reduction <add>, %convert_element_type3A_101, %reduce_sum3A_102 [0] : vector<4096x128xf32> to vector<128xf32>
    %broadcast_in_dim3A_104 = vector.shape_cast %reduce_sum3A_103 : vector<128xf32> to vector<1x128xf32>
    %get3A_105 = arith.constant 2 : index
    %get3A_106 = arith.constant 0 : index
    %get3A_107 = vector.load %arg5[%get3A_105, %get3A_106] : memref<128x128xf32, #tpu.memory_space<vmem>>, vector<1x128xf32>
    %add3A_108 = arith.addf %get3A_107, %broadcast_in_dim3A_96 : vector<1x128xf32>
    %swap3A_109 = arith.constant 2 : index
    %swap3A_110 = arith.constant 0 : index
    %swap3A_111 = vector.load %arg5[%swap3A_109, %swap3A_110] : memref<128x128xf32, #tpu.memory_space<vmem>>, vector<1x128xf32>
    tpu.vector_store %arg5[%swap3A_109, %swap3A_110], %add3A_108 {strides = array<i32>} : memref<128x128xf32, #tpu.memory_space<vmem>>, vector<1x128xf32>,
    %get3A_112 = arith.constant 66 : index
    %get3A_113 = arith.constant 0 : index
    %get3A_114 = vector.load %arg5[%get3A_112, %get3A_113] : memref<128x128xf32, #tpu.memory_space<vmem>>, vector<1x128xf32>
    %add3A_115 = arith.addf %get3A_114, %broadcast_in_dim3A_104 : vector<1x128xf32>
    %swap3A_116 = arith.constant 66 : index
    %swap3A_117 = arith.constant 0 : index
    %swap3A_118 = vector.load %arg5[%swap3A_116, %swap3A_117] : memref<128x128xf32, #tpu.memory_space<vmem>>, vector<1x128xf32>
    tpu.vector_store %arg5[%swap3A_116, %swap3A_117], %add3A_115 {strides = array<i32>} : memref<128x128xf32, #tpu.memory_space<vmem>>, vector<1x128xf32>,
    %eq3A_119 = arith.constant 3 : i32
    %eq3A_120 = vector.broadcast %eq3A_119 : i32 to vector<4096x128xi32>
    %eq3A_121 = arith.cmpi eq, %min3A_17, %eq3A_120 : vector<4096x128xi32>
    %convert_element_type3A_122 = arith.extui %eq3A_121 : vector<4096x128xi1> to vector<4096x128xi32>
    %convert_element_type3A_123 = arith.sitofp %convert_element_type3A_122 : vector<4096x128xi32> to vector<4096x128xf32>
    %reduce_sum3A_124 = arith.constant dense<0.000000e+00> : vector<128xf32>
    %reduce_sum3A_125 = vector.multi_reduction <add>, %convert_element_type3A_123, %reduce_sum3A_124 [0] : vector<4096x128xf32> to vector<128xf32>
    %broadcast_in_dim3A_126 = vector.shape_cast %reduce_sum3A_125 : vector<128xf32> to vector<1x128xf32>
    %eq3A_127 = arith.constant 3 : i32
    %eq3A_128 = vector.broadcast %eq3A_127 : i32 to vector<4096x128xi32>
    %eq3A_129 = arith.cmpi eq, %min3A_32, %eq3A_128 : vector<4096x128xi32>
    %convert_element_type3A_130 = arith.extui %eq3A_129 : vector<4096x128xi1> to vector<4096x128xi32>
    %convert_element_type3A_131 = arith.sitofp %convert_element_type3A_130 : vector<4096x128xi32> to vector<4096x128xf32>
    %reduce_sum3A_132 = arith.constant dense<0.000000e+00> : vector<128xf32>
    %reduce_sum3A_133 = vector.multi_reduction <add>, %convert_element_type3A_131, %reduce_sum3A_132 [0] : vector<4096x128xf32> to vector<128xf32>
    %broadcast_in_dim3A_134 = vector.shape_cast %reduce_sum3A_133 : vector<128xf32> to vector<1x128xf32>
    %get3A_135 = arith.constant 3 : index
    %get3A_136 = arith.constant 0 : index
    %get3A_137 = vector.load %arg5[%get3A_135, %get3A_136] : memref<128x128xf32, #tpu.memory_space<vmem>>, vector<1x128xf32>
    %add3A_138 = arith.addf %get3A_137, %broadcast_in_dim3A_126 : vector<1x128xf32>
    %swap3A_139 = arith.constant 3 : index
    %swap3A_140 = arith.constant 0 : index
    %swap3A_141 = vector.load %arg5[%swap3A_139, %swap3A_140] : memref<128x128xf32, #tpu.memory_space<vmem>>, vector<1x128xf32>
    tpu.vector_store %arg5[%swap3A_139, %swap3A_140], %add3A_138 {strides = array<i32>} : memref<128x128xf32, #tpu.memory_space<vmem>>, vector<1x128xf32>,
    %get3A_142 = arith.constant 67 : index
    %get3A_143 = arith.constant 0 : index
    %get3A_144 = vector.load %arg5[%get3A_142, %get3A_143] : memref<128x128xf32, #tpu.memory_space<vmem>>, vector<1x128xf32>
    %add3A_145 = arith.addf %get3A_144, %broadcast_in_dim3A_134 : vector<1x128xf32>
    %swap3A_146 = arith.constant 67 : index
    %swap3A_147 = arith.constant 0 : index
    %swap3A_148 = vector.load %arg5[%swap3A_146, %swap3A_147] : memref<128x128xf32, #tpu.memory_space<vmem>>, vector<1x128xf32>
    tpu.vector_store %arg5[%swap3A_146, %swap3A_147], %add3A_145 {strides = array<i32>} : memref<128x128xf32, #tpu.memory_space<vmem>>, vector<1x128xf32>,
    %eq3A_149 = arith.constant 4 : i32
    %eq3A_150 = vector.broadcast %eq3A_149 : i32 to vector<4096x128xi32>
    %eq3A_151 = arith.cmpi eq, %min3A_17, %eq3A_150 : vector<4096x128xi32>
    %convert_element_type3A_152 = arith.extui %eq3A_151 : vector<4096x128xi1> to vector<4096x128xi32>
    %convert_element_type3A_153 = arith.sitofp %convert_element_type3A_152 : vector<4096x128xi32> to vector<4096x128xf32>
    %reduce_sum3A_154 = arith.constant dense<0.000000e+00> : vector<128xf32>
    %reduce_sum3A_155 = vector.multi_reduction <add>, %convert_element_type3A_153, %reduce_sum3A_154 [0] : vector<4096x128xf32> to vector<128xf32>
    %broadcast_in_dim3A_156 = vector.shape_cast %reduce_sum3A_155 : vector<128xf32> to vector<1x128xf32>
    %eq3A_157 = arith.constant 4 : i32
    %eq3A_158 = vector.broadcast %eq3A_157 : i32 to vector<4096x128xi32>
    %eq3A_159 = arith.cmpi eq, %min3A_32, %eq3A_158 : vector<4096x128xi32>
    %convert_element_type3A_160 = arith.extui %eq3A_159 : vector<4096x128xi1> to vector<4096x128xi32>
    %convert_element_type3A_161 = arith.sitofp %convert_element_type3A_160 : vector<4096x128xi32> to vector<4096x128xf32>
    %reduce_sum3A_162 = arith.constant dense<0.000000e+00> : vector<128xf32>
    %reduce_sum3A_163 = vector.multi_reduction <add>, %convert_element_type3A_161, %reduce_sum3A_162 [0] : vector<4096x128xf32> to vector<128xf32>
    %broadcast_in_dim3A_164 = vector.shape_cast %reduce_sum3A_163 : vector<128xf32> to vector<1x128xf32>
    %get3A_165 = arith.constant 4 : index
    %get3A_166 = arith.constant 0 : index
    %get3A_167 = vector.load %arg5[%get3A_165, %get3A_166] : memref<128x128xf32, #tpu.memory_space<vmem>>, vector<1x128xf32>
    %add3A_168 = arith.addf %get3A_167, %broadcast_in_dim3A_156 : vector<1x128xf32>
    %swap3A_169 = arith.constant 4 : index
    %swap3A_170 = arith.constant 0 : index
    %swap3A_171 = vector.load %arg5[%swap3A_169, %swap3A_170] : memref<128x128xf32, #tpu.memory_space<vmem>>, vector<1x128xf32>
    tpu.vector_store %arg5[%swap3A_169, %swap3A_170], %add3A_168 {strides = array<i32>} : memref<128x128xf32, #tpu.memory_space<vmem>>, vector<1x128xf32>,
    %get3A_172 = arith.constant 68 : index
    %get3A_173 = arith.constant 0 : index
    %get3A_174 = vector.load %arg5[%get3A_172, %get3A_173] : memref<128x128xf32, #tpu.memory_space<vmem>>, vector<1x128xf32>
    %add3A_175 = arith.addf %get3A_174, %broadcast_in_dim3A_164 : vector<1x128xf32>
    %swap3A_176 = arith.constant 68 : index
    %swap3A_177 = arith.constant 0 : index
    %swap3A_178 = vector.load %arg5[%swap3A_176, %swap3A_177] : memref<128x128xf32, #tpu.memory_space<vmem>>, vector<1x128xf32>
    tpu.vector_store %arg5[%swap3A_176, %swap3A_177], %add3A_175 {strides = array<i32>} : memref<128x128xf32, #tpu.memory_space<vmem>>, vector<1x128xf32>,
    %eq3A_179 = arith.constant 5 : i32
    %eq3A_180 = vector.broadcast %eq3A_179 : i32 to vector<4096x128xi32>
    %eq3A_181 = arith.cmpi eq, %min3A_17, %eq3A_180 : vector<4096x128xi32>
    %convert_element_type3A_182 = arith.extui %eq3A_181 : vector<4096x128xi1> to vector<4096x128xi32>
    %convert_element_type3A_183 = arith.sitofp %convert_element_type3A_182 : vector<4096x128xi32> to vector<4096x128xf32>
    %reduce_sum3A_184 = arith.constant dense<0.000000e+00> : vector<128xf32>
    %reduce_sum3A_185 = vector.multi_reduction <add>, %convert_element_type3A_183, %reduce_sum3A_184 [0] : vector<4096x128xf32> to vector<128xf32>
    %broadcast_in_dim3A_186 = vector.shape_cast %reduce_sum3A_185 : vector<128xf32> to vector<1x128xf32>
    %eq3A_187 = arith.constant 5 : i32
    %eq3A_188 = vector.broadcast %eq3A_187 : i32 to vector<4096x128xi32>
    %eq3A_189 = arith.cmpi eq, %min3A_32, %eq3A_188 : vector<4096x128xi32>
    %convert_element_type3A_190 = arith.extui %eq3A_189 : vector<4096x128xi1> to vector<4096x128xi32>
    %convert_element_type3A_191 = arith.sitofp %convert_element_type3A_190 : vector<4096x128xi32> to vector<4096x128xf32>
    %reduce_sum3A_192 = arith.constant dense<0.000000e+00> : vector<128xf32>
    %reduce_sum3A_193 = vector.multi_reduction <add>, %convert_element_type3A_191, %reduce_sum3A_192 [0] : vector<4096x128xf32> to vector<128xf32>
    %broadcast_in_dim3A_194 = vector.shape_cast %reduce_sum3A_193 : vector<128xf32> to vector<1x128xf32>
    %get3A_195 = arith.constant 5 : index
    %get3A_196 = arith.constant 0 : index
    %get3A_197 = vector.load %arg5[%get3A_195, %get3A_196] : memref<128x128xf32, #tpu.memory_space<vmem>>, vector<1x128xf32>
    %add3A_198 = arith.addf %get3A_197, %broadcast_in_dim3A_186 : vector<1x128xf32>
    %swap3A_199 = arith.constant 5 : index
    %swap3A_200 = arith.constant 0 : index
    %swap3A_201 = vector.load %arg5[%swap3A_199, %swap3A_200] : memref<128x128xf32, #tpu.memory_space<vmem>>, vector<1x128xf32>
    tpu.vector_store %arg5[%swap3A_199, %swap3A_200], %add3A_198 {strides = array<i32>} : memref<128x128xf32, #tpu.memory_space<vmem>>, vector<1x128xf32>,
    %get3A_202 = arith.constant 69 : index
    %get3A_203 = arith.constant 0 : index
    %get3A_204 = vector.load %arg5[%get3A_202, %get3A_203] : memref<128x128xf32, #tpu.memory_space<vmem>>, vector<1x128xf32>
    %add3A_205 = arith.addf %get3A_204, %broadcast_in_dim3A_194 : vector<1x128xf32>
    %swap3A_206 = arith.constant 69 : index
    %swap3A_207 = arith.constant 0 : index
    %swap3A_208 = vector.load %arg5[%swap3A_206, %swap3A_207] : memref<128x128xf32, #tpu.memory_space<vmem>>, vector<1x128xf32>
    tpu.vector_store %arg5[%swap3A_206, %swap3A_207], %add3A_205 {strides = array<i32>} : memref<128x128xf32, #tpu.memory_space<vmem>>, vector<1x128xf32>,
    %eq3A_209 = arith.constant 6 : i32
    %eq3A_210 = vector.broadcast %eq3A_209 : i32 to vector<4096x128xi32>
    %eq3A_211 = arith.cmpi eq, %min3A_17, %eq3A_210 : vector<4096x128xi32>
    %convert_element_type3A_212 = arith.extui %eq3A_211 : vector<4096x128xi1> to vector<4096x128xi32>
    %convert_element_type3A_213 = arith.sitofp %convert_element_type3A_212 : vector<4096x128xi32> to vector<4096x128xf32>
    %reduce_sum3A_214 = arith.constant dense<0.000000e+00> : vector<128xf32>
    %reduce_sum3A_215 = vector.multi_reduction <add>, %convert_element_type3A_213, %reduce_sum3A_214 [0] : vector<4096x128xf32> to vector<128xf32>
    %broadcast_in_dim3A_216 = vector.shape_cast %reduce_sum3A_215 : vector<128xf32> to vector<1x128xf32>
    %eq3A_217 = arith.constant 6 : i32
    %eq3A_218 = vector.broadcast %eq3A_217 : i32 to vector<4096x128xi32>
    %eq3A_219 = arith.cmpi eq, %min3A_32, %eq3A_218 : vector<4096x128xi32>
    %convert_element_type3A_220 = arith.extui %eq3A_219 : vector<4096x128xi1> to vector<4096x128xi32>
    %convert_element_type3A_221 = arith.sitofp %convert_element_type3A_220 : vector<4096x128xi32> to vector<4096x128xf32>
    %reduce_sum3A_222 = arith.constant dense<0.000000e+00> : vector<128xf32>
    %reduce_sum3A_223 = vector.multi_reduction <add>, %convert_element_type3A_221, %reduce_sum3A_222 [0] : vector<4096x128xf32> to vector<128xf32>
    %broadcast_in_dim3A_224 = vector.shape_cast %reduce_sum3A_223 : vector<128xf32> to vector<1x128xf32>
    %get3A_225 = arith.constant 6 : index
    %get3A_226 = arith.constant 0 : index
    %get3A_227 = vector.load %arg5[%get3A_225, %get3A_226] : memref<128x128xf32, #tpu.memory_space<vmem>>, vector<1x128xf32>
    %add3A_228 = arith.addf %get3A_227, %broadcast_in_dim3A_216 : vector<1x128xf32>
    %swap3A_229 = arith.constant 6 : index
    %swap3A_230 = arith.constant 0 : index
    %swap3A_231 = vector.load %arg5[%swap3A_229, %swap3A_230] : memref<128x128xf32, #tpu.memory_space<vmem>>, vector<1x128xf32>
    tpu.vector_store %arg5[%swap3A_229, %swap3A_230], %add3A_228 {strides = array<i32>} : memref<128x128xf32, #tpu.memory_space<vmem>>, vector<1x128xf32>,
    %get3A_232 = arith.constant 70 : index
    %get3A_233 = arith.constant 0 : index
    %get3A_234 = vector.load %arg5[%get3A_232, %get3A_233] : memref<128x128xf32, #tpu.memory_space<vmem>>, vector<1x128xf32>
    %add3A_235 = arith.addf %get3A_234, %broadcast_in_dim3A_224 : vector<1x128xf32>
    %swap3A_236 = arith.constant 70 : index
    %swap3A_237 = arith.constant 0 : index
    %swap3A_238 = vector.load %arg5[%swap3A_236, %swap3A_237] : memref<128x128xf32, #tpu.memory_space<vmem>>, vector<1x128xf32>
    tpu.vector_store %arg5[%swap3A_236, %swap3A_237], %add3A_235 {strides = array<i32>} : memref<128x128xf32, #tpu.memory_space<vmem>>, vector<1x128xf32>,
    %eq3A_239 = arith.constant 7 : i32
    %eq3A_240 = vector.broadcast %eq3A_239 : i32 to vector<4096x128xi32>
    %eq3A_241 = arith.cmpi eq, %min3A_17, %eq3A_240 : vector<4096x128xi32>
    %convert_element_type3A_242 = arith.extui %eq3A_241 : vector<4096x128xi1> to vector<4096x128xi32>
    %convert_element_type3A_243 = arith.sitofp %convert_element_type3A_242 : vector<4096x128xi32> to vector<4096x128xf32>
    %reduce_sum3A_244 = arith.constant dense<0.000000e+00> : vector<128xf32>
    %reduce_sum3A_245 = vector.multi_reduction <add>, %convert_element_type3A_243, %reduce_sum3A_244 [0] : vector<4096x128xf32> to vector<128xf32>
    %broadcast_in_dim3A_246 = vector.shape_cast %reduce_sum3A_245 : vector<128xf32> to vector<1x128xf32>
    %eq3A_247 = arith.constant 7 : i32
    %eq3A_248 = vector.broadcast %eq3A_247 : i32 to vector<4096x128xi32>
    %eq3A_249 = arith.cmpi eq, %min3A_32, %eq3A_248 : vector<4096x128xi32>
    %convert_element_type3A_250 = arith.extui %eq3A_249 : vector<4096x128xi1> to vector<4096x128xi32>
    %convert_element_type3A_251 = arith.sitofp %convert_element_type3A_250 : vector<4096x128xi32> to vector<4096x128xf32>
    %reduce_sum3A_252 = arith.constant dense<0.000000e+00> : vector<128xf32>
    %reduce_sum3A_253 = vector.multi_reduction <add>, %convert_element_type3A_251, %reduce_sum3A_252 [0] : vector<4096x128xf32> to vector<128xf32>
    %broadcast_in_dim3A_254 = vector.shape_cast %reduce_sum3A_253 : vector<128xf32> to vector<1x128xf32>
    %get3A_255 = arith.constant 7 : index
    %get3A_256 = arith.constant 0 : index
    %get3A_257 = vector.load %arg5[%get3A_255, %get3A_256] : memref<128x128xf32, #tpu.memory_space<vmem>>, vector<1x128xf32>
    %add3A_258 = arith.addf %get3A_257, %broadcast_in_dim3A_246 : vector<1x128xf32>
    %swap3A_259 = arith.constant 7 : index
    %swap3A_260 = arith.constant 0 : index
    %swap3A_261 = vector.load %arg5[%swap3A_259, %swap3A_260] : memref<128x128xf32, #tpu.memory_space<vmem>>, vector<1x128xf32>
    tpu.vector_store %arg5[%swap3A_259, %swap3A_260], %add3A_258 {strides = array<i32>} : memref<128x128xf32, #tpu.memory_space<vmem>>, vector<1x128xf32>,
    %get3A_262 = arith.constant 71 : index
    %get3A_263 = arith.constant 0 : index
    %get3A_264 = vector.load %arg5[%get3A_262, %get3A_263] : memref<128x128xf32, #tpu.memory_space<vmem>>, vector<1x128xf32>
    %add3A_265 = arith.addf %get3A_264, %broadcast_in_dim3A_254 : vector<1x128xf32>
    %swap3A_266 = arith.constant 71 : index
    %swap3A_267 = arith.constant 0 : index
    %swap3A_268 = vector.load %arg5[%swap3A_266, %swap3A_267] : memref<128x128xf32, #tpu.memory_space<vmem>>, vector<1x128xf32>
    tpu.vector_store %arg5[%swap3A_266, %swap3A_267], %add3A_265 {strides = array<i32>} : memref<128x128xf32, #tpu.memory_space<vmem>>, vector<1x128xf32>,
    %eq3A_269 = arith.constant 8 : i32
    %eq3A_270 = vector.broadcast %eq3A_269 : i32 to vector<4096x128xi32>
    %eq3A_271 = arith.cmpi eq, %min3A_17, %eq3A_270 : vector<4096x128xi32>
    %convert_element_type3A_272 = arith.extui %eq3A_271 : vector<4096x128xi1> to vector<4096x128xi32>
    %convert_element_type3A_273 = arith.sitofp %convert_element_type3A_272 : vector<4096x128xi32> to vector<4096x128xf32>
    %reduce_sum3A_274 = arith.constant dense<0.000000e+00> : vector<128xf32>
    %reduce_sum3A_275 = vector.multi_reduction <add>, %convert_element_type3A_273, %reduce_sum3A_274 [0] : vector<4096x128xf32> to vector<128xf32>
    %broadcast_in_dim3A_276 = vector.shape_cast %reduce_sum3A_275 : vector<128xf32> to vector<1x128xf32>
    %eq3A_277 = arith.constant 8 : i32
    %eq3A_278 = vector.broadcast %eq3A_277 : i32 to vector<4096x128xi32>
    %eq3A_279 = arith.cmpi eq, %min3A_32, %eq3A_278 : vector<4096x128xi32>
    %convert_element_type3A_280 = arith.extui %eq3A_279 : vector<4096x128xi1> to vector<4096x128xi32>
    %convert_element_type3A_281 = arith.sitofp %convert_element_type3A_280 : vector<4096x128xi32> to vector<4096x128xf32>
    %reduce_sum3A_282 = arith.constant dense<0.000000e+00> : vector<128xf32>
    %reduce_sum3A_283 = vector.multi_reduction <add>, %convert_element_type3A_281, %reduce_sum3A_282 [0] : vector<4096x128xf32> to vector<128xf32>
    %broadcast_in_dim3A_284 = vector.shape_cast %reduce_sum3A_283 : vector<128xf32> to vector<1x128xf32>
    %get3A_285 = arith.constant 8 : index
    %get3A_286 = arith.constant 0 : index
    %get3A_287 = vector.load %arg5[%get3A_285, %get3A_286] : memref<128x128xf32, #tpu.memory_space<vmem>>, vector<1x128xf32>
    %add3A_288 = arith.addf %get3A_287, %broadcast_in_dim3A_276 : vector<1x128xf32>
    %swap3A_289 = arith.constant 8 : index
    %swap3A_290 = arith.constant 0 : index
    %swap3A_291 = vector.load %arg5[%swap3A_289, %swap3A_290] : memref<128x128xf32, #tpu.memory_space<vmem>>, vector<1x128xf32>
    tpu.vector_store %arg5[%swap3A_289, %swap3A_290], %add3A_288 {strides = array<i32>} : memref<128x128xf32, #tpu.memory_space<vmem>>, vector<1x128xf32>,
    %get3A_292 = arith.constant 72 : index
    %get3A_293 = arith.constant 0 : index
    %get3A_294 = vector.load %arg5[%get3A_292, %get3A_293] : memref<128x128xf32, #tpu.memory_space<vmem>>, vector<1x128xf32>
    %add3A_295 = arith.addf %get3A_294, %broadcast_in_dim3A_284 : vector<1x128xf32>
    %swap3A_296 = arith.constant 72 : index
    %swap3A_297 = arith.constant 0 : index
    %swap3A_298 = vector.load %arg5[%swap3A_296, %swap3A_297] : memref<128x128xf32, #tpu.memory_space<vmem>>, vector<1x128xf32>
    tpu.vector_store %arg5[%swap3A_296, %swap3A_297], %add3A_295 {strides = array<i32>} : memref<128x128xf32, #tpu.memory_space<vmem>>, vector<1x128xf32>,
    %eq3A_299 = arith.constant 9 : i32
    %eq3A_300 = vector.broadcast %eq3A_299 : i32 to vector<4096x128xi32>
    %eq3A_301 = arith.cmpi eq, %min3A_17, %eq3A_300 : vector<4096x128xi32>
    %convert_element_type3A_302 = arith.extui %eq3A_301 : vector<4096x128xi1> to vector<4096x128xi32>
    %convert_element_type3A_303 = arith.sitofp %convert_element_type3A_302 : vector<4096x128xi32> to vector<4096x128xf32>
    %reduce_sum3A_304 = arith.constant dense<0.000000e+00> : vector<128xf32>
    %reduce_sum3A_305 = vector.multi_reduction <add>, %convert_element_type3A_303, %reduce_sum3A_304 [0] : vector<4096x128xf32> to vector<128xf32>
    %broadcast_in_dim3A_306 = vector.shape_cast %reduce_sum3A_305 : vector<128xf32> to vector<1x128xf32>
    %eq3A_307 = arith.constant 9 : i32
    %eq3A_308 = vector.broadcast %eq3A_307 : i32 to vector<4096x128xi32>
    %eq3A_309 = arith.cmpi eq, %min3A_32, %eq3A_308 : vector<4096x128xi32>
    %convert_element_type3A_310 = arith.extui %eq3A_309 : vector<4096x128xi1> to vector<4096x128xi32>
    %convert_element_type3A_311 = arith.sitofp %convert_element_type3A_310 : vector<4096x128xi32> to vector<4096x128xf32>
    %reduce_sum3A_312 = arith.constant dense<0.000000e+00> : vector<128xf32>
    %reduce_sum3A_313 = vector.multi_reduction <add>, %convert_element_type3A_311, %reduce_sum3A_312 [0] : vector<4096x128xf32> to vector<128xf32>
    %broadcast_in_dim3A_314 = vector.shape_cast %reduce_sum3A_313 : vector<128xf32> to vector<1x128xf32>
    %get3A_315 = arith.constant 9 : index
    %get3A_316 = arith.constant 0 : index
    %get3A_317 = vector.load %arg5[%get3A_315, %get3A_316] : memref<128x128xf32, #tpu.memory_space<vmem>>, vector<1x128xf32>
    %add3A_318 = arith.addf %get3A_317, %broadcast_in_dim3A_306 : vector<1x128xf32>
    %swap3A_319 = arith.constant 9 : index
    %swap3A_320 = arith.constant 0 : index
    %swap3A_321 = vector.load %arg5[%swap3A_319, %swap3A_320] : memref<128x128xf32, #tpu.memory_space<vmem>>, vector<1x128xf32>
    tpu.vector_store %arg5[%swap3A_319, %swap3A_320], %add3A_318 {strides = array<i32>} : memref<128x128xf32, #tpu.memory_space<vmem>>, vector<1x128xf32>,
    %get3A_322 = arith.constant 73 : index
    %get3A_323 = arith.constant 0 : index
    %get3A_324 = vector.load %arg5[%get3A_322, %get3A_323] : memref<128x128xf32, #tpu.memory_space<vmem>>, vector<1x128xf32>
    %add3A_325 = arith.addf %get3A_324, %broadcast_in_dim3A_314 : vector<1x128xf32>
    %swap3A_326 = arith.constant 73 : index
    %swap3A_327 = arith.constant 0 : index
    %swap3A_328 = vector.load %arg5[%swap3A_326, %swap3A_327] : memref<128x128xf32, #tpu.memory_space<vmem>>, vector<1x128xf32>
    tpu.vector_store %arg5[%swap3A_326, %swap3A_327], %add3A_325 {strides = array<i32>} : memref<128x128xf32, #tpu.memory_space<vmem>>, vector<1x128xf32>,
    %eq3A_329 = arith.constant 10 : i32
    %eq3A_330 = vector.broadcast %eq3A_329 : i32 to vector<4096x128xi32>
    %eq3A_331 = arith.cmpi eq, %min3A_17, %eq3A_330 : vector<4096x128xi32>
    %convert_element_type3A_332 = arith.extui %eq3A_331 : vector<4096x128xi1> to vector<4096x128xi32>
    %convert_element_type3A_333 = arith.sitofp %convert_element_type3A_332 : vector<4096x128xi32> to vector<4096x128xf32>
    %reduce_sum3A_334 = arith.constant dense<0.000000e+00> : vector<128xf32>
    %reduce_sum3A_335 = vector.multi_reduction <add>, %convert_element_type3A_333, %reduce_sum3A_334 [0] : vector<4096x128xf32> to vector<128xf32>
    %broadcast_in_dim3A_336 = vector.shape_cast %reduce_sum3A_335 : vector<128xf32> to vector<1x128xf32>
    %eq3A_337 = arith.constant 10 : i32
    %eq3A_338 = vector.broadcast %eq3A_337 : i32 to vector<4096x128xi32>
    %eq3A_339 = arith.cmpi eq, %min3A_32, %eq3A_338 : vector<4096x128xi32>
    %convert_element_type3A_340 = arith.extui %eq3A_339 : vector<4096x128xi1> to vector<4096x128xi32>
    %convert_element_type3A_341 = arith.sitofp %convert_element_type3A_340 : vector<4096x128xi32> to vector<4096x128xf32>
    %reduce_sum3A_342 = arith.constant dense<0.000000e+00> : vector<128xf32>
    %reduce_sum3A_343 = vector.multi_reduction <add>, %convert_element_type3A_341, %reduce_sum3A_342 [0] : vector<4096x128xf32> to vector<128xf32>
    %broadcast_in_dim3A_344 = vector.shape_cast %reduce_sum3A_343 : vector<128xf32> to vector<1x128xf32>
    %get3A_345 = arith.constant 10 : index
    %get3A_346 = arith.constant 0 : index
    %get3A_347 = vector.load %arg5[%get3A_345, %get3A_346] : memref<128x128xf32, #tpu.memory_space<vmem>>, vector<1x128xf32>
    %add3A_348 = arith.addf %get3A_347, %broadcast_in_dim3A_336 : vector<1x128xf32>
    %swap3A_349 = arith.constant 10 : index
    %swap3A_350 = arith.constant 0 : index
    %swap3A_351 = vector.load %arg5[%swap3A_349, %swap3A_350] : memref<128x128xf32, #tpu.memory_space<vmem>>, vector<1x128xf32>
    tpu.vector_store %arg5[%swap3A_349, %swap3A_350], %add3A_348 {strides = array<i32>} : memref<128x128xf32, #tpu.memory_space<vmem>>, vector<1x128xf32>,
    %get3A_352 = arith.constant 74 : index
    %get3A_353 = arith.constant 0 : index
    %get3A_354 = vector.load %arg5[%get3A_352, %get3A_353] : memref<128x128xf32, #tpu.memory_space<vmem>>, vector<1x128xf32>
    %add3A_355 = arith.addf %get3A_354, %broadcast_in_dim3A_344 : vector<1x128xf32>
    %swap3A_356 = arith.constant 74 : index
    %swap3A_357 = arith.constant 0 : index
    %swap3A_358 = vector.load %arg5[%swap3A_356, %swap3A_357] : memref<128x128xf32, #tpu.memory_space<vmem>>, vector<1x128xf32>
    tpu.vector_store %arg5[%swap3A_356, %swap3A_357], %add3A_355 {strides = array<i32>} : memref<128x128xf32, #tpu.memory_space<vmem>>, vector<1x128xf32>,
    %eq3A_359 = arith.constant 11 : i32
    %eq3A_360 = vector.broadcast %eq3A_359 : i32 to vector<4096x128xi32>
    %eq3A_361 = arith.cmpi eq, %min3A_17, %eq3A_360 : vector<4096x128xi32>
    %convert_element_type3A_362 = arith.extui %eq3A_361 : vector<4096x128xi1> to vector<4096x128xi32>
    %convert_element_type3A_363 = arith.sitofp %convert_element_type3A_362 : vector<4096x128xi32> to vector<4096x128xf32>
    %reduce_sum3A_364 = arith.constant dense<0.000000e+00> : vector<128xf32>
    %reduce_sum3A_365 = vector.multi_reduction <add>, %convert_element_type3A_363, %reduce_sum3A_364 [0] : vector<4096x128xf32> to vector<128xf32>
    %broadcast_in_dim3A_366 = vector.shape_cast %reduce_sum3A_365 : vector<128xf32> to vector<1x128xf32>
    %eq3A_367 = arith.constant 11 : i32
    %eq3A_368 = vector.broadcast %eq3A_367 : i32 to vector<4096x128xi32>
    %eq3A_369 = arith.cmpi eq, %min3A_32, %eq3A_368 : vector<4096x128xi32>
    %convert_element_type3A_370 = arith.extui %eq3A_369 : vector<4096x128xi1> to vector<4096x128xi32>
    %convert_element_type3A_371 = arith.sitofp %convert_element_type3A_370 : vector<4096x128xi32> to vector<4096x128xf32>
    %reduce_sum3A_372 = arith.constant dense<0.000000e+00> : vector<128xf32>
    %reduce_sum3A_373 = vector.multi_reduction <add>, %convert_element_type3A_371, %reduce_sum3A_372 [0] : vector<4096x128xf32> to vector<128xf32>
    %broadcast_in_dim3A_374 = vector.shape_cast %reduce_sum3A_373 : vector<128xf32> to vector<1x128xf32>
    %get3A_375 = arith.constant 11 : index
    %get3A_376 = arith.constant 0 : index
    %get3A_377 = vector.load %arg5[%get3A_375, %get3A_376] : memref<128x128xf32, #tpu.memory_space<vmem>>, vector<1x128xf32>
    %add3A_378 = arith.addf %get3A_377, %broadcast_in_dim3A_366 : vector<1x128xf32>
    %swap3A_379 = arith.constant 11 : index
    %swap3A_380 = arith.constant 0 : index
    %swap3A_381 = vector.load %arg5[%swap3A_379, %swap3A_380] : memref<128x128xf32, #tpu.memory_space<vmem>>, vector<1x128xf32>
    tpu.vector_store %arg5[%swap3A_379, %swap3A_380], %add3A_378 {strides = array<i32>} : memref<128x128xf32, #tpu.memory_space<vmem>>, vector<1x128xf32>,
    %get3A_382 = arith.constant 75 : index
    %get3A_383 = arith.constant 0 : index
    %get3A_384 = vector.load %arg5[%get3A_382, %get3A_383] : memref<128x128xf32, #tpu.memory_space<vmem>>, vector<1x128xf32>
    %add3A_385 = arith.addf %get3A_384, %broadcast_in_dim3A_374 : vector<1x128xf32>
    %swap3A_386 = arith.constant 75 : index
    %swap3A_387 = arith.constant 0 : index
    %swap3A_388 = vector.load %arg5[%swap3A_386, %swap3A_387] : memref<128x128xf32, #tpu.memory_space<vmem>>, vector<1x128xf32>
    tpu.vector_store %arg5[%swap3A_386, %swap3A_387], %add3A_385 {strides = array<i32>} : memref<128x128xf32, #tpu.memory_space<vmem>>, vector<1x128xf32>,
    %eq3A_389 = arith.constant 12 : i32
    %eq3A_390 = vector.broadcast %eq3A_389 : i32 to vector<4096x128xi32>
    %eq3A_391 = arith.cmpi eq, %min3A_17, %eq3A_390 : vector<4096x128xi32>
    %convert_element_type3A_392 = arith.extui %eq3A_391 : vector<4096x128xi1> to vector<4096x128xi32>
    %convert_element_type3A_393 = arith.sitofp %convert_element_type3A_392 : vector<4096x128xi32> to vector<4096x128xf32>
    %reduce_sum3A_394 = arith.constant dense<0.000000e+00> : vector<128xf32>
    %reduce_sum3A_395 = vector.multi_reduction <add>, %convert_element_type3A_393, %reduce_sum3A_394 [0] : vector<4096x128xf32> to vector<128xf32>
    %broadcast_in_dim3A_396 = vector.shape_cast %reduce_sum3A_395 : vector<128xf32> to vector<1x128xf32>
    %eq3A_397 = arith.constant 12 : i32
    %eq3A_398 = vector.broadcast %eq3A_397 : i32 to vector<4096x128xi32>
    %eq3A_399 = arith.cmpi eq, %min3A_32, %eq3A_398 : vector<4096x128xi32>
    %convert_element_type3A_400 = arith.extui %eq3A_399 : vector<4096x128xi1> to vector<4096x128xi32>
    %convert_element_type3A_401 = arith.sitofp %convert_element_type3A_400 : vector<4096x128xi32> to vector<4096x128xf32>
    %reduce_sum3A_402 = arith.constant dense<0.000000e+00> : vector<128xf32>
    %reduce_sum3A_403 = vector.multi_reduction <add>, %convert_element_type3A_401, %reduce_sum3A_402 [0] : vector<4096x128xf32> to vector<128xf32>
    %broadcast_in_dim3A_404 = vector.shape_cast %reduce_sum3A_403 : vector<128xf32> to vector<1x128xf32>
    %get3A_405 = arith.constant 12 : index
    %get3A_406 = arith.constant 0 : index
    %get3A_407 = vector.load %arg5[%get3A_405, %get3A_406] : memref<128x128xf32, #tpu.memory_space<vmem>>, vector<1x128xf32>
    %add3A_408 = arith.addf %get3A_407, %broadcast_in_dim3A_396 : vector<1x128xf32>
    %swap3A_409 = arith.constant 12 : index
    %swap3A_410 = arith.constant 0 : index
    %swap3A_411 = vector.load %arg5[%swap3A_409, %swap3A_410] : memref<128x128xf32, #tpu.memory_space<vmem>>, vector<1x128xf32>
    tpu.vector_store %arg5[%swap3A_409, %swap3A_410], %add3A_408 {strides = array<i32>} : memref<128x128xf32, #tpu.memory_space<vmem>>, vector<1x128xf32>,
    %get3A_412 = arith.constant 76 : index
    %get3A_413 = arith.constant 0 : index
    %get3A_414 = vector.load %arg5[%get3A_412, %get3A_413] : memref<128x128xf32, #tpu.memory_space<vmem>>, vector<1x128xf32>
    %add3A_415 = arith.addf %get3A_414, %broadcast_in_dim3A_404 : vector<1x128xf32>
    %swap3A_416 = arith.constant 76 : index
    %swap3A_417 = arith.constant 0 : index
    %swap3A_418 = vector.load %arg5[%swap3A_416, %swap3A_417] : memref<128x128xf32, #tpu.memory_space<vmem>>, vector<1x128xf32>
    tpu.vector_store %arg5[%swap3A_416, %swap3A_417], %add3A_415 {strides = array<i32>} : memref<128x128xf32, #tpu.memory_space<vmem>>, vector<1x128xf32>,
    %eq3A_419 = arith.constant 13 : i32
    %eq3A_420 = vector.broadcast %eq3A_419 : i32 to vector<4096x128xi32>
    %eq3A_421 = arith.cmpi eq, %min3A_17, %eq3A_420 : vector<4096x128xi32>
    %convert_element_type3A_422 = arith.extui %eq3A_421 : vector<4096x128xi1> to vector<4096x128xi32>
    %convert_element_type3A_423 = arith.sitofp %convert_element_type3A_422 : vector<4096x128xi32> to vector<4096x128xf32>
    %reduce_sum3A_424 = arith.constant dense<0.000000e+00> : vector<128xf32>
    %reduce_sum3A_425 = vector.multi_reduction <add>, %convert_element_type3A_423, %reduce_sum3A_424 [0] : vector<4096x128xf32> to vector<128xf32>
    %broadcast_in_dim3A_426 = vector.shape_cast %reduce_sum3A_425 : vector<128xf32> to vector<1x128xf32>
    %eq3A_427 = arith.constant 13 : i32
    %eq3A_428 = vector.broadcast %eq3A_427 : i32 to vector<4096x128xi32>
    %eq3A_429 = arith.cmpi eq, %min3A_32, %eq3A_428 : vector<4096x128xi32>
    %convert_element_type3A_430 = arith.extui %eq3A_429 : vector<4096x128xi1> to vector<4096x128xi32>
    %convert_element_type3A_431 = arith.sitofp %convert_element_type3A_430 : vector<4096x128xi32> to vector<4096x128xf32>
    %reduce_sum3A_432 = arith.constant dense<0.000000e+00> : vector<128xf32>
    %reduce_sum3A_433 = vector.multi_reduction <add>, %convert_element_type3A_431, %reduce_sum3A_432 [0] : vector<4096x128xf32> to vector<128xf32>
    %broadcast_in_dim3A_434 = vector.shape_cast %reduce_sum3A_433 : vector<128xf32> to vector<1x128xf32>
    %get3A_435 = arith.constant 13 : index
    %get3A_436 = arith.constant 0 : index
    %get3A_437 = vector.load %arg5[%get3A_435, %get3A_436] : memref<128x128xf32, #tpu.memory_space<vmem>>, vector<1x128xf32>
    %add3A_438 = arith.addf %get3A_437, %broadcast_in_dim3A_426 : vector<1x128xf32>
    %swap3A_439 = arith.constant 13 : index
    %swap3A_440 = arith.constant 0 : index
    %swap3A_441 = vector.load %arg5[%swap3A_439, %swap3A_440] : memref<128x128xf32, #tpu.memory_space<vmem>>, vector<1x128xf32>
    tpu.vector_store %arg5[%swap3A_439, %swap3A_440], %add3A_438 {strides = array<i32>} : memref<128x128xf32, #tpu.memory_space<vmem>>, vector<1x128xf32>,
    %get3A_442 = arith.constant 77 : index
    %get3A_443 = arith.constant 0 : index
    %get3A_444 = vector.load %arg5[%get3A_442, %get3A_443] : memref<128x128xf32, #tpu.memory_space<vmem>>, vector<1x128xf32>
    %add3A_445 = arith.addf %get3A_444, %broadcast_in_dim3A_434 : vector<1x128xf32>
    %swap3A_446 = arith.constant 77 : index
    %swap3A_447 = arith.constant 0 : index
    %swap3A_448 = vector.load %arg5[%swap3A_446, %swap3A_447] : memref<128x128xf32, #tpu.memory_space<vmem>>, vector<1x128xf32>
    tpu.vector_store %arg5[%swap3A_446, %swap3A_447], %add3A_445 {strides = array<i32>} : memref<128x128xf32, #tpu.memory_space<vmem>>, vector<1x128xf32>,
    %eq3A_449 = arith.constant 14 : i32
    %eq3A_450 = vector.broadcast %eq3A_449 : i32 to vector<4096x128xi32>
    %eq3A_451 = arith.cmpi eq, %min3A_17, %eq3A_450 : vector<4096x128xi32>
    %convert_element_type3A_452 = arith.extui %eq3A_451 : vector<4096x128xi1> to vector<4096x128xi32>
    %convert_element_type3A_453 = arith.sitofp %convert_element_type3A_452 : vector<4096x128xi32> to vector<4096x128xf32>
    %reduce_sum3A_454 = arith.constant dense<0.000000e+00> : vector<128xf32>
    %reduce_sum3A_455 = vector.multi_reduction <add>, %convert_element_type3A_453, %reduce_sum3A_454 [0] : vector<4096x128xf32> to vector<128xf32>
    %broadcast_in_dim3A_456 = vector.shape_cast %reduce_sum3A_455 : vector<128xf32> to vector<1x128xf32>
    %eq3A_457 = arith.constant 14 : i32
    %eq3A_458 = vector.broadcast %eq3A_457 : i32 to vector<4096x128xi32>
    %eq3A_459 = arith.cmpi eq, %min3A_32, %eq3A_458 : vector<4096x128xi32>
    %convert_element_type3A_460 = arith.extui %eq3A_459 : vector<4096x128xi1> to vector<4096x128xi32>
    %convert_element_type3A_461 = arith.sitofp %convert_element_type3A_460 : vector<4096x128xi32> to vector<4096x128xf32>
    %reduce_sum3A_462 = arith.constant dense<0.000000e+00> : vector<128xf32>
    %reduce_sum3A_463 = vector.multi_reduction <add>, %convert_element_type3A_461, %reduce_sum3A_462 [0] : vector<4096x128xf32> to vector<128xf32>
    %broadcast_in_dim3A_464 = vector.shape_cast %reduce_sum3A_463 : vector<128xf32> to vector<1x128xf32>
    %get3A_465 = arith.constant 14 : index
    %get3A_466 = arith.constant 0 : index
    %get3A_467 = vector.load %arg5[%get3A_465, %get3A_466] : memref<128x128xf32, #tpu.memory_space<vmem>>, vector<1x128xf32>
    %add3A_468 = arith.addf %get3A_467, %broadcast_in_dim3A_456 : vector<1x128xf32>
    %swap3A_469 = arith.constant 14 : index
    %swap3A_470 = arith.constant 0 : index
    %swap3A_471 = vector.load %arg5[%swap3A_469, %swap3A_470] : memref<128x128xf32, #tpu.memory_space<vmem>>, vector<1x128xf32>
    tpu.vector_store %arg5[%swap3A_469, %swap3A_470], %add3A_468 {strides = array<i32>} : memref<128x128xf32, #tpu.memory_space<vmem>>, vector<1x128xf32>,
    %get3A_472 = arith.constant 78 : index
    %get3A_473 = arith.constant 0 : index
    %get3A_474 = vector.load %arg5[%get3A_472, %get3A_473] : memref<128x128xf32, #tpu.memory_space<vmem>>, vector<1x128xf32>
    %add3A_475 = arith.addf %get3A_474, %broadcast_in_dim3A_464 : vector<1x128xf32>
    %swap3A_476 = arith.constant 78 : index
    %swap3A_477 = arith.constant 0 : index
    %swap3A_478 = vector.load %arg5[%swap3A_476, %swap3A_477] : memref<128x128xf32, #tpu.memory_space<vmem>>, vector<1x128xf32>
    tpu.vector_store %arg5[%swap3A_476, %swap3A_477], %add3A_475 {strides = array<i32>} : memref<128x128xf32, #tpu.memory_space<vmem>>, vector<1x128xf32>,
    %eq3A_479 = arith.constant 15 : i32
    %eq3A_480 = vector.broadcast %eq3A_479 : i32 to vector<4096x128xi32>
    %eq3A_481 = arith.cmpi eq, %min3A_17, %eq3A_480 : vector<4096x128xi32>
    %convert_element_type3A_482 = arith.extui %eq3A_481 : vector<4096x128xi1> to vector<4096x128xi32>
    %convert_element_type3A_483 = arith.sitofp %convert_element_type3A_482 : vector<4096x128xi32> to vector<4096x128xf32>
    %reduce_sum3A_484 = arith.constant dense<0.000000e+00> : vector<128xf32>
    %reduce_sum3A_485 = vector.multi_reduction <add>, %convert_element_type3A_483, %reduce_sum3A_484 [0] : vector<4096x128xf32> to vector<128xf32>
    %broadcast_in_dim3A_486 = vector.shape_cast %reduce_sum3A_485 : vector<128xf32> to vector<1x128xf32>
    %eq3A_487 = arith.constant 15 : i32
    %eq3A_488 = vector.broadcast %eq3A_487 : i32 to vector<4096x128xi32>
    %eq3A_489 = arith.cmpi eq, %min3A_32, %eq3A_488 : vector<4096x128xi32>
    %convert_element_type3A_490 = arith.extui %eq3A_489 : vector<4096x128xi1> to vector<4096x128xi32>
    %convert_element_type3A_491 = arith.sitofp %convert_element_type3A_490 : vector<4096x128xi32> to vector<4096x128xf32>
    %reduce_sum3A_492 = arith.constant dense<0.000000e+00> : vector<128xf32>
    %reduce_sum3A_493 = vector.multi_reduction <add>, %convert_element_type3A_491, %reduce_sum3A_492 [0] : vector<4096x128xf32> to vector<128xf32>
    %broadcast_in_dim3A_494 = vector.shape_cast %reduce_sum3A_493 : vector<128xf32> to vector<1x128xf32>
    %get3A_495 = arith.constant 15 : index
    %get3A_496 = arith.constant 0 : index
    %get3A_497 = vector.load %arg5[%get3A_495, %get3A_496] : memref<128x128xf32, #tpu.memory_space<vmem>>, vector<1x128xf32>
    %add3A_498 = arith.addf %get3A_497, %broadcast_in_dim3A_486 : vector<1x128xf32>
    %swap3A_499 = arith.constant 15 : index
    %swap3A_500 = arith.constant 0 : index
    %swap3A_501 = vector.load %arg5[%swap3A_499, %swap3A_500] : memref<128x128xf32, #tpu.memory_space<vmem>>, vector<1x128xf32>
    tpu.vector_store %arg5[%swap3A_499, %swap3A_500], %add3A_498 {strides = array<i32>} : memref<128x128xf32, #tpu.memory_space<vmem>>, vector<1x128xf32>,
    %get3A_502 = arith.constant 79 : index
    %get3A_503 = arith.constant 0 : index
    %get3A_504 = vector.load %arg5[%get3A_502, %get3A_503] : memref<128x128xf32, #tpu.memory_space<vmem>>, vector<1x128xf32>
    %add3A_505 = arith.addf %get3A_504, %broadcast_in_dim3A_494 : vector<1x128xf32>
    %swap3A_506 = arith.constant 79 : index
    %swap3A_507 = arith.constant 0 : index
    %swap3A_508 = vector.load %arg5[%swap3A_506, %swap3A_507] : memref<128x128xf32, #tpu.memory_space<vmem>>, vector<1x128xf32>
    tpu.vector_store %arg5[%swap3A_506, %swap3A_507], %add3A_505 {strides = array<i32>} : memref<128x128xf32, #tpu.memory_space<vmem>>, vector<1x128xf32>,
    %eq3A_509 = arith.constant 16 : i32
    %eq3A_510 = vector.broadcast %eq3A_509 : i32 to vector<4096x128xi32>
    %eq3A_511 = arith.cmpi eq, %min3A_17, %eq3A_510 : vector<4096x128xi32>
    %convert_element_type3A_512 = arith.extui %eq3A_511 : vector<4096x128xi1> to vector<4096x128xi32>
    %convert_element_type3A_513 = arith.sitofp %convert_element_type3A_512 : vector<4096x128xi32> to vector<4096x128xf32>
    %reduce_sum3A_514 = arith.constant dense<0.000000e+00> : vector<128xf32>
    %reduce_sum3A_515 = vector.multi_reduction <add>, %convert_element_type3A_513, %reduce_sum3A_514 [0] : vector<4096x128xf32> to vector<128xf32>
    %broadcast_in_dim3A_516 = vector.shape_cast %reduce_sum3A_515 : vector<128xf32> to vector<1x128xf32>
    %eq3A_517 = arith.constant 16 : i32
    %eq3A_518 = vector.broadcast %eq3A_517 : i32 to vector<4096x128xi32>
    %eq3A_519 = arith.cmpi eq, %min3A_32, %eq3A_518 : vector<4096x128xi32>
    %convert_element_type3A_520 = arith.extui %eq3A_519 : vector<4096x128xi1> to vector<4096x128xi32>
    %convert_element_type3A_521 = arith.sitofp %convert_element_type3A_520 : vector<4096x128xi32> to vector<4096x128xf32>
    %reduce_sum3A_522 = arith.constant dense<0.000000e+00> : vector<128xf32>
    %reduce_sum3A_523 = vector.multi_reduction <add>, %convert_element_type3A_521, %reduce_sum3A_522 [0] : vector<4096x128xf32> to vector<128xf32>
    %broadcast_in_dim3A_524 = vector.shape_cast %reduce_sum3A_523 : vector<128xf32> to vector<1x128xf32>
    %get3A_525 = arith.constant 16 : index
    %get3A_526 = arith.constant 0 : index
    %get3A_527 = vector.load %arg5[%get3A_525, %get3A_526] : memref<128x128xf32, #tpu.memory_space<vmem>>, vector<1x128xf32>
    %add3A_528 = arith.addf %get3A_527, %broadcast_in_dim3A_516 : vector<1x128xf32>
    %swap3A_529 = arith.constant 16 : index
    %swap3A_530 = arith.constant 0 : index
    %swap3A_531 = vector.load %arg5[%swap3A_529, %swap3A_530] : memref<128x128xf32, #tpu.memory_space<vmem>>, vector<1x128xf32>
    tpu.vector_store %arg5[%swap3A_529, %swap3A_530], %add3A_528 {strides = array<i32>} : memref<128x128xf32, #tpu.memory_space<vmem>>, vector<1x128xf32>,
    %get3A_532 = arith.constant 80 : index
    %get3A_533 = arith.constant 0 : index
    %get3A_534 = vector.load %arg5[%get3A_532, %get3A_533] : memref<128x128xf32, #tpu.memory_space<vmem>>, vector<1x128xf32>
    %add3A_535 = arith.addf %get3A_534, %broadcast_in_dim3A_524 : vector<1x128xf32>
    %swap3A_536 = arith.constant 80 : index
    %swap3A_537 = arith.constant 0 : index
    %swap3A_538 = vector.load %arg5[%swap3A_536, %swap3A_537] : memref<128x128xf32, #tpu.memory_space<vmem>>, vector<1x128xf32>
    tpu.vector_store %arg5[%swap3A_536, %swap3A_537], %add3A_535 {strides = array<i32>} : memref<128x128xf32, #tpu.memory_space<vmem>>, vector<1x128xf32>,
    %eq3A_539 = arith.constant 17 : i32
    %eq3A_540 = vector.broadcast %eq3A_539 : i32 to vector<4096x128xi32>
    %eq3A_541 = arith.cmpi eq, %min3A_17, %eq3A_540 : vector<4096x128xi32>
    %convert_element_type3A_542 = arith.extui %eq3A_541 : vector<4096x128xi1> to vector<4096x128xi32>
    %convert_element_type3A_543 = arith.sitofp %convert_element_type3A_542 : vector<4096x128xi32> to vector<4096x128xf32>
    %reduce_sum3A_544 = arith.constant dense<0.000000e+00> : vector<128xf32>
    %reduce_sum3A_545 = vector.multi_reduction <add>, %convert_element_type3A_543, %reduce_sum3A_544 [0] : vector<4096x128xf32> to vector<128xf32>
    %broadcast_in_dim3A_546 = vector.shape_cast %reduce_sum3A_545 : vector<128xf32> to vector<1x128xf32>
    %eq3A_547 = arith.constant 17 : i32
    %eq3A_548 = vector.broadcast %eq3A_547 : i32 to vector<4096x128xi32>
    %eq3A_549 = arith.cmpi eq, %min3A_32, %eq3A_548 : vector<4096x128xi32>
    %convert_element_type3A_550 = arith.extui %eq3A_549 : vector<4096x128xi1> to vector<4096x128xi32>
    %convert_element_type3A_551 = arith.sitofp %convert_element_type3A_550 : vector<4096x128xi32> to vector<4096x128xf32>
    %reduce_sum3A_552 = arith.constant dense<0.000000e+00> : vector<128xf32>
    %reduce_sum3A_553 = vector.multi_reduction <add>, %convert_element_type3A_551, %reduce_sum3A_552 [0] : vector<4096x128xf32> to vector<128xf32>
    %broadcast_in_dim3A_554 = vector.shape_cast %reduce_sum3A_553 : vector<128xf32> to vector<1x128xf32>
    %get3A_555 = arith.constant 17 : index
    %get3A_556 = arith.constant 0 : index
    %get3A_557 = vector.load %arg5[%get3A_555, %get3A_556] : memref<128x128xf32, #tpu.memory_space<vmem>>, vector<1x128xf32>
    %add3A_558 = arith.addf %get3A_557, %broadcast_in_dim3A_546 : vector<1x128xf32>
    %swap3A_559 = arith.constant 17 : index
    %swap3A_560 = arith.constant 0 : index
    %swap3A_561 = vector.load %arg5[%swap3A_559, %swap3A_560] : memref<128x128xf32, #tpu.memory_space<vmem>>, vector<1x128xf32>
    tpu.vector_store %arg5[%swap3A_559, %swap3A_560], %add3A_558 {strides = array<i32>} : memref<128x128xf32, #tpu.memory_space<vmem>>, vector<1x128xf32>,
    %get3A_562 = arith.constant 81 : index
    %get3A_563 = arith.constant 0 : index
    %get3A_564 = vector.load %arg5[%get3A_562, %get3A_563] : memref<128x128xf32, #tpu.memory_space<vmem>>, vector<1x128xf32>
    %add3A_565 = arith.addf %get3A_564, %broadcast_in_dim3A_554 : vector<1x128xf32>
    %swap3A_566 = arith.constant 81 : index
    %swap3A_567 = arith.constant 0 : index
    %swap3A_568 = vector.load %arg5[%swap3A_566, %swap3A_567] : memref<128x128xf32, #tpu.memory_space<vmem>>, vector<1x128xf32>
    tpu.vector_store %arg5[%swap3A_566, %swap3A_567], %add3A_565 {strides = array<i32>} : memref<128x128xf32, #tpu.memory_space<vmem>>, vector<1x128xf32>,
    %eq3A_569 = arith.constant 18 : i32
    %eq3A_570 = vector.broadcast %eq3A_569 : i32 to vector<4096x128xi32>
    %eq3A_571 = arith.cmpi eq, %min3A_17, %eq3A_570 : vector<4096x128xi32>
    %convert_element_type3A_572 = arith.extui %eq3A_571 : vector<4096x128xi1> to vector<4096x128xi32>
    %convert_element_type3A_573 = arith.sitofp %convert_element_type3A_572 : vector<4096x128xi32> to vector<4096x128xf32>
    %reduce_sum3A_574 = arith.constant dense<0.000000e+00> : vector<128xf32>
    %reduce_sum3A_575 = vector.multi_reduction <add>, %convert_element_type3A_573, %reduce_sum3A_574 [0] : vector<4096x128xf32> to vector<128xf32>
    %broadcast_in_dim3A_576 = vector.shape_cast %reduce_sum3A_575 : vector<128xf32> to vector<1x128xf32>
    %eq3A_577 = arith.constant 18 : i32
    %eq3A_578 = vector.broadcast %eq3A_577 : i32 to vector<4096x128xi32>
    %eq3A_579 = arith.cmpi eq, %min3A_32, %eq3A_578 : vector<4096x128xi32>
    %convert_element_type3A_580 = arith.extui %eq3A_579 : vector<4096x128xi1> to vector<4096x128xi32>
    %convert_element_type3A_581 = arith.sitofp %convert_element_type3A_580 : vector<4096x128xi32> to vector<4096x128xf32>
    %reduce_sum3A_582 = arith.constant dense<0.000000e+00> : vector<128xf32>
    %reduce_sum3A_583 = vector.multi_reduction <add>, %convert_element_type3A_581, %reduce_sum3A_582 [0] : vector<4096x128xf32> to vector<128xf32>
    %broadcast_in_dim3A_584 = vector.shape_cast %reduce_sum3A_583 : vector<128xf32> to vector<1x128xf32>
    %get3A_585 = arith.constant 18 : index
    %get3A_586 = arith.constant 0 : index
    %get3A_587 = vector.load %arg5[%get3A_585, %get3A_586] : memref<128x128xf32, #tpu.memory_space<vmem>>, vector<1x128xf32>
    %add3A_588 = arith.addf %get3A_587, %broadcast_in_dim3A_576 : vector<1x128xf32>
    %swap3A_589 = arith.constant 18 : index
    %swap3A_590 = arith.constant 0 : index
    %swap3A_591 = vector.load %arg5[%swap3A_589, %swap3A_590] : memref<128x128xf32, #tpu.memory_space<vmem>>, vector<1x128xf32>
    tpu.vector_store %arg5[%swap3A_589, %swap3A_590], %add3A_588 {strides = array<i32>} : memref<128x128xf32, #tpu.memory_space<vmem>>, vector<1x128xf32>,
    %get3A_592 = arith.constant 82 : index
    %get3A_593 = arith.constant 0 : index
    %get3A_594 = vector.load %arg5[%get3A_592, %get3A_593] : memref<128x128xf32, #tpu.memory_space<vmem>>, vector<1x128xf32>
    %add3A_595 = arith.addf %get3A_594, %broadcast_in_dim3A_584 : vector<1x128xf32>
    %swap3A_596 = arith.constant 82 : index
    %swap3A_597 = arith.constant 0 : index
    %swap3A_598 = vector.load %arg5[%swap3A_596, %swap3A_597] : memref<128x128xf32, #tpu.memory_space<vmem>>, vector<1x128xf32>
    tpu.vector_store %arg5[%swap3A_596, %swap3A_597], %add3A_595 {strides = array<i32>} : memref<128x128xf32, #tpu.memory_space<vmem>>, vector<1x128xf32>,
    %eq3A_599 = arith.constant 19 : i32
    %eq3A_600 = vector.broadcast %eq3A_599 : i32 to vector<4096x128xi32>
    %eq3A_601 = arith.cmpi eq, %min3A_17, %eq3A_600 : vector<4096x128xi32>
    %convert_element_type3A_602 = arith.extui %eq3A_601 : vector<4096x128xi1> to vector<4096x128xi32>
    %convert_element_type3A_603 = arith.sitofp %convert_element_type3A_602 : vector<4096x128xi32> to vector<4096x128xf32>
    %reduce_sum3A_604 = arith.constant dense<0.000000e+00> : vector<128xf32>
    %reduce_sum3A_605 = vector.multi_reduction <add>, %convert_element_type3A_603, %reduce_sum3A_604 [0] : vector<4096x128xf32> to vector<128xf32>
    %broadcast_in_dim3A_606 = vector.shape_cast %reduce_sum3A_605 : vector<128xf32> to vector<1x128xf32>
    %eq3A_607 = arith.constant 19 : i32
    %eq3A_608 = vector.broadcast %eq3A_607 : i32 to vector<4096x128xi32>
    %eq3A_609 = arith.cmpi eq, %min3A_32, %eq3A_608 : vector<4096x128xi32>
    %convert_element_type3A_610 = arith.extui %eq3A_609 : vector<4096x128xi1> to vector<4096x128xi32>
    %convert_element_type3A_611 = arith.sitofp %convert_element_type3A_610 : vector<4096x128xi32> to vector<4096x128xf32>
    %reduce_sum3A_612 = arith.constant dense<0.000000e+00> : vector<128xf32>
    %reduce_sum3A_613 = vector.multi_reduction <add>, %convert_element_type3A_611, %reduce_sum3A_612 [0] : vector<4096x128xf32> to vector<128xf32>
    %broadcast_in_dim3A_614 = vector.shape_cast %reduce_sum3A_613 : vector<128xf32> to vector<1x128xf32>
    %get3A_615 = arith.constant 19 : index
    %get3A_616 = arith.constant 0 : index
    %get3A_617 = vector.load %arg5[%get3A_615, %get3A_616] : memref<128x128xf32, #tpu.memory_space<vmem>>, vector<1x128xf32>
    %add3A_618 = arith.addf %get3A_617, %broadcast_in_dim3A_606 : vector<1x128xf32>
    %swap3A_619 = arith.constant 19 : index
    %swap3A_620 = arith.constant 0 : index
    %swap3A_621 = vector.load %arg5[%swap3A_619, %swap3A_620] : memref<128x128xf32, #tpu.memory_space<vmem>>, vector<1x128xf32>
    tpu.vector_store %arg5[%swap3A_619, %swap3A_620], %add3A_618 {strides = array<i32>} : memref<128x128xf32, #tpu.memory_space<vmem>>, vector<1x128xf32>,
    %get3A_622 = arith.constant 83 : index
    %get3A_623 = arith.constant 0 : index
    %get3A_624 = vector.load %arg5[%get3A_622, %get3A_623] : memref<128x128xf32, #tpu.memory_space<vmem>>, vector<1x128xf32>
    %add3A_625 = arith.addf %get3A_624, %broadcast_in_dim3A_614 : vector<1x128xf32>
    %swap3A_626 = arith.constant 83 : index
    %swap3A_627 = arith.constant 0 : index
    %swap3A_628 = vector.load %arg5[%swap3A_626, %swap3A_627] : memref<128x128xf32, #tpu.memory_space<vmem>>, vector<1x128xf32>
    tpu.vector_store %arg5[%swap3A_626, %swap3A_627], %add3A_625 {strides = array<i32>} : memref<128x128xf32, #tpu.memory_space<vmem>>, vector<1x128xf32>,
    %eq3A_629 = arith.constant 20 : i32
    %eq3A_630 = vector.broadcast %eq3A_629 : i32 to vector<4096x128xi32>
    %eq3A_631 = arith.cmpi eq, %min3A_17, %eq3A_630 : vector<4096x128xi32>
    %convert_element_type3A_632 = arith.extui %eq3A_631 : vector<4096x128xi1> to vector<4096x128xi32>
    %convert_element_type3A_633 = arith.sitofp %convert_element_type3A_632 : vector<4096x128xi32> to vector<4096x128xf32>
    %reduce_sum3A_634 = arith.constant dense<0.000000e+00> : vector<128xf32>
    %reduce_sum3A_635 = vector.multi_reduction <add>, %convert_element_type3A_633, %reduce_sum3A_634 [0] : vector<4096x128xf32> to vector<128xf32>
    %broadcast_in_dim3A_636 = vector.shape_cast %reduce_sum3A_635 : vector<128xf32> to vector<1x128xf32>
    %eq3A_637 = arith.constant 20 : i32
    %eq3A_638 = vector.broadcast %eq3A_637 : i32 to vector<4096x128xi32>
    %eq3A_639 = arith.cmpi eq, %min3A_32, %eq3A_638 : vector<4096x128xi32>
    %convert_element_type3A_640 = arith.extui %eq3A_639 : vector<4096x128xi1> to vector<4096x128xi32>
    %convert_element_type3A_641 = arith.sitofp %convert_element_type3A_640 : vector<4096x128xi32> to vector<4096x128xf32>
    %reduce_sum3A_642 = arith.constant dense<0.000000e+00> : vector<128xf32>
    %reduce_sum3A_643 = vector.multi_reduction <add>, %convert_element_type3A_641, %reduce_sum3A_642 [0] : vector<4096x128xf32> to vector<128xf32>
    %broadcast_in_dim3A_644 = vector.shape_cast %reduce_sum3A_643 : vector<128xf32> to vector<1x128xf32>
    %get3A_645 = arith.constant 20 : index
    %get3A_646 = arith.constant 0 : index
    %get3A_647 = vector.load %arg5[%get3A_645, %get3A_646] : memref<128x128xf32, #tpu.memory_space<vmem>>, vector<1x128xf32>
    %add3A_648 = arith.addf %get3A_647, %broadcast_in_dim3A_636 : vector<1x128xf32>
    %swap3A_649 = arith.constant 20 : index
    %swap3A_650 = arith.constant 0 : index
    %swap3A_651 = vector.load %arg5[%swap3A_649, %swap3A_650] : memref<128x128xf32, #tpu.memory_space<vmem>>, vector<1x128xf32>
    tpu.vector_store %arg5[%swap3A_649, %swap3A_650], %add3A_648 {strides = array<i32>} : memref<128x128xf32, #tpu.memory_space<vmem>>, vector<1x128xf32>,
    %get3A_652 = arith.constant 84 : index
    %get3A_653 = arith.constant 0 : index
    %get3A_654 = vector.load %arg5[%get3A_652, %get3A_653] : memref<128x128xf32, #tpu.memory_space<vmem>>, vector<1x128xf32>
    %add3A_655 = arith.addf %get3A_654, %broadcast_in_dim3A_644 : vector<1x128xf32>
    %swap3A_656 = arith.constant 84 : index
    %swap3A_657 = arith.constant 0 : index
    %swap3A_658 = vector.load %arg5[%swap3A_656, %swap3A_657] : memref<128x128xf32, #tpu.memory_space<vmem>>, vector<1x128xf32>
    tpu.vector_store %arg5[%swap3A_656, %swap3A_657], %add3A_655 {strides = array<i32>} : memref<128x128xf32, #tpu.memory_space<vmem>>, vector<1x128xf32>,
    %eq3A_659 = arith.constant 21 : i32
    %eq3A_660 = vector.broadcast %eq3A_659 : i32 to vector<4096x128xi32>
    %eq3A_661 = arith.cmpi eq, %min3A_17, %eq3A_660 : vector<4096x128xi32>
    %convert_element_type3A_662 = arith.extui %eq3A_661 : vector<4096x128xi1> to vector<4096x128xi32>
    %convert_element_type3A_663 = arith.sitofp %convert_element_type3A_662 : vector<4096x128xi32> to vector<4096x128xf32>
    %reduce_sum3A_664 = arith.constant dense<0.000000e+00> : vector<128xf32>
    %reduce_sum3A_665 = vector.multi_reduction <add>, %convert_element_type3A_663, %reduce_sum3A_664 [0] : vector<4096x128xf32> to vector<128xf32>
    %broadcast_in_dim3A_666 = vector.shape_cast %reduce_sum3A_665 : vector<128xf32> to vector<1x128xf32>
    %eq3A_667 = arith.constant 21 : i32
    %eq3A_668 = vector.broadcast %eq3A_667 : i32 to vector<4096x128xi32>
    %eq3A_669 = arith.cmpi eq, %min3A_32, %eq3A_668 : vector<4096x128xi32>
    %convert_element_type3A_670 = arith.extui %eq3A_669 : vector<4096x128xi1> to vector<4096x128xi32>
    %convert_element_type3A_671 = arith.sitofp %convert_element_type3A_670 : vector<4096x128xi32> to vector<4096x128xf32>
    %reduce_sum3A_672 = arith.constant dense<0.000000e+00> : vector<128xf32>
    %reduce_sum3A_673 = vector.multi_reduction <add>, %convert_element_type3A_671, %reduce_sum3A_672 [0] : vector<4096x128xf32> to vector<128xf32>
    %broadcast_in_dim3A_674 = vector.shape_cast %reduce_sum3A_673 : vector<128xf32> to vector<1x128xf32>
    %get3A_675 = arith.constant 21 : index
    %get3A_676 = arith.constant 0 : index
    %get3A_677 = vector.load %arg5[%get3A_675, %get3A_676] : memref<128x128xf32, #tpu.memory_space<vmem>>, vector<1x128xf32>
    %add3A_678 = arith.addf %get3A_677, %broadcast_in_dim3A_666 : vector<1x128xf32>
    %swap3A_679 = arith.constant 21 : index
    %swap3A_680 = arith.constant 0 : index
    %swap3A_681 = vector.load %arg5[%swap3A_679, %swap3A_680] : memref<128x128xf32, #tpu.memory_space<vmem>>, vector<1x128xf32>
    tpu.vector_store %arg5[%swap3A_679, %swap3A_680], %add3A_678 {strides = array<i32>} : memref<128x128xf32, #tpu.memory_space<vmem>>, vector<1x128xf32>,
    %get3A_682 = arith.constant 85 : index
    %get3A_683 = arith.constant 0 : index
    %get3A_684 = vector.load %arg5[%get3A_682, %get3A_683] : memref<128x128xf32, #tpu.memory_space<vmem>>, vector<1x128xf32>
    %add3A_685 = arith.addf %get3A_684, %broadcast_in_dim3A_674 : vector<1x128xf32>
    %swap3A_686 = arith.constant 85 : index
    %swap3A_687 = arith.constant 0 : index
    %swap3A_688 = vector.load %arg5[%swap3A_686, %swap3A_687] : memref<128x128xf32, #tpu.memory_space<vmem>>, vector<1x128xf32>
    tpu.vector_store %arg5[%swap3A_686, %swap3A_687], %add3A_685 {strides = array<i32>} : memref<128x128xf32, #tpu.memory_space<vmem>>, vector<1x128xf32>,
    %eq3A_689 = arith.constant 22 : i32
    %eq3A_690 = vector.broadcast %eq3A_689 : i32 to vector<4096x128xi32>
    %eq3A_691 = arith.cmpi eq, %min3A_17, %eq3A_690 : vector<4096x128xi32>
    %convert_element_type3A_692 = arith.extui %eq3A_691 : vector<4096x128xi1> to vector<4096x128xi32>
    %convert_element_type3A_693 = arith.sitofp %convert_element_type3A_692 : vector<4096x128xi32> to vector<4096x128xf32>
    %reduce_sum3A_694 = arith.constant dense<0.000000e+00> : vector<128xf32>
    %reduce_sum3A_695 = vector.multi_reduction <add>, %convert_element_type3A_693, %reduce_sum3A_694 [0] : vector<4096x128xf32> to vector<128xf32>
    %broadcast_in_dim3A_696 = vector.shape_cast %reduce_sum3A_695 : vector<128xf32> to vector<1x128xf32>
    %eq3A_697 = arith.constant 22 : i32
    %eq3A_698 = vector.broadcast %eq3A_697 : i32 to vector<4096x128xi32>
    %eq3A_699 = arith.cmpi eq, %min3A_32, %eq3A_698 : vector<4096x128xi32>
    %convert_element_type3A_700 = arith.extui %eq3A_699 : vector<4096x128xi1> to vector<4096x128xi32>
    %convert_element_type3A_701 = arith.sitofp %convert_element_type3A_700 : vector<4096x128xi32> to vector<4096x128xf32>
    %reduce_sum3A_702 = arith.constant dense<0.000000e+00> : vector<128xf32>
    %reduce_sum3A_703 = vector.multi_reduction <add>, %convert_element_type3A_701, %reduce_sum3A_702 [0] : vector<4096x128xf32> to vector<128xf32>
    %broadcast_in_dim3A_704 = vector.shape_cast %reduce_sum3A_703 : vector<128xf32> to vector<1x128xf32>
    %get3A_705 = arith.constant 22 : index
    %get3A_706 = arith.constant 0 : index
    %get3A_707 = vector.load %arg5[%get3A_705, %get3A_706] : memref<128x128xf32, #tpu.memory_space<vmem>>, vector<1x128xf32>
    %add3A_708 = arith.addf %get3A_707, %broadcast_in_dim3A_696 : vector<1x128xf32>
    %swap3A_709 = arith.constant 22 : index
    %swap3A_710 = arith.constant 0 : index
    %swap3A_711 = vector.load %arg5[%swap3A_709, %swap3A_710] : memref<128x128xf32, #tpu.memory_space<vmem>>, vector<1x128xf32>
    tpu.vector_store %arg5[%swap3A_709, %swap3A_710], %add3A_708 {strides = array<i32>} : memref<128x128xf32, #tpu.memory_space<vmem>>, vector<1x128xf32>,
    %get3A_712 = arith.constant 86 : index
    %get3A_713 = arith.constant 0 : index
    %get3A_714 = vector.load %arg5[%get3A_712, %get3A_713] : memref<128x128xf32, #tpu.memory_space<vmem>>, vector<1x128xf32>
    %add3A_715 = arith.addf %get3A_714, %broadcast_in_dim3A_704 : vector<1x128xf32>
    %swap3A_716 = arith.constant 86 : index
    %swap3A_717 = arith.constant 0 : index
    %swap3A_718 = vector.load %arg5[%swap3A_716, %swap3A_717] : memref<128x128xf32, #tpu.memory_space<vmem>>, vector<1x128xf32>
    tpu.vector_store %arg5[%swap3A_716, %swap3A_717], %add3A_715 {strides = array<i32>} : memref<128x128xf32, #tpu.memory_space<vmem>>, vector<1x128xf32>,
    %eq3A_719 = arith.constant 23 : i32
    %eq3A_720 = vector.broadcast %eq3A_719 : i32 to vector<4096x128xi32>
    %eq3A_721 = arith.cmpi eq, %min3A_17, %eq3A_720 : vector<4096x128xi32>
    %convert_element_type3A_722 = arith.extui %eq3A_721 : vector<4096x128xi1> to vector<4096x128xi32>
    %convert_element_type3A_723 = arith.sitofp %convert_element_type3A_722 : vector<4096x128xi32> to vector<4096x128xf32>
    %reduce_sum3A_724 = arith.constant dense<0.000000e+00> : vector<128xf32>
    %reduce_sum3A_725 = vector.multi_reduction <add>, %convert_element_type3A_723, %reduce_sum3A_724 [0] : vector<4096x128xf32> to vector<128xf32>
    %broadcast_in_dim3A_726 = vector.shape_cast %reduce_sum3A_725 : vector<128xf32> to vector<1x128xf32>
    %eq3A_727 = arith.constant 23 : i32
    %eq3A_728 = vector.broadcast %eq3A_727 : i32 to vector<4096x128xi32>
    %eq3A_729 = arith.cmpi eq, %min3A_32, %eq3A_728 : vector<4096x128xi32>
    %convert_element_type3A_730 = arith.extui %eq3A_729 : vector<4096x128xi1> to vector<4096x128xi32>
    %convert_element_type3A_731 = arith.sitofp %convert_element_type3A_730 : vector<4096x128xi32> to vector<4096x128xf32>
    %reduce_sum3A_732 = arith.constant dense<0.000000e+00> : vector<128xf32>
    %reduce_sum3A_733 = vector.multi_reduction <add>, %convert_element_type3A_731, %reduce_sum3A_732 [0] : vector<4096x128xf32> to vector<128xf32>
    %broadcast_in_dim3A_734 = vector.shape_cast %reduce_sum3A_733 : vector<128xf32> to vector<1x128xf32>
    %get3A_735 = arith.constant 23 : index
    %get3A_736 = arith.constant 0 : index
    %get3A_737 = vector.load %arg5[%get3A_735, %get3A_736] : memref<128x128xf32, #tpu.memory_space<vmem>>, vector<1x128xf32>
    %add3A_738 = arith.addf %get3A_737, %broadcast_in_dim3A_726 : vector<1x128xf32>
    %swap3A_739 = arith.constant 23 : index
    %swap3A_740 = arith.constant 0 : index
    %swap3A_741 = vector.load %arg5[%swap3A_739, %swap3A_740] : memref<128x128xf32, #tpu.memory_space<vmem>>, vector<1x128xf32>
    tpu.vector_store %arg5[%swap3A_739, %swap3A_740], %add3A_738 {strides = array<i32>} : memref<128x128xf32, #tpu.memory_space<vmem>>, vector<1x128xf32>,
    %get3A_742 = arith.constant 87 : index
    %get3A_743 = arith.constant 0 : index
    %get3A_744 = vector.load %arg5[%get3A_742, %get3A_743] : memref<128x128xf32, #tpu.memory_space<vmem>>, vector<1x128xf32>
    %add3A_745 = arith.addf %get3A_744, %broadcast_in_dim3A_734 : vector<1x128xf32>
    %swap3A_746 = arith.constant 87 : index
    %swap3A_747 = arith.constant 0 : index
    %swap3A_748 = vector.load %arg5[%swap3A_746, %swap3A_747] : memref<128x128xf32, #tpu.memory_space<vmem>>, vector<1x128xf32>
    tpu.vector_store %arg5[%swap3A_746, %swap3A_747], %add3A_745 {strides = array<i32>} : memref<128x128xf32, #tpu.memory_space<vmem>>, vector<1x128xf32>,
    %eq3A_749 = arith.constant 24 : i32
    %eq3A_750 = vector.broadcast %eq3A_749 : i32 to vector<4096x128xi32>
    %eq3A_751 = arith.cmpi eq, %min3A_17, %eq3A_750 : vector<4096x128xi32>
    %convert_element_type3A_752 = arith.extui %eq3A_751 : vector<4096x128xi1> to vector<4096x128xi32>
    %convert_element_type3A_753 = arith.sitofp %convert_element_type3A_752 : vector<4096x128xi32> to vector<4096x128xf32>
    %reduce_sum3A_754 = arith.constant dense<0.000000e+00> : vector<128xf32>
    %reduce_sum3A_755 = vector.multi_reduction <add>, %convert_element_type3A_753, %reduce_sum3A_754 [0] : vector<4096x128xf32> to vector<128xf32>
    %broadcast_in_dim3A_756 = vector.shape_cast %reduce_sum3A_755 : vector<128xf32> to vector<1x128xf32>
    %eq3A_757 = arith.constant 24 : i32
    %eq3A_758 = vector.broadcast %eq3A_757 : i32 to vector<4096x128xi32>
    %eq3A_759 = arith.cmpi eq, %min3A_32, %eq3A_758 : vector<4096x128xi32>
    %convert_element_type3A_760 = arith.extui %eq3A_759 : vector<4096x128xi1> to vector<4096x128xi32>
    %convert_element_type3A_761 = arith.sitofp %convert_element_type3A_760 : vector<4096x128xi32> to vector<4096x128xf32>
    %reduce_sum3A_762 = arith.constant dense<0.000000e+00> : vector<128xf32>
    %reduce_sum3A_763 = vector.multi_reduction <add>, %convert_element_type3A_761, %reduce_sum3A_762 [0] : vector<4096x128xf32> to vector<128xf32>
    %broadcast_in_dim3A_764 = vector.shape_cast %reduce_sum3A_763 : vector<128xf32> to vector<1x128xf32>
    %get3A_765 = arith.constant 24 : index
    %get3A_766 = arith.constant 0 : index
    %get3A_767 = vector.load %arg5[%get3A_765, %get3A_766] : memref<128x128xf32, #tpu.memory_space<vmem>>, vector<1x128xf32>
    %add3A_768 = arith.addf %get3A_767, %broadcast_in_dim3A_756 : vector<1x128xf32>
    %swap3A_769 = arith.constant 24 : index
    %swap3A_770 = arith.constant 0 : index
    %swap3A_771 = vector.load %arg5[%swap3A_769, %swap3A_770] : memref<128x128xf32, #tpu.memory_space<vmem>>, vector<1x128xf32>
    tpu.vector_store %arg5[%swap3A_769, %swap3A_770], %add3A_768 {strides = array<i32>} : memref<128x128xf32, #tpu.memory_space<vmem>>, vector<1x128xf32>,
    %get3A_772 = arith.constant 88 : index
    %get3A_773 = arith.constant 0 : index
    %get3A_774 = vector.load %arg5[%get3A_772, %get3A_773] : memref<128x128xf32, #tpu.memory_space<vmem>>, vector<1x128xf32>
    %add3A_775 = arith.addf %get3A_774, %broadcast_in_dim3A_764 : vector<1x128xf32>
    %swap3A_776 = arith.constant 88 : index
    %swap3A_777 = arith.constant 0 : index
    %swap3A_778 = vector.load %arg5[%swap3A_776, %swap3A_777] : memref<128x128xf32, #tpu.memory_space<vmem>>, vector<1x128xf32>
    tpu.vector_store %arg5[%swap3A_776, %swap3A_777], %add3A_775 {strides = array<i32>} : memref<128x128xf32, #tpu.memory_space<vmem>>, vector<1x128xf32>,
    %eq3A_779 = arith.constant 25 : i32
    %eq3A_780 = vector.broadcast %eq3A_779 : i32 to vector<4096x128xi32>
    %eq3A_781 = arith.cmpi eq, %min3A_17, %eq3A_780 : vector<4096x128xi32>
    %convert_element_type3A_782 = arith.extui %eq3A_781 : vector<4096x128xi1> to vector<4096x128xi32>
    %convert_element_type3A_783 = arith.sitofp %convert_element_type3A_782 : vector<4096x128xi32> to vector<4096x128xf32>
    %reduce_sum3A_784 = arith.constant dense<0.000000e+00> : vector<128xf32>
    %reduce_sum3A_785 = vector.multi_reduction <add>, %convert_element_type3A_783, %reduce_sum3A_784 [0] : vector<4096x128xf32> to vector<128xf32>
    %broadcast_in_dim3A_786 = vector.shape_cast %reduce_sum3A_785 : vector<128xf32> to vector<1x128xf32>
    %eq3A_787 = arith.constant 25 : i32
    %eq3A_788 = vector.broadcast %eq3A_787 : i32 to vector<4096x128xi32>
    %eq3A_789 = arith.cmpi eq, %min3A_32, %eq3A_788 : vector<4096x128xi32>
    %convert_element_type3A_790 = arith.extui %eq3A_789 : vector<4096x128xi1> to vector<4096x128xi32>
    %convert_element_type3A_791 = arith.sitofp %convert_element_type3A_790 : vector<4096x128xi32> to vector<4096x128xf32>
    %reduce_sum3A_792 = arith.constant dense<0.000000e+00> : vector<128xf32>
    %reduce_sum3A_793 = vector.multi_reduction <add>, %convert_element_type3A_791, %reduce_sum3A_792 [0] : vector<4096x128xf32> to vector<128xf32>
    %broadcast_in_dim3A_794 = vector.shape_cast %reduce_sum3A_793 : vector<128xf32> to vector<1x128xf32>
    %get3A_795 = arith.constant 25 : index
    %get3A_796 = arith.constant 0 : index
    %get3A_797 = vector.load %arg5[%get3A_795, %get3A_796] : memref<128x128xf32, #tpu.memory_space<vmem>>, vector<1x128xf32>
    %add3A_798 = arith.addf %get3A_797, %broadcast_in_dim3A_786 : vector<1x128xf32>
    %swap3A_799 = arith.constant 25 : index
    %swap3A_800 = arith.constant 0 : index
    %swap3A_801 = vector.load %arg5[%swap3A_799, %swap3A_800] : memref<128x128xf32, #tpu.memory_space<vmem>>, vector<1x128xf32>
    tpu.vector_store %arg5[%swap3A_799, %swap3A_800], %add3A_798 {strides = array<i32>} : memref<128x128xf32, #tpu.memory_space<vmem>>, vector<1x128xf32>,
    %get3A_802 = arith.constant 89 : index
    %get3A_803 = arith.constant 0 : index
    %get3A_804 = vector.load %arg5[%get3A_802, %get3A_803] : memref<128x128xf32, #tpu.memory_space<vmem>>, vector<1x128xf32>
    %add3A_805 = arith.addf %get3A_804, %broadcast_in_dim3A_794 : vector<1x128xf32>
    %swap3A_806 = arith.constant 89 : index
    %swap3A_807 = arith.constant 0 : index
    %swap3A_808 = vector.load %arg5[%swap3A_806, %swap3A_807] : memref<128x128xf32, #tpu.memory_space<vmem>>, vector<1x128xf32>
    tpu.vector_store %arg5[%swap3A_806, %swap3A_807], %add3A_805 {strides = array<i32>} : memref<128x128xf32, #tpu.memory_space<vmem>>, vector<1x128xf32>,
    %eq3A_809 = arith.constant 26 : i32
    %eq3A_810 = vector.broadcast %eq3A_809 : i32 to vector<4096x128xi32>
    %eq3A_811 = arith.cmpi eq, %min3A_17, %eq3A_810 : vector<4096x128xi32>
    %convert_element_type3A_812 = arith.extui %eq3A_811 : vector<4096x128xi1> to vector<4096x128xi32>
    %convert_element_type3A_813 = arith.sitofp %convert_element_type3A_812 : vector<4096x128xi32> to vector<4096x128xf32>
    %reduce_sum3A_814 = arith.constant dense<0.000000e+00> : vector<128xf32>
    %reduce_sum3A_815 = vector.multi_reduction <add>, %convert_element_type3A_813, %reduce_sum3A_814 [0] : vector<4096x128xf32> to vector<128xf32>
    %broadcast_in_dim3A_816 = vector.shape_cast %reduce_sum3A_815 : vector<128xf32> to vector<1x128xf32>
    %eq3A_817 = arith.constant 26 : i32
    %eq3A_818 = vector.broadcast %eq3A_817 : i32 to vector<4096x128xi32>
    %eq3A_819 = arith.cmpi eq, %min3A_32, %eq3A_818 : vector<4096x128xi32>
    %convert_element_type3A_820 = arith.extui %eq3A_819 : vector<4096x128xi1> to vector<4096x128xi32>
    %convert_element_type3A_821 = arith.sitofp %convert_element_type3A_820 : vector<4096x128xi32> to vector<4096x128xf32>
    %reduce_sum3A_822 = arith.constant dense<0.000000e+00> : vector<128xf32>
    %reduce_sum3A_823 = vector.multi_reduction <add>, %convert_element_type3A_821, %reduce_sum3A_822 [0] : vector<4096x128xf32> to vector<128xf32>
    %broadcast_in_dim3A_824 = vector.shape_cast %reduce_sum3A_823 : vector<128xf32> to vector<1x128xf32>
    %get3A_825 = arith.constant 26 : index
    %get3A_826 = arith.constant 0 : index
    %get3A_827 = vector.load %arg5[%get3A_825, %get3A_826] : memref<128x128xf32, #tpu.memory_space<vmem>>, vector<1x128xf32>
    %add3A_828 = arith.addf %get3A_827, %broadcast_in_dim3A_816 : vector<1x128xf32>
    %swap3A_829 = arith.constant 26 : index
    %swap3A_830 = arith.constant 0 : index
    %swap3A_831 = vector.load %arg5[%swap3A_829, %swap3A_830] : memref<128x128xf32, #tpu.memory_space<vmem>>, vector<1x128xf32>
    tpu.vector_store %arg5[%swap3A_829, %swap3A_830], %add3A_828 {strides = array<i32>} : memref<128x128xf32, #tpu.memory_space<vmem>>, vector<1x128xf32>,
    %get3A_832 = arith.constant 90 : index
    %get3A_833 = arith.constant 0 : index
    %get3A_834 = vector.load %arg5[%get3A_832, %get3A_833] : memref<128x128xf32, #tpu.memory_space<vmem>>, vector<1x128xf32>
    %add3A_835 = arith.addf %get3A_834, %broadcast_in_dim3A_824 : vector<1x128xf32>
    %swap3A_836 = arith.constant 90 : index
    %swap3A_837 = arith.constant 0 : index
    %swap3A_838 = vector.load %arg5[%swap3A_836, %swap3A_837] : memref<128x128xf32, #tpu.memory_space<vmem>>, vector<1x128xf32>
    tpu.vector_store %arg5[%swap3A_836, %swap3A_837], %add3A_835 {strides = array<i32>} : memref<128x128xf32, #tpu.memory_space<vmem>>, vector<1x128xf32>,
    %eq3A_839 = arith.constant 27 : i32
    %eq3A_840 = vector.broadcast %eq3A_839 : i32 to vector<4096x128xi32>
    %eq3A_841 = arith.cmpi eq, %min3A_17, %eq3A_840 : vector<4096x128xi32>
    %convert_element_type3A_842 = arith.extui %eq3A_841 : vector<4096x128xi1> to vector<4096x128xi32>
    %convert_element_type3A_843 = arith.sitofp %convert_element_type3A_842 : vector<4096x128xi32> to vector<4096x128xf32>
    %reduce_sum3A_844 = arith.constant dense<0.000000e+00> : vector<128xf32>
    %reduce_sum3A_845 = vector.multi_reduction <add>, %convert_element_type3A_843, %reduce_sum3A_844 [0] : vector<4096x128xf32> to vector<128xf32>
    %broadcast_in_dim3A_846 = vector.shape_cast %reduce_sum3A_845 : vector<128xf32> to vector<1x128xf32>
    %eq3A_847 = arith.constant 27 : i32
    %eq3A_848 = vector.broadcast %eq3A_847 : i32 to vector<4096x128xi32>
    %eq3A_849 = arith.cmpi eq, %min3A_32, %eq3A_848 : vector<4096x128xi32>
    %convert_element_type3A_850 = arith.extui %eq3A_849 : vector<4096x128xi1> to vector<4096x128xi32>
    %convert_element_type3A_851 = arith.sitofp %convert_element_type3A_850 : vector<4096x128xi32> to vector<4096x128xf32>
    %reduce_sum3A_852 = arith.constant dense<0.000000e+00> : vector<128xf32>
    %reduce_sum3A_853 = vector.multi_reduction <add>, %convert_element_type3A_851, %reduce_sum3A_852 [0] : vector<4096x128xf32> to vector<128xf32>
    %broadcast_in_dim3A_854 = vector.shape_cast %reduce_sum3A_853 : vector<128xf32> to vector<1x128xf32>
    %get3A_855 = arith.constant 27 : index
    %get3A_856 = arith.constant 0 : index
    %get3A_857 = vector.load %arg5[%get3A_855, %get3A_856] : memref<128x128xf32, #tpu.memory_space<vmem>>, vector<1x128xf32>
    %add3A_858 = arith.addf %get3A_857, %broadcast_in_dim3A_846 : vector<1x128xf32>
    %swap3A_859 = arith.constant 27 : index
    %swap3A_860 = arith.constant 0 : index
    %swap3A_861 = vector.load %arg5[%swap3A_859, %swap3A_860] : memref<128x128xf32, #tpu.memory_space<vmem>>, vector<1x128xf32>
    tpu.vector_store %arg5[%swap3A_859, %swap3A_860], %add3A_858 {strides = array<i32>} : memref<128x128xf32, #tpu.memory_space<vmem>>, vector<1x128xf32>,
    %get3A_862 = arith.constant 91 : index
    %get3A_863 = arith.constant 0 : index
    %get3A_864 = vector.load %arg5[%get3A_862, %get3A_863] : memref<128x128xf32, #tpu.memory_space<vmem>>, vector<1x128xf32>
    %add3A_865 = arith.addf %get3A_864, %broadcast_in_dim3A_854 : vector<1x128xf32>
    %swap3A_866 = arith.constant 91 : index
    %swap3A_867 = arith.constant 0 : index
    %swap3A_868 = vector.load %arg5[%swap3A_866, %swap3A_867] : memref<128x128xf32, #tpu.memory_space<vmem>>, vector<1x128xf32>
    tpu.vector_store %arg5[%swap3A_866, %swap3A_867], %add3A_865 {strides = array<i32>} : memref<128x128xf32, #tpu.memory_space<vmem>>, vector<1x128xf32>,
    %eq3A_869 = arith.constant 28 : i32
    %eq3A_870 = vector.broadcast %eq3A_869 : i32 to vector<4096x128xi32>
    %eq3A_871 = arith.cmpi eq, %min3A_17, %eq3A_870 : vector<4096x128xi32>
    %convert_element_type3A_872 = arith.extui %eq3A_871 : vector<4096x128xi1> to vector<4096x128xi32>
    %convert_element_type3A_873 = arith.sitofp %convert_element_type3A_872 : vector<4096x128xi32> to vector<4096x128xf32>
    %reduce_sum3A_874 = arith.constant dense<0.000000e+00> : vector<128xf32>
    %reduce_sum3A_875 = vector.multi_reduction <add>, %convert_element_type3A_873, %reduce_sum3A_874 [0] : vector<4096x128xf32> to vector<128xf32>
    %broadcast_in_dim3A_876 = vector.shape_cast %reduce_sum3A_875 : vector<128xf32> to vector<1x128xf32>
    %eq3A_877 = arith.constant 28 : i32
    %eq3A_878 = vector.broadcast %eq3A_877 : i32 to vector<4096x128xi32>
    %eq3A_879 = arith.cmpi eq, %min3A_32, %eq3A_878 : vector<4096x128xi32>
    %convert_element_type3A_880 = arith.extui %eq3A_879 : vector<4096x128xi1> to vector<4096x128xi32>
    %convert_element_type3A_881 = arith.sitofp %convert_element_type3A_880 : vector<4096x128xi32> to vector<4096x128xf32>
    %reduce_sum3A_882 = arith.constant dense<0.000000e+00> : vector<128xf32>
    %reduce_sum3A_883 = vector.multi_reduction <add>, %convert_element_type3A_881, %reduce_sum3A_882 [0] : vector<4096x128xf32> to vector<128xf32>
    %broadcast_in_dim3A_884 = vector.shape_cast %reduce_sum3A_883 : vector<128xf32> to vector<1x128xf32>
    %get3A_885 = arith.constant 28 : index
    %get3A_886 = arith.constant 0 : index
    %get3A_887 = vector.load %arg5[%get3A_885, %get3A_886] : memref<128x128xf32, #tpu.memory_space<vmem>>, vector<1x128xf32>
    %add3A_888 = arith.addf %get3A_887, %broadcast_in_dim3A_876 : vector<1x128xf32>
    %swap3A_889 = arith.constant 28 : index
    %swap3A_890 = arith.constant 0 : index
    %swap3A_891 = vector.load %arg5[%swap3A_889, %swap3A_890] : memref<128x128xf32, #tpu.memory_space<vmem>>, vector<1x128xf32>
    tpu.vector_store %arg5[%swap3A_889, %swap3A_890], %add3A_888 {strides = array<i32>} : memref<128x128xf32, #tpu.memory_space<vmem>>, vector<1x128xf32>,
    %get3A_892 = arith.constant 92 : index
    %get3A_893 = arith.constant 0 : index
    %get3A_894 = vector.load %arg5[%get3A_892, %get3A_893] : memref<128x128xf32, #tpu.memory_space<vmem>>, vector<1x128xf32>
    %add3A_895 = arith.addf %get3A_894, %broadcast_in_dim3A_884 : vector<1x128xf32>
    %swap3A_896 = arith.constant 92 : index
    %swap3A_897 = arith.constant 0 : index
    %swap3A_898 = vector.load %arg5[%swap3A_896, %swap3A_897] : memref<128x128xf32, #tpu.memory_space<vmem>>, vector<1x128xf32>
    tpu.vector_store %arg5[%swap3A_896, %swap3A_897], %add3A_895 {strides = array<i32>} : memref<128x128xf32, #tpu.memory_space<vmem>>, vector<1x128xf32>,
    %eq3A_899 = arith.constant 29 : i32
    %eq3A_900 = vector.broadcast %eq3A_899 : i32 to vector<4096x128xi32>
    %eq3A_901 = arith.cmpi eq, %min3A_17, %eq3A_900 : vector<4096x128xi32>
    %convert_element_type3A_902 = arith.extui %eq3A_901 : vector<4096x128xi1> to vector<4096x128xi32>
    %convert_element_type3A_903 = arith.sitofp %convert_element_type3A_902 : vector<4096x128xi32> to vector<4096x128xf32>
    %reduce_sum3A_904 = arith.constant dense<0.000000e+00> : vector<128xf32>
    %reduce_sum3A_905 = vector.multi_reduction <add>, %convert_element_type3A_903, %reduce_sum3A_904 [0] : vector<4096x128xf32> to vector<128xf32>
    %broadcast_in_dim3A_906 = vector.shape_cast %reduce_sum3A_905 : vector<128xf32> to vector<1x128xf32>
    %eq3A_907 = arith.constant 29 : i32
    %eq3A_908 = vector.broadcast %eq3A_907 : i32 to vector<4096x128xi32>
    %eq3A_909 = arith.cmpi eq, %min3A_32, %eq3A_908 : vector<4096x128xi32>
    %convert_element_type3A_910 = arith.extui %eq3A_909 : vector<4096x128xi1> to vector<4096x128xi32>
    %convert_element_type3A_911 = arith.sitofp %convert_element_type3A_910 : vector<4096x128xi32> to vector<4096x128xf32>
    %reduce_sum3A_912 = arith.constant dense<0.000000e+00> : vector<128xf32>
    %reduce_sum3A_913 = vector.multi_reduction <add>, %convert_element_type3A_911, %reduce_sum3A_912 [0] : vector<4096x128xf32> to vector<128xf32>
    %broadcast_in_dim3A_914 = vector.shape_cast %reduce_sum3A_913 : vector<128xf32> to vector<1x128xf32>
    %get3A_915 = arith.constant 29 : index
    %get3A_916 = arith.constant 0 : index
    %get3A_917 = vector.load %arg5[%get3A_915, %get3A_916] : memref<128x128xf32, #tpu.memory_space<vmem>>, vector<1x128xf32>
    %add3A_918 = arith.addf %get3A_917, %broadcast_in_dim3A_906 : vector<1x128xf32>
    %swap3A_919 = arith.constant 29 : index
    %swap3A_920 = arith.constant 0 : index
    %swap3A_921 = vector.load %arg5[%swap3A_919, %swap3A_920] : memref<128x128xf32, #tpu.memory_space<vmem>>, vector<1x128xf32>
    tpu.vector_store %arg5[%swap3A_919, %swap3A_920], %add3A_918 {strides = array<i32>} : memref<128x128xf32, #tpu.memory_space<vmem>>, vector<1x128xf32>,
    %get3A_922 = arith.constant 93 : index
    %get3A_923 = arith.constant 0 : index
    %get3A_924 = vector.load %arg5[%get3A_922, %get3A_923] : memref<128x128xf32, #tpu.memory_space<vmem>>, vector<1x128xf32>
    %add3A_925 = arith.addf %get3A_924, %broadcast_in_dim3A_914 : vector<1x128xf32>
    %swap3A_926 = arith.constant 93 : index
    %swap3A_927 = arith.constant 0 : index
    %swap3A_928 = vector.load %arg5[%swap3A_926, %swap3A_927] : memref<128x128xf32, #tpu.memory_space<vmem>>, vector<1x128xf32>
    tpu.vector_store %arg5[%swap3A_926, %swap3A_927], %add3A_925 {strides = array<i32>} : memref<128x128xf32, #tpu.memory_space<vmem>>, vector<1x128xf32>,
    %eq3A_929 = arith.constant 30 : i32
    %eq3A_930 = vector.broadcast %eq3A_929 : i32 to vector<4096x128xi32>
    %eq3A_931 = arith.cmpi eq, %min3A_17, %eq3A_930 : vector<4096x128xi32>
    %convert_element_type3A_932 = arith.extui %eq3A_931 : vector<4096x128xi1> to vector<4096x128xi32>
    %convert_element_type3A_933 = arith.sitofp %convert_element_type3A_932 : vector<4096x128xi32> to vector<4096x128xf32>
    %reduce_sum3A_934 = arith.constant dense<0.000000e+00> : vector<128xf32>
    %reduce_sum3A_935 = vector.multi_reduction <add>, %convert_element_type3A_933, %reduce_sum3A_934 [0] : vector<4096x128xf32> to vector<128xf32>
    %broadcast_in_dim3A_936 = vector.shape_cast %reduce_sum3A_935 : vector<128xf32> to vector<1x128xf32>
    %eq3A_937 = arith.constant 30 : i32
    %eq3A_938 = vector.broadcast %eq3A_937 : i32 to vector<4096x128xi32>
    %eq3A_939 = arith.cmpi eq, %min3A_32, %eq3A_938 : vector<4096x128xi32>
    %convert_element_type3A_940 = arith.extui %eq3A_939 : vector<4096x128xi1> to vector<4096x128xi32>
    %convert_element_type3A_941 = arith.sitofp %convert_element_type3A_940 : vector<4096x128xi32> to vector<4096x128xf32>
    %reduce_sum3A_942 = arith.constant dense<0.000000e+00> : vector<128xf32>
    %reduce_sum3A_943 = vector.multi_reduction <add>, %convert_element_type3A_941, %reduce_sum3A_942 [0] : vector<4096x128xf32> to vector<128xf32>
    %broadcast_in_dim3A_944 = vector.shape_cast %reduce_sum3A_943 : vector<128xf32> to vector<1x128xf32>
    %get3A_945 = arith.constant 30 : index
    %get3A_946 = arith.constant 0 : index
    %get3A_947 = vector.load %arg5[%get3A_945, %get3A_946] : memref<128x128xf32, #tpu.memory_space<vmem>>, vector<1x128xf32>
    %add3A_948 = arith.addf %get3A_947, %broadcast_in_dim3A_936 : vector<1x128xf32>
    %swap3A_949 = arith.constant 30 : index
    %swap3A_950 = arith.constant 0 : index
    %swap3A_951 = vector.load %arg5[%swap3A_949, %swap3A_950] : memref<128x128xf32, #tpu.memory_space<vmem>>, vector<1x128xf32>
    tpu.vector_store %arg5[%swap3A_949, %swap3A_950], %add3A_948 {strides = array<i32>} : memref<128x128xf32, #tpu.memory_space<vmem>>, vector<1x128xf32>,
    %get3A_952 = arith.constant 94 : index
    %get3A_953 = arith.constant 0 : index
    %get3A_954 = vector.load %arg5[%get3A_952, %get3A_953] : memref<128x128xf32, #tpu.memory_space<vmem>>, vector<1x128xf32>
    %add3A_955 = arith.addf %get3A_954, %broadcast_in_dim3A_944 : vector<1x128xf32>
    %swap3A_956 = arith.constant 94 : index
    %swap3A_957 = arith.constant 0 : index
    %swap3A_958 = vector.load %arg5[%swap3A_956, %swap3A_957] : memref<128x128xf32, #tpu.memory_space<vmem>>, vector<1x128xf32>
    tpu.vector_store %arg5[%swap3A_956, %swap3A_957], %add3A_955 {strides = array<i32>} : memref<128x128xf32, #tpu.memory_space<vmem>>, vector<1x128xf32>,
    %eq3A_959 = arith.constant 31 : i32
    %eq3A_960 = vector.broadcast %eq3A_959 : i32 to vector<4096x128xi32>
    %eq3A_961 = arith.cmpi eq, %min3A_17, %eq3A_960 : vector<4096x128xi32>
    %convert_element_type3A_962 = arith.extui %eq3A_961 : vector<4096x128xi1> to vector<4096x128xi32>
    %convert_element_type3A_963 = arith.sitofp %convert_element_type3A_962 : vector<4096x128xi32> to vector<4096x128xf32>
    %reduce_sum3A_964 = arith.constant dense<0.000000e+00> : vector<128xf32>
    %reduce_sum3A_965 = vector.multi_reduction <add>, %convert_element_type3A_963, %reduce_sum3A_964 [0] : vector<4096x128xf32> to vector<128xf32>
    %broadcast_in_dim3A_966 = vector.shape_cast %reduce_sum3A_965 : vector<128xf32> to vector<1x128xf32>
    %eq3A_967 = arith.constant 31 : i32
    %eq3A_968 = vector.broadcast %eq3A_967 : i32 to vector<4096x128xi32>
    %eq3A_969 = arith.cmpi eq, %min3A_32, %eq3A_968 : vector<4096x128xi32>
    %convert_element_type3A_970 = arith.extui %eq3A_969 : vector<4096x128xi1> to vector<4096x128xi32>
    %convert_element_type3A_971 = arith.sitofp %convert_element_type3A_970 : vector<4096x128xi32> to vector<4096x128xf32>
    %reduce_sum3A_972 = arith.constant dense<0.000000e+00> : vector<128xf32>
    %reduce_sum3A_973 = vector.multi_reduction <add>, %convert_element_type3A_971, %reduce_sum3A_972 [0] : vector<4096x128xf32> to vector<128xf32>
    %broadcast_in_dim3A_974 = vector.shape_cast %reduce_sum3A_973 : vector<128xf32> to vector<1x128xf32>
    %get3A_975 = arith.constant 31 : index
    %get3A_976 = arith.constant 0 : index
    %get3A_977 = vector.load %arg5[%get3A_975, %get3A_976] : memref<128x128xf32, #tpu.memory_space<vmem>>, vector<1x128xf32>
    %add3A_978 = arith.addf %get3A_977, %broadcast_in_dim3A_966 : vector<1x128xf32>
    %swap3A_979 = arith.constant 31 : index
    %swap3A_980 = arith.constant 0 : index
    %swap3A_981 = vector.load %arg5[%swap3A_979, %swap3A_980] : memref<128x128xf32, #tpu.memory_space<vmem>>, vector<1x128xf32>
    tpu.vector_store %arg5[%swap3A_979, %swap3A_980], %add3A_978 {strides = array<i32>} : memref<128x128xf32, #tpu.memory_space<vmem>>, vector<1x128xf32>,
    %get3A_982 = arith.constant 95 : index
    %get3A_983 = arith.constant 0 : index
    %get3A_984 = vector.load %arg5[%get3A_982, %get3A_983] : memref<128x128xf32, #tpu.memory_space<vmem>>, vector<1x128xf32>
    %add3A_985 = arith.addf %get3A_984, %broadcast_in_dim3A_974 : vector<1x128xf32>
    %swap3A_986 = arith.constant 95 : index
    %swap3A_987 = arith.constant 0 : index
    %swap3A_988 = vector.load %arg5[%swap3A_986, %swap3A_987] : memref<128x128xf32, #tpu.memory_space<vmem>>, vector<1x128xf32>
    tpu.vector_store %arg5[%swap3A_986, %swap3A_987], %add3A_985 {strides = array<i32>} : memref<128x128xf32, #tpu.memory_space<vmem>>, vector<1x128xf32>,
    %eq3A_989 = arith.constant 32 : i32
    %eq3A_990 = vector.broadcast %eq3A_989 : i32 to vector<4096x128xi32>
    %eq3A_991 = arith.cmpi eq, %min3A_17, %eq3A_990 : vector<4096x128xi32>
    %convert_element_type3A_992 = arith.extui %eq3A_991 : vector<4096x128xi1> to vector<4096x128xi32>
    %convert_element_type3A_993 = arith.sitofp %convert_element_type3A_992 : vector<4096x128xi32> to vector<4096x128xf32>
    %reduce_sum3A_994 = arith.constant dense<0.000000e+00> : vector<128xf32>
    %reduce_sum3A_995 = vector.multi_reduction <add>, %convert_element_type3A_993, %reduce_sum3A_994 [0] : vector<4096x128xf32> to vector<128xf32>
    %broadcast_in_dim3A_996 = vector.shape_cast %reduce_sum3A_995 : vector<128xf32> to vector<1x128xf32>
    %eq3A_997 = arith.constant 32 : i32
    %eq3A_998 = vector.broadcast %eq3A_997 : i32 to vector<4096x128xi32>
    %eq3A_999 = arith.cmpi eq, %min3A_32, %eq3A_998 : vector<4096x128xi32>
    %convert_element_type3A_1000 = arith.extui %eq3A_999 : vector<4096x128xi1> to vector<4096x128xi32>
    %convert_element_type3A_1001 = arith.sitofp %convert_element_type3A_1000 : vector<4096x128xi32> to vector<4096x128xf32>
    %reduce_sum3A_1002 = arith.constant dense<0.000000e+00> : vector<128xf32>
    %reduce_sum3A_1003 = vector.multi_reduction <add>, %convert_element_type3A_1001, %reduce_sum3A_1002 [0] : vector<4096x128xf32> to vector<128xf32>
    %broadcast_in_dim3A_1004 = vector.shape_cast %reduce_sum3A_1003 : vector<128xf32> to vector<1x128xf32>
    %get3A_1005 = arith.constant 32 : index
    %get3A_1006 = arith.constant 0 : index
    %get3A_1007 = vector.load %arg5[%get3A_1005, %get3A_1006] : memref<128x128xf32, #tpu.memory_space<vmem>>, vector<1x128xf32>
    %add3A_1008 = arith.addf %get3A_1007, %broadcast_in_dim3A_996 : vector<1x128xf32>
    %swap3A_1009 = arith.constant 32 : index
    %swap3A_1010 = arith.constant 0 : index
    %swap3A_1011 = vector.load %arg5[%swap3A_1009, %swap3A_1010] : memref<128x128xf32, #tpu.memory_space<vmem>>, vector<1x128xf32>
    tpu.vector_store %arg5[%swap3A_1009, %swap3A_1010], %add3A_1008 {strides = array<i32>} : memref<128x128xf32, #tpu.memory_space<vmem>>, vector<1x128xf32>,
    %get3A_1012 = arith.constant 96 : index
    %get3A_1013 = arith.constant 0 : index
    %get3A_1014 = vector.load %arg5[%get3A_1012, %get3A_1013] : memref<128x128xf32, #tpu.memory_space<vmem>>, vector<1x128xf32>
    %add3A_1015 = arith.addf %get3A_1014, %broadcast_in_dim3A_1004 : vector<1x128xf32>
    %swap3A_1016 = arith.constant 96 : index
    %swap3A_1017 = arith.constant 0 : index
    %swap3A_1018 = vector.load %arg5[%swap3A_1016, %swap3A_1017] : memref<128x128xf32, #tpu.memory_space<vmem>>, vector<1x128xf32>
    tpu.vector_store %arg5[%swap3A_1016, %swap3A_1017], %add3A_1015 {strides = array<i32>} : memref<128x128xf32, #tpu.memory_space<vmem>>, vector<1x128xf32>,
    %eq3A_1019 = arith.constant 33 : i32
    %eq3A_1020 = vector.broadcast %eq3A_1019 : i32 to vector<4096x128xi32>
    %eq3A_1021 = arith.cmpi eq, %min3A_17, %eq3A_1020 : vector<4096x128xi32>
    %convert_element_type3A_1022 = arith.extui %eq3A_1021 : vector<4096x128xi1> to vector<4096x128xi32>
    %convert_element_type3A_1023 = arith.sitofp %convert_element_type3A_1022 : vector<4096x128xi32> to vector<4096x128xf32>
    %reduce_sum3A_1024 = arith.constant dense<0.000000e+00> : vector<128xf32>
    %reduce_sum3A_1025 = vector.multi_reduction <add>, %convert_element_type3A_1023, %reduce_sum3A_1024 [0] : vector<4096x128xf32> to vector<128xf32>
    %broadcast_in_dim3A_1026 = vector.shape_cast %reduce_sum3A_1025 : vector<128xf32> to vector<1x128xf32>
    %eq3A_1027 = arith.constant 33 : i32
    %eq3A_1028 = vector.broadcast %eq3A_1027 : i32 to vector<4096x128xi32>
    %eq3A_1029 = arith.cmpi eq, %min3A_32, %eq3A_1028 : vector<4096x128xi32>
    %convert_element_type3A_1030 = arith.extui %eq3A_1029 : vector<4096x128xi1> to vector<4096x128xi32>
    %convert_element_type3A_1031 = arith.sitofp %convert_element_type3A_1030 : vector<4096x128xi32> to vector<4096x128xf32>
    %reduce_sum3A_1032 = arith.constant dense<0.000000e+00> : vector<128xf32>
    %reduce_sum3A_1033 = vector.multi_reduction <add>, %convert_element_type3A_1031, %reduce_sum3A_1032 [0] : vector<4096x128xf32> to vector<128xf32>
    %broadcast_in_dim3A_1034 = vector.shape_cast %reduce_sum3A_1033 : vector<128xf32> to vector<1x128xf32>
    %get3A_1035 = arith.constant 33 : index
    %get3A_1036 = arith.constant 0 : index
    %get3A_1037 = vector.load %arg5[%get3A_1035, %get3A_1036] : memref<128x128xf32, #tpu.memory_space<vmem>>, vector<1x128xf32>
    %add3A_1038 = arith.addf %get3A_1037, %broadcast_in_dim3A_1026 : vector<1x128xf32>
    %swap3A_1039 = arith.constant 33 : index
    %swap3A_1040 = arith.constant 0 : index
    %swap3A_1041 = vector.load %arg5[%swap3A_1039, %swap3A_1040] : memref<128x128xf32, #tpu.memory_space<vmem>>, vector<1x128xf32>
    tpu.vector_store %arg5[%swap3A_1039, %swap3A_1040], %add3A_1038 {strides = array<i32>} : memref<128x128xf32, #tpu.memory_space<vmem>>, vector<1x128xf32>,
    %get3A_1042 = arith.constant 97 : index
    %get3A_1043 = arith.constant 0 : index
    %get3A_1044 = vector.load %arg5[%get3A_1042, %get3A_1043] : memref<128x128xf32, #tpu.memory_space<vmem>>, vector<1x128xf32>
    %add3A_1045 = arith.addf %get3A_1044, %broadcast_in_dim3A_1034 : vector<1x128xf32>
    %swap3A_1046 = arith.constant 97 : index
    %swap3A_1047 = arith.constant 0 : index
    %swap3A_1048 = vector.load %arg5[%swap3A_1046, %swap3A_1047] : memref<128x128xf32, #tpu.memory_space<vmem>>, vector<1x128xf32>
    tpu.vector_store %arg5[%swap3A_1046, %swap3A_1047], %add3A_1045 {strides = array<i32>} : memref<128x128xf32, #tpu.memory_space<vmem>>, vector<1x128xf32>,
    %eq3A_1049 = arith.constant 34 : i32
    %eq3A_1050 = vector.broadcast %eq3A_1049 : i32 to vector<4096x128xi32>
    %eq3A_1051 = arith.cmpi eq, %min3A_17, %eq3A_1050 : vector<4096x128xi32>
    %convert_element_type3A_1052 = arith.extui %eq3A_1051 : vector<4096x128xi1> to vector<4096x128xi32>
    %convert_element_type3A_1053 = arith.sitofp %convert_element_type3A_1052 : vector<4096x128xi32> to vector<4096x128xf32>
    %reduce_sum3A_1054 = arith.constant dense<0.000000e+00> : vector<128xf32>
    %reduce_sum3A_1055 = vector.multi_reduction <add>, %convert_element_type3A_1053, %reduce_sum3A_1054 [0] : vector<4096x128xf32> to vector<128xf32>
    %broadcast_in_dim3A_1056 = vector.shape_cast %reduce_sum3A_1055 : vector<128xf32> to vector<1x128xf32>
    %eq3A_1057 = arith.constant 34 : i32
    %eq3A_1058 = vector.broadcast %eq3A_1057 : i32 to vector<4096x128xi32>
    %eq3A_1059 = arith.cmpi eq, %min3A_32, %eq3A_1058 : vector<4096x128xi32>
    %convert_element_type3A_1060 = arith.extui %eq3A_1059 : vector<4096x128xi1> to vector<4096x128xi32>
    %convert_element_type3A_1061 = arith.sitofp %convert_element_type3A_1060 : vector<4096x128xi32> to vector<4096x128xf32>
    %reduce_sum3A_1062 = arith.constant dense<0.000000e+00> : vector<128xf32>
    %reduce_sum3A_1063 = vector.multi_reduction <add>, %convert_element_type3A_1061, %reduce_sum3A_1062 [0] : vector<4096x128xf32> to vector<128xf32>
    %broadcast_in_dim3A_1064 = vector.shape_cast %reduce_sum3A_1063 : vector<128xf32> to vector<1x128xf32>
    %get3A_1065 = arith.constant 34 : index
    %get3A_1066 = arith.constant 0 : index
    %get3A_1067 = vector.load %arg5[%get3A_1065, %get3A_1066] : memref<128x128xf32, #tpu.memory_space<vmem>>, vector<1x128xf32>
    %add3A_1068 = arith.addf %get3A_1067, %broadcast_in_dim3A_1056 : vector<1x128xf32>
    %swap3A_1069 = arith.constant 34 : index
    %swap3A_1070 = arith.constant 0 : index
    %swap3A_1071 = vector.load %arg5[%swap3A_1069, %swap3A_1070] : memref<128x128xf32, #tpu.memory_space<vmem>>, vector<1x128xf32>
    tpu.vector_store %arg5[%swap3A_1069, %swap3A_1070], %add3A_1068 {strides = array<i32>} : memref<128x128xf32, #tpu.memory_space<vmem>>, vector<1x128xf32>,
    %get3A_1072 = arith.constant 98 : index
    %get3A_1073 = arith.constant 0 : index
    %get3A_1074 = vector.load %arg5[%get3A_1072, %get3A_1073] : memref<128x128xf32, #tpu.memory_space<vmem>>, vector<1x128xf32>
    %add3A_1075 = arith.addf %get3A_1074, %broadcast_in_dim3A_1064 : vector<1x128xf32>
    %swap3A_1076 = arith.constant 98 : index
    %swap3A_1077 = arith.constant 0 : index
    %swap3A_1078 = vector.load %arg5[%swap3A_1076, %swap3A_1077] : memref<128x128xf32, #tpu.memory_space<vmem>>, vector<1x128xf32>
    tpu.vector_store %arg5[%swap3A_1076, %swap3A_1077], %add3A_1075 {strides = array<i32>} : memref<128x128xf32, #tpu.memory_space<vmem>>, vector<1x128xf32>,
    %eq3A_1079 = arith.constant 35 : i32
    %eq3A_1080 = vector.broadcast %eq3A_1079 : i32 to vector<4096x128xi32>
    %eq3A_1081 = arith.cmpi eq, %min3A_17, %eq3A_1080 : vector<4096x128xi32>
    %convert_element_type3A_1082 = arith.extui %eq3A_1081 : vector<4096x128xi1> to vector<4096x128xi32>
    %convert_element_type3A_1083 = arith.sitofp %convert_element_type3A_1082 : vector<4096x128xi32> to vector<4096x128xf32>
    %reduce_sum3A_1084 = arith.constant dense<0.000000e+00> : vector<128xf32>
    %reduce_sum3A_1085 = vector.multi_reduction <add>, %convert_element_type3A_1083, %reduce_sum3A_1084 [0] : vector<4096x128xf32> to vector<128xf32>
    %broadcast_in_dim3A_1086 = vector.shape_cast %reduce_sum3A_1085 : vector<128xf32> to vector<1x128xf32>
    %eq3A_1087 = arith.constant 35 : i32
    %eq3A_1088 = vector.broadcast %eq3A_1087 : i32 to vector<4096x128xi32>
    %eq3A_1089 = arith.cmpi eq, %min3A_32, %eq3A_1088 : vector<4096x128xi32>
    %convert_element_type3A_1090 = arith.extui %eq3A_1089 : vector<4096x128xi1> to vector<4096x128xi32>
    %convert_element_type3A_1091 = arith.sitofp %convert_element_type3A_1090 : vector<4096x128xi32> to vector<4096x128xf32>
    %reduce_sum3A_1092 = arith.constant dense<0.000000e+00> : vector<128xf32>
    %reduce_sum3A_1093 = vector.multi_reduction <add>, %convert_element_type3A_1091, %reduce_sum3A_1092 [0] : vector<4096x128xf32> to vector<128xf32>
    %broadcast_in_dim3A_1094 = vector.shape_cast %reduce_sum3A_1093 : vector<128xf32> to vector<1x128xf32>
    %get3A_1095 = arith.constant 35 : index
    %get3A_1096 = arith.constant 0 : index
    %get3A_1097 = vector.load %arg5[%get3A_1095, %get3A_1096] : memref<128x128xf32, #tpu.memory_space<vmem>>, vector<1x128xf32>
    %add3A_1098 = arith.addf %get3A_1097, %broadcast_in_dim3A_1086 : vector<1x128xf32>
    %swap3A_1099 = arith.constant 35 : index
    %swap3A_1100 = arith.constant 0 : index
    %swap3A_1101 = vector.load %arg5[%swap3A_1099, %swap3A_1100] : memref<128x128xf32, #tpu.memory_space<vmem>>, vector<1x128xf32>
    tpu.vector_store %arg5[%swap3A_1099, %swap3A_1100], %add3A_1098 {strides = array<i32>} : memref<128x128xf32, #tpu.memory_space<vmem>>, vector<1x128xf32>,
    %get3A_1102 = arith.constant 99 : index
    %get3A_1103 = arith.constant 0 : index
    %get3A_1104 = vector.load %arg5[%get3A_1102, %get3A_1103] : memref<128x128xf32, #tpu.memory_space<vmem>>, vector<1x128xf32>
    %add3A_1105 = arith.addf %get3A_1104, %broadcast_in_dim3A_1094 : vector<1x128xf32>
    %swap3A_1106 = arith.constant 99 : index
    %swap3A_1107 = arith.constant 0 : index
    %swap3A_1108 = vector.load %arg5[%swap3A_1106, %swap3A_1107] : memref<128x128xf32, #tpu.memory_space<vmem>>, vector<1x128xf32>
    tpu.vector_store %arg5[%swap3A_1106, %swap3A_1107], %add3A_1105 {strides = array<i32>} : memref<128x128xf32, #tpu.memory_space<vmem>>, vector<1x128xf32>,
    %eq3A_1109 = arith.constant 36 : i32
    %eq3A_1110 = vector.broadcast %eq3A_1109 : i32 to vector<4096x128xi32>
    %eq3A_1111 = arith.cmpi eq, %min3A_17, %eq3A_1110 : vector<4096x128xi32>
    %convert_element_type3A_1112 = arith.extui %eq3A_1111 : vector<4096x128xi1> to vector<4096x128xi32>
    %convert_element_type3A_1113 = arith.sitofp %convert_element_type3A_1112 : vector<4096x128xi32> to vector<4096x128xf32>
    %reduce_sum3A_1114 = arith.constant dense<0.000000e+00> : vector<128xf32>
    %reduce_sum3A_1115 = vector.multi_reduction <add>, %convert_element_type3A_1113, %reduce_sum3A_1114 [0] : vector<4096x128xf32> to vector<128xf32>
    %broadcast_in_dim3A_1116 = vector.shape_cast %reduce_sum3A_1115 : vector<128xf32> to vector<1x128xf32>
    %eq3A_1117 = arith.constant 36 : i32
    %eq3A_1118 = vector.broadcast %eq3A_1117 : i32 to vector<4096x128xi32>
    %eq3A_1119 = arith.cmpi eq, %min3A_32, %eq3A_1118 : vector<4096x128xi32>
    %convert_element_type3A_1120 = arith.extui %eq3A_1119 : vector<4096x128xi1> to vector<4096x128xi32>
    %convert_element_type3A_1121 = arith.sitofp %convert_element_type3A_1120 : vector<4096x128xi32> to vector<4096x128xf32>
    %reduce_sum3A_1122 = arith.constant dense<0.000000e+00> : vector<128xf32>
    %reduce_sum3A_1123 = vector.multi_reduction <add>, %convert_element_type3A_1121, %reduce_sum3A_1122 [0] : vector<4096x128xf32> to vector<128xf32>
    %broadcast_in_dim3A_1124 = vector.shape_cast %reduce_sum3A_1123 : vector<128xf32> to vector<1x128xf32>
    %get3A_1125 = arith.constant 36 : index
    %get3A_1126 = arith.constant 0 : index
    %get3A_1127 = vector.load %arg5[%get3A_1125, %get3A_1126] : memref<128x128xf32, #tpu.memory_space<vmem>>, vector<1x128xf32>
    %add3A_1128 = arith.addf %get3A_1127, %broadcast_in_dim3A_1116 : vector<1x128xf32>
    %swap3A_1129 = arith.constant 36 : index
    %swap3A_1130 = arith.constant 0 : index
    %swap3A_1131 = vector.load %arg5[%swap3A_1129, %swap3A_1130] : memref<128x128xf32, #tpu.memory_space<vmem>>, vector<1x128xf32>
    tpu.vector_store %arg5[%swap3A_1129, %swap3A_1130], %add3A_1128 {strides = array<i32>} : memref<128x128xf32, #tpu.memory_space<vmem>>, vector<1x128xf32>,
    %get3A_1132 = arith.constant 100 : index
    %get3A_1133 = arith.constant 0 : index
    %get3A_1134 = vector.load %arg5[%get3A_1132, %get3A_1133] : memref<128x128xf32, #tpu.memory_space<vmem>>, vector<1x128xf32>
    %add3A_1135 = arith.addf %get3A_1134, %broadcast_in_dim3A_1124 : vector<1x128xf32>
    %swap3A_1136 = arith.constant 100 : index
    %swap3A_1137 = arith.constant 0 : index
    %swap3A_1138 = vector.load %arg5[%swap3A_1136, %swap3A_1137] : memref<128x128xf32, #tpu.memory_space<vmem>>, vector<1x128xf32>
    tpu.vector_store %arg5[%swap3A_1136, %swap3A_1137], %add3A_1135 {strides = array<i32>} : memref<128x128xf32, #tpu.memory_space<vmem>>, vector<1x128xf32>,
    %eq3A_1139 = arith.constant 37 : i32
    %eq3A_1140 = vector.broadcast %eq3A_1139 : i32 to vector<4096x128xi32>
    %eq3A_1141 = arith.cmpi eq, %min3A_17, %eq3A_1140 : vector<4096x128xi32>
    %convert_element_type3A_1142 = arith.extui %eq3A_1141 : vector<4096x128xi1> to vector<4096x128xi32>
    %convert_element_type3A_1143 = arith.sitofp %convert_element_type3A_1142 : vector<4096x128xi32> to vector<4096x128xf32>
    %reduce_sum3A_1144 = arith.constant dense<0.000000e+00> : vector<128xf32>
    %reduce_sum3A_1145 = vector.multi_reduction <add>, %convert_element_type3A_1143, %reduce_sum3A_1144 [0] : vector<4096x128xf32> to vector<128xf32>
    %broadcast_in_dim3A_1146 = vector.shape_cast %reduce_sum3A_1145 : vector<128xf32> to vector<1x128xf32>
    %eq3A_1147 = arith.constant 37 : i32
    %eq3A_1148 = vector.broadcast %eq3A_1147 : i32 to vector<4096x128xi32>
    %eq3A_1149 = arith.cmpi eq, %min3A_32, %eq3A_1148 : vector<4096x128xi32>
    %convert_element_type3A_1150 = arith.extui %eq3A_1149 : vector<4096x128xi1> to vector<4096x128xi32>
    %convert_element_type3A_1151 = arith.sitofp %convert_element_type3A_1150 : vector<4096x128xi32> to vector<4096x128xf32>
    %reduce_sum3A_1152 = arith.constant dense<0.000000e+00> : vector<128xf32>
    %reduce_sum3A_1153 = vector.multi_reduction <add>, %convert_element_type3A_1151, %reduce_sum3A_1152 [0] : vector<4096x128xf32> to vector<128xf32>
    %broadcast_in_dim3A_1154 = vector.shape_cast %reduce_sum3A_1153 : vector<128xf32> to vector<1x128xf32>
    %get3A_1155 = arith.constant 37 : index
    %get3A_1156 = arith.constant 0 : index
    %get3A_1157 = vector.load %arg5[%get3A_1155, %get3A_1156] : memref<128x128xf32, #tpu.memory_space<vmem>>, vector<1x128xf32>
    %add3A_1158 = arith.addf %get3A_1157, %broadcast_in_dim3A_1146 : vector<1x128xf32>
    %swap3A_1159 = arith.constant 37 : index
    %swap3A_1160 = arith.constant 0 : index
    %swap3A_1161 = vector.load %arg5[%swap3A_1159, %swap3A_1160] : memref<128x128xf32, #tpu.memory_space<vmem>>, vector<1x128xf32>
    tpu.vector_store %arg5[%swap3A_1159, %swap3A_1160], %add3A_1158 {strides = array<i32>} : memref<128x128xf32, #tpu.memory_space<vmem>>, vector<1x128xf32>,
    %get3A_1162 = arith.constant 101 : index
    %get3A_1163 = arith.constant 0 : index
    %get3A_1164 = vector.load %arg5[%get3A_1162, %get3A_1163] : memref<128x128xf32, #tpu.memory_space<vmem>>, vector<1x128xf32>
    %add3A_1165 = arith.addf %get3A_1164, %broadcast_in_dim3A_1154 : vector<1x128xf32>
    %swap3A_1166 = arith.constant 101 : index
    %swap3A_1167 = arith.constant 0 : index
    %swap3A_1168 = vector.load %arg5[%swap3A_1166, %swap3A_1167] : memref<128x128xf32, #tpu.memory_space<vmem>>, vector<1x128xf32>
    tpu.vector_store %arg5[%swap3A_1166, %swap3A_1167], %add3A_1165 {strides = array<i32>} : memref<128x128xf32, #tpu.memory_space<vmem>>, vector<1x128xf32>,
    %eq3A_1169 = arith.constant 38 : i32
    %eq3A_1170 = vector.broadcast %eq3A_1169 : i32 to vector<4096x128xi32>
    %eq3A_1171 = arith.cmpi eq, %min3A_17, %eq3A_1170 : vector<4096x128xi32>
    %convert_element_type3A_1172 = arith.extui %eq3A_1171 : vector<4096x128xi1> to vector<4096x128xi32>
    %convert_element_type3A_1173 = arith.sitofp %convert_element_type3A_1172 : vector<4096x128xi32> to vector<4096x128xf32>
    %reduce_sum3A_1174 = arith.constant dense<0.000000e+00> : vector<128xf32>
    %reduce_sum3A_1175 = vector.multi_reduction <add>, %convert_element_type3A_1173, %reduce_sum3A_1174 [0] : vector<4096x128xf32> to vector<128xf32>
    %broadcast_in_dim3A_1176 = vector.shape_cast %reduce_sum3A_1175 : vector<128xf32> to vector<1x128xf32>
    %eq3A_1177 = arith.constant 38 : i32
    %eq3A_1178 = vector.broadcast %eq3A_1177 : i32 to vector<4096x128xi32>
    %eq3A_1179 = arith.cmpi eq, %min3A_32, %eq3A_1178 : vector<4096x128xi32>
    %convert_element_type3A_1180 = arith.extui %eq3A_1179 : vector<4096x128xi1> to vector<4096x128xi32>
    %convert_element_type3A_1181 = arith.sitofp %convert_element_type3A_1180 : vector<4096x128xi32> to vector<4096x128xf32>
    %reduce_sum3A_1182 = arith.constant dense<0.000000e+00> : vector<128xf32>
    %reduce_sum3A_1183 = vector.multi_reduction <add>, %convert_element_type3A_1181, %reduce_sum3A_1182 [0] : vector<4096x128xf32> to vector<128xf32>
    %broadcast_in_dim3A_1184 = vector.shape_cast %reduce_sum3A_1183 : vector<128xf32> to vector<1x128xf32>
    %get3A_1185 = arith.constant 38 : index
    %get3A_1186 = arith.constant 0 : index
    %get3A_1187 = vector.load %arg5[%get3A_1185, %get3A_1186] : memref<128x128xf32, #tpu.memory_space<vmem>>, vector<1x128xf32>
    %add3A_1188 = arith.addf %get3A_1187, %broadcast_in_dim3A_1176 : vector<1x128xf32>
    %swap3A_1189 = arith.constant 38 : index
    %swap3A_1190 = arith.constant 0 : index
    %swap3A_1191 = vector.load %arg5[%swap3A_1189, %swap3A_1190] : memref<128x128xf32, #tpu.memory_space<vmem>>, vector<1x128xf32>
    tpu.vector_store %arg5[%swap3A_1189, %swap3A_1190], %add3A_1188 {strides = array<i32>} : memref<128x128xf32, #tpu.memory_space<vmem>>, vector<1x128xf32>,
    %get3A_1192 = arith.constant 102 : index
    %get3A_1193 = arith.constant 0 : index
    %get3A_1194 = vector.load %arg5[%get3A_1192, %get3A_1193] : memref<128x128xf32, #tpu.memory_space<vmem>>, vector<1x128xf32>
    %add3A_1195 = arith.addf %get3A_1194, %broadcast_in_dim3A_1184 : vector<1x128xf32>
    %swap3A_1196 = arith.constant 102 : index
    %swap3A_1197 = arith.constant 0 : index
    %swap3A_1198 = vector.load %arg5[%swap3A_1196, %swap3A_1197] : memref<128x128xf32, #tpu.memory_space<vmem>>, vector<1x128xf32>
    tpu.vector_store %arg5[%swap3A_1196, %swap3A_1197], %add3A_1195 {strides = array<i32>} : memref<128x128xf32, #tpu.memory_space<vmem>>, vector<1x128xf32>,
    %eq3A_1199 = arith.constant 39 : i32
    %eq3A_1200 = vector.broadcast %eq3A_1199 : i32 to vector<4096x128xi32>
    %eq3A_1201 = arith.cmpi eq, %min3A_17, %eq3A_1200 : vector<4096x128xi32>
    %convert_element_type3A_1202 = arith.extui %eq3A_1201 : vector<4096x128xi1> to vector<4096x128xi32>
    %convert_element_type3A_1203 = arith.sitofp %convert_element_type3A_1202 : vector<4096x128xi32> to vector<4096x128xf32>
    %reduce_sum3A_1204 = arith.constant dense<0.000000e+00> : vector<128xf32>
    %reduce_sum3A_1205 = vector.multi_reduction <add>, %convert_element_type3A_1203, %reduce_sum3A_1204 [0] : vector<4096x128xf32> to vector<128xf32>
    %broadcast_in_dim3A_1206 = vector.shape_cast %reduce_sum3A_1205 : vector<128xf32> to vector<1x128xf32>
    %eq3A_1207 = arith.constant 39 : i32
    %eq3A_1208 = vector.broadcast %eq3A_1207 : i32 to vector<4096x128xi32>
    %eq3A_1209 = arith.cmpi eq, %min3A_32, %eq3A_1208 : vector<4096x128xi32>
    %convert_element_type3A_1210 = arith.extui %eq3A_1209 : vector<4096x128xi1> to vector<4096x128xi32>
    %convert_element_type3A_1211 = arith.sitofp %convert_element_type3A_1210 : vector<4096x128xi32> to vector<4096x128xf32>
    %reduce_sum3A_1212 = arith.constant dense<0.000000e+00> : vector<128xf32>
    %reduce_sum3A_1213 = vector.multi_reduction <add>, %convert_element_type3A_1211, %reduce_sum3A_1212 [0] : vector<4096x128xf32> to vector<128xf32>
    %broadcast_in_dim3A_1214 = vector.shape_cast %reduce_sum3A_1213 : vector<128xf32> to vector<1x128xf32>
    %get3A_1215 = arith.constant 39 : index
    %get3A_1216 = arith.constant 0 : index
    %get3A_1217 = vector.load %arg5[%get3A_1215, %get3A_1216] : memref<128x128xf32, #tpu.memory_space<vmem>>, vector<1x128xf32>
    %add3A_1218 = arith.addf %get3A_1217, %broadcast_in_dim3A_1206 : vector<1x128xf32>
    %swap3A_1219 = arith.constant 39 : index
    %swap3A_1220 = arith.constant 0 : index
    %swap3A_1221 = vector.load %arg5[%swap3A_1219, %swap3A_1220] : memref<128x128xf32, #tpu.memory_space<vmem>>, vector<1x128xf32>
    tpu.vector_store %arg5[%swap3A_1219, %swap3A_1220], %add3A_1218 {strides = array<i32>} : memref<128x128xf32, #tpu.memory_space<vmem>>, vector<1x128xf32>,
    %get3A_1222 = arith.constant 103 : index
    %get3A_1223 = arith.constant 0 : index
    %get3A_1224 = vector.load %arg5[%get3A_1222, %get3A_1223] : memref<128x128xf32, #tpu.memory_space<vmem>>, vector<1x128xf32>
    %add3A_1225 = arith.addf %get3A_1224, %broadcast_in_dim3A_1214 : vector<1x128xf32>
    %swap3A_1226 = arith.constant 103 : index
    %swap3A_1227 = arith.constant 0 : index
    %swap3A_1228 = vector.load %arg5[%swap3A_1226, %swap3A_1227] : memref<128x128xf32, #tpu.memory_space<vmem>>, vector<1x128xf32>
    tpu.vector_store %arg5[%swap3A_1226, %swap3A_1227], %add3A_1225 {strides = array<i32>} : memref<128x128xf32, #tpu.memory_space<vmem>>, vector<1x128xf32>,
    %eq3A_1229 = arith.constant 40 : i32
    %eq3A_1230 = vector.broadcast %eq3A_1229 : i32 to vector<4096x128xi32>
    %eq3A_1231 = arith.cmpi eq, %min3A_17, %eq3A_1230 : vector<4096x128xi32>
    %convert_element_type3A_1232 = arith.extui %eq3A_1231 : vector<4096x128xi1> to vector<4096x128xi32>
    %convert_element_type3A_1233 = arith.sitofp %convert_element_type3A_1232 : vector<4096x128xi32> to vector<4096x128xf32>
    %reduce_sum3A_1234 = arith.constant dense<0.000000e+00> : vector<128xf32>
    %reduce_sum3A_1235 = vector.multi_reduction <add>, %convert_element_type3A_1233, %reduce_sum3A_1234 [0] : vector<4096x128xf32> to vector<128xf32>
    %broadcast_in_dim3A_1236 = vector.shape_cast %reduce_sum3A_1235 : vector<128xf32> to vector<1x128xf32>
    %eq3A_1237 = arith.constant 40 : i32
    %eq3A_1238 = vector.broadcast %eq3A_1237 : i32 to vector<4096x128xi32>
    %eq3A_1239 = arith.cmpi eq, %min3A_32, %eq3A_1238 : vector<4096x128xi32>
    %convert_element_type3A_1240 = arith.extui %eq3A_1239 : vector<4096x128xi1> to vector<4096x128xi32>
    %convert_element_type3A_1241 = arith.sitofp %convert_element_type3A_1240 : vector<4096x128xi32> to vector<4096x128xf32>
    %reduce_sum3A_1242 = arith.constant dense<0.000000e+00> : vector<128xf32>
    %reduce_sum3A_1243 = vector.multi_reduction <add>, %convert_element_type3A_1241, %reduce_sum3A_1242 [0] : vector<4096x128xf32> to vector<128xf32>
    %broadcast_in_dim3A_1244 = vector.shape_cast %reduce_sum3A_1243 : vector<128xf32> to vector<1x128xf32>
    %get3A_1245 = arith.constant 40 : index
    %get3A_1246 = arith.constant 0 : index
    %get3A_1247 = vector.load %arg5[%get3A_1245, %get3A_1246] : memref<128x128xf32, #tpu.memory_space<vmem>>, vector<1x128xf32>
    %add3A_1248 = arith.addf %get3A_1247, %broadcast_in_dim3A_1236 : vector<1x128xf32>
    %swap3A_1249 = arith.constant 40 : index
    %swap3A_1250 = arith.constant 0 : index
    %swap3A_1251 = vector.load %arg5[%swap3A_1249, %swap3A_1250] : memref<128x128xf32, #tpu.memory_space<vmem>>, vector<1x128xf32>
    tpu.vector_store %arg5[%swap3A_1249, %swap3A_1250], %add3A_1248 {strides = array<i32>} : memref<128x128xf32, #tpu.memory_space<vmem>>, vector<1x128xf32>,
    %get3A_1252 = arith.constant 104 : index
    %get3A_1253 = arith.constant 0 : index
    %get3A_1254 = vector.load %arg5[%get3A_1252, %get3A_1253] : memref<128x128xf32, #tpu.memory_space<vmem>>, vector<1x128xf32>
    %add3A_1255 = arith.addf %get3A_1254, %broadcast_in_dim3A_1244 : vector<1x128xf32>
    %swap3A_1256 = arith.constant 104 : index
    %swap3A_1257 = arith.constant 0 : index
    %swap3A_1258 = vector.load %arg5[%swap3A_1256, %swap3A_1257] : memref<128x128xf32, #tpu.memory_space<vmem>>, vector<1x128xf32>
    tpu.vector_store %arg5[%swap3A_1256, %swap3A_1257], %add3A_1255 {strides = array<i32>} : memref<128x128xf32, #tpu.memory_space<vmem>>, vector<1x128xf32>,
    %eq3A_1259 = arith.constant 41 : i32
    %eq3A_1260 = vector.broadcast %eq3A_1259 : i32 to vector<4096x128xi32>
    %eq3A_1261 = arith.cmpi eq, %min3A_17, %eq3A_1260 : vector<4096x128xi32>
    %convert_element_type3A_1262 = arith.extui %eq3A_1261 : vector<4096x128xi1> to vector<4096x128xi32>
    %convert_element_type3A_1263 = arith.sitofp %convert_element_type3A_1262 : vector<4096x128xi32> to vector<4096x128xf32>
    %reduce_sum3A_1264 = arith.constant dense<0.000000e+00> : vector<128xf32>
    %reduce_sum3A_1265 = vector.multi_reduction <add>, %convert_element_type3A_1263, %reduce_sum3A_1264 [0] : vector<4096x128xf32> to vector<128xf32>
    %broadcast_in_dim3A_1266 = vector.shape_cast %reduce_sum3A_1265 : vector<128xf32> to vector<1x128xf32>
    %eq3A_1267 = arith.constant 41 : i32
    %eq3A_1268 = vector.broadcast %eq3A_1267 : i32 to vector<4096x128xi32>
    %eq3A_1269 = arith.cmpi eq, %min3A_32, %eq3A_1268 : vector<4096x128xi32>
    %convert_element_type3A_1270 = arith.extui %eq3A_1269 : vector<4096x128xi1> to vector<4096x128xi32>
    %convert_element_type3A_1271 = arith.sitofp %convert_element_type3A_1270 : vector<4096x128xi32> to vector<4096x128xf32>
    %reduce_sum3A_1272 = arith.constant dense<0.000000e+00> : vector<128xf32>
    %reduce_sum3A_1273 = vector.multi_reduction <add>, %convert_element_type3A_1271, %reduce_sum3A_1272 [0] : vector<4096x128xf32> to vector<128xf32>
    %broadcast_in_dim3A_1274 = vector.shape_cast %reduce_sum3A_1273 : vector<128xf32> to vector<1x128xf32>
    %get3A_1275 = arith.constant 41 : index
    %get3A_1276 = arith.constant 0 : index
    %get3A_1277 = vector.load %arg5[%get3A_1275, %get3A_1276] : memref<128x128xf32, #tpu.memory_space<vmem>>, vector<1x128xf32>
    %add3A_1278 = arith.addf %get3A_1277, %broadcast_in_dim3A_1266 : vector<1x128xf32>
    %swap3A_1279 = arith.constant 41 : index
    %swap3A_1280 = arith.constant 0 : index
    %swap3A_1281 = vector.load %arg5[%swap3A_1279, %swap3A_1280] : memref<128x128xf32, #tpu.memory_space<vmem>>, vector<1x128xf32>
    tpu.vector_store %arg5[%swap3A_1279, %swap3A_1280], %add3A_1278 {strides = array<i32>} : memref<128x128xf32, #tpu.memory_space<vmem>>, vector<1x128xf32>,
    %get3A_1282 = arith.constant 105 : index
    %get3A_1283 = arith.constant 0 : index
    %get3A_1284 = vector.load %arg5[%get3A_1282, %get3A_1283] : memref<128x128xf32, #tpu.memory_space<vmem>>, vector<1x128xf32>
    %add3A_1285 = arith.addf %get3A_1284, %broadcast_in_dim3A_1274 : vector<1x128xf32>
    %swap3A_1286 = arith.constant 105 : index
    %swap3A_1287 = arith.constant 0 : index
    %swap3A_1288 = vector.load %arg5[%swap3A_1286, %swap3A_1287] : memref<128x128xf32, #tpu.memory_space<vmem>>, vector<1x128xf32>
    tpu.vector_store %arg5[%swap3A_1286, %swap3A_1287], %add3A_1285 {strides = array<i32>} : memref<128x128xf32, #tpu.memory_space<vmem>>, vector<1x128xf32>,
    %eq3A_1289 = arith.constant 42 : i32
    %eq3A_1290 = vector.broadcast %eq3A_1289 : i32 to vector<4096x128xi32>
    %eq3A_1291 = arith.cmpi eq, %min3A_17, %eq3A_1290 : vector<4096x128xi32>
    %convert_element_type3A_1292 = arith.extui %eq3A_1291 : vector<4096x128xi1> to vector<4096x128xi32>
    %convert_element_type3A_1293 = arith.sitofp %convert_element_type3A_1292 : vector<4096x128xi32> to vector<4096x128xf32>
    %reduce_sum3A_1294 = arith.constant dense<0.000000e+00> : vector<128xf32>
    %reduce_sum3A_1295 = vector.multi_reduction <add>, %convert_element_type3A_1293, %reduce_sum3A_1294 [0] : vector<4096x128xf32> to vector<128xf32>
    %broadcast_in_dim3A_1296 = vector.shape_cast %reduce_sum3A_1295 : vector<128xf32> to vector<1x128xf32>
    %eq3A_1297 = arith.constant 42 : i32
    %eq3A_1298 = vector.broadcast %eq3A_1297 : i32 to vector<4096x128xi32>
    %eq3A_1299 = arith.cmpi eq, %min3A_32, %eq3A_1298 : vector<4096x128xi32>
    %convert_element_type3A_1300 = arith.extui %eq3A_1299 : vector<4096x128xi1> to vector<4096x128xi32>
    %convert_element_type3A_1301 = arith.sitofp %convert_element_type3A_1300 : vector<4096x128xi32> to vector<4096x128xf32>
    %reduce_sum3A_1302 = arith.constant dense<0.000000e+00> : vector<128xf32>
    %reduce_sum3A_1303 = vector.multi_reduction <add>, %convert_element_type3A_1301, %reduce_sum3A_1302 [0] : vector<4096x128xf32> to vector<128xf32>
    %broadcast_in_dim3A_1304 = vector.shape_cast %reduce_sum3A_1303 : vector<128xf32> to vector<1x128xf32>
    %get3A_1305 = arith.constant 42 : index
    %get3A_1306 = arith.constant 0 : index
    %get3A_1307 = vector.load %arg5[%get3A_1305, %get3A_1306] : memref<128x128xf32, #tpu.memory_space<vmem>>, vector<1x128xf32>
    %add3A_1308 = arith.addf %get3A_1307, %broadcast_in_dim3A_1296 : vector<1x128xf32>
    %swap3A_1309 = arith.constant 42 : index
    %swap3A_1310 = arith.constant 0 : index
    %swap3A_1311 = vector.load %arg5[%swap3A_1309, %swap3A_1310] : memref<128x128xf32, #tpu.memory_space<vmem>>, vector<1x128xf32>
    tpu.vector_store %arg5[%swap3A_1309, %swap3A_1310], %add3A_1308 {strides = array<i32>} : memref<128x128xf32, #tpu.memory_space<vmem>>, vector<1x128xf32>,
    %get3A_1312 = arith.constant 106 : index
    %get3A_1313 = arith.constant 0 : index
    %get3A_1314 = vector.load %arg5[%get3A_1312, %get3A_1313] : memref<128x128xf32, #tpu.memory_space<vmem>>, vector<1x128xf32>
    %add3A_1315 = arith.addf %get3A_1314, %broadcast_in_dim3A_1304 : vector<1x128xf32>
    %swap3A_1316 = arith.constant 106 : index
    %swap3A_1317 = arith.constant 0 : index
    %swap3A_1318 = vector.load %arg5[%swap3A_1316, %swap3A_1317] : memref<128x128xf32, #tpu.memory_space<vmem>>, vector<1x128xf32>
    tpu.vector_store %arg5[%swap3A_1316, %swap3A_1317], %add3A_1315 {strides = array<i32>} : memref<128x128xf32, #tpu.memory_space<vmem>>, vector<1x128xf32>,
    %eq3A_1319 = arith.constant 43 : i32
    %eq3A_1320 = vector.broadcast %eq3A_1319 : i32 to vector<4096x128xi32>
    %eq3A_1321 = arith.cmpi eq, %min3A_17, %eq3A_1320 : vector<4096x128xi32>
    %convert_element_type3A_1322 = arith.extui %eq3A_1321 : vector<4096x128xi1> to vector<4096x128xi32>
    %convert_element_type3A_1323 = arith.sitofp %convert_element_type3A_1322 : vector<4096x128xi32> to vector<4096x128xf32>
    %reduce_sum3A_1324 = arith.constant dense<0.000000e+00> : vector<128xf32>
    %reduce_sum3A_1325 = vector.multi_reduction <add>, %convert_element_type3A_1323, %reduce_sum3A_1324 [0] : vector<4096x128xf32> to vector<128xf32>
    %broadcast_in_dim3A_1326 = vector.shape_cast %reduce_sum3A_1325 : vector<128xf32> to vector<1x128xf32>
    %eq3A_1327 = arith.constant 43 : i32
    %eq3A_1328 = vector.broadcast %eq3A_1327 : i32 to vector<4096x128xi32>
    %eq3A_1329 = arith.cmpi eq, %min3A_32, %eq3A_1328 : vector<4096x128xi32>
    %convert_element_type3A_1330 = arith.extui %eq3A_1329 : vector<4096x128xi1> to vector<4096x128xi32>
    %convert_element_type3A_1331 = arith.sitofp %convert_element_type3A_1330 : vector<4096x128xi32> to vector<4096x128xf32>
    %reduce_sum3A_1332 = arith.constant dense<0.000000e+00> : vector<128xf32>
    %reduce_sum3A_1333 = vector.multi_reduction <add>, %convert_element_type3A_1331, %reduce_sum3A_1332 [0] : vector<4096x128xf32> to vector<128xf32>
    %broadcast_in_dim3A_1334 = vector.shape_cast %reduce_sum3A_1333 : vector<128xf32> to vector<1x128xf32>
    %get3A_1335 = arith.constant 43 : index
    %get3A_1336 = arith.constant 0 : index
    %get3A_1337 = vector.load %arg5[%get3A_1335, %get3A_1336] : memref<128x128xf32, #tpu.memory_space<vmem>>, vector<1x128xf32>
    %add3A_1338 = arith.addf %get3A_1337, %broadcast_in_dim3A_1326 : vector<1x128xf32>
    %swap3A_1339 = arith.constant 43 : index
    %swap3A_1340 = arith.constant 0 : index
    %swap3A_1341 = vector.load %arg5[%swap3A_1339, %swap3A_1340] : memref<128x128xf32, #tpu.memory_space<vmem>>, vector<1x128xf32>
    tpu.vector_store %arg5[%swap3A_1339, %swap3A_1340], %add3A_1338 {strides = array<i32>} : memref<128x128xf32, #tpu.memory_space<vmem>>, vector<1x128xf32>,
    %get3A_1342 = arith.constant 107 : index
    %get3A_1343 = arith.constant 0 : index
    %get3A_1344 = vector.load %arg5[%get3A_1342, %get3A_1343] : memref<128x128xf32, #tpu.memory_space<vmem>>, vector<1x128xf32>
    %add3A_1345 = arith.addf %get3A_1344, %broadcast_in_dim3A_1334 : vector<1x128xf32>
    %swap3A_1346 = arith.constant 107 : index
    %swap3A_1347 = arith.constant 0 : index
    %swap3A_1348 = vector.load %arg5[%swap3A_1346, %swap3A_1347] : memref<128x128xf32, #tpu.memory_space<vmem>>, vector<1x128xf32>
    tpu.vector_store %arg5[%swap3A_1346, %swap3A_1347], %add3A_1345 {strides = array<i32>} : memref<128x128xf32, #tpu.memory_space<vmem>>, vector<1x128xf32>,
    %eq3A_1349 = arith.constant 44 : i32
    %eq3A_1350 = vector.broadcast %eq3A_1349 : i32 to vector<4096x128xi32>
    %eq3A_1351 = arith.cmpi eq, %min3A_17, %eq3A_1350 : vector<4096x128xi32>
    %convert_element_type3A_1352 = arith.extui %eq3A_1351 : vector<4096x128xi1> to vector<4096x128xi32>
    %convert_element_type3A_1353 = arith.sitofp %convert_element_type3A_1352 : vector<4096x128xi32> to vector<4096x128xf32>
    %reduce_sum3A_1354 = arith.constant dense<0.000000e+00> : vector<128xf32>
    %reduce_sum3A_1355 = vector.multi_reduction <add>, %convert_element_type3A_1353, %reduce_sum3A_1354 [0] : vector<4096x128xf32> to vector<128xf32>
    %broadcast_in_dim3A_1356 = vector.shape_cast %reduce_sum3A_1355 : vector<128xf32> to vector<1x128xf32>
    %eq3A_1357 = arith.constant 44 : i32
    %eq3A_1358 = vector.broadcast %eq3A_1357 : i32 to vector<4096x128xi32>
    %eq3A_1359 = arith.cmpi eq, %min3A_32, %eq3A_1358 : vector<4096x128xi32>
    %convert_element_type3A_1360 = arith.extui %eq3A_1359 : vector<4096x128xi1> to vector<4096x128xi32>
    %convert_element_type3A_1361 = arith.sitofp %convert_element_type3A_1360 : vector<4096x128xi32> to vector<4096x128xf32>
    %reduce_sum3A_1362 = arith.constant dense<0.000000e+00> : vector<128xf32>
    %reduce_sum3A_1363 = vector.multi_reduction <add>, %convert_element_type3A_1361, %reduce_sum3A_1362 [0] : vector<4096x128xf32> to vector<128xf32>
    %broadcast_in_dim3A_1364 = vector.shape_cast %reduce_sum3A_1363 : vector<128xf32> to vector<1x128xf32>
    %get3A_1365 = arith.constant 44 : index
    %get3A_1366 = arith.constant 0 : index
    %get3A_1367 = vector.load %arg5[%get3A_1365, %get3A_1366] : memref<128x128xf32, #tpu.memory_space<vmem>>, vector<1x128xf32>
    %add3A_1368 = arith.addf %get3A_1367, %broadcast_in_dim3A_1356 : vector<1x128xf32>
    %swap3A_1369 = arith.constant 44 : index
    %swap3A_1370 = arith.constant 0 : index
    %swap3A_1371 = vector.load %arg5[%swap3A_1369, %swap3A_1370] : memref<128x128xf32, #tpu.memory_space<vmem>>, vector<1x128xf32>
    tpu.vector_store %arg5[%swap3A_1369, %swap3A_1370], %add3A_1368 {strides = array<i32>} : memref<128x128xf32, #tpu.memory_space<vmem>>, vector<1x128xf32>,
    %get3A_1372 = arith.constant 108 : index
    %get3A_1373 = arith.constant 0 : index
    %get3A_1374 = vector.load %arg5[%get3A_1372, %get3A_1373] : memref<128x128xf32, #tpu.memory_space<vmem>>, vector<1x128xf32>
    %add3A_1375 = arith.addf %get3A_1374, %broadcast_in_dim3A_1364 : vector<1x128xf32>
    %swap3A_1376 = arith.constant 108 : index
    %swap3A_1377 = arith.constant 0 : index
    %swap3A_1378 = vector.load %arg5[%swap3A_1376, %swap3A_1377] : memref<128x128xf32, #tpu.memory_space<vmem>>, vector<1x128xf32>
    tpu.vector_store %arg5[%swap3A_1376, %swap3A_1377], %add3A_1375 {strides = array<i32>} : memref<128x128xf32, #tpu.memory_space<vmem>>, vector<1x128xf32>,
    %eq3A_1379 = arith.constant 45 : i32
    %eq3A_1380 = vector.broadcast %eq3A_1379 : i32 to vector<4096x128xi32>
    %eq3A_1381 = arith.cmpi eq, %min3A_17, %eq3A_1380 : vector<4096x128xi32>
    %convert_element_type3A_1382 = arith.extui %eq3A_1381 : vector<4096x128xi1> to vector<4096x128xi32>
    %convert_element_type3A_1383 = arith.sitofp %convert_element_type3A_1382 : vector<4096x128xi32> to vector<4096x128xf32>
    %reduce_sum3A_1384 = arith.constant dense<0.000000e+00> : vector<128xf32>
    %reduce_sum3A_1385 = vector.multi_reduction <add>, %convert_element_type3A_1383, %reduce_sum3A_1384 [0] : vector<4096x128xf32> to vector<128xf32>
    %broadcast_in_dim3A_1386 = vector.shape_cast %reduce_sum3A_1385 : vector<128xf32> to vector<1x128xf32>
    %eq3A_1387 = arith.constant 45 : i32
    %eq3A_1388 = vector.broadcast %eq3A_1387 : i32 to vector<4096x128xi32>
    %eq3A_1389 = arith.cmpi eq, %min3A_32, %eq3A_1388 : vector<4096x128xi32>
    %convert_element_type3A_1390 = arith.extui %eq3A_1389 : vector<4096x128xi1> to vector<4096x128xi32>
    %convert_element_type3A_1391 = arith.sitofp %convert_element_type3A_1390 : vector<4096x128xi32> to vector<4096x128xf32>
    %reduce_sum3A_1392 = arith.constant dense<0.000000e+00> : vector<128xf32>
    %reduce_sum3A_1393 = vector.multi_reduction <add>, %convert_element_type3A_1391, %reduce_sum3A_1392 [0] : vector<4096x128xf32> to vector<128xf32>
    %broadcast_in_dim3A_1394 = vector.shape_cast %reduce_sum3A_1393 : vector<128xf32> to vector<1x128xf32>
    %get3A_1395 = arith.constant 45 : index
    %get3A_1396 = arith.constant 0 : index
    %get3A_1397 = vector.load %arg5[%get3A_1395, %get3A_1396] : memref<128x128xf32, #tpu.memory_space<vmem>>, vector<1x128xf32>
    %add3A_1398 = arith.addf %get3A_1397, %broadcast_in_dim3A_1386 : vector<1x128xf32>
    %swap3A_1399 = arith.constant 45 : index
    %swap3A_1400 = arith.constant 0 : index
    %swap3A_1401 = vector.load %arg5[%swap3A_1399, %swap3A_1400] : memref<128x128xf32, #tpu.memory_space<vmem>>, vector<1x128xf32>
    tpu.vector_store %arg5[%swap3A_1399, %swap3A_1400], %add3A_1398 {strides = array<i32>} : memref<128x128xf32, #tpu.memory_space<vmem>>, vector<1x128xf32>,
    %get3A_1402 = arith.constant 109 : index
    %get3A_1403 = arith.constant 0 : index
    %get3A_1404 = vector.load %arg5[%get3A_1402, %get3A_1403] : memref<128x128xf32, #tpu.memory_space<vmem>>, vector<1x128xf32>
    %add3A_1405 = arith.addf %get3A_1404, %broadcast_in_dim3A_1394 : vector<1x128xf32>
    %swap3A_1406 = arith.constant 109 : index
    %swap3A_1407 = arith.constant 0 : index
    %swap3A_1408 = vector.load %arg5[%swap3A_1406, %swap3A_1407] : memref<128x128xf32, #tpu.memory_space<vmem>>, vector<1x128xf32>
    tpu.vector_store %arg5[%swap3A_1406, %swap3A_1407], %add3A_1405 {strides = array<i32>} : memref<128x128xf32, #tpu.memory_space<vmem>>, vector<1x128xf32>,
    %eq3A_1409 = arith.constant 46 : i32
    %eq3A_1410 = vector.broadcast %eq3A_1409 : i32 to vector<4096x128xi32>
    %eq3A_1411 = arith.cmpi eq, %min3A_17, %eq3A_1410 : vector<4096x128xi32>
    %convert_element_type3A_1412 = arith.extui %eq3A_1411 : vector<4096x128xi1> to vector<4096x128xi32>
    %convert_element_type3A_1413 = arith.sitofp %convert_element_type3A_1412 : vector<4096x128xi32> to vector<4096x128xf32>
    %reduce_sum3A_1414 = arith.constant dense<0.000000e+00> : vector<128xf32>
    %reduce_sum3A_1415 = vector.multi_reduction <add>, %convert_element_type3A_1413, %reduce_sum3A_1414 [0] : vector<4096x128xf32> to vector<128xf32>
    %broadcast_in_dim3A_1416 = vector.shape_cast %reduce_sum3A_1415 : vector<128xf32> to vector<1x128xf32>
    %eq3A_1417 = arith.constant 46 : i32
    %eq3A_1418 = vector.broadcast %eq3A_1417 : i32 to vector<4096x128xi32>
    %eq3A_1419 = arith.cmpi eq, %min3A_32, %eq3A_1418 : vector<4096x128xi32>
    %convert_element_type3A_1420 = arith.extui %eq3A_1419 : vector<4096x128xi1> to vector<4096x128xi32>
    %convert_element_type3A_1421 = arith.sitofp %convert_element_type3A_1420 : vector<4096x128xi32> to vector<4096x128xf32>
    %reduce_sum3A_1422 = arith.constant dense<0.000000e+00> : vector<128xf32>
    %reduce_sum3A_1423 = vector.multi_reduction <add>, %convert_element_type3A_1421, %reduce_sum3A_1422 [0] : vector<4096x128xf32> to vector<128xf32>
    %broadcast_in_dim3A_1424 = vector.shape_cast %reduce_sum3A_1423 : vector<128xf32> to vector<1x128xf32>
    %get3A_1425 = arith.constant 46 : index
    %get3A_1426 = arith.constant 0 : index
    %get3A_1427 = vector.load %arg5[%get3A_1425, %get3A_1426] : memref<128x128xf32, #tpu.memory_space<vmem>>, vector<1x128xf32>
    %add3A_1428 = arith.addf %get3A_1427, %broadcast_in_dim3A_1416 : vector<1x128xf32>
    %swap3A_1429 = arith.constant 46 : index
    %swap3A_1430 = arith.constant 0 : index
    %swap3A_1431 = vector.load %arg5[%swap3A_1429, %swap3A_1430] : memref<128x128xf32, #tpu.memory_space<vmem>>, vector<1x128xf32>
    tpu.vector_store %arg5[%swap3A_1429, %swap3A_1430], %add3A_1428 {strides = array<i32>} : memref<128x128xf32, #tpu.memory_space<vmem>>, vector<1x128xf32>,
    %get3A_1432 = arith.constant 110 : index
    %get3A_1433 = arith.constant 0 : index
    %get3A_1434 = vector.load %arg5[%get3A_1432, %get3A_1433] : memref<128x128xf32, #tpu.memory_space<vmem>>, vector<1x128xf32>
    %add3A_1435 = arith.addf %get3A_1434, %broadcast_in_dim3A_1424 : vector<1x128xf32>
    %swap3A_1436 = arith.constant 110 : index
    %swap3A_1437 = arith.constant 0 : index
    %swap3A_1438 = vector.load %arg5[%swap3A_1436, %swap3A_1437] : memref<128x128xf32, #tpu.memory_space<vmem>>, vector<1x128xf32>
    tpu.vector_store %arg5[%swap3A_1436, %swap3A_1437], %add3A_1435 {strides = array<i32>} : memref<128x128xf32, #tpu.memory_space<vmem>>, vector<1x128xf32>,
    %eq3A_1439 = arith.constant 47 : i32
    %eq3A_1440 = vector.broadcast %eq3A_1439 : i32 to vector<4096x128xi32>
    %eq3A_1441 = arith.cmpi eq, %min3A_17, %eq3A_1440 : vector<4096x128xi32>
    %convert_element_type3A_1442 = arith.extui %eq3A_1441 : vector<4096x128xi1> to vector<4096x128xi32>
    %convert_element_type3A_1443 = arith.sitofp %convert_element_type3A_1442 : vector<4096x128xi32> to vector<4096x128xf32>
    %reduce_sum3A_1444 = arith.constant dense<0.000000e+00> : vector<128xf32>
    %reduce_sum3A_1445 = vector.multi_reduction <add>, %convert_element_type3A_1443, %reduce_sum3A_1444 [0] : vector<4096x128xf32> to vector<128xf32>
    %broadcast_in_dim3A_1446 = vector.shape_cast %reduce_sum3A_1445 : vector<128xf32> to vector<1x128xf32>
    %eq3A_1447 = arith.constant 47 : i32
    %eq3A_1448 = vector.broadcast %eq3A_1447 : i32 to vector<4096x128xi32>
    %eq3A_1449 = arith.cmpi eq, %min3A_32, %eq3A_1448 : vector<4096x128xi32>
    %convert_element_type3A_1450 = arith.extui %eq3A_1449 : vector<4096x128xi1> to vector<4096x128xi32>
    %convert_element_type3A_1451 = arith.sitofp %convert_element_type3A_1450 : vector<4096x128xi32> to vector<4096x128xf32>
    %reduce_sum3A_1452 = arith.constant dense<0.000000e+00> : vector<128xf32>
    %reduce_sum3A_1453 = vector.multi_reduction <add>, %convert_element_type3A_1451, %reduce_sum3A_1452 [0] : vector<4096x128xf32> to vector<128xf32>
    %broadcast_in_dim3A_1454 = vector.shape_cast %reduce_sum3A_1453 : vector<128xf32> to vector<1x128xf32>
    %get3A_1455 = arith.constant 47 : index
    %get3A_1456 = arith.constant 0 : index
    %get3A_1457 = vector.load %arg5[%get3A_1455, %get3A_1456] : memref<128x128xf32, #tpu.memory_space<vmem>>, vector<1x128xf32>
    %add3A_1458 = arith.addf %get3A_1457, %broadcast_in_dim3A_1446 : vector<1x128xf32>
    %swap3A_1459 = arith.constant 47 : index
    %swap3A_1460 = arith.constant 0 : index
    %swap3A_1461 = vector.load %arg5[%swap3A_1459, %swap3A_1460] : memref<128x128xf32, #tpu.memory_space<vmem>>, vector<1x128xf32>
    tpu.vector_store %arg5[%swap3A_1459, %swap3A_1460], %add3A_1458 {strides = array<i32>} : memref<128x128xf32, #tpu.memory_space<vmem>>, vector<1x128xf32>,
    %get3A_1462 = arith.constant 111 : index
    %get3A_1463 = arith.constant 0 : index
    %get3A_1464 = vector.load %arg5[%get3A_1462, %get3A_1463] : memref<128x128xf32, #tpu.memory_space<vmem>>, vector<1x128xf32>
    %add3A_1465 = arith.addf %get3A_1464, %broadcast_in_dim3A_1454 : vector<1x128xf32>
    %swap3A_1466 = arith.constant 111 : index
    %swap3A_1467 = arith.constant 0 : index
    %swap3A_1468 = vector.load %arg5[%swap3A_1466, %swap3A_1467] : memref<128x128xf32, #tpu.memory_space<vmem>>, vector<1x128xf32>
    tpu.vector_store %arg5[%swap3A_1466, %swap3A_1467], %add3A_1465 {strides = array<i32>} : memref<128x128xf32, #tpu.memory_space<vmem>>, vector<1x128xf32>,
    %eq3A_1469 = arith.constant 48 : i32
    %eq3A_1470 = vector.broadcast %eq3A_1469 : i32 to vector<4096x128xi32>
    %eq3A_1471 = arith.cmpi eq, %min3A_17, %eq3A_1470 : vector<4096x128xi32>
    %convert_element_type3A_1472 = arith.extui %eq3A_1471 : vector<4096x128xi1> to vector<4096x128xi32>
    %convert_element_type3A_1473 = arith.sitofp %convert_element_type3A_1472 : vector<4096x128xi32> to vector<4096x128xf32>
    %reduce_sum3A_1474 = arith.constant dense<0.000000e+00> : vector<128xf32>
    %reduce_sum3A_1475 = vector.multi_reduction <add>, %convert_element_type3A_1473, %reduce_sum3A_1474 [0] : vector<4096x128xf32> to vector<128xf32>
    %broadcast_in_dim3A_1476 = vector.shape_cast %reduce_sum3A_1475 : vector<128xf32> to vector<1x128xf32>
    %eq3A_1477 = arith.constant 48 : i32
    %eq3A_1478 = vector.broadcast %eq3A_1477 : i32 to vector<4096x128xi32>
    %eq3A_1479 = arith.cmpi eq, %min3A_32, %eq3A_1478 : vector<4096x128xi32>
    %convert_element_type3A_1480 = arith.extui %eq3A_1479 : vector<4096x128xi1> to vector<4096x128xi32>
    %convert_element_type3A_1481 = arith.sitofp %convert_element_type3A_1480 : vector<4096x128xi32> to vector<4096x128xf32>
    %reduce_sum3A_1482 = arith.constant dense<0.000000e+00> : vector<128xf32>
    %reduce_sum3A_1483 = vector.multi_reduction <add>, %convert_element_type3A_1481, %reduce_sum3A_1482 [0] : vector<4096x128xf32> to vector<128xf32>
    %broadcast_in_dim3A_1484 = vector.shape_cast %reduce_sum3A_1483 : vector<128xf32> to vector<1x128xf32>
    %get3A_1485 = arith.constant 48 : index
    %get3A_1486 = arith.constant 0 : index
    %get3A_1487 = vector.load %arg5[%get3A_1485, %get3A_1486] : memref<128x128xf32, #tpu.memory_space<vmem>>, vector<1x128xf32>
    %add3A_1488 = arith.addf %get3A_1487, %broadcast_in_dim3A_1476 : vector<1x128xf32>
    %swap3A_1489 = arith.constant 48 : index
    %swap3A_1490 = arith.constant 0 : index
    %swap3A_1491 = vector.load %arg5[%swap3A_1489, %swap3A_1490] : memref<128x128xf32, #tpu.memory_space<vmem>>, vector<1x128xf32>
    tpu.vector_store %arg5[%swap3A_1489, %swap3A_1490], %add3A_1488 {strides = array<i32>} : memref<128x128xf32, #tpu.memory_space<vmem>>, vector<1x128xf32>,
    %get3A_1492 = arith.constant 112 : index
    %get3A_1493 = arith.constant 0 : index
    %get3A_1494 = vector.load %arg5[%get3A_1492, %get3A_1493] : memref<128x128xf32, #tpu.memory_space<vmem>>, vector<1x128xf32>
    %add3A_1495 = arith.addf %get3A_1494, %broadcast_in_dim3A_1484 : vector<1x128xf32>
    %swap3A_1496 = arith.constant 112 : index
    %swap3A_1497 = arith.constant 0 : index
    %swap3A_1498 = vector.load %arg5[%swap3A_1496, %swap3A_1497] : memref<128x128xf32, #tpu.memory_space<vmem>>, vector<1x128xf32>
    tpu.vector_store %arg5[%swap3A_1496, %swap3A_1497], %add3A_1495 {strides = array<i32>} : memref<128x128xf32, #tpu.memory_space<vmem>>, vector<1x128xf32>,
    %eq3A_1499 = arith.constant 49 : i32
    %eq3A_1500 = vector.broadcast %eq3A_1499 : i32 to vector<4096x128xi32>
    %eq3A_1501 = arith.cmpi eq, %min3A_17, %eq3A_1500 : vector<4096x128xi32>
    %convert_element_type3A_1502 = arith.extui %eq3A_1501 : vector<4096x128xi1> to vector<4096x128xi32>
    %convert_element_type3A_1503 = arith.sitofp %convert_element_type3A_1502 : vector<4096x128xi32> to vector<4096x128xf32>
    %reduce_sum3A_1504 = arith.constant dense<0.000000e+00> : vector<128xf32>
    %reduce_sum3A_1505 = vector.multi_reduction <add>, %convert_element_type3A_1503, %reduce_sum3A_1504 [0] : vector<4096x128xf32> to vector<128xf32>
    %broadcast_in_dim3A_1506 = vector.shape_cast %reduce_sum3A_1505 : vector<128xf32> to vector<1x128xf32>
    %eq3A_1507 = arith.constant 49 : i32
    %eq3A_1508 = vector.broadcast %eq3A_1507 : i32 to vector<4096x128xi32>
    %eq3A_1509 = arith.cmpi eq, %min3A_32, %eq3A_1508 : vector<4096x128xi32>
    %convert_element_type3A_1510 = arith.extui %eq3A_1509 : vector<4096x128xi1> to vector<4096x128xi32>
    %convert_element_type3A_1511 = arith.sitofp %convert_element_type3A_1510 : vector<4096x128xi32> to vector<4096x128xf32>
    %reduce_sum3A_1512 = arith.constant dense<0.000000e+00> : vector<128xf32>
    %reduce_sum3A_1513 = vector.multi_reduction <add>, %convert_element_type3A_1511, %reduce_sum3A_1512 [0] : vector<4096x128xf32> to vector<128xf32>
    %broadcast_in_dim3A_1514 = vector.shape_cast %reduce_sum3A_1513 : vector<128xf32> to vector<1x128xf32>
    %get3A_1515 = arith.constant 49 : index
    %get3A_1516 = arith.constant 0 : index
    %get3A_1517 = vector.load %arg5[%get3A_1515, %get3A_1516] : memref<128x128xf32, #tpu.memory_space<vmem>>, vector<1x128xf32>
    %add3A_1518 = arith.addf %get3A_1517, %broadcast_in_dim3A_1506 : vector<1x128xf32>
    %swap3A_1519 = arith.constant 49 : index
    %swap3A_1520 = arith.constant 0 : index
    %swap3A_1521 = vector.load %arg5[%swap3A_1519, %swap3A_1520] : memref<128x128xf32, #tpu.memory_space<vmem>>, vector<1x128xf32>
    tpu.vector_store %arg5[%swap3A_1519, %swap3A_1520], %add3A_1518 {strides = array<i32>} : memref<128x128xf32, #tpu.memory_space<vmem>>, vector<1x128xf32>,
    %get3A_1522 = arith.constant 113 : index
    %get3A_1523 = arith.constant 0 : index
    %get3A_1524 = vector.load %arg5[%get3A_1522, %get3A_1523] : memref<128x128xf32, #tpu.memory_space<vmem>>, vector<1x128xf32>
    %add3A_1525 = arith.addf %get3A_1524, %broadcast_in_dim3A_1514 : vector<1x128xf32>
    %swap3A_1526 = arith.constant 113 : index
    %swap3A_1527 = arith.constant 0 : index
    %swap3A_1528 = vector.load %arg5[%swap3A_1526, %swap3A_1527] : memref<128x128xf32, #tpu.memory_space<vmem>>, vector<1x128xf32>
    tpu.vector_store %arg5[%swap3A_1526, %swap3A_1527], %add3A_1525 {strides = array<i32>} : memref<128x128xf32, #tpu.memory_space<vmem>>, vector<1x128xf32>,
    %eq3A_1529 = arith.constant 50 : i32
    %eq3A_1530 = vector.broadcast %eq3A_1529 : i32 to vector<4096x128xi32>
    %eq3A_1531 = arith.cmpi eq, %min3A_17, %eq3A_1530 : vector<4096x128xi32>
    %convert_element_type3A_1532 = arith.extui %eq3A_1531 : vector<4096x128xi1> to vector<4096x128xi32>
    %convert_element_type3A_1533 = arith.sitofp %convert_element_type3A_1532 : vector<4096x128xi32> to vector<4096x128xf32>
    %reduce_sum3A_1534 = arith.constant dense<0.000000e+00> : vector<128xf32>
    %reduce_sum3A_1535 = vector.multi_reduction <add>, %convert_element_type3A_1533, %reduce_sum3A_1534 [0] : vector<4096x128xf32> to vector<128xf32>
    %broadcast_in_dim3A_1536 = vector.shape_cast %reduce_sum3A_1535 : vector<128xf32> to vector<1x128xf32>
    %eq3A_1537 = arith.constant 50 : i32
    %eq3A_1538 = vector.broadcast %eq3A_1537 : i32 to vector<4096x128xi32>
    %eq3A_1539 = arith.cmpi eq, %min3A_32, %eq3A_1538 : vector<4096x128xi32>
    %convert_element_type3A_1540 = arith.extui %eq3A_1539 : vector<4096x128xi1> to vector<4096x128xi32>
    %convert_element_type3A_1541 = arith.sitofp %convert_element_type3A_1540 : vector<4096x128xi32> to vector<4096x128xf32>
    %reduce_sum3A_1542 = arith.constant dense<0.000000e+00> : vector<128xf32>
    %reduce_sum3A_1543 = vector.multi_reduction <add>, %convert_element_type3A_1541, %reduce_sum3A_1542 [0] : vector<4096x128xf32> to vector<128xf32>
    %broadcast_in_dim3A_1544 = vector.shape_cast %reduce_sum3A_1543 : vector<128xf32> to vector<1x128xf32>
    %get3A_1545 = arith.constant 50 : index
    %get3A_1546 = arith.constant 0 : index
    %get3A_1547 = vector.load %arg5[%get3A_1545, %get3A_1546] : memref<128x128xf32, #tpu.memory_space<vmem>>, vector<1x128xf32>
    %add3A_1548 = arith.addf %get3A_1547, %broadcast_in_dim3A_1536 : vector<1x128xf32>
    %swap3A_1549 = arith.constant 50 : index
    %swap3A_1550 = arith.constant 0 : index
    %swap3A_1551 = vector.load %arg5[%swap3A_1549, %swap3A_1550] : memref<128x128xf32, #tpu.memory_space<vmem>>, vector<1x128xf32>
    tpu.vector_store %arg5[%swap3A_1549, %swap3A_1550], %add3A_1548 {strides = array<i32>} : memref<128x128xf32, #tpu.memory_space<vmem>>, vector<1x128xf32>,
    %get3A_1552 = arith.constant 114 : index
    %get3A_1553 = arith.constant 0 : index
    %get3A_1554 = vector.load %arg5[%get3A_1552, %get3A_1553] : memref<128x128xf32, #tpu.memory_space<vmem>>, vector<1x128xf32>
    %add3A_1555 = arith.addf %get3A_1554, %broadcast_in_dim3A_1544 : vector<1x128xf32>
    %swap3A_1556 = arith.constant 114 : index
    %swap3A_1557 = arith.constant 0 : index
    %swap3A_1558 = vector.load %arg5[%swap3A_1556, %swap3A_1557] : memref<128x128xf32, #tpu.memory_space<vmem>>, vector<1x128xf32>
    tpu.vector_store %arg5[%swap3A_1556, %swap3A_1557], %add3A_1555 {strides = array<i32>} : memref<128x128xf32, #tpu.memory_space<vmem>>, vector<1x128xf32>,
    %eq3A_1559 = arith.constant 51 : i32
    %eq3A_1560 = vector.broadcast %eq3A_1559 : i32 to vector<4096x128xi32>
    %eq3A_1561 = arith.cmpi eq, %min3A_17, %eq3A_1560 : vector<4096x128xi32>
    %convert_element_type3A_1562 = arith.extui %eq3A_1561 : vector<4096x128xi1> to vector<4096x128xi32>
    %convert_element_type3A_1563 = arith.sitofp %convert_element_type3A_1562 : vector<4096x128xi32> to vector<4096x128xf32>
    %reduce_sum3A_1564 = arith.constant dense<0.000000e+00> : vector<128xf32>
    %reduce_sum3A_1565 = vector.multi_reduction <add>, %convert_element_type3A_1563, %reduce_sum3A_1564 [0] : vector<4096x128xf32> to vector<128xf32>
    %broadcast_in_dim3A_1566 = vector.shape_cast %reduce_sum3A_1565 : vector<128xf32> to vector<1x128xf32>
    %eq3A_1567 = arith.constant 51 : i32
    %eq3A_1568 = vector.broadcast %eq3A_1567 : i32 to vector<4096x128xi32>
    %eq3A_1569 = arith.cmpi eq, %min3A_32, %eq3A_1568 : vector<4096x128xi32>
    %convert_element_type3A_1570 = arith.extui %eq3A_1569 : vector<4096x128xi1> to vector<4096x128xi32>
    %convert_element_type3A_1571 = arith.sitofp %convert_element_type3A_1570 : vector<4096x128xi32> to vector<4096x128xf32>
    %reduce_sum3A_1572 = arith.constant dense<0.000000e+00> : vector<128xf32>
    %reduce_sum3A_1573 = vector.multi_reduction <add>, %convert_element_type3A_1571, %reduce_sum3A_1572 [0] : vector<4096x128xf32> to vector<128xf32>
    %broadcast_in_dim3A_1574 = vector.shape_cast %reduce_sum3A_1573 : vector<128xf32> to vector<1x128xf32>
    %get3A_1575 = arith.constant 51 : index
    %get3A_1576 = arith.constant 0 : index
    %get3A_1577 = vector.load %arg5[%get3A_1575, %get3A_1576] : memref<128x128xf32, #tpu.memory_space<vmem>>, vector<1x128xf32>
    %add3A_1578 = arith.addf %get3A_1577, %broadcast_in_dim3A_1566 : vector<1x128xf32>
    %swap3A_1579 = arith.constant 51 : index
    %swap3A_1580 = arith.constant 0 : index
    %swap3A_1581 = vector.load %arg5[%swap3A_1579, %swap3A_1580] : memref<128x128xf32, #tpu.memory_space<vmem>>, vector<1x128xf32>
    tpu.vector_store %arg5[%swap3A_1579, %swap3A_1580], %add3A_1578 {strides = array<i32>} : memref<128x128xf32, #tpu.memory_space<vmem>>, vector<1x128xf32>,
    %get3A_1582 = arith.constant 115 : index
    %get3A_1583 = arith.constant 0 : index
    %get3A_1584 = vector.load %arg5[%get3A_1582, %get3A_1583] : memref<128x128xf32, #tpu.memory_space<vmem>>, vector<1x128xf32>
    %add3A_1585 = arith.addf %get3A_1584, %broadcast_in_dim3A_1574 : vector<1x128xf32>
    %swap3A_1586 = arith.constant 115 : index
    %swap3A_1587 = arith.constant 0 : index
    %swap3A_1588 = vector.load %arg5[%swap3A_1586, %swap3A_1587] : memref<128x128xf32, #tpu.memory_space<vmem>>, vector<1x128xf32>
    tpu.vector_store %arg5[%swap3A_1586, %swap3A_1587], %add3A_1585 {strides = array<i32>} : memref<128x128xf32, #tpu.memory_space<vmem>>, vector<1x128xf32>,
    %eq3A_1589 = arith.constant 52 : i32
    %eq3A_1590 = vector.broadcast %eq3A_1589 : i32 to vector<4096x128xi32>
    %eq3A_1591 = arith.cmpi eq, %min3A_17, %eq3A_1590 : vector<4096x128xi32>
    %convert_element_type3A_1592 = arith.extui %eq3A_1591 : vector<4096x128xi1> to vector<4096x128xi32>
    %convert_element_type3A_1593 = arith.sitofp %convert_element_type3A_1592 : vector<4096x128xi32> to vector<4096x128xf32>
    %reduce_sum3A_1594 = arith.constant dense<0.000000e+00> : vector<128xf32>
    %reduce_sum3A_1595 = vector.multi_reduction <add>, %convert_element_type3A_1593, %reduce_sum3A_1594 [0] : vector<4096x128xf32> to vector<128xf32>
    %broadcast_in_dim3A_1596 = vector.shape_cast %reduce_sum3A_1595 : vector<128xf32> to vector<1x128xf32>
    %eq3A_1597 = arith.constant 52 : i32
    %eq3A_1598 = vector.broadcast %eq3A_1597 : i32 to vector<4096x128xi32>
    %eq3A_1599 = arith.cmpi eq, %min3A_32, %eq3A_1598 : vector<4096x128xi32>
    %convert_element_type3A_1600 = arith.extui %eq3A_1599 : vector<4096x128xi1> to vector<4096x128xi32>
    %convert_element_type3A_1601 = arith.sitofp %convert_element_type3A_1600 : vector<4096x128xi32> to vector<4096x128xf32>
    %reduce_sum3A_1602 = arith.constant dense<0.000000e+00> : vector<128xf32>
    %reduce_sum3A_1603 = vector.multi_reduction <add>, %convert_element_type3A_1601, %reduce_sum3A_1602 [0] : vector<4096x128xf32> to vector<128xf32>
    %broadcast_in_dim3A_1604 = vector.shape_cast %reduce_sum3A_1603 : vector<128xf32> to vector<1x128xf32>
    %get3A_1605 = arith.constant 52 : index
    %get3A_1606 = arith.constant 0 : index
    %get3A_1607 = vector.load %arg5[%get3A_1605, %get3A_1606] : memref<128x128xf32, #tpu.memory_space<vmem>>, vector<1x128xf32>
    %add3A_1608 = arith.addf %get3A_1607, %broadcast_in_dim3A_1596 : vector<1x128xf32>
    %swap3A_1609 = arith.constant 52 : index
    %swap3A_1610 = arith.constant 0 : index
    %swap3A_1611 = vector.load %arg5[%swap3A_1609, %swap3A_1610] : memref<128x128xf32, #tpu.memory_space<vmem>>, vector<1x128xf32>
    tpu.vector_store %arg5[%swap3A_1609, %swap3A_1610], %add3A_1608 {strides = array<i32>} : memref<128x128xf32, #tpu.memory_space<vmem>>, vector<1x128xf32>,
    %get3A_1612 = arith.constant 116 : index
    %get3A_1613 = arith.constant 0 : index
    %get3A_1614 = vector.load %arg5[%get3A_1612, %get3A_1613] : memref<128x128xf32, #tpu.memory_space<vmem>>, vector<1x128xf32>
    %add3A_1615 = arith.addf %get3A_1614, %broadcast_in_dim3A_1604 : vector<1x128xf32>
    %swap3A_1616 = arith.constant 116 : index
    %swap3A_1617 = arith.constant 0 : index
    %swap3A_1618 = vector.load %arg5[%swap3A_1616, %swap3A_1617] : memref<128x128xf32, #tpu.memory_space<vmem>>, vector<1x128xf32>
    tpu.vector_store %arg5[%swap3A_1616, %swap3A_1617], %add3A_1615 {strides = array<i32>} : memref<128x128xf32, #tpu.memory_space<vmem>>, vector<1x128xf32>,
    %eq3A_1619 = arith.constant 53 : i32
    %eq3A_1620 = vector.broadcast %eq3A_1619 : i32 to vector<4096x128xi32>
    %eq3A_1621 = arith.cmpi eq, %min3A_17, %eq3A_1620 : vector<4096x128xi32>
    %convert_element_type3A_1622 = arith.extui %eq3A_1621 : vector<4096x128xi1> to vector<4096x128xi32>
    %convert_element_type3A_1623 = arith.sitofp %convert_element_type3A_1622 : vector<4096x128xi32> to vector<4096x128xf32>
    %reduce_sum3A_1624 = arith.constant dense<0.000000e+00> : vector<128xf32>
    %reduce_sum3A_1625 = vector.multi_reduction <add>, %convert_element_type3A_1623, %reduce_sum3A_1624 [0] : vector<4096x128xf32> to vector<128xf32>
    %broadcast_in_dim3A_1626 = vector.shape_cast %reduce_sum3A_1625 : vector<128xf32> to vector<1x128xf32>
    %eq3A_1627 = arith.constant 53 : i32
    %eq3A_1628 = vector.broadcast %eq3A_1627 : i32 to vector<4096x128xi32>
    %eq3A_1629 = arith.cmpi eq, %min3A_32, %eq3A_1628 : vector<4096x128xi32>
    %convert_element_type3A_1630 = arith.extui %eq3A_1629 : vector<4096x128xi1> to vector<4096x128xi32>
    %convert_element_type3A_1631 = arith.sitofp %convert_element_type3A_1630 : vector<4096x128xi32> to vector<4096x128xf32>
    %reduce_sum3A_1632 = arith.constant dense<0.000000e+00> : vector<128xf32>
    %reduce_sum3A_1633 = vector.multi_reduction <add>, %convert_element_type3A_1631, %reduce_sum3A_1632 [0] : vector<4096x128xf32> to vector<128xf32>
    %broadcast_in_dim3A_1634 = vector.shape_cast %reduce_sum3A_1633 : vector<128xf32> to vector<1x128xf32>
    %get3A_1635 = arith.constant 53 : index
    %get3A_1636 = arith.constant 0 : index
    %get3A_1637 = vector.load %arg5[%get3A_1635, %get3A_1636] : memref<128x128xf32, #tpu.memory_space<vmem>>, vector<1x128xf32>
    %add3A_1638 = arith.addf %get3A_1637, %broadcast_in_dim3A_1626 : vector<1x128xf32>
    %swap3A_1639 = arith.constant 53 : index
    %swap3A_1640 = arith.constant 0 : index
    %swap3A_1641 = vector.load %arg5[%swap3A_1639, %swap3A_1640] : memref<128x128xf32, #tpu.memory_space<vmem>>, vector<1x128xf32>
    tpu.vector_store %arg5[%swap3A_1639, %swap3A_1640], %add3A_1638 {strides = array<i32>} : memref<128x128xf32, #tpu.memory_space<vmem>>, vector<1x128xf32>,
    %get3A_1642 = arith.constant 117 : index
    %get3A_1643 = arith.constant 0 : index
    %get3A_1644 = vector.load %arg5[%get3A_1642, %get3A_1643] : memref<128x128xf32, #tpu.memory_space<vmem>>, vector<1x128xf32>
    %add3A_1645 = arith.addf %get3A_1644, %broadcast_in_dim3A_1634 : vector<1x128xf32>
    %swap3A_1646 = arith.constant 117 : index
    %swap3A_1647 = arith.constant 0 : index
    %swap3A_1648 = vector.load %arg5[%swap3A_1646, %swap3A_1647] : memref<128x128xf32, #tpu.memory_space<vmem>>, vector<1x128xf32>
    tpu.vector_store %arg5[%swap3A_1646, %swap3A_1647], %add3A_1645 {strides = array<i32>} : memref<128x128xf32, #tpu.memory_space<vmem>>, vector<1x128xf32>,
    %eq3A_1649 = arith.constant 54 : i32
    %eq3A_1650 = vector.broadcast %eq3A_1649 : i32 to vector<4096x128xi32>
    %eq3A_1651 = arith.cmpi eq, %min3A_17, %eq3A_1650 : vector<4096x128xi32>
    %convert_element_type3A_1652 = arith.extui %eq3A_1651 : vector<4096x128xi1> to vector<4096x128xi32>
    %convert_element_type3A_1653 = arith.sitofp %convert_element_type3A_1652 : vector<4096x128xi32> to vector<4096x128xf32>
    %reduce_sum3A_1654 = arith.constant dense<0.000000e+00> : vector<128xf32>
    %reduce_sum3A_1655 = vector.multi_reduction <add>, %convert_element_type3A_1653, %reduce_sum3A_1654 [0] : vector<4096x128xf32> to vector<128xf32>
    %broadcast_in_dim3A_1656 = vector.shape_cast %reduce_sum3A_1655 : vector<128xf32> to vector<1x128xf32>
    %eq3A_1657 = arith.constant 54 : i32
    %eq3A_1658 = vector.broadcast %eq3A_1657 : i32 to vector<4096x128xi32>
    %eq3A_1659 = arith.cmpi eq, %min3A_32, %eq3A_1658 : vector<4096x128xi32>
    %convert_element_type3A_1660 = arith.extui %eq3A_1659 : vector<4096x128xi1> to vector<4096x128xi32>
    %convert_element_type3A_1661 = arith.sitofp %convert_element_type3A_1660 : vector<4096x128xi32> to vector<4096x128xf32>
    %reduce_sum3A_1662 = arith.constant dense<0.000000e+00> : vector<128xf32>
    %reduce_sum3A_1663 = vector.multi_reduction <add>, %convert_element_type3A_1661, %reduce_sum3A_1662 [0] : vector<4096x128xf32> to vector<128xf32>
    %broadcast_in_dim3A_1664 = vector.shape_cast %reduce_sum3A_1663 : vector<128xf32> to vector<1x128xf32>
    %get3A_1665 = arith.constant 54 : index
    %get3A_1666 = arith.constant 0 : index
    %get3A_1667 = vector.load %arg5[%get3A_1665, %get3A_1666] : memref<128x128xf32, #tpu.memory_space<vmem>>, vector<1x128xf32>
    %add3A_1668 = arith.addf %get3A_1667, %broadcast_in_dim3A_1656 : vector<1x128xf32>
    %swap3A_1669 = arith.constant 54 : index
    %swap3A_1670 = arith.constant 0 : index
    %swap3A_1671 = vector.load %arg5[%swap3A_1669, %swap3A_1670] : memref<128x128xf32, #tpu.memory_space<vmem>>, vector<1x128xf32>
    tpu.vector_store %arg5[%swap3A_1669, %swap3A_1670], %add3A_1668 {strides = array<i32>} : memref<128x128xf32, #tpu.memory_space<vmem>>, vector<1x128xf32>,
    %get3A_1672 = arith.constant 118 : index
    %get3A_1673 = arith.constant 0 : index
    %get3A_1674 = vector.load %arg5[%get3A_1672, %get3A_1673] : memref<128x128xf32, #tpu.memory_space<vmem>>, vector<1x128xf32>
    %add3A_1675 = arith.addf %get3A_1674, %broadcast_in_dim3A_1664 : vector<1x128xf32>
    %swap3A_1676 = arith.constant 118 : index
    %swap3A_1677 = arith.constant 0 : index
    %swap3A_1678 = vector.load %arg5[%swap3A_1676, %swap3A_1677] : memref<128x128xf32, #tpu.memory_space<vmem>>, vector<1x128xf32>
    tpu.vector_store %arg5[%swap3A_1676, %swap3A_1677], %add3A_1675 {strides = array<i32>} : memref<128x128xf32, #tpu.memory_space<vmem>>, vector<1x128xf32>,
    %eq3A_1679 = arith.constant 55 : i32
    %eq3A_1680 = vector.broadcast %eq3A_1679 : i32 to vector<4096x128xi32>
    %eq3A_1681 = arith.cmpi eq, %min3A_17, %eq3A_1680 : vector<4096x128xi32>
    %convert_element_type3A_1682 = arith.extui %eq3A_1681 : vector<4096x128xi1> to vector<4096x128xi32>
    %convert_element_type3A_1683 = arith.sitofp %convert_element_type3A_1682 : vector<4096x128xi32> to vector<4096x128xf32>
    %reduce_sum3A_1684 = arith.constant dense<0.000000e+00> : vector<128xf32>
    %reduce_sum3A_1685 = vector.multi_reduction <add>, %convert_element_type3A_1683, %reduce_sum3A_1684 [0] : vector<4096x128xf32> to vector<128xf32>
    %broadcast_in_dim3A_1686 = vector.shape_cast %reduce_sum3A_1685 : vector<128xf32> to vector<1x128xf32>
    %eq3A_1687 = arith.constant 55 : i32
    %eq3A_1688 = vector.broadcast %eq3A_1687 : i32 to vector<4096x128xi32>
    %eq3A_1689 = arith.cmpi eq, %min3A_32, %eq3A_1688 : vector<4096x128xi32>
    %convert_element_type3A_1690 = arith.extui %eq3A_1689 : vector<4096x128xi1> to vector<4096x128xi32>
    %convert_element_type3A_1691 = arith.sitofp %convert_element_type3A_1690 : vector<4096x128xi32> to vector<4096x128xf32>
    %reduce_sum3A_1692 = arith.constant dense<0.000000e+00> : vector<128xf32>
    %reduce_sum3A_1693 = vector.multi_reduction <add>, %convert_element_type3A_1691, %reduce_sum3A_1692 [0] : vector<4096x128xf32> to vector<128xf32>
    %broadcast_in_dim3A_1694 = vector.shape_cast %reduce_sum3A_1693 : vector<128xf32> to vector<1x128xf32>
    %get3A_1695 = arith.constant 55 : index
    %get3A_1696 = arith.constant 0 : index
    %get3A_1697 = vector.load %arg5[%get3A_1695, %get3A_1696] : memref<128x128xf32, #tpu.memory_space<vmem>>, vector<1x128xf32>
    %add3A_1698 = arith.addf %get3A_1697, %broadcast_in_dim3A_1686 : vector<1x128xf32>
    %swap3A_1699 = arith.constant 55 : index
    %swap3A_1700 = arith.constant 0 : index
    %swap3A_1701 = vector.load %arg5[%swap3A_1699, %swap3A_1700] : memref<128x128xf32, #tpu.memory_space<vmem>>, vector<1x128xf32>
    tpu.vector_store %arg5[%swap3A_1699, %swap3A_1700], %add3A_1698 {strides = array<i32>} : memref<128x128xf32, #tpu.memory_space<vmem>>, vector<1x128xf32>,
    %get3A_1702 = arith.constant 119 : index
    %get3A_1703 = arith.constant 0 : index
    %get3A_1704 = vector.load %arg5[%get3A_1702, %get3A_1703] : memref<128x128xf32, #tpu.memory_space<vmem>>, vector<1x128xf32>
    %add3A_1705 = arith.addf %get3A_1704, %broadcast_in_dim3A_1694 : vector<1x128xf32>
    %swap3A_1706 = arith.constant 119 : index
    %swap3A_1707 = arith.constant 0 : index
    %swap3A_1708 = vector.load %arg5[%swap3A_1706, %swap3A_1707] : memref<128x128xf32, #tpu.memory_space<vmem>>, vector<1x128xf32>
    tpu.vector_store %arg5[%swap3A_1706, %swap3A_1707], %add3A_1705 {strides = array<i32>} : memref<128x128xf32, #tpu.memory_space<vmem>>, vector<1x128xf32>,
    %eq3A_1709 = arith.constant 56 : i32
    %eq3A_1710 = vector.broadcast %eq3A_1709 : i32 to vector<4096x128xi32>
    %eq3A_1711 = arith.cmpi eq, %min3A_17, %eq3A_1710 : vector<4096x128xi32>
    %convert_element_type3A_1712 = arith.extui %eq3A_1711 : vector<4096x128xi1> to vector<4096x128xi32>
    %convert_element_type3A_1713 = arith.sitofp %convert_element_type3A_1712 : vector<4096x128xi32> to vector<4096x128xf32>
    %reduce_sum3A_1714 = arith.constant dense<0.000000e+00> : vector<128xf32>
    %reduce_sum3A_1715 = vector.multi_reduction <add>, %convert_element_type3A_1713, %reduce_sum3A_1714 [0] : vector<4096x128xf32> to vector<128xf32>
    %broadcast_in_dim3A_1716 = vector.shape_cast %reduce_sum3A_1715 : vector<128xf32> to vector<1x128xf32>
    %eq3A_1717 = arith.constant 56 : i32
    %eq3A_1718 = vector.broadcast %eq3A_1717 : i32 to vector<4096x128xi32>
    %eq3A_1719 = arith.cmpi eq, %min3A_32, %eq3A_1718 : vector<4096x128xi32>
    %convert_element_type3A_1720 = arith.extui %eq3A_1719 : vector<4096x128xi1> to vector<4096x128xi32>
    %convert_element_type3A_1721 = arith.sitofp %convert_element_type3A_1720 : vector<4096x128xi32> to vector<4096x128xf32>
    %reduce_sum3A_1722 = arith.constant dense<0.000000e+00> : vector<128xf32>
    %reduce_sum3A_1723 = vector.multi_reduction <add>, %convert_element_type3A_1721, %reduce_sum3A_1722 [0] : vector<4096x128xf32> to vector<128xf32>
    %broadcast_in_dim3A_1724 = vector.shape_cast %reduce_sum3A_1723 : vector<128xf32> to vector<1x128xf32>
    %get3A_1725 = arith.constant 56 : index
    %get3A_1726 = arith.constant 0 : index
    %get3A_1727 = vector.load %arg5[%get3A_1725, %get3A_1726] : memref<128x128xf32, #tpu.memory_space<vmem>>, vector<1x128xf32>
    %add3A_1728 = arith.addf %get3A_1727, %broadcast_in_dim3A_1716 : vector<1x128xf32>
    %swap3A_1729 = arith.constant 56 : index
    %swap3A_1730 = arith.constant 0 : index
    %swap3A_1731 = vector.load %arg5[%swap3A_1729, %swap3A_1730] : memref<128x128xf32, #tpu.memory_space<vmem>>, vector<1x128xf32>
    tpu.vector_store %arg5[%swap3A_1729, %swap3A_1730], %add3A_1728 {strides = array<i32>} : memref<128x128xf32, #tpu.memory_space<vmem>>, vector<1x128xf32>,
    %get3A_1732 = arith.constant 120 : index
    %get3A_1733 = arith.constant 0 : index
    %get3A_1734 = vector.load %arg5[%get3A_1732, %get3A_1733] : memref<128x128xf32, #tpu.memory_space<vmem>>, vector<1x128xf32>
    %add3A_1735 = arith.addf %get3A_1734, %broadcast_in_dim3A_1724 : vector<1x128xf32>
    %swap3A_1736 = arith.constant 120 : index
    %swap3A_1737 = arith.constant 0 : index
    %swap3A_1738 = vector.load %arg5[%swap3A_1736, %swap3A_1737] : memref<128x128xf32, #tpu.memory_space<vmem>>, vector<1x128xf32>
    tpu.vector_store %arg5[%swap3A_1736, %swap3A_1737], %add3A_1735 {strides = array<i32>} : memref<128x128xf32, #tpu.memory_space<vmem>>, vector<1x128xf32>,
    %eq3A_1739 = arith.constant 57 : i32
    %eq3A_1740 = vector.broadcast %eq3A_1739 : i32 to vector<4096x128xi32>
    %eq3A_1741 = arith.cmpi eq, %min3A_17, %eq3A_1740 : vector<4096x128xi32>
    %convert_element_type3A_1742 = arith.extui %eq3A_1741 : vector<4096x128xi1> to vector<4096x128xi32>
    %convert_element_type3A_1743 = arith.sitofp %convert_element_type3A_1742 : vector<4096x128xi32> to vector<4096x128xf32>
    %reduce_sum3A_1744 = arith.constant dense<0.000000e+00> : vector<128xf32>
    %reduce_sum3A_1745 = vector.multi_reduction <add>, %convert_element_type3A_1743, %reduce_sum3A_1744 [0] : vector<4096x128xf32> to vector<128xf32>
    %broadcast_in_dim3A_1746 = vector.shape_cast %reduce_sum3A_1745 : vector<128xf32> to vector<1x128xf32>
    %eq3A_1747 = arith.constant 57 : i32
    %eq3A_1748 = vector.broadcast %eq3A_1747 : i32 to vector<4096x128xi32>
    %eq3A_1749 = arith.cmpi eq, %min3A_32, %eq3A_1748 : vector<4096x128xi32>
    %convert_element_type3A_1750 = arith.extui %eq3A_1749 : vector<4096x128xi1> to vector<4096x128xi32>
    %convert_element_type3A_1751 = arith.sitofp %convert_element_type3A_1750 : vector<4096x128xi32> to vector<4096x128xf32>
    %reduce_sum3A_1752 = arith.constant dense<0.000000e+00> : vector<128xf32>
    %reduce_sum3A_1753 = vector.multi_reduction <add>, %convert_element_type3A_1751, %reduce_sum3A_1752 [0] : vector<4096x128xf32> to vector<128xf32>
    %broadcast_in_dim3A_1754 = vector.shape_cast %reduce_sum3A_1753 : vector<128xf32> to vector<1x128xf32>
    %get3A_1755 = arith.constant 57 : index
    %get3A_1756 = arith.constant 0 : index
    %get3A_1757 = vector.load %arg5[%get3A_1755, %get3A_1756] : memref<128x128xf32, #tpu.memory_space<vmem>>, vector<1x128xf32>
    %add3A_1758 = arith.addf %get3A_1757, %broadcast_in_dim3A_1746 : vector<1x128xf32>
    %swap3A_1759 = arith.constant 57 : index
    %swap3A_1760 = arith.constant 0 : index
    %swap3A_1761 = vector.load %arg5[%swap3A_1759, %swap3A_1760] : memref<128x128xf32, #tpu.memory_space<vmem>>, vector<1x128xf32>
    tpu.vector_store %arg5[%swap3A_1759, %swap3A_1760], %add3A_1758 {strides = array<i32>} : memref<128x128xf32, #tpu.memory_space<vmem>>, vector<1x128xf32>,
    %get3A_1762 = arith.constant 121 : index
    %get3A_1763 = arith.constant 0 : index
    %get3A_1764 = vector.load %arg5[%get3A_1762, %get3A_1763] : memref<128x128xf32, #tpu.memory_space<vmem>>, vector<1x128xf32>
    %add3A_1765 = arith.addf %get3A_1764, %broadcast_in_dim3A_1754 : vector<1x128xf32>
    %swap3A_1766 = arith.constant 121 : index
    %swap3A_1767 = arith.constant 0 : index
    %swap3A_1768 = vector.load %arg5[%swap3A_1766, %swap3A_1767] : memref<128x128xf32, #tpu.memory_space<vmem>>, vector<1x128xf32>
    tpu.vector_store %arg5[%swap3A_1766, %swap3A_1767], %add3A_1765 {strides = array<i32>} : memref<128x128xf32, #tpu.memory_space<vmem>>, vector<1x128xf32>,
    %eq3A_1769 = arith.constant 58 : i32
    %eq3A_1770 = vector.broadcast %eq3A_1769 : i32 to vector<4096x128xi32>
    %eq3A_1771 = arith.cmpi eq, %min3A_17, %eq3A_1770 : vector<4096x128xi32>
    %convert_element_type3A_1772 = arith.extui %eq3A_1771 : vector<4096x128xi1> to vector<4096x128xi32>
    %convert_element_type3A_1773 = arith.sitofp %convert_element_type3A_1772 : vector<4096x128xi32> to vector<4096x128xf32>
    %reduce_sum3A_1774 = arith.constant dense<0.000000e+00> : vector<128xf32>
    %reduce_sum3A_1775 = vector.multi_reduction <add>, %convert_element_type3A_1773, %reduce_sum3A_1774 [0] : vector<4096x128xf32> to vector<128xf32>
    %broadcast_in_dim3A_1776 = vector.shape_cast %reduce_sum3A_1775 : vector<128xf32> to vector<1x128xf32>
    %eq3A_1777 = arith.constant 58 : i32
    %eq3A_1778 = vector.broadcast %eq3A_1777 : i32 to vector<4096x128xi32>
    %eq3A_1779 = arith.cmpi eq, %min3A_32, %eq3A_1778 : vector<4096x128xi32>
    %convert_element_type3A_1780 = arith.extui %eq3A_1779 : vector<4096x128xi1> to vector<4096x128xi32>
    %convert_element_type3A_1781 = arith.sitofp %convert_element_type3A_1780 : vector<4096x128xi32> to vector<4096x128xf32>
    %reduce_sum3A_1782 = arith.constant dense<0.000000e+00> : vector<128xf32>
    %reduce_sum3A_1783 = vector.multi_reduction <add>, %convert_element_type3A_1781, %reduce_sum3A_1782 [0] : vector<4096x128xf32> to vector<128xf32>
    %broadcast_in_dim3A_1784 = vector.shape_cast %reduce_sum3A_1783 : vector<128xf32> to vector<1x128xf32>
    %get3A_1785 = arith.constant 58 : index
    %get3A_1786 = arith.constant 0 : index
    %get3A_1787 = vector.load %arg5[%get3A_1785, %get3A_1786] : memref<128x128xf32, #tpu.memory_space<vmem>>, vector<1x128xf32>
    %add3A_1788 = arith.addf %get3A_1787, %broadcast_in_dim3A_1776 : vector<1x128xf32>
    %swap3A_1789 = arith.constant 58 : index
    %swap3A_1790 = arith.constant 0 : index
    %swap3A_1791 = vector.load %arg5[%swap3A_1789, %swap3A_1790] : memref<128x128xf32, #tpu.memory_space<vmem>>, vector<1x128xf32>
    tpu.vector_store %arg5[%swap3A_1789, %swap3A_1790], %add3A_1788 {strides = array<i32>} : memref<128x128xf32, #tpu.memory_space<vmem>>, vector<1x128xf32>,
    %get3A_1792 = arith.constant 122 : index
    %get3A_1793 = arith.constant 0 : index
    %get3A_1794 = vector.load %arg5[%get3A_1792, %get3A_1793] : memref<128x128xf32, #tpu.memory_space<vmem>>, vector<1x128xf32>
    %add3A_1795 = arith.addf %get3A_1794, %broadcast_in_dim3A_1784 : vector<1x128xf32>
    %swap3A_1796 = arith.constant 122 : index
    %swap3A_1797 = arith.constant 0 : index
    %swap3A_1798 = vector.load %arg5[%swap3A_1796, %swap3A_1797] : memref<128x128xf32, #tpu.memory_space<vmem>>, vector<1x128xf32>
    tpu.vector_store %arg5[%swap3A_1796, %swap3A_1797], %add3A_1795 {strides = array<i32>} : memref<128x128xf32, #tpu.memory_space<vmem>>, vector<1x128xf32>,
    %eq3A_1799 = arith.constant 59 : i32
    %eq3A_1800 = vector.broadcast %eq3A_1799 : i32 to vector<4096x128xi32>
    %eq3A_1801 = arith.cmpi eq, %min3A_17, %eq3A_1800 : vector<4096x128xi32>
    %convert_element_type3A_1802 = arith.extui %eq3A_1801 : vector<4096x128xi1> to vector<4096x128xi32>
    %convert_element_type3A_1803 = arith.sitofp %convert_element_type3A_1802 : vector<4096x128xi32> to vector<4096x128xf32>
    %reduce_sum3A_1804 = arith.constant dense<0.000000e+00> : vector<128xf32>
    %reduce_sum3A_1805 = vector.multi_reduction <add>, %convert_element_type3A_1803, %reduce_sum3A_1804 [0] : vector<4096x128xf32> to vector<128xf32>
    %broadcast_in_dim3A_1806 = vector.shape_cast %reduce_sum3A_1805 : vector<128xf32> to vector<1x128xf32>
    %eq3A_1807 = arith.constant 59 : i32
    %eq3A_1808 = vector.broadcast %eq3A_1807 : i32 to vector<4096x128xi32>
    %eq3A_1809 = arith.cmpi eq, %min3A_32, %eq3A_1808 : vector<4096x128xi32>
    %convert_element_type3A_1810 = arith.extui %eq3A_1809 : vector<4096x128xi1> to vector<4096x128xi32>
    %convert_element_type3A_1811 = arith.sitofp %convert_element_type3A_1810 : vector<4096x128xi32> to vector<4096x128xf32>
    %reduce_sum3A_1812 = arith.constant dense<0.000000e+00> : vector<128xf32>
    %reduce_sum3A_1813 = vector.multi_reduction <add>, %convert_element_type3A_1811, %reduce_sum3A_1812 [0] : vector<4096x128xf32> to vector<128xf32>
    %broadcast_in_dim3A_1814 = vector.shape_cast %reduce_sum3A_1813 : vector<128xf32> to vector<1x128xf32>
    %get3A_1815 = arith.constant 59 : index
    %get3A_1816 = arith.constant 0 : index
    %get3A_1817 = vector.load %arg5[%get3A_1815, %get3A_1816] : memref<128x128xf32, #tpu.memory_space<vmem>>, vector<1x128xf32>
    %add3A_1818 = arith.addf %get3A_1817, %broadcast_in_dim3A_1806 : vector<1x128xf32>
    %swap3A_1819 = arith.constant 59 : index
    %swap3A_1820 = arith.constant 0 : index
    %swap3A_1821 = vector.load %arg5[%swap3A_1819, %swap3A_1820] : memref<128x128xf32, #tpu.memory_space<vmem>>, vector<1x128xf32>
    tpu.vector_store %arg5[%swap3A_1819, %swap3A_1820], %add3A_1818 {strides = array<i32>} : memref<128x128xf32, #tpu.memory_space<vmem>>, vector<1x128xf32>,
    %get3A_1822 = arith.constant 123 : index
    %get3A_1823 = arith.constant 0 : index
    %get3A_1824 = vector.load %arg5[%get3A_1822, %get3A_1823] : memref<128x128xf32, #tpu.memory_space<vmem>>, vector<1x128xf32>
    %add3A_1825 = arith.addf %get3A_1824, %broadcast_in_dim3A_1814 : vector<1x128xf32>
    %swap3A_1826 = arith.constant 123 : index
    %swap3A_1827 = arith.constant 0 : index
    %swap3A_1828 = vector.load %arg5[%swap3A_1826, %swap3A_1827] : memref<128x128xf32, #tpu.memory_space<vmem>>, vector<1x128xf32>
    tpu.vector_store %arg5[%swap3A_1826, %swap3A_1827], %add3A_1825 {strides = array<i32>} : memref<128x128xf32, #tpu.memory_space<vmem>>, vector<1x128xf32>,
    %eq3A_1829 = arith.constant 60 : i32
    %eq3A_1830 = vector.broadcast %eq3A_1829 : i32 to vector<4096x128xi32>
    %eq3A_1831 = arith.cmpi eq, %min3A_17, %eq3A_1830 : vector<4096x128xi32>
    %convert_element_type3A_1832 = arith.extui %eq3A_1831 : vector<4096x128xi1> to vector<4096x128xi32>
    %convert_element_type3A_1833 = arith.sitofp %convert_element_type3A_1832 : vector<4096x128xi32> to vector<4096x128xf32>
    %reduce_sum3A_1834 = arith.constant dense<0.000000e+00> : vector<128xf32>
    %reduce_sum3A_1835 = vector.multi_reduction <add>, %convert_element_type3A_1833, %reduce_sum3A_1834 [0] : vector<4096x128xf32> to vector<128xf32>
    %broadcast_in_dim3A_1836 = vector.shape_cast %reduce_sum3A_1835 : vector<128xf32> to vector<1x128xf32>
    %eq3A_1837 = arith.constant 60 : i32
    %eq3A_1838 = vector.broadcast %eq3A_1837 : i32 to vector<4096x128xi32>
    %eq3A_1839 = arith.cmpi eq, %min3A_32, %eq3A_1838 : vector<4096x128xi32>
    %convert_element_type3A_1840 = arith.extui %eq3A_1839 : vector<4096x128xi1> to vector<4096x128xi32>
    %convert_element_type3A_1841 = arith.sitofp %convert_element_type3A_1840 : vector<4096x128xi32> to vector<4096x128xf32>
    %reduce_sum3A_1842 = arith.constant dense<0.000000e+00> : vector<128xf32>
    %reduce_sum3A_1843 = vector.multi_reduction <add>, %convert_element_type3A_1841, %reduce_sum3A_1842 [0] : vector<4096x128xf32> to vector<128xf32>
    %broadcast_in_dim3A_1844 = vector.shape_cast %reduce_sum3A_1843 : vector<128xf32> to vector<1x128xf32>
    %get3A_1845 = arith.constant 60 : index
    %get3A_1846 = arith.constant 0 : index
    %get3A_1847 = vector.load %arg5[%get3A_1845, %get3A_1846] : memref<128x128xf32, #tpu.memory_space<vmem>>, vector<1x128xf32>
    %add3A_1848 = arith.addf %get3A_1847, %broadcast_in_dim3A_1836 : vector<1x128xf32>
    %swap3A_1849 = arith.constant 60 : index
    %swap3A_1850 = arith.constant 0 : index
    %swap3A_1851 = vector.load %arg5[%swap3A_1849, %swap3A_1850] : memref<128x128xf32, #tpu.memory_space<vmem>>, vector<1x128xf32>
    tpu.vector_store %arg5[%swap3A_1849, %swap3A_1850], %add3A_1848 {strides = array<i32>} : memref<128x128xf32, #tpu.memory_space<vmem>>, vector<1x128xf32>,
    %get3A_1852 = arith.constant 124 : index
    %get3A_1853 = arith.constant 0 : index
    %get3A_1854 = vector.load %arg5[%get3A_1852, %get3A_1853] : memref<128x128xf32, #tpu.memory_space<vmem>>, vector<1x128xf32>
    %add3A_1855 = arith.addf %get3A_1854, %broadcast_in_dim3A_1844 : vector<1x128xf32>
    %swap3A_1856 = arith.constant 124 : index
    %swap3A_1857 = arith.constant 0 : index
    %swap3A_1858 = vector.load %arg5[%swap3A_1856, %swap3A_1857] : memref<128x128xf32, #tpu.memory_space<vmem>>, vector<1x128xf32>
    tpu.vector_store %arg5[%swap3A_1856, %swap3A_1857], %add3A_1855 {strides = array<i32>} : memref<128x128xf32, #tpu.memory_space<vmem>>, vector<1x128xf32>,
    %eq3A_1859 = arith.constant 61 : i32
    %eq3A_1860 = vector.broadcast %eq3A_1859 : i32 to vector<4096x128xi32>
    %eq3A_1861 = arith.cmpi eq, %min3A_17, %eq3A_1860 : vector<4096x128xi32>
    %convert_element_type3A_1862 = arith.extui %eq3A_1861 : vector<4096x128xi1> to vector<4096x128xi32>
    %convert_element_type3A_1863 = arith.sitofp %convert_element_type3A_1862 : vector<4096x128xi32> to vector<4096x128xf32>
    %reduce_sum3A_1864 = arith.constant dense<0.000000e+00> : vector<128xf32>
    %reduce_sum3A_1865 = vector.multi_reduction <add>, %convert_element_type3A_1863, %reduce_sum3A_1864 [0] : vector<4096x128xf32> to vector<128xf32>
    %broadcast_in_dim3A_1866 = vector.shape_cast %reduce_sum3A_1865 : vector<128xf32> to vector<1x128xf32>
    %eq3A_1867 = arith.constant 61 : i32
    %eq3A_1868 = vector.broadcast %eq3A_1867 : i32 to vector<4096x128xi32>
    %eq3A_1869 = arith.cmpi eq, %min3A_32, %eq3A_1868 : vector<4096x128xi32>
    %convert_element_type3A_1870 = arith.extui %eq3A_1869 : vector<4096x128xi1> to vector<4096x128xi32>
    %convert_element_type3A_1871 = arith.sitofp %convert_element_type3A_1870 : vector<4096x128xi32> to vector<4096x128xf32>
    %reduce_sum3A_1872 = arith.constant dense<0.000000e+00> : vector<128xf32>
    %reduce_sum3A_1873 = vector.multi_reduction <add>, %convert_element_type3A_1871, %reduce_sum3A_1872 [0] : vector<4096x128xf32> to vector<128xf32>
    %broadcast_in_dim3A_1874 = vector.shape_cast %reduce_sum3A_1873 : vector<128xf32> to vector<1x128xf32>
    %get3A_1875 = arith.constant 61 : index
    %get3A_1876 = arith.constant 0 : index
    %get3A_1877 = vector.load %arg5[%get3A_1875, %get3A_1876] : memref<128x128xf32, #tpu.memory_space<vmem>>, vector<1x128xf32>
    %add3A_1878 = arith.addf %get3A_1877, %broadcast_in_dim3A_1866 : vector<1x128xf32>
    %swap3A_1879 = arith.constant 61 : index
    %swap3A_1880 = arith.constant 0 : index
    %swap3A_1881 = vector.load %arg5[%swap3A_1879, %swap3A_1880] : memref<128x128xf32, #tpu.memory_space<vmem>>, vector<1x128xf32>
    tpu.vector_store %arg5[%swap3A_1879, %swap3A_1880], %add3A_1878 {strides = array<i32>} : memref<128x128xf32, #tpu.memory_space<vmem>>, vector<1x128xf32>,
    %get3A_1882 = arith.constant 125 : index
    %get3A_1883 = arith.constant 0 : index
    %get3A_1884 = vector.load %arg5[%get3A_1882, %get3A_1883] : memref<128x128xf32, #tpu.memory_space<vmem>>, vector<1x128xf32>
    %add3A_1885 = arith.addf %get3A_1884, %broadcast_in_dim3A_1874 : vector<1x128xf32>
    %swap3A_1886 = arith.constant 125 : index
    %swap3A_1887 = arith.constant 0 : index
    %swap3A_1888 = vector.load %arg5[%swap3A_1886, %swap3A_1887] : memref<128x128xf32, #tpu.memory_space<vmem>>, vector<1x128xf32>
    tpu.vector_store %arg5[%swap3A_1886, %swap3A_1887], %add3A_1885 {strides = array<i32>} : memref<128x128xf32, #tpu.memory_space<vmem>>, vector<1x128xf32>,
    %eq3A_1889 = arith.constant 62 : i32
    %eq3A_1890 = vector.broadcast %eq3A_1889 : i32 to vector<4096x128xi32>
    %eq3A_1891 = arith.cmpi eq, %min3A_17, %eq3A_1890 : vector<4096x128xi32>
    %convert_element_type3A_1892 = arith.extui %eq3A_1891 : vector<4096x128xi1> to vector<4096x128xi32>
    %convert_element_type3A_1893 = arith.sitofp %convert_element_type3A_1892 : vector<4096x128xi32> to vector<4096x128xf32>
    %reduce_sum3A_1894 = arith.constant dense<0.000000e+00> : vector<128xf32>
    %reduce_sum3A_1895 = vector.multi_reduction <add>, %convert_element_type3A_1893, %reduce_sum3A_1894 [0] : vector<4096x128xf32> to vector<128xf32>
    %broadcast_in_dim3A_1896 = vector.shape_cast %reduce_sum3A_1895 : vector<128xf32> to vector<1x128xf32>
    %eq3A_1897 = arith.constant 62 : i32
    %eq3A_1898 = vector.broadcast %eq3A_1897 : i32 to vector<4096x128xi32>
    %eq3A_1899 = arith.cmpi eq, %min3A_32, %eq3A_1898 : vector<4096x128xi32>
    %convert_element_type3A_1900 = arith.extui %eq3A_1899 : vector<4096x128xi1> to vector<4096x128xi32>
    %convert_element_type3A_1901 = arith.sitofp %convert_element_type3A_1900 : vector<4096x128xi32> to vector<4096x128xf32>
    %reduce_sum3A_1902 = arith.constant dense<0.000000e+00> : vector<128xf32>
    %reduce_sum3A_1903 = vector.multi_reduction <add>, %convert_element_type3A_1901, %reduce_sum3A_1902 [0] : vector<4096x128xf32> to vector<128xf32>
    %broadcast_in_dim3A_1904 = vector.shape_cast %reduce_sum3A_1903 : vector<128xf32> to vector<1x128xf32>
    %get3A_1905 = arith.constant 62 : index
    %get3A_1906 = arith.constant 0 : index
    %get3A_1907 = vector.load %arg5[%get3A_1905, %get3A_1906] : memref<128x128xf32, #tpu.memory_space<vmem>>, vector<1x128xf32>
    %add3A_1908 = arith.addf %get3A_1907, %broadcast_in_dim3A_1896 : vector<1x128xf32>
    %swap3A_1909 = arith.constant 62 : index
    %swap3A_1910 = arith.constant 0 : index
    %swap3A_1911 = vector.load %arg5[%swap3A_1909, %swap3A_1910] : memref<128x128xf32, #tpu.memory_space<vmem>>, vector<1x128xf32>
    tpu.vector_store %arg5[%swap3A_1909, %swap3A_1910], %add3A_1908 {strides = array<i32>} : memref<128x128xf32, #tpu.memory_space<vmem>>, vector<1x128xf32>,
    %get3A_1912 = arith.constant 126 : index
    %get3A_1913 = arith.constant 0 : index
    %get3A_1914 = vector.load %arg5[%get3A_1912, %get3A_1913] : memref<128x128xf32, #tpu.memory_space<vmem>>, vector<1x128xf32>
    %add3A_1915 = arith.addf %get3A_1914, %broadcast_in_dim3A_1904 : vector<1x128xf32>
    %swap3A_1916 = arith.constant 126 : index
    %swap3A_1917 = arith.constant 0 : index
    %swap3A_1918 = vector.load %arg5[%swap3A_1916, %swap3A_1917] : memref<128x128xf32, #tpu.memory_space<vmem>>, vector<1x128xf32>
    tpu.vector_store %arg5[%swap3A_1916, %swap3A_1917], %add3A_1915 {strides = array<i32>} : memref<128x128xf32, #tpu.memory_space<vmem>>, vector<1x128xf32>,
    %eq3A_1919 = arith.constant 63 : i32
    %eq3A_1920 = vector.broadcast %eq3A_1919 : i32 to vector<4096x128xi32>
    %eq3A_1921 = arith.cmpi eq, %min3A_17, %eq3A_1920 : vector<4096x128xi32>
    %convert_element_type3A_1922 = arith.extui %eq3A_1921 : vector<4096x128xi1> to vector<4096x128xi32>
    %convert_element_type3A_1923 = arith.sitofp %convert_element_type3A_1922 : vector<4096x128xi32> to vector<4096x128xf32>
    %reduce_sum3A_1924 = arith.constant dense<0.000000e+00> : vector<128xf32>
    %reduce_sum3A_1925 = vector.multi_reduction <add>, %convert_element_type3A_1923, %reduce_sum3A_1924 [0] : vector<4096x128xf32> to vector<128xf32>
    %broadcast_in_dim3A_1926 = vector.shape_cast %reduce_sum3A_1925 : vector<128xf32> to vector<1x128xf32>
    %eq3A_1927 = arith.constant 63 : i32
    %eq3A_1928 = vector.broadcast %eq3A_1927 : i32 to vector<4096x128xi32>
    %eq3A_1929 = arith.cmpi eq, %min3A_32, %eq3A_1928 : vector<4096x128xi32>
    %convert_element_type3A_1930 = arith.extui %eq3A_1929 : vector<4096x128xi1> to vector<4096x128xi32>
    %convert_element_type3A_1931 = arith.sitofp %convert_element_type3A_1930 : vector<4096x128xi32> to vector<4096x128xf32>
    %reduce_sum3A_1932 = arith.constant dense<0.000000e+00> : vector<128xf32>
    %reduce_sum3A_1933 = vector.multi_reduction <add>, %convert_element_type3A_1931, %reduce_sum3A_1932 [0] : vector<4096x128xf32> to vector<128xf32>
    %broadcast_in_dim3A_1934 = vector.shape_cast %reduce_sum3A_1933 : vector<128xf32> to vector<1x128xf32>
    %get3A_1935 = arith.constant 63 : index
    %get3A_1936 = arith.constant 0 : index
    %get3A_1937 = vector.load %arg5[%get3A_1935, %get3A_1936] : memref<128x128xf32, #tpu.memory_space<vmem>>, vector<1x128xf32>
    %add3A_1938 = arith.addf %get3A_1937, %broadcast_in_dim3A_1926 : vector<1x128xf32>
    %swap3A_1939 = arith.constant 63 : index
    %swap3A_1940 = arith.constant 0 : index
    %swap3A_1941 = vector.load %arg5[%swap3A_1939, %swap3A_1940] : memref<128x128xf32, #tpu.memory_space<vmem>>, vector<1x128xf32>
    tpu.vector_store %arg5[%swap3A_1939, %swap3A_1940], %add3A_1938 {strides = array<i32>} : memref<128x128xf32, #tpu.memory_space<vmem>>, vector<1x128xf32>,
    %get3A_1942 = arith.constant 127 : index
    %get3A_1943 = arith.constant 0 : index
    %get3A_1944 = vector.load %arg5[%get3A_1942, %get3A_1943] : memref<128x128xf32, #tpu.memory_space<vmem>>, vector<1x128xf32>
    %add3A_1945 = arith.addf %get3A_1944, %broadcast_in_dim3A_1934 : vector<1x128xf32>
    %swap3A_1946 = arith.constant 127 : index
    %swap3A_1947 = arith.constant 0 : index
    %swap3A_1948 = vector.load %arg5[%swap3A_1946, %swap3A_1947] : memref<128x128xf32, #tpu.memory_space<vmem>>, vector<1x128xf32>
    tpu.vector_store %arg5[%swap3A_1946, %swap3A_1947], %add3A_1945 {strides = array<i32>} : memref<128x128xf32, #tpu.memory_space<vmem>>, vector<1x128xf32>,
    return
  }
  func.func @transform_0(%arg0: i32) -> (i32, i32) {
    %c0_i32 = arith.constant 0 : i32
    %c0_i32_0 = arith.constant 0 : i32
    %c0_i32_1 = arith.constant 0 : i32
    return %c0_i32, %c0_i32_0 : i32, i32
  }
  func.func @transform_1(%arg0: i32) -> (i32, i32) {
    %c0_i32 = arith.constant 0 : i32
    %c0_i32_0 = arith.constant 0 : i32
    %c0_i32_1 = arith.constant 0 : i32
    return %c0_i32, %c0_i32_0 : i32, i32
  }
  func.func @transform_2(%arg0: i32) -> (i32, i32) {
    %add3A = arith.constant 28 : i32
    %add3A_0 = arith.addi %add3A, %arg0 : i32
    %c0_i32 = arith.constant 0 : i32
    %c0_i32_1 = arith.constant 0 : i32
    return %add3A_0, %c0_i32 : i32, i32
  }
  func.func @transform_3(%arg0: i32) -> (i32, i32) {
    %add3A = arith.constant 28 : i32
    %add3A_0 = arith.addi %add3A, %arg0 : i32
    %c0_i32 = arith.constant 0 : i32
    %c0_i32_1 = arith.constant 0 : i32
    return %add3A_0, %c0_i32 : i32, i32
  }
  func.func @transform_4(%arg0: i32) -> (i32, i32) {
    %c0_i32 = arith.constant 0 : i32
    %c0_i32_0 = arith.constant 0 : i32
    %c0_i32_1 = arith.constant 0 : i32
    return %c0_i32, %c0_i32_0 : i32, i32
  }
}

</mosaic_0001>

<sc_bundles>
// kernel: kernel.6.cloned.1.call-start
scs
__scs_entry_jumppad:
0x0: {  	(pc) =	sbr.rel $0x88, $3  }
0x1: {  	(tag) =	ssettag $0x0;
	lr =	simm.s32 $0x1  }
0x2: {  	[smem:$0x3F9F] =	sst lr;
	_ =	strace $0xD0000000  }
0x3: {  	_ = 	snop  }
0x4: {  	_ = 	snop  }
0x5: {  	_ = 	snop  }
0x6: {  	_ = 	snop  }
0x7: {  	_ = 	snop  }
__scs_overlays_trampoline_lowered:
0x8: {  	[smem:$0x3FAE] =	sst s0  }
0x9: {  	[smem:$0x3FAF] =	sst s1  }
0xa: {  	[smem:$0x3FB0] =	sst s2  }
0xb: {  	[smem:$0x3FB1] =	sst s3  }
0xc: {  	[smem:$0x3FB2] =	sst s4  }
0xd: {  	[smem:$0x3FB3] =	sst s5  }
0xe: {  	[smem:$0x3FB4] =	sst s6  }
0xf: {  	[smem:$0x3FB5] =	sst s7  }
0x10: {  	[smem:$0x3FB6] =	sst s8  }
0x11: {  	[smem:$0x3FB7] =	sst s9;
	s0 =	simm.s32 @!p0 $0x0  }
0x12: {  	s1 =	sld [smem:$0x3F9D];
	s0 =	simm.s32 @p0 $0x1  }
0x13: {  	[smem:$0x3FB8] =	sst s0;
	s0 =	simm.s32 @!p1 $0x0  }
0x14: {  	s2 =	sld [smem:$0x3F9C];
	s0 =	simm.s32 @p1 $0x1  }
0x15: {  	[smem:$0x3FB9] =	sst s0;
	s0 =	simm.s32 @!p2 $0x0  }
0x16: {  	s3 =	sld [smem:$0x3FDB];
	s0 =	simm.s32 @p2 $0x1  }
0x17: {  	s4 =	simm.s32 $0x1BF5;
	[smem:$0x3FBB] =	sst s0  }
0x18: {  	s0 =	sld [smem:$0x3F9E];
	_ =	swait.ge [sflag:s4], $0x0  }
0x19: {  	s7 =	sld [smem:$0x3F9F]  }
0x1a: {  	s8 =	sadd.s32 $0xFFFFE003, lr  }
0x1b: {  	s9 =	sadd.s32 $0xFFFFFEF7, lr;
	s5 =	simm.s32 $0xFFFFFFFF;
	p2 =	slt.u32 s8, $0xFFFFF086  }
0x1c: {  	p1 =	slt.u32 s9, $0xF7A;
	s5 =	simm.s32 @!p2 $0x0  }
0x1d: {  	s5 =	simm.s32 @p1 $0x1;
	p0 =	seq.s32 s7, s2  }
0x1e: {  	s7 =	smul.u32 @!p0 $0xF7A, s2;
	p2 =	seq.s32 @!p0 s5, $0x0  }
0x1f: {  	s9 =	smul.u32 $0xF7A, s1;
	s8 =	simm.s32 @!p0 $0x1BF5;
	p2 =	por !p2, p0  }
0x20: {  	[sflag:s8] =	ssyncset.s32 @!p0 $0xFFFFF086;
	s6 =	sadd.s32 @!p0 s3, s7;
	s7 =	simm.s32 @!p0 $0x108  }
0x21: {  	s3 =	sadd.s32 s3, s9;
	s6 =	sadd.s32 @!p0 $0x88, s6;
	s7 =	simm.s32 @p2 $0x1082  }
0x22: {  	[simem:s7], [sflag:s8] =	dma.local @!p0 [hbm:s6], $0xF7A  }
0x23: {  	s9 =	sor.u32 $0xD0000000, s2;
	s6 =	simm.s32 $0x108;
	_ =	swait.ge @!p0 [sflag:s8], $0x0  }
0x24: {  	s3 =	sadd.s32 $0x88, s3;
	s6 =	simm.s32 @!p1 $0x1082;
	[sflag:s4] =	ssyncset.s32 $0xFFFFF086  }
0x25: {  	[simem:s6], [sflag:s4] =	dma.local [hbm:s3], $0xF7A  }
0x26: {  	[smem:$0x3F9F] =	sst s1;
	(tag) =	ssettag s2;
	_ =	strace s9  }
0x27: {  	s1 =	sld [smem:$0x3FAF]  }
0x28: {  	s2 =	sld [smem:$0x3FB0]  }
0x29: {  	s4 =	sld [smem:$0x3FB2]  }
0x2a: {  	p0 =	seq.s32 s5, $0x0;
	s5 =	sld [smem:$0x3FB3]  }
0x2b: {  	s6 =	sld [smem:$0x3FB4]  }
0x2c: {  	s7 =	sld [smem:$0x3FB5]  }
0x2d: {  	s3 =	simm.s32 $0x108;
	s8 =	sld [smem:$0x3FB6]  }
0x2e: {  	s3 =	simm.s32 @!p0 $0x1082;
	s9 =	sld [smem:$0x3FB7]  }
0x2f: {  	lr =	sadd.s32 s0, s3;
	s0 =	sld [smem:$0x3FAE]  }
0x30: {  	s3 =	sld [smem:$0x3FB1]  }
0x31: {  	[smem:$0x3FBA] =	sst s10  }
0x32: {  	s10 =	sld [smem:$0x3FB8];
	_ =	sdelay $0x3  }
0x33: {  	p0 =	seq.s32 s10, $0x1;
	s10 =	sld [smem:$0x3FBA];
	_ =	sdelay $0x3  }
0x34: {  	[smem:$0x3FBA] =	sst s10  }
0x35: {  	s10 =	sld [smem:$0x3FB9];
	_ =	sdelay $0x3  }
0x36: {  	p1 =	seq.s32 s10, $0x1;
	s10 =	sld [smem:$0x3FBA];
	_ =	sdelay $0x3  }
0x37: {  	[smem:$0x3FBA] =	sst s10  }
0x38: {  	s10 =	sld [smem:$0x3FBB]  }
0x39: {  	_ = 	snop;
	(pc) =	sbr.ind lr, $3  }
0x3a: {  	_ = 	snop  }
0x3b: {  	_ = 	snop  }
0x3c: {  	p2 =	seq.s32 s10, $0x1;
	s10 =	sld [smem:$0x3FBA]  }
0x3d: {  	_ =	shalt  }
0x3e: {  	_ =	shalt  }
0x3f: {  	_ =	shalt  }
0x40: {  	_ =	shalt  }
0x41: {  	_ =	shalt  }
0x42: {  	_ =	shalt  }
0x43: {  	_ =	shalt  }
0x44: {  	_ =	shalt  }
0x45: {  	_ =	shalt  }
0x46: {  	_ =	shalt  }
0x47: {  	_ =	shalt  }
0x48: {  	_ =	shalt  }
0x49: {  	_ =	shalt  }
0x4a: {  	_ =	shalt  }
0x4b: {  	_ =	shalt  }
0x4c: {  	_ =	shalt  }
0x4d: {  	_ =	shalt  }
0x4e: {  	_ =	shalt  }
0x4f: {  	_ =	shalt  }
0x50: {  	_ =	shalt  }
0x51: {  	_ =	shalt  }
0x52: {  	_ =	shalt  }
0x53: {  	_ =	shalt  }
0x54: {  	_ =	shalt  }
0x55: {  	_ =	shalt  }
0x56: {  	_ =	shalt  }
0x57: {  	_ =	shalt  }
0x58: {  	_ =	shalt  }
0x59: {  	_ =	shalt  }
0x5a: {  	_ =	shalt  }
0x5b: {  	_ =	shalt  }
0x5c: {  	_ =	shalt  }
0x5d: {  	_ =	shalt  }
0x5e: {  	_ =	shalt  }
0x5f: {  	_ =	shalt  }
0x60: {  	_ =	shalt  }
0x61: {  	_ =	shalt  }
0x62: {  	_ =	shalt  }
0x63: {  	_ =	shalt  }
0x64: {  	_ =	shalt  }
0x65: {  	_ =	shalt  }
0x66: {  	_ =	shalt  }
0x67: {  	_ =	shalt  }
0x68: {  	_ =	shalt  }
0x69: {  	_ =	shalt  }
0x6a: {  	_ =	shalt  }
0x6b: {  	_ =	shalt  }
0x6c: {  	_ =	shalt  }
0x6d: {  	_ =	shalt  }
0x6e: {  	_ =	shalt  }
0x6f: {  	_ =	shalt  }
0x70: {  	_ =	shalt  }
0x71: {  	_ =	shalt  }
0x72: {  	_ =	shalt  }
0x73: {  	_ =	shalt  }
0x74: {  	_ =	shalt  }
0x75: {  	_ =	shalt  }
0x76: {  	_ =	shalt  }
0x77: {  	_ =	shalt  }
0x78: {  	_ =	shalt  }
0x79: {  	_ =	shalt  }
0x7a: {  	_ =	shalt  }
0x7b: {  	_ =	shalt  }
0x7c: {  	_ =	shalt  }
0x7d: {  	_ =	shalt  }
0x7e: {  	_ =	shalt  }
0x7f: {  	_ =	shalt  }
0x80: {  	_ =	shalt  }
0x81: {  	_ =	shalt  }
0x82: {  	_ =	shalt  }
0x83: {  	_ =	shalt  }
0x84: {  	_ =	shalt  }
0x85: {  	_ =	shalt  }
0x86: {  	_ =	shalt  }
0x87: {  	_ =	shalt  }
.Lfunc_end0:
.L_simem_size_0:
called_computation_lowered:
.L_overlay_start_0:
0x88: {  	s2 =	sld [smem:$0x3FD9]  }
0x89: {  	s3 =	sld [smem:$0x3FFE];
	_ =	sdelay $0x1  }
0x8a: {  	s1 =	srdreg.scid  }
0x8b: {  	s0 =	sand.u32 $0x1, s1  }
0x8c: {  	s17 =	sshll.u32 s0, $0xA;
	s2 =	sadd.s32 s3, s2  }
0x8d: {  	s2 =	sadd.s32 s2, s17  }
0x8e: {  	[smem:$0x3FC6] =	sst s2  }
0x8f: {  	_ = 	snop  }
0x90: {  	s2 =	sld [smem:$0x3FC9]  }
0x91: {  	s18 =	sld [smem:$0x3FC8];
	(tm) =	ssettm $0x1  }
0x92: {  	s4 =	sld [smem:$0x3FFB];
	_ =	sdelay $0x3  }
0x93: {  	_ =	strace s4  }
0x94: {  	s4 =	sld [smem:$0x3FFC];
	_ =	sdelay $0x3  }
0x95: {  	_ =	strace s4  }
0x96: {  	s4 =	sld [smem:$0x3FFD];
	_ =	sdelay $0x3  }
0x97: {  	_ =	strace s4  }
0x98: {  	_ =	strace $0x8FFFFFFF  }
0x99: {  	s19 =	sld [smem:$0x3FDB];
	_ =	sdelay $0x1  }
0x9a: {  	s5 =	simm.s32 $_scs_section_size  }
0x9b: {  	s6 =	simm.s32 $_size__tile_overlayer_lowered;
	s7 =	simm.s32 $_tile_overlayer_lowered  }
0x9c: {  	s22 =	simm.s32 $0x1BFF;
	s21 =	sshll.u32 s7, $0x1;
	s4 =	sadd.s32 s5, s19  }
0x9d: {  	s8 =	simm.s32 $0x0;
	s20 =	sshll.u32 s6, $0x1;
	s6 =	sadd.s32 s21, s4  }
0x9e: {  	[timem:s8], [sflag:s22] =	dma.local [hbm:s6], s20  }
0x9f: {  	_ =	swait.ge [sflag:s22], s20  }
0xa0: {  	s5 =	ssub.s32 $0x0, s20;
	[sflag:s22] =	ssyncset.done $0x0  }
0xa1: {  	[sflag:s22] =	ssyncadd.s32 s5;
	_ =	sdelay $0x1  }
0xa2: {  	s23 =	simm.s32 $0x1B8B  }
0xa3: {  	_ =	swait.ge [sflag:s23], $0x1  }
0xa4: {  	[sflag:s23] =	ssyncset.done $0x0  }
0xa5: {  	s25 =	simm.s32 $0x1B8E;
	s24 =	sld [smem:$0x3FFE];
	[sflag:s23] =	ssyncadd.s32 $0xFFFFFFFF  }
0xa6: {  	s26 =	simm.s32 $execute0_lowered;
	[smem:$0x3FD2] =	sst s25  }
0xa7: {  	s6 =	sshll.u32 s26, $0x1;
	_ =	strace $0x80000046;
	[dreg:$0x1] =	wrdreg $0xFFFFFFFF  }
0xa8: {  	s28 =	simm.s32 $_size_execute0_lowered;
	s4 =	sadd.s32 s4, s6;
	[dreg:$0x0] =	wrdreg $0x0  }
0xa9: {  	s6 =	sshll.u32 s28, $0x1;
	[dreg:$0x2] =	wrdreg s4  }
0xaa: {  	[dreg:$0x3] =	wrdreg s6  }
0xab: {  	[dreg:$0x4] =	wrdreg $0xC0  }
0xac: {  	_ =	task [dreg:s8], $0x5FFFF  }
0xad: {  	[dreg:$0x1] =	wrdreg $0xFFFFFFFF  }
0xae: {  	[dreg:$0x0] =	wrdreg $0x60  }
0xaf: {  	[dreg:$0x2] =	wrdreg s2  }
0xb0: {  	[dreg:$0x3] =	wrdreg s18  }
0xb1: {  	[dreg:$0x4] =	wrdreg s24  }
0xb2: {  	[dreg:$0x5] =	wrdreg $0x9  }
0xb3: {  	_ =	task.clear_ibuf [dreg:s8], $0x6FFFF;
	_ =	strace $0x90000046  }
0xb4: {  	s29 =	simm.s32 $0x9;
	_ =	strace $0x80000048  }
0xb5: {  	_ =	swait.ge [sflag:s29], $0x1  }
0xb6: {  	[sflag:s29] =	ssyncadd.s32 $0xFFFFFFFF  }
0xb7: {  	_ =	strace $0x90000048  }
0xb8: {  	_ =	sfence  }
0xb9: {  	s30 =	sld [smem:$0x0];
	_ =	sdelay $0x2  }
0xba: {  	s31 =	sshll.u32 s1, $0xD;
	s1 =	sshrl.u32 s1, $0x2  }
0xbb: {  	s3 =	sand.u32 $0x4000, s31;
	s1 =	sadd.s32 s1, s30  }
0xbc: {  	s0 =	sor.u32 s3, s0;
	s1 =	sshll.u32 s1, $0x11  }
0xbd: {  	s0 =	sor.u32 s1, s0  }
0xbe: {  	s0 =	sadd.s32 $0x8F2B, s0  }
0xbf: {  	[sflag:s0] =	ssyncadd.remote.s32 $0x1  }
0xc0: {  	_ =	sfence.sel $0xFFFF  }
0xc1: {  	[dreg:$0x0] =	wrdreg $0xFFFFFFFF;
	(pc) =	sbr.abs _section_cstart, $3  }
0xc2: {  	[dreg:$0x1] =	wrdreg $0xFFFFFFFF  }
0xc3: {  	_ =	task.clear_ibuf [dreg:s8], $0x2FFFF;
	_ =	strace $0x9FFFFFFF  }
0xc4: {  	(tm) =	ssettm $0x7FFFFFFF  }
0xc5: {  	_ =	shalt  }
tec
execute0_lowered:
.L_overlay_start_1:
0x0: {  	(tag) =	ssettag $0x1  }
0x1: {  	v0 =	vlaneseq.u32  }
0x2: {  	v0 =	vmul.u32 $0x10, v0;
	_ =	sdelay $0x1  }
0x3: {  	v3 =	vor.u32 $0x1, v0  }
0x4: {  	v1 =	vimm.f32 $0.0e+00;
	v2 =	vimm.f32 $1.000000000e+00;
	[tilespmem:$0x1FED0] =	vst v3;
	v3 =	vor.u32 $0x2, v0  }
0x5: {  	v22 =	vor.u32 $0x104, v0;
	v23 =	vor.u32 $0x105, v0;
	[tilespmem:$0x1FEE0] =	vst v3;
	v3 =	vor.u32 $0x3, v0  }
0x6: {  	v24 =	vor.u32 $0x106, v0;
	v25 =	vor.u32 $0x107, v0;
	[tilespmem:$0x1FEF0] =	vst v3;
	v3 =	vor.u32 $0x4, v0  }
0x7: {  	v26 =	vor.u32 $0x108, v0;
	v27 =	vor.u32 $0x109, v0;
	[tilespmem:$0x1FF00] =	vst v3;
	v3 =	vor.u32 $0x5, v0  }
0x8: {  	s0 =	rddreg [dreg:$0x0];
	v28 =	vor.u32 $0x10A, v0;
	v29 =	vor.u32 $0x10B, v0;
	[tilespmem:$0x1FF10] =	vst v3;
	v3 =	vor.u32 $0x6, v0  }
0x9: {  	s1 =	rddreg [dreg:$0x1];
	v30 =	vor.u32 $0x10C, v0;
	v31 =	vor.u32 $0x10D, v0;
	[tilespmem:$0x1FF20] =	vst v3;
	v3 =	vor.u32 $0x7, v0  }
0xa: {  	s2 =	rddreg [dreg:$0x2];
	v32 =	vor.u32 $0x10E, v0;
	v33 =	vor.u32 $0x10F, v0;
	[tilespmem:$0x1FF30] =	vst v3;
	v3 =	vor.u32 $0x8, v0  }
0xb: {  	s3 =	srdreg.scid;
	s5 =	stileid.u32;
	s4 =	simm.s32 $0x0;
	v34 =	vor.u32 $0x200, v0;
	v35 =	vor.u32 $0x201, v0;
	[tilespmem:$0x1FF40] =	vst v3;
	v3 =	vor.u32 $0x9, v0  }
0xc: {  	s16 =	simm.s32 $0x5;
	s20 =	simm.s32 $0x4100;
	s21 =	simm.s32 $0xC100;
	v36 =	vor.u32 $0x202, v0;
	v37 =	vor.u32 $0x203, v0;
	[tilespmem:$0x1FF50] =	vst v3;
	v3 =	vor.u32 $0xA, v0  }
0xd: {  	s22 =	simm.s32 $0x1;
	s23 =	simm.s32 $0x3;
	s24 =	simm.s32 $0x10100;
	v38 =	vor.u32 $0x204, v0;
	v39 =	vor.u32 $0x205, v0;
	[tilespmem:$0x1FF60] =	vst v3;
	v3 =	vor.u32 $0xB, v0  }
0xe: {  	s25 =	simm.s32 $0x10500;
	s28 =	simm.s32 $0x4;
	s30 =	simm.s32 $0x10980;
	v40 =	vor.u32 $0x206, v0;
	v41 =	vor.u32 $0x207, v0;
	[tilespmem:$0x1FF70] =	vst v3;
	v3 =	vor.u32 $0xC, v0  }
0xf: {  	s31 =	simm.s32 $0x0;
	s3 =	sand.u32 $0x1, s3;
	s5 =	sshll.u32 s5, $0x1;
	v42 =	vor.u32 $0x208, v0;
	v43 =	vor.u32 $0x209, v0;
	[tilespmem:$0x1FF80] =	vst v3;
	v3 =	vor.u32 $0xD, v0  }
0x10: {  	[smem:$0x7FF] =	sst s4;
	s6 =	sor.u32 s3, s5;
	s3 =	ssub.s32 $0x2, s3;
	v44 =	vor.u32 $0x20A, v0;
	v45 =	vor.u32 $0x20B, v0;
	[tilespmem:$0x1FF90] =	vst v3;
	v3 =	vor.u32 $0xE, v0  }
0x11: {  	s12 =	smul.u32 $0x70000, s6;
	s6 =	sshll.u32 s6, $0x4;
	s26 =	sshrl.u32 s3, $0x1;
	v46 =	vor.u32 $0x20C, v0;
	v47 =	vor.u32 $0x20D, v0;
	[tilespmem:$0x1FFA0] =	vst v3;
	v3 =	vor.u32 $0xF, v0  }
0x12: {  	s5 =	sadd.s32 $0xE00, s2;
	v48 =	vor.u32 $0x20E, v0;
	v49 =	vor.u32 $0x20F, v0;
	s14 =	sadd.s32 s6, s2;
	s3 =	ssub.s32 s3, s26;
	[tilespmem:$0x1FFB0] =	vst v3;
	v3 =	vor.u32 $0x100, v0  }
.Ltmp0:
0x13: {  	v50 =	vor.u32 $0x300, v0;
	v51 =	vor.u32 $0x301, v0;
	s6 =	sadd.s32 $0xE10, s2;
	s26 =	simm.s32 $0x2;
	[tilespmem:$0x1FFC0] =	vst v3;
	v3 =	vor.u32 $0x101, v0;
	(pc) =	sbr.rel .LBB2_1-.Ltmp0, $4  }
0x14: {  	v52 =	vor.u32 $0x302, v0;
	v53 =	vor.u32 $0x303, v0;
	s8 =	sshrl.u32 s12, $0x3;
	s11 =	sor.u32 $0x8000, s12;
	s12 =	sor.u32 $0xC000, s12;
	[tilespmem:$0x1FFD0] =	vst v3;
	v3 =	vor.u32 $0x102, v0  }
0x15: {  	v54 =	vor.u32 $0x304, v0;
	v55 =	vor.u32 $0x305, v0;
	s13 =	sadd.s32 $0x1000, s14;
	s14 =	sadd.s32 $0x1008, s14;
	s15 =	smax.u32 s3, $0x1;
	[tilespmem:$0x1FFE0] =	vst v3;
	v3 =	vor.u32 $0x103, v0  }
0x16: {  	v56 =	vor.u32 $0x306, v0;
	v57 =	vor.u32 $0x307, v0;
	v58 =	vor.u32 $0x308, v0;
	s29 =	sor.u32 $0x800, s8;
	s7 =	sadd.s32 s0, s8;
	s8 =	sadd.s32 s1, s8;
	[tilespmem:$0x1FFF0] =	vst v3  }
0x17: {  	v59 =	vor.u32 $0x309, v0;
	v60 =	vor.u32 $0x30A, v0;
	v61 =	vor.u32 $0x30B, v0;
	s9 =	sadd.s32 s0, s29;
	s10 =	sadd.s32 s1, s29;
	_ =	strace $0x80000047  }
.LBB2_8:
0x18: {  	v6 =	vld [tilespmem:$0x1FED0];
	_ =	sdelay $0x1  }
0x19: {  	v8 =	vld [tilespmem:$0x1FEE0];
	_ =	sdelay $0x1  }
0x1a: {  	v3 =	vld.idx.msk [tilespmem:v0+s24+$0x0], $0xffff  }
0x1b: {  	v10 =	vld [tilespmem:$0x1FEF0]  }
0x1c: {  	v4 =	vld.idx.msk [tilespmem:v0+s25+$0x0], $0xffff  }
0x1d: {  	v63 =	vld [tilespmem:$0x1FF00]  }
0x1e: {  	v5 =	vld.idx.msk [tilespmem:v6+s24+$0x0], $0xffff  }
0x1f: {  	v6 =	vld.idx.msk [tilespmem:v6+s25+$0x0], $0xffff  }
0x20: {  	v7 =	vld.idx.msk [tilespmem:v8+s24+$0x0], $0xffff  }
0x21: {  	v8 =	vld.idx.msk [tilespmem:v8+s25+$0x0], $0xffff  }
0x22: {  	v14 =	vld [tilespmem:$0x1FF10];
	v4 =	vadd.f32 $0.0e+00, v4  }
0x23: {  	v62 =	vld.idx.msk [tilespmem:v10+s25+$0x0], $0xffff  }
0x24: {  	v4 =	vadd.f32 v6, v4  }
0x25: {  	v17 =	vld [tilespmem:$0x1FF20]  }
0x26: {  	v4 =	vadd.f32 v8, v4  }
0x27: {  	v13 =	vld.idx.msk [tilespmem:v63+s25+$0x0], $0xffff  }
0x28: {  	v3 =	vadd.f32 $0.0e+00, v3;
	v4 =	vadd.f32 v62, v4;
	v62 =	vld [tilespmem:$0x1FF30]  }
0x29: {  	v9 =	vld.idx.msk [tilespmem:v10+s24+$0x0], $0xffff  }
0x2a: {  	v16 =	vld.idx.msk [tilespmem:v14+s25+$0x0], $0xffff;
	v3 =	vadd.f32 v5, v3  }
0x2b: {  	v12 =	vld.idx.msk [tilespmem:v63+s24+$0x0], $0xffff  }
0x2c: {  	v3 =	vadd.f32 v7, v3;
	v4 =	vadd.f32 v13, v4;
	v13 =	vld [tilespmem:$0x1FF40]  }
0x2d: {  	v19 =	vld.idx.msk [tilespmem:v17+s25+$0x0], $0xffff  }
0x2e: {  	v15 =	vld.idx.msk [tilespmem:v14+s24+$0x0], $0xffff;
	v3 =	vadd.f32 v9, v3  }
0x2f: {  	v4 =	vadd.f32 v16, v4;
	v16 =	vld [tilespmem:$0x1FF50]  }
0x30: {  	v3 =	vadd.f32 v12, v3;
	v12 =	vld.idx.msk [tilespmem:v62+s25+$0x0], $0xffff  }
0x31: {  	v18 =	vld.idx.msk [tilespmem:v17+s24+$0x0], $0xffff  }
0x32: {  	v4 =	vadd.f32 v19, v4;
	v19 =	vld [tilespmem:$0x1FF60]  }
0x33: {  	v63 =	vld.idx.msk [tilespmem:v62+s24+$0x0], $0xffff  }
0x34: {  	v3 =	vadd.f32 v15, v3;
	v15 =	vld.idx.msk [tilespmem:v13+s25+$0x0], $0xffff  }
0x35: {  	v4 =	vadd.f32 v12, v4;
	v12 =	vld [tilespmem:$0x1FF70];
	_ =	sdelay $0x1  }
0x36: {  	v3 =	vadd.f32 v18, v3;
	v18 =	vld.idx.msk [tilespmem:v16+s25+$0x0], $0xffff  }
0x37: {  	v14 =	vld.idx.msk [tilespmem:v13+s24+$0x0], $0xffff;
	_ =	sdelay $0x1  }
0x38: {  	v3 =	vadd.f32 v63, v3;
	v63 =	vld.idx.msk [tilespmem:v19+s25+$0x0], $0xffff;
	v4 =	vadd.f32 v15, v4  }
0x39: {  	v15 =	vld [tilespmem:$0x1FF80]  }
0x3a: {  	v4 =	vadd.f32 v18, v4;
	v18 =	vld [tilespmem:$0x1FF90]  }
0x3b: {  	v3 =	vadd.f32 v14, v3;
	v14 =	vld.idx.msk [tilespmem:v12+s25+$0x0], $0xffff  }
0x3c: {  	v17 =	vld.idx.msk [tilespmem:v16+s24+$0x0], $0xffff  }
0x3d: {  	v4 =	vadd.f32 v63, v4;
	v63 =	vld [tilespmem:$0x1FFA0]  }
0x3e: {  	v62 =	vld.idx.msk [tilespmem:v19+s24+$0x0], $0xffff  }
0x3f: {  	v13 =	vld.idx.msk [tilespmem:v12+s24+$0x0], $0xffff  }
0x40: {  	v4 =	vadd.f32 v14, v4;
	v14 =	vld [tilespmem:$0x1FFB0]  }
0x41: {  	v3 =	vadd.f32 v17, v3;
	v16 =	vld.idx.msk [tilespmem:v15+s24+$0x0], $0xffff  }
0x42: {  	v17 =	vld.idx.msk [tilespmem:v15+s25+$0x0], $0xffff  }
0x43: {  	v3 =	vadd.f32 v62, v3;
	v19 =	vld.idx.msk [tilespmem:v18+s24+$0x0], $0xffff  }
0x44: {  	v62 =	vld.idx.msk [tilespmem:v18+s25+$0x0], $0xffff  }
0x45: {  	v3 =	vadd.f32 v13, v3;
	v12 =	vld.idx.msk [tilespmem:v63+s24+$0x0], $0xffff  }
0x46: {  	v13 =	vld.idx.msk [tilespmem:v63+s25+$0x0], $0xffff  }
0x47: {  	v3 =	vadd.f32 v16, v3;
	v4 =	vadd.f32 v17, v4;
	v17 =	vld [tilespmem:$0x1FFC0]  }
0x48: {  	v15 =	vld.idx.msk [tilespmem:v14+s24+$0x0], $0xffff  }
0x49: {  	v3 =	vadd.f32 v19, v3;
	v16 =	vld.idx.msk [tilespmem:v14+s25+$0x0], $0xffff  }
0x4a: {  	v4 =	vadd.f32 v62, v4  }
0x4b: {  	v18 =	vld [tilespmem:$0x1FFD0];
	v3 =	vadd.f32 v12, v3  }
0x4c: {  	v4 =	vadd.f32 v13, v4  }
0x4d: {  	v62 =	vld [tilespmem:$0x1FFE0];
	v3 =	vadd.f32 v15, v3  }
0x4e: {  	v4 =	vadd.f32 v16, v4  }
0x4f: {  	v12 =	vld [tilespmem:$0x1FFF0];
	[tilespmem:$0x10900] =	vst v3  }
0x50: {  	[tilespmem:$0x10980] =	vst v4  }
0x51: {  	v3 =	vld.idx.msk [tilespmem:v17+s24+$0x0], $0xffff  }
0x52: {  	v4 =	vld.idx.msk [tilespmem:v17+s25+$0x0], $0xffff  }
0x53: {  	v19 =	vld.idx.msk [tilespmem:v18+s24+$0x0], $0xffff  }
0x54: {  	v6 =	vld.idx.msk [tilespmem:v18+s25+$0x0], $0xffff  }
0x55: {  	v63 =	vld.idx.msk [tilespmem:v62+s24+$0x0], $0xffff  }
0x56: {  	v8 =	vld.idx.msk [tilespmem:v62+s25+$0x0], $0xffff;
	v3 =	vadd.f32 $0.0e+00, v3  }
0x57: {  	v13 =	vld.idx.msk [tilespmem:v12+s24+$0x0], $0xffff;
	v4 =	vadd.f32 $0.0e+00, v4  }
0x58: {  	v14 =	vld.idx.msk [tilespmem:v12+s25+$0x0], $0xffff;
	v3 =	vadd.f32 v19, v3  }
0x59: {  	v15 =	vld.idx.msk [tilespmem:v22+s24+$0x0], $0xffff;
	v4 =	vadd.f32 v6, v4  }
0x5a: {  	v16 =	vld.idx.msk [tilespmem:v22+s25+$0x0], $0xffff;
	v3 =	vadd.f32 v63, v3  }
0x5b: {  	v17 =	vld.idx.msk [tilespmem:v23+s24+$0x0], $0xffff;
	v4 =	vadd.f32 v8, v4  }
0x5c: {  	v18 =	vld.idx.msk [tilespmem:v23+s25+$0x0], $0xffff;
	v3 =	vadd.f32 v13, v3  }
0x5d: {  	v19 =	vld.idx.msk [tilespmem:v24+s24+$0x0], $0xffff;
	v4 =	vadd.f32 v14, v4  }
0x5e: {  	v62 =	vld.idx.msk [tilespmem:v24+s25+$0x0], $0xffff;
	v3 =	vadd.f32 v15, v3  }
0x5f: {  	v63 =	vld.idx.msk [tilespmem:v25+s24+$0x0], $0xffff;
	v4 =	vadd.f32 v16, v4  }
0x60: {  	v12 =	vld.idx.msk [tilespmem:v25+s25+$0x0], $0xffff;
	v3 =	vadd.f32 v17, v3  }
0x61: {  	v13 =	vld.idx.msk [tilespmem:v26+s24+$0x0], $0xffff;
	v4 =	vadd.f32 v18, v4  }
0x62: {  	v14 =	vld.idx.msk [tilespmem:v26+s25+$0x0], $0xffff;
	v3 =	vadd.f32 v19, v3  }
0x63: {  	v15 =	vld.idx.msk [tilespmem:v27+s24+$0x0], $0xffff;
	v4 =	vadd.f32 v62, v4  }
0x64: {  	v16 =	vld.idx.msk [tilespmem:v27+s25+$0x0], $0xffff;
	v3 =	vadd.f32 v63, v3  }
0x65: {  	v17 =	vld.idx.msk [tilespmem:v28+s24+$0x0], $0xffff;
	v4 =	vadd.f32 v12, v4  }
0x66: {  	v18 =	vld.idx.msk [tilespmem:v28+s25+$0x0], $0xffff;
	v3 =	vadd.f32 v13, v3  }
0x67: {  	v19 =	vld.idx.msk [tilespmem:v29+s24+$0x0], $0xffff;
	v4 =	vadd.f32 v14, v4  }
0x68: {  	v62 =	vld.idx.msk [tilespmem:v29+s25+$0x0], $0xffff;
	v3 =	vadd.f32 v15, v3  }
0x69: {  	v63 =	vld.idx.msk [tilespmem:v30+s24+$0x0], $0xffff;
	v4 =	vadd.f32 v16, v4  }
0x6a: {  	v12 =	vld.idx.msk [tilespmem:v30+s25+$0x0], $0xffff;
	v3 =	vadd.f32 v17, v3  }
0x6b: {  	v13 =	vld.idx.msk [tilespmem:v31+s24+$0x0], $0xffff;
	v4 =	vadd.f32 v18, v4  }
0x6c: {  	v14 =	vld.idx.msk [tilespmem:v31+s25+$0x0], $0xffff;
	v3 =	vadd.f32 v19, v3  }
0x6d: {  	v15 =	vld.idx.msk [tilespmem:v32+s24+$0x0], $0xffff;
	v4 =	vadd.f32 v62, v4  }
0x6e: {  	v16 =	vld.idx.msk [tilespmem:v32+s25+$0x0], $0xffff;
	v3 =	vadd.f32 v63, v3  }
0x6f: {  	v17 =	vld.idx.msk [tilespmem:v33+s24+$0x0], $0xffff;
	v4 =	vadd.f32 v12, v4  }
0x70: {  	v18 =	vld.idx.msk [tilespmem:v33+s25+$0x0], $0xffff;
	v3 =	vadd.f32 v13, v3  }
0x71: {  	v4 =	vadd.f32 v14, v4  }
0x72: {  	v3 =	vadd.f32 v15, v3  }
0x73: {  	v4 =	vadd.f32 v16, v4  }
0x74: {  	v3 =	vadd.f32 v17, v3  }
0x75: {  	v4 =	vadd.f32 v18, v4  }
0x76: {  	[tilespmem:$0x10910] =	vst v3  }
0x77: {  	[tilespmem:$0x10990] =	vst v4  }
0x78: {  	v3 =	vld.idx.msk [tilespmem:v34+s24+$0x0], $0xffff  }
0x79: {  	v4 =	vld.idx.msk [tilespmem:v34+s25+$0x0], $0xffff  }
0x7a: {  	v19 =	vld.idx.msk [tilespmem:v35+s24+$0x0], $0xffff  }
0x7b: {  	v62 =	vld.idx.msk [tilespmem:v35+s25+$0x0], $0xffff  }
0x7c: {  	v63 =	vld.idx.msk [tilespmem:v36+s24+$0x0], $0xffff  }
0x7d: {  	v12 =	vld.idx.msk [tilespmem:v36+s25+$0x0], $0xffff;
	v3 =	vadd.f32 $0.0e+00, v3  }
0x7e: {  	v13 =	vld.idx.msk [tilespmem:v37+s24+$0x0], $0xffff;
	v4 =	vadd.f32 $0.0e+00, v4  }
0x7f: {  	v14 =	vld.idx.msk [tilespmem:v37+s25+$0x0], $0xffff;
	v3 =	vadd.f32 v19, v3  }
0x80: {  	v15 =	vld.idx.msk [tilespmem:v38+s24+$0x0], $0xffff;
	v4 =	vadd.f32 v62, v4  }
0x81: {  	v16 =	vld.idx.msk [tilespmem:v38+s25+$0x0], $0xffff;
	v3 =	vadd.f32 v63, v3  }
0x82: {  	v17 =	vld.idx.msk [tilespmem:v39+s24+$0x0], $0xffff;
	v4 =	vadd.f32 v12, v4  }
0x83: {  	v18 =	vld.idx.msk [tilespmem:v39+s25+$0x0], $0xffff;
	v3 =	vadd.f32 v13, v3  }
0x84: {  	v19 =	vld.idx.msk [tilespmem:v40+s24+$0x0], $0xffff;
	v4 =	vadd.f32 v14, v4  }
0x85: {  	v62 =	vld.idx.msk [tilespmem:v40+s25+$0x0], $0xffff;
	v3 =	vadd.f32 v15, v3  }
0x86: {  	v63 =	vld.idx.msk [tilespmem:v41+s24+$0x0], $0xffff;
	v4 =	vadd.f32 v16, v4  }
0x87: {  	v12 =	vld.idx.msk [tilespmem:v41+s25+$0x0], $0xffff;
	v3 =	vadd.f32 v17, v3  }
0x88: {  	v13 =	vld.idx.msk [tilespmem:v42+s24+$0x0], $0xffff;
	v4 =	vadd.f32 v18, v4  }
0x89: {  	v14 =	vld.idx.msk [tilespmem:v42+s25+$0x0], $0xffff;
	v3 =	vadd.f32 v19, v3  }
0x8a: {  	v15 =	vld.idx.msk [tilespmem:v43+s24+$0x0], $0xffff;
	v4 =	vadd.f32 v62, v4  }
0x8b: {  	v16 =	vld.idx.msk [tilespmem:v43+s25+$0x0], $0xffff;
	v3 =	vadd.f32 v63, v3  }
0x8c: {  	v17 =	vld.idx.msk [tilespmem:v44+s24+$0x0], $0xffff;
	v4 =	vadd.f32 v12, v4  }
0x8d: {  	v18 =	vld.idx.msk [tilespmem:v44+s25+$0x0], $0xffff;
	v3 =	vadd.f32 v13, v3  }
0x8e: {  	v19 =	vld.idx.msk [tilespmem:v45+s24+$0x0], $0xffff;
	v4 =	vadd.f32 v14, v4  }
0x8f: {  	v62 =	vld.idx.msk [tilespmem:v45+s25+$0x0], $0xffff;
	v3 =	vadd.f32 v15, v3  }
0x90: {  	v63 =	vld.idx.msk [tilespmem:v46+s24+$0x0], $0xffff;
	v4 =	vadd.f32 v16, v4  }
0x91: {  	v12 =	vld.idx.msk [tilespmem:v46+s25+$0x0], $0xffff;
	v3 =	vadd.f32 v17, v3  }
0x92: {  	v13 =	vld.idx.msk [tilespmem:v47+s24+$0x0], $0xffff;
	v4 =	vadd.f32 v18, v4  }
0x93: {  	v14 =	vld.idx.msk [tilespmem:v47+s25+$0x0], $0xffff;
	v3 =	vadd.f32 v19, v3  }
0x94: {  	v15 =	vld.idx.msk [tilespmem:v48+s24+$0x0], $0xffff;
	v4 =	vadd.f32 v62, v4  }
0x95: {  	v16 =	vld.idx.msk [tilespmem:v48+s25+$0x0], $0xffff;
	v3 =	vadd.f32 v63, v3  }
0x96: {  	v17 =	vld.idx.msk [tilespmem:v49+s24+$0x0], $0xffff;
	v4 =	vadd.f32 v12, v4  }
0x97: {  	v18 =	vld.idx.msk [tilespmem:v49+s25+$0x0], $0xffff;
	v3 =	vadd.f32 v13, v3  }
0x98: {  	v4 =	vadd.f32 v14, v4  }
0x99: {  	v3 =	vadd.f32 v15, v3  }
0x9a: {  	v4 =	vadd.f32 v16, v4  }
0x9b: {  	v3 =	vadd.f32 v17, v3  }
0x9c: {  	v4 =	vadd.f32 v18, v4  }
0x9d: {  	[tilespmem:$0x10920] =	vst v3  }
0x9e: {  	[tilespmem:$0x109A0] =	vst v4  }
0x9f: {  	v3 =	vld.idx.msk [tilespmem:v50+s24+$0x0], $0xffff  }
0xa0: {  	v4 =	vld.idx.msk [tilespmem:v50+s25+$0x0], $0xffff  }
0xa1: {  	v19 =	vld.idx.msk [tilespmem:v51+s24+$0x0], $0xffff  }
0xa2: {  	v62 =	vld.idx.msk [tilespmem:v51+s25+$0x0], $0xffff  }
0xa3: {  	v63 =	vld.idx.msk [tilespmem:v52+s24+$0x0], $0xffff  }
0xa4: {  	v12 =	vld.idx.msk [tilespmem:v52+s25+$0x0], $0xffff;
	v3 =	vadd.f32 $0.0e+00, v3  }
0xa5: {  	v13 =	vld.idx.msk [tilespmem:v53+s24+$0x0], $0xffff;
	v4 =	vadd.f32 $0.0e+00, v4  }
0xa6: {  	v14 =	vld.idx.msk [tilespmem:v53+s25+$0x0], $0xffff;
	v3 =	vadd.f32 v19, v3  }
0xa7: {  	v15 =	vld.idx.msk [tilespmem:v54+s24+$0x0], $0xffff;
	v4 =	vadd.f32 v62, v4  }
0xa8: {  	v16 =	vld.idx.msk [tilespmem:v54+s25+$0x0], $0xffff;
	v3 =	vadd.f32 v63, v3  }
0xa9: {  	v17 =	vld.idx.msk [tilespmem:v55+s24+$0x0], $0xffff;
	v4 =	vadd.f32 v12, v4  }
0xaa: {  	v18 =	vld.idx.msk [tilespmem:v55+s25+$0x0], $0xffff;
	v3 =	vadd.f32 v13, v3  }
0xab: {  	v19 =	vld.idx.msk [tilespmem:v56+s24+$0x0], $0xffff;
	v4 =	vadd.f32 v14, v4  }
0xac: {  	v62 =	vld.idx.msk [tilespmem:v56+s25+$0x0], $0xffff;
	v3 =	vadd.f32 v15, v3  }
0xad: {  	v63 =	vld.idx.msk [tilespmem:v57+s24+$0x0], $0xffff;
	v4 =	vadd.f32 v16, v4  }
0xae: {  	v12 =	vld.idx.msk [tilespmem:v57+s25+$0x0], $0xffff;
	v3 =	vadd.f32 v17, v3  }
0xaf: {  	v13 =	vld.idx.msk [tilespmem:v58+s24+$0x0], $0xffff;
	v4 =	vadd.f32 v18, v4  }
0xb0: {  	v14 =	vld.idx.msk [tilespmem:v58+s25+$0x0], $0xffff;
	v3 =	vadd.f32 v19, v3  }
0xb1: {  	v15 =	vld.idx.msk [tilespmem:v59+s24+$0x0], $0xffff;
	v4 =	vadd.f32 v62, v4  }
0xb2: {  	v16 =	vld.idx.msk [tilespmem:v59+s25+$0x0], $0xffff;
	v17 =	vor.u32 $0x30C, v0;
	v3 =	vadd.f32 v63, v3  }
0xb3: {  	v18 =	vld.idx.msk [tilespmem:v60+s24+$0x0], $0xffff;
	v4 =	vadd.f32 v12, v4  }
0xb4: {  	v11 =	vor.u32 $0x30D, v0;
	v19 =	vld.idx.msk [tilespmem:v60+s25+$0x0], $0xffff;
	v3 =	vadd.f32 v13, v3  }
0xb5: {  	v62 =	vld.idx.msk [tilespmem:v61+s24+$0x0], $0xffff;
	v4 =	vadd.f32 v14, v4  }
0xb6: {  	v63 =	vld.idx.msk [tilespmem:v61+s25+$0x0], $0xffff;
	v12 =	vor.u32 $0x30E, v0;
	v3 =	vadd.f32 v15, v3  }
0xb7: {  	v13 =	vld.idx.msk [tilespmem:v17+s24+$0x0], $0xffff;
	v4 =	vadd.f32 v16, v4  }
0xb8: {  	v14 =	vld.idx.msk [tilespmem:v17+s25+$0x0], $0xffff;
	v15 =	vor.u32 $0x30F, v0;
	v3 =	vadd.f32 v18, v3  }
0xb9: {  	v16 =	vld.idx.msk [tilespmem:v11+s24+$0x0], $0xffff;
	v4 =	vadd.f32 v19, v4  }
0xba: {  	v17 =	vld.idx.msk [tilespmem:v11+s25+$0x0], $0xffff;
	v3 =	vadd.f32 v62, v3  }
0xbb: {  	v18 =	vld.idx.msk [tilespmem:v12+s24+$0x0], $0xffff;
	v4 =	vadd.f32 v63, v4  }
0xbc: {  	v19 =	vld.idx.msk [tilespmem:v12+s25+$0x0], $0xffff;
	v3 =	vadd.f32 v13, v3  }
0xbd: {  	v62 =	vld.idx.msk [tilespmem:v15+s24+$0x0], $0xffff;
	v4 =	vadd.f32 v14, v4  }
0xbe: {  	v63 =	vld.idx.msk [tilespmem:v15+s25+$0x0], $0xffff;
	v3 =	vadd.f32 v16, v3  }
0xbf: {  	v4 =	vadd.f32 v17, v4  }
0xc0: {  	v3 =	vadd.f32 v18, v3  }
0xc1: {  	v4 =	vadd.f32 v19, v4  }
0xc2: {  	v3 =	vadd.f32 v62, v3  }
0xc3: {  	v4 =	vadd.f32 v63, v4  }
0xc4: {  	[tilespmem:$0x10930] =	vst v3  }
0xc5: {  	s2 =	simm.s32 $0x10900;
	[tilespmem:$0x109B0] =	vst v4  }
0xc6: {  	[hbm4b:s13+s4] =	stream.linear.scatter [tilespmem:s2], [sflag:$0x5], $0x40, $0x38;
	[tilespmem:$0x10A00] =	vst v63  }
0xc7: {  	s31 =	sadd.s32 $0x1, s31;
	_ =	swait.ge [sflag:s16], $0x40  }
0xc8: {  	p0 =	sne.s32 s31, s15;
	[sflag:s16] =	ssyncset.done $0x0  }
.Ltmp1:
0xc9: {  	[sflag:s16] =	ssyncadd.s32 $0xFFFFFFC0;
	(pc) =	sbr.rel @!p0 .LBB2_9-.Ltmp1, $4  }
0xca: {  	[hbm4b:s14+s4] =	stream.linear.scatter [tilespmem:s30], [sflag:$0x5], $0x40, $0x38;
	[tilespmem:$0x10A00] =	vst v63  }
0xcb: {  	_ =	swait.ge [sflag:s16], $0x40  }
0xcc: {  	[sflag:s16] =	ssyncset.done $0x0  }
0xcd: {  	[sflag:s16] =	ssyncadd.s32 $0xFFFFFFC0  }
.LBB2_1:
0xce: {  	[tilespmem:s4], [sflag:$0x5] =	stream.linear.gather [hbm4b:s5+s4], $0x80, $0x38;
	[tilespmem:$0x10A00] =	vst v63  }
0xcf: {  	_ =	swait.ge [sflag:s16], $0x80  }
0xd0: {  	[sflag:s16] =	ssyncset.done $0x0  }
0xd1: {  	s2 =	simm.s32 $0x80;
	[sflag:s16] =	ssyncadd.s32 $0xFFFFFF80  }
0xd2: {  	[tilespmem:s2], [sflag:$0x5] =	stream.linear.gather [hbm4b:s6+s4], $0x80, $0x38;
	[tilespmem:$0x10A00] =	vst v63  }
0xd3: {  	_ =	swait.ge [sflag:s16], $0x80  }
0xd4: {  	[sflag:s16] =	ssyncset.done $0x0  }
0xd5: {  	[sflag:s16] =	ssyncadd.s32 $0xFFFFFF80  }
0xd6: {  	[tilespmem:$0x10100] =	vst v1  }
0xd7: {  	[tilespmem:$0x10110] =	vst v1  }
0xd8: {  	[tilespmem:$0x10120] =	vst v1  }
0xd9: {  	[tilespmem:$0x10130] =	vst v1  }
0xda: {  	[tilespmem:$0x10140] =	vst v1  }
0xdb: {  	[tilespmem:$0x10150] =	vst v1  }
0xdc: {  	[tilespmem:$0x10160] =	vst v1  }
0xdd: {  	[tilespmem:$0x10170] =	vst v1  }
0xde: {  	[tilespmem:$0x10180] =	vst v1  }
0xdf: {  	[tilespmem:$0x10190] =	vst v1  }
0xe0: {  	[tilespmem:$0x101A0] =	vst v1  }
0xe1: {  	[tilespmem:$0x101B0] =	vst v1  }
0xe2: {  	[tilespmem:$0x101C0] =	vst v1  }
0xe3: {  	[tilespmem:$0x101D0] =	vst v1  }
0xe4: {  	[tilespmem:$0x101E0] =	vst v1  }
0xe5: {  	[tilespmem:$0x101F0] =	vst v1  }
0xe6: {  	[tilespmem:$0x10200] =	vst v1  }
0xe7: {  	[tilespmem:$0x10210] =	vst v1  }
0xe8: {  	[tilespmem:$0x10220] =	vst v1  }
0xe9: {  	[tilespmem:$0x10230] =	vst v1  }
0xea: {  	[tilespmem:$0x10240] =	vst v1  }
0xeb: {  	[tilespmem:$0x10250] =	vst v1  }
0xec: {  	[tilespmem:$0x10260] =	vst v1  }
0xed: {  	[tilespmem:$0x10270] =	vst v1  }
0xee: {  	[tilespmem:$0x10280] =	vst v1  }
0xef: {  	[tilespmem:$0x10290] =	vst v1  }
0xf0: {  	[tilespmem:$0x102A0] =	vst v1  }
0xf1: {  	[tilespmem:$0x102B0] =	vst v1  }
0xf2: {  	[tilespmem:$0x102C0] =	vst v1  }
0xf3: {  	[tilespmem:$0x102D0] =	vst v1  }
0xf4: {  	[tilespmem:$0x102E0] =	vst v1  }
0xf5: {  	[tilespmem:$0x102F0] =	vst v1  }
0xf6: {  	[tilespmem:$0x10300] =	vst v1  }
0xf7: {  	[tilespmem:$0x10310] =	vst v1  }
0xf8: {  	[tilespmem:$0x10320] =	vst v1  }
0xf9: {  	[tilespmem:$0x10330] =	vst v1  }
0xfa: {  	[tilespmem:$0x10340] =	vst v1  }
0xfb: {  	[tilespmem:$0x10350] =	vst v1  }
0xfc: {  	[tilespmem:$0x10360] =	vst v1  }
0xfd: {  	[tilespmem:$0x10370] =	vst v1  }
0xfe: {  	[tilespmem:$0x10380] =	vst v1  }
0xff: {  	[tilespmem:$0x10390] =	vst v1  }
0x100: {  	[tilespmem:$0x103A0] =	vst v1  }
0x101: {  	[tilespmem:$0x103B0] =	vst v1  }
0x102: {  	[tilespmem:$0x103C0] =	vst v1  }
0x103: {  	[tilespmem:$0x103D0] =	vst v1  }
0x104: {  	[tilespmem:$0x103E0] =	vst v1  }
0x105: {  	[tilespmem:$0x103F0] =	vst v1  }
0x106: {  	[tilespmem:$0x10400] =	vst v1  }
0x107: {  	[tilespmem:$0x10410] =	vst v1  }
0x108: {  	[tilespmem:$0x10420] =	vst v1  }
0x109: {  	[tilespmem:$0x10430] =	vst v1  }
0x10a: {  	[tilespmem:$0x10440] =	vst v1  }
0x10b: {  	[tilespmem:$0x10450] =	vst v1  }
0x10c: {  	[tilespmem:$0x10460] =	vst v1  }
0x10d: {  	[tilespmem:$0x10470] =	vst v1  }
0x10e: {  	[tilespmem:$0x10480] =	vst v1  }
0x10f: {  	[tilespmem:$0x10490] =	vst v1  }
0x110: {  	[tilespmem:$0x104A0] =	vst v1  }
0x111: {  	[tilespmem:$0x104B0] =	vst v1  }
0x112: {  	[tilespmem:$0x104C0] =	vst v1  }
0x113: {  	[tilespmem:$0x104D0] =	vst v1  }
0x114: {  	[tilespmem:$0x104E0] =	vst v1  }
0x115: {  	[tilespmem:$0x104F0] =	vst v1  }
0x116: {  	[tilespmem:$0x10500] =	vst v1  }
0x117: {  	[tilespmem:$0x10510] =	vst v1  }
0x118: {  	[tilespmem:$0x10520] =	vst v1  }
0x119: {  	[tilespmem:$0x10530] =	vst v1  }
0x11a: {  	[tilespmem:$0x10540] =	vst v1  }
0x11b: {  	[tilespmem:$0x10550] =	vst v1  }
0x11c: {  	[tilespmem:$0x10560] =	vst v1  }
0x11d: {  	[tilespmem:$0x10570] =	vst v1  }
0x11e: {  	[tilespmem:$0x10580] =	vst v1  }
0x11f: {  	[tilespmem:$0x10590] =	vst v1  }
0x120: {  	[tilespmem:$0x105A0] =	vst v1  }
0x121: {  	[tilespmem:$0x105B0] =	vst v1  }
0x122: {  	[tilespmem:$0x105C0] =	vst v1  }
0x123: {  	[tilespmem:$0x105D0] =	vst v1  }
0x124: {  	[tilespmem:$0x105E0] =	vst v1  }
0x125: {  	[tilespmem:$0x105F0] =	vst v1  }
0x126: {  	[tilespmem:$0x10600] =	vst v1  }
0x127: {  	[tilespmem:$0x10610] =	vst v1  }
0x128: {  	[tilespmem:$0x10620] =	vst v1  }
0x129: {  	[tilespmem:$0x10630] =	vst v1  }
0x12a: {  	[tilespmem:$0x10640] =	vst v1  }
0x12b: {  	[tilespmem:$0x10650] =	vst v1  }
0x12c: {  	[tilespmem:$0x10660] =	vst v1  }
0x12d: {  	[tilespmem:$0x10670] =	vst v1  }
0x12e: {  	[tilespmem:$0x10680] =	vst v1  }
0x12f: {  	[tilespmem:$0x10690] =	vst v1  }
0x130: {  	[tilespmem:$0x106A0] =	vst v1  }
0x131: {  	[tilespmem:$0x106B0] =	vst v1  }
0x132: {  	[tilespmem:$0x106C0] =	vst v1  }
0x133: {  	[tilespmem:$0x106D0] =	vst v1  }
0x134: {  	[tilespmem:$0x106E0] =	vst v1  }
0x135: {  	[tilespmem:$0x106F0] =	vst v1  }
0x136: {  	[tilespmem:$0x10700] =	vst v1  }
0x137: {  	[tilespmem:$0x10710] =	vst v1  }
0x138: {  	[tilespmem:$0x10720] =	vst v1  }
0x139: {  	[tilespmem:$0x10730] =	vst v1  }
0x13a: {  	[tilespmem:$0x10740] =	vst v1  }
0x13b: {  	[tilespmem:$0x10750] =	vst v1  }
0x13c: {  	[tilespmem:$0x10760] =	vst v1  }
0x13d: {  	[tilespmem:$0x10770] =	vst v1  }
0x13e: {  	[tilespmem:$0x10780] =	vst v1  }
0x13f: {  	[tilespmem:$0x10790] =	vst v1  }
0x140: {  	[tilespmem:$0x107A0] =	vst v1  }
0x141: {  	[tilespmem:$0x107B0] =	vst v1  }
0x142: {  	[tilespmem:$0x107C0] =	vst v1  }
0x143: {  	[tilespmem:$0x107D0] =	vst v1  }
0x144: {  	[tilespmem:$0x107E0] =	vst v1  }
0x145: {  	[tilespmem:$0x107F0] =	vst v1  }
0x146: {  	[tilespmem:$0x10800] =	vst v1  }
0x147: {  	[tilespmem:$0x10810] =	vst v1  }
0x148: {  	[tilespmem:$0x10820] =	vst v1  }
0x149: {  	[tilespmem:$0x10830] =	vst v1  }
0x14a: {  	[tilespmem:$0x10840] =	vst v1  }
0x14b: {  	[tilespmem:$0x10850] =	vst v1  }
0x14c: {  	[tilespmem:$0x10860] =	vst v1  }
0x14d: {  	[tilespmem:$0x10870] =	vst v1  }
0x14e: {  	[tilespmem:$0x10880] =	vst v1  }
0x14f: {  	[tilespmem:$0x10890] =	vst v1  }
0x150: {  	[tilespmem:$0x108A0] =	vst v1  }
0x151: {  	[tilespmem:$0x108B0] =	vst v1  }
0x152: {  	[tilespmem:$0x108C0] =	vst v1  }
0x153: {  	[tilespmem:$0x108D0] =	vst v1  }
0x154: {  	[tilespmem:$0x108E0] =	vst v1  }
0x155: {  	s19 =	simm.s32 $0x100;
	v62 =	vld [tilespmem:$0x0];
	[tilespmem:$0x108F0] =	vst v1  }
0x156: {  	v63 =	vld [tilespmem:$0x80];
	[tilespmem:s19], [sflag:$0x1] =	stream.linear.gather [hbm4b:s7+s4], $0x4000, $0x38  }
0x157: {  	s29 =	simm.s32 $0x8100  }
0x158: {  	[tilespmem:s29], [sflag:$0x3] =	stream.linear.gather [hbm4b:s8+s4], $0x4000, $0x38;
	[tilespmem:$0x10A00] =	vst v63  }
0x159: {  	_ = 	snop  }
0x15a: {  	[tilespmem:s20], [sflag:$0x2] =	stream.linear.gather [hbm4b:s9+s4], $0x4000, $0x38;
	[tilespmem:$0x10A00] =	vst v63  }
0x15b: {  	s2 =	simm.s32 $0x0  }
0x15c: {  	[tilespmem:s21], [sflag:$0x4] =	stream.linear.gather [hbm4b:s10+s4], $0x4000, $0x38;
	[tilespmem:$0x10A00] =	vst v63  }
.LBB2_2:
0x15d: {  	_ =	swait.ge [sflag:s22], $0x4000  }
0x15e: {  	[sflag:s22] =	ssyncset.done $0x0  }
0x15f: {  	[sflag:s22] =	ssyncadd.s32 $0xFFFFC000  }
0x160: {  	_ =	swait.ge [sflag:s23], $0x4000  }
0x161: {  	[sflag:s23] =	ssyncset.done $0x0  }
0x162: {  	s3 =	simm.s32 $0x140;
	[sflag:s23] =	ssyncadd.s32 $0xFFFFC000  }
0x163: {  	v3 =	vld [tilespmem:s3+$0x30];
	_ =	sdelay $0x1  }
0x164: {  	v4 =	vld [tilespmem:s3+$0xFFFFFFC0];
	_ =	sdelay $0x2  }
0x165: {  	v3 =	vsub.f32 v3, v62;
	_ =	sdelay $0x1  }
0x166: {  	v5 =	vld [tilespmem:s3+$0x10];
	v4 =	vsub.f32 v4, v62;
	v3 =	vmul.f32 v3, v63;
	_ =	sdelay $0x1  }
0x167: {  	v4 =	vmul.f32 v4, v63;
	v3 =	vmin.f32 v3, $1.023000000e+03  }
0x168: {  	v3 =	vtrunc.f32 v3  }
0x169: {  	v6 =	vld [tilespmem:s3+$0xFFFFFFD0];
	v4 =	vmin.f32 v4, $1.023000000e+03;
	v3 =	vcvt.f32.s32 v3  }
0x16a: {  	v7 =	vld [tilespmem:s3+$0x20];
	v5 =	vsub.f32 v5, v62;
	v4 =	vtrunc.f32 v4  }
0x16b: {  	v8 =	vld [tilespmem:s3+$0x0];
	v4 =	vcvt.f32.s32 v4  }
0x16c: {  	v5 =	vmul.f32 v5, v63  }
0x16d: {  	v9 =	vld [tilespmem:s3+$0xFFFFFFE0]  }
0x16e: {  	v10 =	vld [tilespmem:s3+$0xFFFFFFF0];
	v6 =	vsub.f32 v6, v62;
	v5 =	vmin.f32 v5, $1.023000000e+03  }
0x16f: {  	s17 =	simm.s32 $0x1C0;
	v7 =	vsub.f32 v7, v62;
	[tilespmem:v3+s24+$0x0] =	vst.idx.add.f32.msk $0xffff, v2;
	v3 =	vtrunc.f32 v5  }
0x170: {  	v11 =	vld [tilespmem:s17+$0x30];
	v8 =	vsub.f32 v8, v62;
	v5 =	vmul.f32 v6, v63;
	v3 =	vcvt.f32.s32 v3  }
0x171: {  	s3 =	simm.s32 $0x8140;
	[tilespmem:v4+s24+$0x0] =	vst.idx.add.f32.msk $0xffff, v2  }
0x172: {  	v4 =	vmul.f32 v7, v63;
	v6 =	vmul.f32 v8, v63;
	v7 =	vld [tilespmem:s3+$0xFFFFFFC0];
	v5 =	vmin.f32 v5, $1.023000000e+03  }
0x173: {  	v8 =	vsub.f32 v9, v62;
	v5 =	vtrunc.f32 v5  }
0x174: {  	v10 =	vsub.f32 v10, v62;
	v9 =	vld [tilespmem:s3+$0x30];
	v6 =	vmin.f32 v6, $1.023000000e+03;
	v5 =	vcvt.f32.s32 v5  }
0x175: {  	v12 =	vld [tilespmem:s17+$0xFFFFFFC0];
	v11 =	vsub.f32 v11, v62;
	v8 =	vmul.f32 v8, v63;
	v6 =	vtrunc.f32 v6  }
0x176: {  	v10 =	vmul.f32 v10, v63;
	v4 =	vmin.f32 v4, $1.023000000e+03;
	v6 =	vcvt.f32.s32 v6;
	[tilespmem:v3+s24+$0x0] =	vst.idx.add.f32.msk $0xffff, v2  }
0x177: {  	v4 =	vtrunc.f32 v4;
	v3 =	vsub.f32 v7, v62;
	v7 =	vmin.f32 v8, $1.023000000e+03;
	v8 =	vld [tilespmem:s3+$0x10]  }
0x178: {  	v11 =	vmul.f32 v11, v63;
	v4 =	vcvt.f32.s32 v4  }
0x179: {  	v13 =	vld [tilespmem:s17+$0x20];
	v10 =	vmin.f32 v10, $1.023000000e+03;
	v9 =	vsub.f32 v9, v62;
	v7 =	vtrunc.f32 v7  }
0x17a: {  	v10 =	vtrunc.f32 v10;
	[tilespmem:v5+s24+$0x0] =	vst.idx.add.f32.msk $0xffff, v2;
	v5 =	vcvt.f32.s32 v7;
	v7 =	vsub.f32 v12, v62  }
0x17b: {  	v9 =	vmul.f32 v9, v63;
	v3 =	vmul.f32 v3, v63;
	v12 =	vld [tilespmem:s3+$0xFFFFFFD0]  }
0x17c: {  	[tilespmem:v6+s24+$0x0] =	vst.idx.add.f32.msk $0xffff, v2;
	v6 =	vmin.f32 v11, $1.023000000e+03;
	v7 =	vmul.f32 v7, v63;
	v8 =	vsub.f32 v8, v62  }
0x17d: {  	v16 =	vld [tilespmem:s17+$0x10];
	v9 =	vmin.f32 v9, $1.023000000e+03;
	v3 =	vmin.f32 v3, $1.023000000e+03;
	v11 =	vtrunc.f32 v6  }
0x17e: {  	[tilespmem:v4+s24+$0x0] =	vst.idx.add.f32.msk $0xffff, v2;
	v4 =	vtrunc.f32 v3;
	v3 =	vmin.f32 v7, $1.023000000e+03;
	v8 =	vmul.f32 v8, v63  }
0x17f: {  	v17 =	vld [tilespmem:s17+$0x0];
	v7 =	vtrunc.f32 v9;
	v9 =	vtrunc.f32 v3  }
0x180: {  	[tilespmem:v5+s24+$0x0] =	vst.idx.add.f32.msk $0xffff, v2;
	v3 =	vsub.f32 v12, v62;
	v12 =	vcvt.f32.s32 v11;
	v5 =	vmin.f32 v8, $1.023000000e+03  }
0x181: {  	v6 =	vld [tilespmem:s17+$0xFFFFFFF0];
	v11 =	vcvt.f32.s32 v10;
	v5 =	vtrunc.f32 v5  }
0x182: {  	v14 =	vld [tilespmem:s17+$0xFFFFFFE0];
	v8 =	vmul.f32 v3, v63;
	v3 =	vcvt.f32.s32 v5  }
0x183: {  	v15 =	vld [tilespmem:s17+$0xFFFFFFD0];
	v13 =	vsub.f32 v13, v62  }
0x184: {  	v16 =	vsub.f32 v16, v62;
	v10 =	vcvt.f32.s32 v9;
	v9 =	vld [tilespmem:s3+$0x0]  }
0x185: {  	s19 =	simm.s32 $0x80;
	s18 =	simm.s32 $0x8140;
	v17 =	vsub.f32 v17, v62;
	v13 =	vmul.f32 v13, v63;
	v5 =	vmin.f32 v8, $1.023000000e+03;
	v8 =	vld [tilespmem:s3+$0x20]  }
.LBB2_3:
0x186: {  	s19 =	sadd.s32 $0x80, s19;
	v6 =	vsub.f32 v6, v62;
	v16 =	vmul.f32 v16, v63;
	[tilespmem:v12+s24+$0x0] =	vst.idx.add.f32.msk $0xffff, v2;
	s3 =	sadd.s32 $0x80, s3  }
0x187: {  	v7 =	vcvt.f32.s32 v7;
	p0 =	slt.u32 s19, $0x3F80;
	v12 =	vsub.f32 v14, v62;
	v14 =	vmul.f32 v17, v63;
	[tilespmem:v11+s24+$0x0] =	vst.idx.add.f32.msk $0xffff, v2  }
0x188: {  	v4 =	vcvt.f32.s32 v4;
	v11 =	vsub.f32 v15, v62;
	v15 =	vmin.f32 v16, $1.023000000e+03;
	[tilespmem:v3+s25+$0x0] =	vst.idx.add.f32.msk $0xffff, v2  }
0x189: {  	v3 =	vmin.f32 v14, $1.023000000e+03;
	v14 =	vtrunc.f32 v15;
	v15 =	vld [tilespmem:s18+$0xFFFFFFF0];
	v9 =	vsub.f32 v9, v62  }
0x18a: {  	[tilespmem:v10+s24+$0x0] =	vst.idx.add.f32.msk $0xffff, v2;
	v10 =	vmul.f32 v11, v63;
	v11 =	vmin.f32 v13, $1.023000000e+03;
	v8 =	vsub.f32 v8, v62  }
0x18b: {  	v5 =	vtrunc.f32 v5;
	v3 =	vtrunc.f32 v3;
	v13 =	vld [tilespmem:s3+$0xFFFFFFC0]  }
0x18c: {  	v14 =	vcvt.f32.s32 v14;
	v9 =	vmul.f32 v9, v63;
	v10 =	vmin.f32 v10, $1.023000000e+03;
	v16 =	vld [tilespmem:s3+$0x30]  }
0x18d: {  	v6 =	vmul.f32 v6, v63;
	v10 =	vtrunc.f32 v10;
	v17 =	vld [tilespmem:s18+$0xFFFFFFE0];
	s18 =	smov.u32 s3  }
0x18e: {  	s17 =	sadd.s32 $0x80, s17;
	v8 =	vmul.f32 v8, v63;
	v10 =	vcvt.f32.s32 v10;
	[tilespmem:v4+s25+$0x0] =	vst.idx.add.f32.msk $0xffff, v2;
	v4 =	vsub.f32 v15, v62  }
0x18f: {  	v5 =	vcvt.f32.s32 v5;
	v11 =	vtrunc.f32 v11;
	v9 =	vmin.f32 v9, $1.023000000e+03;
	v15 =	vld [tilespmem:s17+$0xFFFFFFC0]  }
0x190: {  	v3 =	vcvt.f32.s32 v3;
	v8 =	vmin.f32 v8, $1.023000000e+03;
	v18 =	vld [tilespmem:s17+$0x30];
	v13 =	vsub.f32 v13, v62  }
0x191: {  	v12 =	vmul.f32 v12, v63;
	v4 =	vmul.f32 v4, v63;
	v19 =	vld [tilespmem:s17+$0x20];
	v16 =	vsub.f32 v16, v62  }
0x192: {  	v11 =	vcvt.f32.s32 v11;
	v20 =	vld [tilespmem:s17+$0x10];
	v13 =	vmul.f32 v13, v63;
	v17 =	vsub.f32 v17, v62  }
0x193: {  	v12 =	vmin.f32 v12, $1.023000000e+03;
	v4 =	vmin.f32 v4, $1.023000000e+03;
	[tilespmem:v14+s24+$0x0] =	vst.idx.add.f32.msk $0xffff, v2;
	v14 =	vmul.f32 v16, v63  }
0x194: {  	v12 =	vtrunc.f32 v12;
	v13 =	vmin.f32 v13, $1.023000000e+03;
	v16 =	vld [tilespmem:s3+$0x10];
	v17 =	vmul.f32 v17, v63  }
0x195: {  	v9 =	vtrunc.f32 v9;
	v18 =	vsub.f32 v18, v62;
	[tilespmem:v10+s24+$0x0] =	vst.idx.add.f32.msk $0xffff, v2;
	v10 =	vmin.f32 v14, $1.023000000e+03  }
0x196: {  	v12 =	vcvt.f32.s32 v12;
	v4 =	vtrunc.f32 v4;
	[tilespmem:v3+s24+$0x0] =	vst.idx.add.f32.msk $0xffff, v2;
	v3 =	vmin.f32 v17, $1.023000000e+03  }
0x197: {  	v14 =	vsub.f32 v15, v62;
	v15 =	vmul.f32 v18, v63;
	v17 =	vld [tilespmem:s3+$0xFFFFFFD0];
	v18 =	vcvt.f32.s32 v4  }
0x198: {  	v4 =	vmin.f32 v6, $1.023000000e+03;
	v3 =	vtrunc.f32 v3;
	[tilespmem:v5+s25+$0x0] =	vst.idx.add.f32.msk $0xffff, v2;
	v5 =	vtrunc.f32 v8  }
0x199: {  	v8 =	vcvt.f32.s32 v9;
	v6 =	vmin.f32 v15, $1.023000000e+03;
	[tilespmem:v11+s24+$0x0] =	vst.idx.add.f32.msk $0xffff, v2;
	v5 =	vcvt.f32.s32 v5  }
0x19a: {  	v3 =	vcvt.f32.s32 v3;
	v9 =	vtrunc.f32 v6;
	[tilespmem:v7+s25+$0x0] =	vst.idx.add.f32.msk $0xffff, v2  }
0x19b: {  	v11 =	vmul.f32 v14, v63;
	v14 =	vtrunc.f32 v4;
	v6 =	vld [tilespmem:s17+$0xFFFFFFF0]  }
0x19c: {  	v4 =	vtrunc.f32 v13;
	v13 =	vsub.f32 v16, v62;
	v7 =	vtrunc.f32 v10;
	v21 =	vld [tilespmem:s17+$0x0]  }
0x19d: {  	v10 =	vmin.f32 v11, $1.023000000e+03;
	[tilespmem:v18+s25+$0x0] =	vst.idx.add.f32.msk $0xffff, v2  }
0x19e: {  	v11 =	vmul.f32 v13, v63;
	v10 =	vtrunc.f32 v10;
	[tilespmem:v12+s24+$0x0] =	vst.idx.add.f32.msk $0xffff, v2  }
0x19f: {  	[tilespmem:v5+s25+$0x0] =	vst.idx.add.f32.msk $0xffff, v2  }
0x1a0: {  	v12 =	vcvt.f32.s32 v9;
	v9 =	vmin.f32 v11, $1.023000000e+03;
	v5 =	vsub.f32 v17, v62;
	[tilespmem:v3+s25+$0x0] =	vst.idx.add.f32.msk $0xffff, v2  }
.Ltmp2:
0x1a1: {  	v11 =	vcvt.f32.s32 v14;
	v3 =	vtrunc.f32 v9;
	[tilespmem:v8+s25+$0x0] =	vst.idx.add.f32.msk $0xffff, v2;
	(pc) =	sbr.rel @p0 .LBB2_3-.Ltmp2, $4  }
0x1a2: {  	v5 =	vmul.f32 v5, v63;
	v3 =	vcvt.f32.s32 v3;
	v14 =	vld [tilespmem:s17+$0xFFFFFFE0]  }
0x1a3: {  	v8 =	vsub.f32 v19, v62;
	v15 =	vld [tilespmem:s17+$0xFFFFFFD0]  }
0x1a4: {  	v16 =	vsub.f32 v20, v62;
	v10 =	vcvt.f32.s32 v10;
	v5 =	vmin.f32 v5, $1.023000000e+03;
	v9 =	vld [tilespmem:s3+$0x0]  }
0x1a5: {  	v17 =	vsub.f32 v21, v62;
	v13 =	vmul.f32 v8, v63;
	v8 =	vld [tilespmem:s3+$0x20]  }
0x1a6: {  	_ =	sdelay $0x1  }
0x1a7: {  	v16 =	vmul.f32 v16, v63;
	v6 =	vsub.f32 v6, v62  }
0x1a8: {  	v17 =	vmul.f32 v17, v63;
	v13 =	vmin.f32 v13, $1.023000000e+03;
	v15 =	vsub.f32 v15, v62  }
0x1a9: {  	[tilespmem:v12+s24+$0x0] =	vst.idx.add.f32.msk $0xffff, v2;
	v16 =	vmin.f32 v16, $1.023000000e+03;
	v6 =	vmul.f32 v6, v63;
	v13 =	vtrunc.f32 v13  }
0x1aa: {  	[tilespmem:v11+s24+$0x0] =	vst.idx.add.f32.msk $0xffff, v2;
	v12 =	vsub.f32 v14, v62;
	v14 =	vtrunc.f32 v16;
	v13 =	vcvt.f32.s32 v13  }
0x1ab: {  	[tilespmem:v10+s24+$0x0] =	vst.idx.add.f32.msk $0xffff, v2;
	v11 =	vmin.f32 v17, $1.023000000e+03;
	v15 =	vmul.f32 v15, v63;
	v14 =	vcvt.f32.s32 v14  }
0x1ac: {  	s3 =	sadd.s32 $0x80, s3;
	v16 =	vld [tilespmem:s18+$0xFFFFFFF0];
	v11 =	vtrunc.f32 v11;
	v6 =	vmin.f32 v6, $1.023000000e+03  }
0x1ad: {  	v18 =	vld [tilespmem:s3+$0x30];
	v11 =	vcvt.f32.s32 v11;
	v6 =	vtrunc.f32 v6;
	v15 =	vmin.f32 v15, $1.023000000e+03  }
0x1ae: {  	v17 =	vld [tilespmem:s18+$0xFFFFFFE0];
	v6 =	vcvt.f32.s32 v6;
	v15 =	vtrunc.f32 v15  }
0x1af: {  	v7 =	vcvt.f32.s32 v7;
	v10 =	vcvt.f32.s32 v15;
	v15 =	vld [tilespmem:s3+$0xFFFFFFC0]  }
0x1b0: {  	v5 =	vtrunc.f32 v5;
	v12 =	vmul.f32 v12, v63;
	v9 =	vsub.f32 v9, v62;
	[tilespmem:v13+s24+$0x0] =	vst.idx.add.f32.msk $0xffff, v2  }
0x1b1: {  	v4 =	vcvt.f32.s32 v4;
	v5 =	vcvt.f32.s32 v5;
	v16 =	vsub.f32 v16, v62;
	[tilespmem:v14+s24+$0x0] =	vst.idx.add.f32.msk $0xffff, v2  }
0x1b2: {  	v8 =	vsub.f32 v8, v62;
	v12 =	vmin.f32 v12, $1.023000000e+03;
	v9 =	vmul.f32 v9, v63;
	v14 =	vld [tilespmem:s3+$0x10]  }
0x1b3: {  	v12 =	vtrunc.f32 v12;
	v16 =	vmul.f32 v16, v63;
	[tilespmem:v11+s24+$0x0] =	vst.idx.add.f32.msk $0xffff, v2  }
0x1b4: {  	v8 =	vmul.f32 v8, v63;
	v9 =	vmin.f32 v9, $1.023000000e+03;
	v11 =	vsub.f32 v18, v62;
	[tilespmem:v6+s24+$0x0] =	vst.idx.add.f32.msk $0xffff, v2  }
0x1b5: {  	v12 =	vcvt.f32.s32 v12;
	v9 =	vtrunc.f32 v9;
	v13 =	vmin.f32 v16, $1.023000000e+03;
	v18 =	vld [tilespmem:s3+$0x0]  }
0x1b6: {  	v6 =	vmin.f32 v8, $1.023000000e+03;
	v11 =	vmul.f32 v11, v63;
	v13 =	vtrunc.f32 v13;
	[tilespmem:v10+s24+$0x0] =	vst.idx.add.f32.msk $0xffff, v2  }
0x1b7: {  	v10 =	vsub.f32 v15, v62;
	v15 =	vsub.f32 v17, v62;
	v8 =	vcvt.f32.s32 v13;
	v13 =	vld [tilespmem:s3+$0xFFFFFFF0]  }
0x1b8: {  	v9 =	vcvt.f32.s32 v9;
	v6 =	vtrunc.f32 v6;
	v17 =	vld [tilespmem:s3+$0xFFFFFFD0]  }
0x1b9: {  	[tilespmem:v3+s25+$0x0] =	vst.idx.add.f32.msk $0xffff, v2;
	v6 =	vcvt.f32.s32 v6;
	v11 =	vmin.f32 v11, $1.023000000e+03;
	v15 =	vmul.f32 v15, v63  }
0x1ba: {  	[tilespmem:v7+s25+$0x0] =	vst.idx.add.f32.msk $0xffff, v2;
	v10 =	vmul.f32 v10, v63;
	v14 =	vsub.f32 v14, v62;
	v3 =	vtrunc.f32 v11  }
0x1bb: {  	[tilespmem:v12+s24+$0x0] =	vst.idx.add.f32.msk $0xffff, v2;
	v3 =	vcvt.f32.s32 v3;
	v7 =	vsub.f32 v18, v62;
	v12 =	vmin.f32 v15, $1.023000000e+03  }
0x1bc: {  	v10 =	vmin.f32 v10, $1.023000000e+03;
	v14 =	vmul.f32 v14, v63;
	v15 =	vld [tilespmem:s3+$0x20];
	v12 =	vtrunc.f32 v12  }
0x1bd: {  	v10 =	vtrunc.f32 v10;
	v13 =	vsub.f32 v13, v62;
	v16 =	vsub.f32 v17, v62;
	v17 =	vld [tilespmem:s3+$0xFFFFFFE0]  }
0x1be: {  	[tilespmem:v5+s25+$0x0] =	vst.idx.add.f32.msk $0xffff, v2;
	v12 =	vcvt.f32.s32 v12;
	v5 =	vcvt.f32.s32 v10  }
0x1bf: {  	v14 =	vmin.f32 v14, $1.023000000e+03;
	[tilespmem:v6+s25+$0x0] =	vst.idx.add.f32.msk $0xffff, v2;
	v6 =	vmul.f32 v7, v63;
	v10 =	vmul.f32 v13, v63  }
0x1c0: {  	v14 =	vtrunc.f32 v14;
	v16 =	vmul.f32 v16, v63  }
0x1c1: {  	[tilespmem:v8+s25+$0x0] =	vst.idx.add.f32.msk $0xffff, v2;
	v11 =	vcvt.f32.s32 v14;
	v14 =	vsub.f32 v15, v62;
	v8 =	vmin.f32 v10, $1.023000000e+03  }
0x1c2: {  	[tilespmem:v4+s25+$0x0] =	vst.idx.add.f32.msk $0xffff, v2;
	v4 =	vmin.f32 v16, $1.023000000e+03;
	v8 =	vtrunc.f32 v8;
	v13 =	vsub.f32 v17, v62  }
0x1c3: {  	v4 =	vtrunc.f32 v4;
	v14 =	vmul.f32 v14, v63  }
0x1c4: {  	v6 =	vmin.f32 v6, $1.023000000e+03;
	v8 =	vcvt.f32.s32 v8;
	v10 =	vmul.f32 v13, v63  }
0x1c5: {  	[tilespmem:v9+s25+$0x0] =	vst.idx.add.f32.msk $0xffff, v2;
	v6 =	vtrunc.f32 v6;
	v4 =	vcvt.f32.s32 v4;
	v7 =	vmin.f32 v14, $1.023000000e+03  }
0x1c6: {  	[tilespmem:v5+s25+$0x0] =	vst.idx.add.f32.msk $0xffff, v2;
	v5 =	vcvt.f32.s32 v6;
	v7 =	vtrunc.f32 v7;
	v10 =	vmin.f32 v10, $1.023000000e+03  }
0x1c7: {  	[tilespmem:v3+s25+$0x0] =	vst.idx.add.f32.msk $0xffff, v2;
	v7 =	vcvt.f32.s32 v7;
	v9 =	vtrunc.f32 v10  }
0x1c8: {  	[tilespmem:v12+s25+$0x0] =	vst.idx.add.f32.msk $0xffff, v2;
	v9 =	vcvt.f32.s32 v9  }
0x1c9: {  	[tilespmem:v11+s25+$0x0] =	vst.idx.add.f32.msk $0xffff, v2  }
0x1ca: {  	[tilespmem:v8+s25+$0x0] =	vst.idx.add.f32.msk $0xffff, v2  }
0x1cb: {  	p0 =	seq.s32 s2, $0xD;
	s3 =	sshll.u32 s2, $0xF;
	[tilespmem:v4+s25+$0x0] =	vst.idx.add.f32.msk $0xffff, v2  }
0x1cc: {  	s17 =	sadd.s32 @!p0 s3, s11;
	[tilespmem:v5+s25+$0x0] =	vst.idx.add.f32.msk $0xffff, v2  }
0x1cd: {  	s17 =	sshrl.u32 @!p0 s17, $0x3;
	[tilespmem:v7+s25+$0x0] =	vst.idx.add.f32.msk $0xffff, v2  }
0x1ce: {  	s19 =	simm.s32 @!p0 $0x0;
	s29 =	simm.s32 @!p0 $0x100;
	s18 =	sadd.s32 @!p0 s0, s17;
	[tilespmem:v9+s25+$0x0] =	vst.idx.add.f32.msk $0xffff, v2  }
0x1cf: {  	[tilespmem:s29], [sflag:$0x1] =	stream.linear.gather @!p0 [hbm4b:s18+s19], $0x4000, $0x38;
	[tilespmem:$0x10A00] =	vst v63  }
0x1d0: {  	s17 =	sadd.s32 @!p0 s1, s17;
	s18 =	simm.s32 @!p0 $0x8100  }
0x1d1: {  	[tilespmem:s18], [sflag:$0x3] =	stream.linear.gather @!p0 [hbm4b:s17+s19], $0x4000, $0x38;
	[tilespmem:$0x10A00] =	vst v63  }
0x1d2: {  	_ =	swait.ge [sflag:s26], $0x4000  }
0x1d3: {  	[sflag:s26] =	ssyncset.done $0x0  }
0x1d4: {  	[sflag:s26] =	ssyncadd.s32 $0xFFFFC000  }
0x1d5: {  	_ =	swait.ge [sflag:s28], $0x4000  }
0x1d6: {  	[sflag:s28] =	ssyncset.done $0x0  }
0x1d7: {  	s19 =	simm.s32 $0x4140;
	[sflag:s28] =	ssyncadd.s32 $0xFFFFC000  }
0x1d8: {  	v3 =	vld [tilespmem:s19+$0x30];
	_ =	sdelay $0x1  }
0x1d9: {  	v4 =	vld [tilespmem:s19+$0xFFFFFFC0];
	_ =	sdelay $0x2  }
0x1da: {  	v3 =	vsub.f32 v3, v62;
	_ =	sdelay $0x1  }
0x1db: {  	v5 =	vld [tilespmem:s19+$0x10];
	v4 =	vsub.f32 v4, v62;
	v3 =	vmul.f32 v3, v63;
	_ =	sdelay $0x1  }
0x1dc: {  	v4 =	vmul.f32 v4, v63;
	v3 =	vmin.f32 v3, $1.023000000e+03  }
0x1dd: {  	v3 =	vtrunc.f32 v3  }
0x1de: {  	v6 =	vld [tilespmem:s19+$0xFFFFFFD0];
	v4 =	vmin.f32 v4, $1.023000000e+03;
	v3 =	vcvt.f32.s32 v3  }
0x1df: {  	v7 =	vld [tilespmem:s19+$0x20];
	v5 =	vsub.f32 v5, v62;
	v4 =	vtrunc.f32 v4  }
0x1e0: {  	v8 =	vld [tilespmem:s19+$0x0];
	v4 =	vcvt.f32.s32 v4  }
0x1e1: {  	v5 =	vmul.f32 v5, v63  }
0x1e2: {  	v9 =	vld [tilespmem:s19+$0xFFFFFFE0]  }
0x1e3: {  	v10 =	vld [tilespmem:s19+$0xFFFFFFF0];
	v6 =	vsub.f32 v6, v62;
	v5 =	vmin.f32 v5, $1.023000000e+03  }
0x1e4: {  	s18 =	simm.s32 $0x41C0;
	v7 =	vsub.f32 v7, v62;
	[tilespmem:v3+s24+$0x0] =	vst.idx.add.f32.msk $0xffff, v2;
	v3 =	vtrunc.f32 v5  }
0x1e5: {  	v11 =	vld [tilespmem:s18+$0x30];
	v8 =	vsub.f32 v8, v62;
	v5 =	vmul.f32 v6, v63;
	v3 =	vcvt.f32.s32 v3  }
0x1e6: {  	s17 =	simm.s32 $0xC140;
	[tilespmem:v4+s24+$0x0] =	vst.idx.add.f32.msk $0xffff, v2  }
0x1e7: {  	v4 =	vmul.f32 v7, v63;
	v6 =	vmul.f32 v8, v63;
	v7 =	vld [tilespmem:s17+$0xFFFFFFC0];
	v5 =	vmin.f32 v5, $1.023000000e+03  }
0x1e8: {  	v8 =	vsub.f32 v9, v62;
	v5 =	vtrunc.f32 v5  }
0x1e9: {  	v10 =	vsub.f32 v10, v62;
	v9 =	vld [tilespmem:s17+$0x30];
	v6 =	vmin.f32 v6, $1.023000000e+03;
	v5 =	vcvt.f32.s32 v5  }
0x1ea: {  	v12 =	vld [tilespmem:s18+$0xFFFFFFC0];
	v11 =	vsub.f32 v11, v62;
	v8 =	vmul.f32 v8, v63;
	v6 =	vtrunc.f32 v6  }
0x1eb: {  	v10 =	vmul.f32 v10, v63;
	v4 =	vmin.f32 v4, $1.023000000e+03;
	v6 =	vcvt.f32.s32 v6;
	[tilespmem:v3+s24+$0x0] =	vst.idx.add.f32.msk $0xffff, v2  }
0x1ec: {  	v4 =	vtrunc.f32 v4;
	v3 =	vsub.f32 v7, v62;
	v7 =	vmin.f32 v8, $1.023000000e+03;
	v8 =	vld [tilespmem:s17+$0x10]  }
0x1ed: {  	v11 =	vmul.f32 v11, v63;
	v4 =	vcvt.f32.s32 v4  }
0x1ee: {  	v13 =	vld [tilespmem:s18+$0x20];
	v10 =	vmin.f32 v10, $1.023000000e+03;
	v9 =	vsub.f32 v9, v62;
	v7 =	vtrunc.f32 v7  }
0x1ef: {  	v10 =	vtrunc.f32 v10;
	[tilespmem:v5+s24+$0x0] =	vst.idx.add.f32.msk $0xffff, v2;
	v5 =	vcvt.f32.s32 v7;
	v7 =	vsub.f32 v12, v62  }
0x1f0: {  	v9 =	vmul.f32 v9, v63;
	v3 =	vmul.f32 v3, v63;
	v12 =	vld [tilespmem:s17+$0xFFFFFFD0]  }
0x1f1: {  	[tilespmem:v6+s24+$0x0] =	vst.idx.add.f32.msk $0xffff, v2;
	v6 =	vmin.f32 v11, $1.023000000e+03;
	v7 =	vmul.f32 v7, v63;
	v8 =	vsub.f32 v8, v62  }
0x1f2: {  	v16 =	vld [tilespmem:s18+$0x10];
	v9 =	vmin.f32 v9, $1.023000000e+03;
	v3 =	vmin.f32 v3, $1.023000000e+03;
	v11 =	vtrunc.f32 v6  }
0x1f3: {  	[tilespmem:v4+s24+$0x0] =	vst.idx.add.f32.msk $0xffff, v2;
	v4 =	vtrunc.f32 v3;
	v3 =	vmin.f32 v7, $1.023000000e+03;
	v8 =	vmul.f32 v8, v63  }
0x1f4: {  	v17 =	vld [tilespmem:s18+$0x0];
	v7 =	vtrunc.f32 v9;
	v9 =	vtrunc.f32 v3  }
0x1f5: {  	[tilespmem:v5+s24+$0x0] =	vst.idx.add.f32.msk $0xffff, v2;
	v3 =	vsub.f32 v12, v62;
	v12 =	vcvt.f32.s32 v11;
	v5 =	vmin.f32 v8, $1.023000000e+03  }
0x1f6: {  	v6 =	vld [tilespmem:s18+$0xFFFFFFF0];
	v11 =	vcvt.f32.s32 v10;
	v5 =	vtrunc.f32 v5  }
0x1f7: {  	v14 =	vld [tilespmem:s18+$0xFFFFFFE0];
	v8 =	vmul.f32 v3, v63;
	v3 =	vcvt.f32.s32 v5  }
0x1f8: {  	v15 =	vld [tilespmem:s18+$0xFFFFFFD0];
	v13 =	vsub.f32 v13, v62  }
0x1f9: {  	v16 =	vsub.f32 v16, v62;
	v10 =	vcvt.f32.s32 v9;
	v9 =	vld [tilespmem:s17+$0x0]  }
0x1fa: {  	s29 =	simm.s32 $0x80;
	s19 =	simm.s32 $0xC140;
	v17 =	vsub.f32 v17, v62;
	v13 =	vmul.f32 v13, v63;
	v5 =	vmin.f32 v8, $1.023000000e+03;
	v8 =	vld [tilespmem:s17+$0x20]  }
.LBB2_5:
0x1fb: {  	s29 =	sadd.s32 $0x80, s29;
	v6 =	vsub.f32 v6, v62;
	v16 =	vmul.f32 v16, v63;
	[tilespmem:v12+s24+$0x0] =	vst.idx.add.f32.msk $0xffff, v2;
	s17 =	sadd.s32 $0x80, s17  }
0x1fc: {  	v7 =	vcvt.f32.s32 v7;
	p1 =	slt.u32 s29, $0x3F80;
	v12 =	vsub.f32 v14, v62;
	v14 =	vmul.f32 v17, v63;
	[tilespmem:v11+s24+$0x0] =	vst.idx.add.f32.msk $0xffff, v2  }
0x1fd: {  	v4 =	vcvt.f32.s32 v4;
	v11 =	vsub.f32 v15, v62;
	v15 =	vmin.f32 v16, $1.023000000e+03;
	[tilespmem:v3+s25+$0x0] =	vst.idx.add.f32.msk $0xffff, v2  }
0x1fe: {  	v3 =	vmin.f32 v14, $1.023000000e+03;
	v14 =	vtrunc.f32 v15;
	v15 =	vld [tilespmem:s19+$0xFFFFFFF0];
	v9 =	vsub.f32 v9, v62  }
0x1ff: {  	[tilespmem:v10+s24+$0x0] =	vst.idx.add.f32.msk $0xffff, v2;
	v10 =	vmul.f32 v11, v63;
	v11 =	vmin.f32 v13, $1.023000000e+03;
	v8 =	vsub.f32 v8, v62  }
0x200: {  	v5 =	vtrunc.f32 v5;
	v3 =	vtrunc.f32 v3;
	v13 =	vld [tilespmem:s17+$0xFFFFFFC0]  }
0x201: {  	v14 =	vcvt.f32.s32 v14;
	v9 =	vmul.f32 v9, v63;
	v10 =	vmin.f32 v10, $1.023000000e+03;
	v16 =	vld [tilespmem:s17+$0x30]  }
0x202: {  	v6 =	vmul.f32 v6, v63;
	v10 =	vtrunc.f32 v10;
	v17 =	vld [tilespmem:s19+$0xFFFFFFE0];
	s19 =	smov.u32 s17  }
0x203: {  	s18 =	sadd.s32 $0x80, s18;
	v8 =	vmul.f32 v8, v63;
	v10 =	vcvt.f32.s32 v10;
	[tilespmem:v4+s25+$0x0] =	vst.idx.add.f32.msk $0xffff, v2;
	v4 =	vsub.f32 v15, v62  }
0x204: {  	v5 =	vcvt.f32.s32 v5;
	v11 =	vtrunc.f32 v11;
	v9 =	vmin.f32 v9, $1.023000000e+03;
	v15 =	vld [tilespmem:s18+$0xFFFFFFC0]  }
0x205: {  	v3 =	vcvt.f32.s32 v3;
	v8 =	vmin.f32 v8, $1.023000000e+03;
	v18 =	vld [tilespmem:s18+$0x30];
	v13 =	vsub.f32 v13, v62  }
0x206: {  	v12 =	vmul.f32 v12, v63;
	v4 =	vmul.f32 v4, v63;
	v19 =	vld [tilespmem:s18+$0x20];
	v16 =	vsub.f32 v16, v62  }
0x207: {  	v11 =	vcvt.f32.s32 v11;
	v20 =	vld [tilespmem:s18+$0x10];
	v13 =	vmul.f32 v13, v63;
	v17 =	vsub.f32 v17, v62  }
0x208: {  	v12 =	vmin.f32 v12, $1.023000000e+03;
	v4 =	vmin.f32 v4, $1.023000000e+03;
	[tilespmem:v14+s24+$0x0] =	vst.idx.add.f32.msk $0xffff, v2;
	v14 =	vmul.f32 v16, v63  }
0x209: {  	v12 =	vtrunc.f32 v12;
	v13 =	vmin.f32 v13, $1.023000000e+03;
	v16 =	vld [tilespmem:s17+$0x10];
	v17 =	vmul.f32 v17, v63  }
0x20a: {  	v9 =	vtrunc.f32 v9;
	v18 =	vsub.f32 v18, v62;
	[tilespmem:v10+s24+$0x0] =	vst.idx.add.f32.msk $0xffff, v2;
	v10 =	vmin.f32 v14, $1.023000000e+03  }
0x20b: {  	v12 =	vcvt.f32.s32 v12;
	v4 =	vtrunc.f32 v4;
	[tilespmem:v3+s24+$0x0] =	vst.idx.add.f32.msk $0xffff, v2;
	v3 =	vmin.f32 v17, $1.023000000e+03  }
0x20c: {  	v14 =	vsub.f32 v15, v62;
	v15 =	vmul.f32 v18, v63;
	v17 =	vld [tilespmem:s17+$0xFFFFFFD0];
	v18 =	vcvt.f32.s32 v4  }
0x20d: {  	v4 =	vmin.f32 v6, $1.023000000e+03;
	v3 =	vtrunc.f32 v3;
	[tilespmem:v5+s25+$0x0] =	vst.idx.add.f32.msk $0xffff, v2;
	v5 =	vtrunc.f32 v8  }
0x20e: {  	v8 =	vcvt.f32.s32 v9;
	v6 =	vmin.f32 v15, $1.023000000e+03;
	[tilespmem:v11+s24+$0x0] =	vst.idx.add.f32.msk $0xffff, v2;
	v5 =	vcvt.f32.s32 v5  }
0x20f: {  	v3 =	vcvt.f32.s32 v3;
	v9 =	vtrunc.f32 v6;
	[tilespmem:v7+s25+$0x0] =	vst.idx.add.f32.msk $0xffff, v2  }
0x210: {  	v11 =	vmul.f32 v14, v63;
	v14 =	vtrunc.f32 v4;
	v6 =	vld [tilespmem:s18+$0xFFFFFFF0]  }
0x211: {  	v4 =	vtrunc.f32 v13;
	v13 =	vsub.f32 v16, v62;
	v7 =	vtrunc.f32 v10;
	v21 =	vld [tilespmem:s18+$0x0]  }
0x212: {  	v10 =	vmin.f32 v11, $1.023000000e+03;
	[tilespmem:v18+s25+$0x0] =	vst.idx.add.f32.msk $0xffff, v2  }
0x213: {  	v11 =	vmul.f32 v13, v63;
	v10 =	vtrunc.f32 v10;
	[tilespmem:v12+s24+$0x0] =	vst.idx.add.f32.msk $0xffff, v2  }
0x214: {  	[tilespmem:v5+s25+$0x0] =	vst.idx.add.f32.msk $0xffff, v2  }
0x215: {  	v12 =	vcvt.f32.s32 v9;
	v9 =	vmin.f32 v11, $1.023000000e+03;
	v5 =	vsub.f32 v17, v62;
	[tilespmem:v3+s25+$0x0] =	vst.idx.add.f32.msk $0xffff, v2  }
.Ltmp3:
0x216: {  	v11 =	vcvt.f32.s32 v14;
	v3 =	vtrunc.f32 v9;
	[tilespmem:v8+s25+$0x0] =	vst.idx.add.f32.msk $0xffff, v2;
	(pc) =	sbr.rel @p1 .LBB2_5-.Ltmp3, $4  }
0x217: {  	v5 =	vmul.f32 v5, v63;
	v3 =	vcvt.f32.s32 v3;
	v14 =	vld [tilespmem:s18+$0xFFFFFFE0]  }
0x218: {  	v8 =	vsub.f32 v19, v62;
	v15 =	vld [tilespmem:s18+$0xFFFFFFD0]  }
0x219: {  	v16 =	vsub.f32 v20, v62;
	v10 =	vcvt.f32.s32 v10;
	v5 =	vmin.f32 v5, $1.023000000e+03;
	v9 =	vld [tilespmem:s17+$0x0]  }
0x21a: {  	v17 =	vsub.f32 v21, v62;
	v13 =	vmul.f32 v8, v63;
	v8 =	vld [tilespmem:s17+$0x20]  }
0x21b: {  	_ =	sdelay $0x1  }
0x21c: {  	v16 =	vmul.f32 v16, v63;
	v6 =	vsub.f32 v6, v62  }
0x21d: {  	v17 =	vmul.f32 v17, v63;
	v13 =	vmin.f32 v13, $1.023000000e+03;
	v15 =	vsub.f32 v15, v62  }
0x21e: {  	[tilespmem:v12+s24+$0x0] =	vst.idx.add.f32.msk $0xffff, v2;
	v16 =	vmin.f32 v16, $1.023000000e+03;
	v6 =	vmul.f32 v6, v63;
	v13 =	vtrunc.f32 v13  }
0x21f: {  	[tilespmem:v11+s24+$0x0] =	vst.idx.add.f32.msk $0xffff, v2;
	v12 =	vsub.f32 v14, v62;
	v18 =	vtrunc.f32 v16;
	v13 =	vcvt.f32.s32 v13  }
0x220: {  	[tilespmem:v10+s24+$0x0] =	vst.idx.add.f32.msk $0xffff, v2;
	v11 =	vmin.f32 v17, $1.023000000e+03;
	v15 =	vmul.f32 v15, v63;
	v14 =	vcvt.f32.s32 v18  }
0x221: {  	v16 =	vld [tilespmem:s19+$0xFFFFFFF0];
	v11 =	vtrunc.f32 v11;
	v6 =	vmin.f32 v6, $1.023000000e+03  }
0x222: {  	s17 =	sadd.s32 $0x80, s17;
	v17 =	vld [tilespmem:s19+$0xFFFFFFE0];
	v11 =	vcvt.f32.s32 v11;
	v6 =	vtrunc.f32 v6;
	v15 =	vmin.f32 v15, $1.023000000e+03  }
0x223: {  	v18 =	vld [tilespmem:s17+$0x30];
	v6 =	vcvt.f32.s32 v6;
	v15 =	vtrunc.f32 v15  }
0x224: {  	v12 =	vmul.f32 v12, v63;
	v9 =	vsub.f32 v9, v62;
	v10 =	vcvt.f32.s32 v15;
	v15 =	vld [tilespmem:s17+$0xFFFFFFC0]  }
0x225: {  	v7 =	vcvt.f32.s32 v7;
	v4 =	vcvt.f32.s32 v4;
	v8 =	vsub.f32 v8, v62;
	[tilespmem:v13+s24+$0x0] =	vst.idx.add.f32.msk $0xffff, v2  }
0x226: {  	v5 =	vtrunc.f32 v5;
	v12 =	vmin.f32 v12, $1.023000000e+03;
	v9 =	vmul.f32 v9, v63;
	[tilespmem:v14+s24+$0x0] =	vst.idx.add.f32.msk $0xffff, v2  }
0x227: {  	v12 =	vtrunc.f32 v12;
	v8 =	vmul.f32 v8, v63;
	v16 =	vsub.f32 v16, v62;
	v14 =	vld [tilespmem:s17+$0x10]  }
0x228: {  	v5 =	vcvt.f32.s32 v5;
	v12 =	vcvt.f32.s32 v12;
	v9 =	vmin.f32 v9, $1.023000000e+03;
	[tilespmem:v11+s24+$0x0] =	vst.idx.add.f32.msk $0xffff, v2  }
0x229: {  	v16 =	vmul.f32 v16, v63;
	v11 =	vsub.f32 v18, v62;
	v18 =	vmin.f32 v8, $1.023000000e+03;
	[tilespmem:v6+s24+$0x0] =	vst.idx.add.f32.msk $0xffff, v2  }
0x22a: {  	v9 =	vtrunc.f32 v9;
	v6 =	vtrunc.f32 v18;
	v18 =	vld [tilespmem:s17+$0x0]  }
0x22b: {  	v19 =	vmin.f32 v16, $1.023000000e+03;
	[tilespmem:v10+s24+$0x0] =	vst.idx.add.f32.msk $0xffff, v2;
	v10 =	vsub.f32 v15, v62;
	v15 =	vsub.f32 v17, v62  }
0x22c: {  	v11 =	vmul.f32 v11, v63;
	v13 =	vtrunc.f32 v19;
	v17 =	vld [tilespmem:s17+$0xFFFFFFD0]  }
0x22d: {  	v8 =	vcvt.f32.s32 v13;
	v13 =	vld [tilespmem:s17+$0xFFFFFFF0];
	v15 =	vmul.f32 v15, v63  }
0x22e: {  	[tilespmem:v3+s25+$0x0] =	vst.idx.add.f32.msk $0xffff, v2;
	v9 =	vcvt.f32.s32 v9;
	v11 =	vmin.f32 v11, $1.023000000e+03;
	v10 =	vmul.f32 v10, v63  }
0x22f: {  	v14 =	vsub.f32 v14, v62;
	v3 =	vtrunc.f32 v11;
	v16 =	vmin.f32 v15, $1.023000000e+03;
	v15 =	vld [tilespmem:s17+$0x20]  }
0x230: {  	[tilespmem:v12+s24+$0x0] =	vst.idx.add.f32.msk $0xffff, v2;
	v6 =	vcvt.f32.s32 v6;
	v3 =	vcvt.f32.s32 v3;
	v10 =	vmin.f32 v10, $1.023000000e+03  }
0x231: {  	v14 =	vmul.f32 v14, v63;
	v12 =	vtrunc.f32 v16;
	v16 =	vsub.f32 v17, v62;
	v17 =	vld [tilespmem:s17+$0xFFFFFFE0]  }
0x232: {  	v18 =	vsub.f32 v18, v62;
	v10 =	vtrunc.f32 v10;
	v13 =	vsub.f32 v13, v62  }
0x233: {  	v12 =	vcvt.f32.s32 v12;
	v14 =	vmin.f32 v14, $1.023000000e+03;
	v16 =	vmul.f32 v16, v63  }
0x234: {  	[tilespmem:v5+s25+$0x0] =	vst.idx.add.f32.msk $0xffff, v2;
	v5 =	vcvt.f32.s32 v10;
	v14 =	vtrunc.f32 v14;
	v19 =	vsub.f32 v15, v62  }
0x235: {  	[tilespmem:v4+s25+$0x0] =	vst.idx.add.f32.msk $0xffff, v2;
	v11 =	vcvt.f32.s32 v14;
	v4 =	vmin.f32 v16, $1.023000000e+03;
	v16 =	vmul.f32 v13, v63  }
0x236: {  	[tilespmem:v7+s25+$0x0] =	vst.idx.add.f32.msk $0xffff, v2;
	v17 =	vsub.f32 v17, v62;
	v4 =	vtrunc.f32 v4;
	v14 =	vmul.f32 v19, v63  }
0x237: {  	[tilespmem:v9+s25+$0x0] =	vst.idx.add.f32.msk $0xffff, v2;
	v4 =	vcvt.f32.s32 v4;
	v19 =	vmin.f32 v16, $1.023000000e+03;
	v16 =	vmul.f32 v18, v63  }
0x238: {  	[tilespmem:v8+s25+$0x0] =	vst.idx.add.f32.msk $0xffff, v2;
	v15 =	vmul.f32 v17, v63;
	v17 =	vmin.f32 v14, $1.023000000e+03;
	v8 =	vtrunc.f32 v19  }
0x239: {  	[tilespmem:v6+s25+$0x0] =	vst.idx.add.f32.msk $0xffff, v2;
	v8 =	vcvt.f32.s32 v8;
	v7 =	vtrunc.f32 v17;
	v6 =	vmin.f32 v16, $1.023000000e+03  }
0x23a: {  	[tilespmem:v3+s25+$0x0] =	vst.idx.add.f32.msk $0xffff, v2;
	v10 =	vmin.f32 v15, $1.023000000e+03;
	v7 =	vcvt.f32.s32 v7;
	v6 =	vtrunc.f32 v6  }
0x23b: {  	[tilespmem:v12+s25+$0x0] =	vst.idx.add.f32.msk $0xffff, v2;
	v18 =	vtrunc.f32 v10;
	v19 =	vcvt.f32.s32 v6  }
0x23c: {  	[tilespmem:v5+s25+$0x0] =	vst.idx.add.f32.msk $0xffff, v2;
	v9 =	vcvt.f32.s32 v18  }
0x23d: {  	[tilespmem:v11+s25+$0x0] =	vst.idx.add.f32.msk $0xffff, v2  }
.Ltmp4:
0x23e: {  	[tilespmem:v4+s25+$0x0] =	vst.idx.add.f32.msk $0xffff, v2;
	(pc) =	sbr.rel @p0 .LBB2_8-.Ltmp4, $4  }
0x23f: {  	[tilespmem:v8+s25+$0x0] =	vst.idx.add.f32.msk $0xffff, v2  }
0x240: {  	[tilespmem:v7+s25+$0x0] =	vst.idx.add.f32.msk $0xffff, v2  }
0x241: {  	[tilespmem:v19+s25+$0x0] =	vst.idx.add.f32.msk $0xffff, v2  }
0x242: {  	[tilespmem:v9+s25+$0x0] =	vst.idx.add.f32.msk $0xffff, v2  }
0x243: {  	s3 =	sadd.s32 s3, s12  }
.Ltmp5:
0x244: {  	s3 =	sshrl.u32 s3, $0x3;
	(pc) =	sbr.rel .LBB2_2-.Ltmp5, $4  }
0x245: {  	s17 =	sadd.s32 s0, s3  }
0x246: {  	[tilespmem:s20], [sflag:$0x2] =	stream.linear.gather [hbm4b:s17+s4], $0x4000, $0x38;
	[tilespmem:$0x10A00] =	vst v63  }
0x247: {  	s2 =	sadd.s32 $0x1, s2;
	s3 =	sadd.s32 s1, s3  }
0x248: {  	[tilespmem:s21], [sflag:$0x4] =	stream.linear.gather [hbm4b:s3+s4], $0x4000, $0x38;
	[tilespmem:$0x10A00] =	vst v63  }
.LBB2_9:
0x249: {  	_ =	sfence.sel $0x180000  }
0x24a: {  	[bflag:$0x0] =	sbarrier.arrive $0xFFFF  }
0x24b: {  	_ =	strace $0x90000047  }
0x24c: {  	s0 =	stileid.u32;
	[bflag:$0x2] =	sbarrier.arrive $0xFFFF  }
0x24d: {  	p0 =	sne.s32 s0, $0x0;
	s0 =	rddreg [dreg:$0x3]  }
0x24e: {  	s0 =	sadd.s32 @!p0 $0x100000, s0  }
0x24f: {  	[sflag:s0] =	ssyncadd.tile.s32 @!p0 $0x1;
	_ =	shalt  }
.Lfunc_end2:
_tile_overlayer_lowered:
.L_overlay_start_2:
0x250: {  	(tag) =	ssettag $0x2  }
0x251: {  	s0 =	rddreg [dreg:$0x0];
	s2 =	stileid.u32  }
0x252: {  	s1 =	rddreg [dreg:$0x1];
	p0 =	sne.s32 s2, $0x0  }
0x253: {  	s3 =	rddreg [dreg:$0x2];
	[bflag:$0x3] =	sbarrier.arrive $0xFFFF;
	s2 =	simm.s32 @!p0 $0x1C05  }
0x254: {  	[timem:s3], [sflag:s2] =	dma.local @!p0 [hbm:s0], s1  }
0x255: {  	s0 =	simm.s32 @!p0 $0x5  }
0x256: {  	_ =	swait.ge @!p0 [sflag:s0], s1  }
0x257: {  	s1 =	ssub.s32 @!p0 $0x0, s1;
	[sflag:s0] =	ssyncset.done @!p0 $0x0  }
0x258: {  	[sflag:s0] =	ssyncadd.s32 @!p0 s1  }
0x259: {  	[bflag:$0x3] =	sbarrier.arrive $0xFFFF  }
0x25a: {  	_ =	shalt  }

</sc_bundles>
